<compile_context>
chip_gen: v7x
topology: tpu7x:2x2x1
jax: 0.10.2.dev20260603
libtpu: 0.0.44.dev20260713+nightly
codegen_flags: <defaults>
</compile_context>

<pallas_src>
import functools

import jax
import jax.numpy as jnp
from jax import lax
from jax.experimental import pallas as pl
from jax.experimental.pallas import tpu as pltpu
from jax.experimental.pallas import tpu_sc as plsc

N = 10000
E = 320000
D = 128
H = 8
DH = 16

NC = 2
NS = 16
NW = NC * NS
EPW = E // NW
CH = 128
NCH = EPW // CH
TCH = EPW - NCH * CH
NP = 10112
NPS = NP // NS

EH = E // 2
RB = 3200


def _vmesh():
    return plsc.VectorSubcoreMesh(core_axis_name="c", subcore_axis_name="s")


def _sc_gather_kvq(src, dst, KV, Q, e_cnt, e_lo):
    epw = e_cnt // NW
    nch = epw // CH
    tch = epw - nch * CH
    @functools.partial(
        pl.kernel,
        mesh=_vmesh(),
        out_type=[jax.ShapeDtypeStruct((e_cnt, D), jnp.float32)] * 2,
        scratch_types=[pltpu.VMEM((CH,), jnp.int32),
                       pltpu.VMEM((CH,), jnp.int32),
                       pltpu.VMEM((CH,), jnp.int32),
                       pltpu.VMEM((CH,), jnp.int32),
                       pltpu.VMEM((CH, D), jnp.float32),
                       pltpu.VMEM((CH, D), jnp.float32),
                       pltpu.VMEM((CH, D), jnp.float32),
                       pltpu.VMEM((CH, D), jnp.float32),
                       pltpu.VMEM((tch, D), jnp.float32),
                       pltpu.VMEM((tch, D), jnp.float32),
                       pltpu.SemaphoreType.DMA,
                       pltpu.SemaphoreType.DMA],
    )
    def gk(src_hbm, dst_hbm, kv_hbm, q_hbm, kv_out, qd_out,
           sA, dA, sB, dB, kvA, qA, kvB, qB,
           kvT, qT, semA, semB):
        wid = lax.axis_index("c") * NS + lax.axis_index("s")
        base = wid * epw

        def run(off, n, si, di, kvb, qb, sem):
            pltpu.sync_copy(src_hbm.at[pl.ds(e_lo + off, n)],
                            si.at[pl.ds(0, n)])
            pltpu.sync_copy(dst_hbm.at[pl.ds(e_lo + off, n)],
                            di.at[pl.ds(0, n)])
            ckv = pltpu.async_copy(kv_hbm.at[si.at[pl.ds(0, n)]], kvb, sem)
            cq = pltpu.async_copy(q_hbm.at[di.at[pl.ds(0, n)]], qb, sem)
            return (ckv, cq)

        def fin(off, n, kvb, qb, cps):
            for cp in cps:
                cp.wait()
            pltpu.sync_copy(kvb, kv_out.at[pl.ds(off, n)])
            pltpu.sync_copy(qb, qd_out.at[pl.ds(off, n)])

        @pl.loop(0, nch // 2)
        def _(j):
            offA = base + (2 * j) * CH
            offB = offA + CH
            cA = run(offA, CH, sA, dA, kvA, qA, semA)
            cB = run(offB, CH, sB, dB, kvB, qB, semB)
            fin(offA, CH, kvA, qA, cA)
            fin(offB, CH, kvB, qB, cB)

        if nch % 2:
            offO = base + (nch - 1) * CH
            cO = run(offO, CH, sA, dA, kvA, qA, semA)
            fin(offO, CH, kvA, qA, cO)
        if tch:
            offT = base + nch * CH
            cT = run(offT, tch, sB, dB, kvT, qT, semB)
            fin(offT, tch, kvT, qT, cT)

    return gk(src, dst, KV, Q)


def _sc_scatter2(dst, rows_den, rows_num, init, e_cnt, e_lo):
    epw = e_cnt // NS
    nch = epw // CH
    tch = epw - nch * CH
    @functools.partial(
        pl.kernel,
        mesh=_vmesh(),
        out_type=jax.ShapeDtypeStruct((NC, NP, D), jnp.float32),
        scratch_types=[pltpu.VMEM_SHARED((NP, D), jnp.float32),
                       pltpu.VMEM((1, CH), jnp.int32),
                       pltpu.VMEM((1, CH), jnp.int32),
                       pltpu.VMEM((CH, D), jnp.float32),
                       pltpu.VMEM((CH, D), jnp.float32),
                       pltpu.VMEM((1, tch), jnp.int32),
                       pltpu.VMEM((tch, D), jnp.float32),
                       pltpu.SemaphoreType.DMA,
                       pltpu.SemaphoreType.DMA,
                       pltpu.SemaphoreType.DMA,
                       pltpu.SemaphoreType.DMA],
    )
    def sk(dst_hbm, den_hbm, num_hbm, *rest):
        if init is None:
            (out_hbm, acc, iA, iB, bA, bB, iT, bT, dsA, dsB, ssA, ssB) = rest
        else:
            (init_hbm, out_hbm, acc, iA, iB, bA, bB, iT, bT,
             dsA, dsB, ssA, ssB) = rest
        c = lax.axis_index("c")
        s = lax.axis_index("s")
        base = s * epw
        nsl = pl.ds(s * NPS, NPS)
        if init is None:
            @pl.loop(0, CH)
            def _(r):
                for cc in range(D // 16):
                    bA[r, pl.ds(cc * 16, 16)] = jnp.zeros((16,), jnp.float32)
            for k in range(NPS // CH):
                pltpu.sync_copy(bA, acc.at[pl.ds(s * NPS + k * CH, CH)])
            rem = NPS - (NPS // CH) * CH
            if rem:
                pltpu.sync_copy(
                    bA.at[pl.ds(0, rem)],
                    acc.at[pl.ds(s * NPS + (NPS // CH) * CH, rem)])
        else:
            pltpu.sync_copy(init_hbm.at[c, nsl], acc.at[nsl])
        plsc.subcore_barrier()

        def scan_rows(rows_hbm):
            def chunk2(offA, offB):
                pltpu.sync_copy(dst_hbm.at[pl.ds(e_lo + offA, CH)], iA.at[0])
                pltpu.sync_copy(dst_hbm.at[pl.ds(e_lo + offB, CH)], iB.at[0])
                cA = pltpu.async_copy(rows_hbm.at[pl.ds(offA, CH)], bA, dsA)
                cB = pltpu.async_copy(rows_hbm.at[pl.ds(offB, CH)], bB, dsB)
                cA.wait()
                sctA = pltpu.async_copy(bA, acc.at[iA.at[0]], ssA, add=True)
                cB.wait()
                sctB = pltpu.async_copy(bB, acc.at[iB.at[0]], ssB, add=True)
                sctA.wait()
                sctB.wait()

            @pl.loop(0, nch // 2)
            def _(j):
                offA = base + (2 * j) * CH
                chunk2(offA, offA + CH)

            if nch % 2:
                offO = base + (nch - 1) * CH
                pltpu.sync_copy(dst_hbm.at[pl.ds(e_lo + offO, CH)], iA.at[0])
                pltpu.sync_copy(rows_hbm.at[pl.ds(offO, CH)], bA)
                pltpu.sync_copy(bA, acc.at[iA.at[0]], add=True)
            if tch:
                offT = base + nch * CH
                pltpu.sync_copy(dst_hbm.at[pl.ds(e_lo + offT, tch)], iT.at[0])
                pltpu.sync_copy(rows_hbm.at[pl.ds(offT, tch)], bT)
                pltpu.sync_copy(bT, acc.at[iT.at[0]], add=True)

        @pl.when(c == 0)
        def _():
            scan_rows(den_hbm)

        @pl.when(c == 1)
        def _():
            scan_rows(num_hbm)

        plsc.subcore_barrier()
        pltpu.sync_copy(acc.at[nsl], out_hbm.at[c, nsl])

    if init is None:
        return sk(dst, rows_den, rows_num)
    return sk(dst, rows_den, rows_num, init)


def _bf16_bits(x):
    b = lax.bitcast_convert_type(x.astype(jnp.bfloat16), jnp.uint16)
    return b.astype(jnp.uint32)


def _qkv_body(h_ref, wq_ref, wk_ref, wv_ref, q_ref, kv_ref):
    D2 = D // 2
    h = h_ref[...]
    q_ref[...] = jnp.dot(h, wq_ref[...], preferred_element_type=jnp.float32)
    k = jnp.dot(h, wk_ref[...], preferred_element_type=jnp.float32)
    v = jnp.dot(h, wv_ref[...], preferred_element_type=jnp.float32)
    x = jnp.concatenate([k[:, :D2], v[:, :D2]], axis=1)
    y = jnp.concatenate([k[:, D2:], v[:, D2:]], axis=1)
    word = _bf16_bits(x) | (_bf16_bits(y) << 16)
    kv_ref[...] = lax.bitcast_convert_type(word, jnp.float32)


def _qkv(h, WQ, WK, WV):
    return pl.pallas_call(
        _qkv_body,
        out_shape=[jax.ShapeDtypeStruct((N, D), jnp.float32),
                   jax.ShapeDtypeStruct((N, D), jnp.float32)],
    )(h, WQ, WK, WV)


def _epass1_body(e_ref, kv_ref, qd_ref, we_ref, woe_ref, boe_ref,
                 ex_ref, wex_ref, z_ref, st_ref):
    i = pl.program_id(0)
    D2 = D // 2
    e = e_ref[...]
    pe = jnp.dot(e.astype(jnp.bfloat16), we_ref[...].astype(jnp.bfloat16),
                 preferred_element_type=jnp.float32)
    w = lax.bitcast_convert_type(kv_ref[...], jnp.uint32)
    lo = lax.bitcast_convert_type(w << 16, jnp.float32)
    hi = lax.bitcast_convert_type(w & jnp.uint32(0xFFFF0000), jnp.float32)
    qd = qd_ref[...]
    prod_lo = (lo[:, :D2] * qd[:, :D2]).astype(jnp.bfloat16)
    prod_hi = (hi[:, :D2] * qd[:, D2:]).astype(jnp.bfloat16)
    r2 = lax.broadcasted_iota(jnp.int32, (D2, D), 0) // DH
    cc = lax.broadcasted_iota(jnp.int32, (D2, D), 1) // DH
    Mlo = jnp.where(r2 == cc, 1.0, 0.0).astype(jnp.bfloat16)
    Mhi = jnp.where(r2 + (D2 // DH) == cc, 1.0, 0.0).astype(jnp.bfloat16)
    s0 = (jnp.dot(prod_lo, Mlo, preferred_element_type=jnp.float32)
          + jnp.dot(prod_hi, Mhi, preferred_element_type=jnp.float32)) * 0.25
    e_att = s0 + pe
    ex = jnp.exp(e_att)
    ex_ref[...] = ex
    wex_ref[...] = jnp.concatenate(
        [lo[:, D2:] * ex[:, :D2], hi[:, D2:] * ex[:, D2:]], axis=1)
    z = e + jnp.dot(e_att.astype(jnp.bfloat16),
                    woe_ref[...].astype(jnp.bfloat16),
                    preferred_element_type=jnp.float32) + boe_ref[...]
    z_ref[...] = z.astype(jnp.bfloat16)
    part = jnp.concatenate(
        [jnp.sum(z, axis=0)[None, :], jnp.sum(z * z, axis=0)[None, :],
         jnp.zeros((6, D), jnp.float32)], axis=0)

    @pl.when(i == 0)
    def _():
        st_ref[...] = part

    @pl.when(i > 0)
    def _():
        st_ref[...] = st_ref[...] + part


def _epass1(e, kvb, qdst, WE, WOe, bOe, e_cnt, blk_off):
    return pl.pallas_call(
        _epass1_body,
        grid=(e_cnt // RB,),
        in_specs=[pl.BlockSpec((RB, D), lambda i: (i + blk_off, 0)),
                  pl.BlockSpec((RB, D), lambda i: (i, 0)),
                  pl.BlockSpec((RB, D), lambda i: (i, 0)),
                  pl.BlockSpec((D, D), lambda i: (0, 0)),
                  pl.BlockSpec((D, D), lambda i: (0, 0)),
                  pl.BlockSpec((1, D), lambda i: (0, 0))],
        out_specs=[pl.BlockSpec((RB, D), lambda i: (i, 0)),
                   pl.BlockSpec((RB, D), lambda i: (i, 0)),
                   pl.BlockSpec((RB, D), lambda i: (i, 0)),
                   pl.BlockSpec((8, D), lambda i: (0, 0))],
        out_shape=[jax.ShapeDtypeStruct((e_cnt, D), jnp.float32),
                   jax.ShapeDtypeStruct((e_cnt, D), jnp.float32),
                   jax.ShapeDtypeStruct((e_cnt, D), jnp.bfloat16),
                   jax.ShapeDtypeStruct((8, D), jnp.float32)],
    )(e, kvb, qdst, WE, WOe, bOe.reshape(1, D))


def _epass2_body(z_ref, sta_ref, stb_ref, g1_ref, b1_ref, w1_ref, bf1_ref,
                 w2_ref, bf2_ref, f_ref, st2_ref):
    i = pl.program_id(0)
    st = sta_ref[...] + stb_ref[...]
    mu = st[0:1, :] / float(E)
    var = st[1:2, :] / float(E) - mu * mu
    inv = g1_ref[...] / jnp.sqrt(var + 1e-5)
    u = (z_ref[...].astype(jnp.float32) - mu) * inv + b1_ref[...]
    hid = jnp.maximum(
        jnp.dot(u.astype(jnp.bfloat16), w1_ref[...].astype(jnp.bfloat16),
                preferred_element_type=jnp.float32)
        + bf1_ref[...], 0.0)
    f = u + jnp.dot(hid.astype(jnp.bfloat16),
                    w2_ref[...].astype(jnp.bfloat16),
                    preferred_element_type=jnp.float32) + bf2_ref[...]
    f_ref[...] = f.astype(jnp.bfloat16)
    part = jnp.concatenate(
        [jnp.sum(f, axis=0)[None, :], jnp.sum(f * f, axis=0)[None, :],
         jnp.zeros((6, D), jnp.float32)], axis=0)

    @pl.when(i == 0)
    def _():
        st2_ref[...] = part

    @pl.when(i > 0)
    def _():
        st2_ref[...] = st2_ref[...] + part


def _epass2(z, st1a, st1b, g1e, b1e, W1e, bF1e, W2e, bF2e, e_cnt):
    return pl.pallas_call(
        _epass2_body,
        grid=(e_cnt // RB,),
        in_specs=[pl.BlockSpec((RB, D), lambda i: (i, 0)),
                  pl.BlockSpec((8, D), lambda i: (0, 0)),
                  pl.BlockSpec((8, D), lambda i: (0, 0)),
                  pl.BlockSpec((1, D), lambda i: (0, 0)),
                  pl.BlockSpec((1, D), lambda i: (0, 0)),
                  pl.BlockSpec((D, 2 * D), lambda i: (0, 0)),
                  pl.BlockSpec((1, 2 * D), lambda i: (0, 0)),
                  pl.BlockSpec((2 * D, D), lambda i: (0, 0)),
                  pl.BlockSpec((1, D), lambda i: (0, 0))],
        out_specs=[pl.BlockSpec((RB, D), lambda i: (i, 0)),
                   pl.BlockSpec((8, D), lambda i: (0, 0))],
        out_shape=[jax.ShapeDtypeStruct((e_cnt, D), jnp.bfloat16),
                   jax.ShapeDtypeStruct((8, D), jnp.float32)],
    )(z, st1a, st1b, g1e.reshape(1, D), b1e.reshape(1, D), W1e,
      bF1e.reshape(1, 2 * D), W2e, bF2e.reshape(1, D))


def _epass3_body(f1_ref, f2_ref, sta_ref, stb_ref, g2_ref, b2_ref, o_ref):
    i = pl.program_id(0)
    half = EH // RB
    st = sta_ref[...] + stb_ref[...]
    mu = st[0:1, :] / float(E)
    var = st[1:2, :] / float(E) - mu * mu
    inv = g2_ref[...] / jnp.sqrt(var + 1e-5)

    @pl.when(i < half)
    def _():
        o_ref[...] = (f1_ref[...].astype(jnp.float32) - mu) * inv + b2_ref[...]

    @pl.when(i >= half)
    def _():
        o_ref[...] = (f2_ref[...].astype(jnp.float32) - mu) * inv + b2_ref[...]


def _epass3(f1, f2, st2a, st2b, g2e, b2e):
    half = EH // RB
    return pl.pallas_call(
        _epass3_body,
        grid=(E // RB,),
        in_specs=[pl.BlockSpec((RB, D),
                               lambda i: (jnp.minimum(i, half - 1), 0)),
                  pl.BlockSpec((RB, D),
                               lambda i: (jnp.maximum(i - half, 0), 0)),
                  pl.BlockSpec((8, D), lambda i: (0, 0)),
                  pl.BlockSpec((8, D), lambda i: (0, 0)),
                  pl.BlockSpec((1, D), lambda i: (0, 0)),
                  pl.BlockSpec((1, D), lambda i: (0, 0))],
        out_specs=pl.BlockSpec((RB, D), lambda i: (i, 0)),
        out_shape=jax.ShapeDtypeStruct((E, D), jnp.float32),
    )(f1, f2, st2a, st2b, g2e.reshape(1, D), b2e.reshape(1, D))


def _hside_body(h_ref, sc_ref, woh_ref, boh_ref, g1_ref, b1_ref,
                w1_ref, bf1_ref, w2_ref, bf2_ref, g2_ref, b2_ref, o_ref):
    den = sc_ref[0]
    num = sc_ref[1]
    wv = jnp.where(den > 0.0, num / den, 0.0)
    h2 = h_ref[...] + jnp.dot(wv, woh_ref[...],
                              preferred_element_type=jnp.float32) + boh_ref[...]
    mu = jnp.mean(h2, axis=0, keepdims=True)
    var = jnp.mean((h2 - mu) * (h2 - mu), axis=0, keepdims=True)
    h2 = (h2 - mu) / jnp.sqrt(var + 1e-5) * g1_ref[...] + b1_ref[...]
    hid = jnp.maximum(
        jnp.dot(h2, w1_ref[...], preferred_element_type=jnp.float32)
        + bf1_ref[...], 0.0)
    h3 = h2 + jnp.dot(hid, w2_ref[...],
                      preferred_element_type=jnp.float32) + bf2_ref[...]
    mu2 = jnp.mean(h3, axis=0, keepdims=True)
    var2 = jnp.mean((h3 - mu2) * (h3 - mu2), axis=0, keepdims=True)
    o_ref[...] = (h3 - mu2) / jnp.sqrt(var2 + 1e-5) * g2_ref[...] + b2_ref[...]


def _hside(h, sc2, WOh, bOh, g1h, b1h, W1h, bF1h, W2h, bF2h,
           g2h, b2h):
    return pl.pallas_call(
        _hside_body,
        out_shape=jax.ShapeDtypeStruct((N, D), jnp.float32),
    )(h, sc2, WOh, bOh.reshape(1, D), g1h.reshape(1, D),
      b1h.reshape(1, D), W1h, bF1h.reshape(1, 2 * D), W2h,
      bF2h.reshape(1, D), g2h.reshape(1, D), b2h.reshape(1, D))


def kernel(h, e, edge_index, WQ, WK, WV, WE, WOh, bOh, WOe, bOe,
           g1h, b1h, g1e, b1e, W1h, bF1h, W2h, bF2h,
           W1e, bF1e, W2e, bF2e, g2h, b2h, g2e, b2e):
    src = edge_index[0]
    dst = edge_index[1]
    Q, KVp = _qkv(h, WQ, WK, WV)

    kv1, qd1 = _sc_gather_kvq(src, dst, KVp, Q, EH, 0)
    kv2, qd2 = _sc_gather_kvq(src, dst, KVp, Q, EH, EH)
    ex1, wex1, z1, st1a = _epass1(e, kv1, qd1, WE, WOe, bOe, EH, 0)
    ex2, wex2, z2, st1b = _epass1(e, kv2, qd2, WE, WOe, bOe, EH, EH // RB)

    f1, st2a = _epass2(z1, st1a, st1b, g1e, b1e, W1e, bF1e, W2e, bF2e, EH)
    f2, st2b = _epass2(z2, st1a, st1b, g1e, b1e, W1e, bF1e, W2e, bF2e, EH)
    sc2 = _sc_scatter2(dst, ex2, wex2,
                       _sc_scatter2(dst, ex1, wex1, None, EH, 0),
                       EH, EH)[:, :N]
    h3 = _hside(h, sc2, WOh, bOh, g1h, b1h, W1h, bF1h, W2h, bF2h,
                g2h, b2h)
    e3 = _epass3(f1, f2, st2a, st2b, g2e, b2e)
    return h3, e3

# --- scband reference (transcript-rebuilt; emitter-appended) ---
"""Pipeline reference for scband-graph-transformer-layer-40295383171717 (READ-ONLY COPY).

The authoritative reference and input builder live on the scoring server;
editing this copy changes nothing except your own understanding.
"""

import jax, jax.numpy as jnp
import numpy as np

N = 10000
E_EDGES = 320000
D = 128
H = 8
DH = 16


def _bn(x, g, b):
    mu = jnp.mean(x, axis=0)
    var = jnp.var(x, axis=0)
    return (x - mu) / jnp.sqrt(var + 1e-5) * g + b


def _forward(h, e, edge_index, WQ, WK, WV, WE, WOh, bOh, WOe, bOe,
             g1h, b1h, g1e, b1e, W1h, bF1h, W2h, bF2h,
             W1e, bF1e, W2e, bF2e, g2h, b2h, g2e, b2e):
    src = edge_index[0]
    dst = edge_index[1]
    Q = (h @ WQ).reshape(-1, H, DH)
    K = (h @ WK).reshape(-1, H, DH)
    V = (h @ WV).reshape(-1, H, DH)
    pe = (e @ WE).reshape(-1, H, DH)
    # u_dot_v(K_h, Q_h) -> per-edge score [E, H, 1]
    score = jnp.sum(K[src] * Q[dst], axis=-1, keepdims=True)
    score = score / jnp.sqrt(jnp.float32(DH))
    # add edge projection (broadcast [E,H,1] + [E,H,DH])
    score = score + pe
    e_att = score
    # dgl edge_softmax over incoming edges of each dst node (numerically stable)
    m = jax.ops.segment_max(score, dst, num_segments=N)
    ex = jnp.exp(score - m[dst])
    ssum = jax.ops.segment_sum(ex, dst, num_segments=N)
    alpha = ex / ssum[dst]
    # u_mul_e + sum reduce to dst
    wV = jax.ops.segment_sum(V[src] * alpha, dst, num_segments=N)
    h2 = wV.reshape(-1, D) @ WOh + bOh
    e2 = e_att.reshape(-1, D) @ WOe + bOe
    h2 = h + h2
    e2 = e + e2
    h2 = _bn(h2, g1h, b1h)
    e2 = _bn(e2, g1e, b1e)
    h3 = h2 + (jax.nn.relu(h2 @ W1h + bF1h) @ W2h + bF2h)
    e3 = e2 + (jax.nn.relu(e2 @ W1e + bF1e) @ W2e + bF2e)
    h3 = _bn(h3, g2h, b2h)
    e3 = _bn(e3, g2e, b2e)
    return h3, e3


def setup_inputs(seed: int = 0):
    key = jax.random.key(seed)
    ks = jax.random.split(key, 24)
    s = 1.0 / np.sqrt(D)
    s2 = 1.0 / np.sqrt(2 * D)
    inp = {}
    inp["h"] = jax.random.normal(ks[0], (N, D), dtype=jnp.float32)
    inp["e"] = jax.random.normal(ks[1], (E_EDGES, D), dtype=jnp.float32)
    inp["edge_index"] = jax.random.randint(ks[2], (2, E_EDGES), 0, N, dtype=jnp.int32)
    inp["WQ"] = jax.random.normal(ks[3], (D, D), dtype=jnp.float32) * s
    inp["WK"] = jax.random.normal(ks[4], (D, D), dtype=jnp.float32) * s
    inp["WV"] = jax.random.normal(ks[5], (D, D), dtype=jnp.float32) * s
    inp["WE"] = jax.random.normal(ks[6], (D, D), dtype=jnp.float32) * s
    inp["WOh"] = jax.random.normal(ks[7], (D, D), dtype=jnp.float32) * s
    inp["bOh"] = jnp.zeros((D,), dtype=jnp.float32)
    inp["WOe"] = jax.random.normal(ks[8], (D, D), dtype=jnp.float32) * s
    inp["bOe"] = jnp.zeros((D,), dtype=jnp.float32)
    inp["g1h"] = jnp.ones((D,), dtype=jnp.float32)
    inp["b1h"] = jnp.zeros((D,), dtype=jnp.float32)
    inp["g1e"] = jnp.ones((D,), dtype=jnp.float32)
    inp["b1e"] = jnp.zeros((D,), dtype=jnp.float32)
    inp["W1h"] = jax.random.normal(ks[9], (D, 2 * D), dtype=jnp.float32) * s
    inp["bF1h"] = jnp.zeros((2 * D,), dtype=jnp.float32)
    inp["W2h"] = jax.random.normal(ks[10], (2 * D, D), dtype=jnp.float32) * s2
    inp["bF2h"] = jnp.zeros((D,), dtype=jnp.float32)
    inp["W1e"] = jax.random.normal(ks[11], (D, 2 * D), dtype=jnp.float32) * s
    inp["bF1e"] = jnp.zeros((2 * D,), dtype=jnp.float32)
    inp["W2e"] = jax.random.normal(ks[12], (2 * D, D), dtype=jnp.float32) * s2
    inp["bF2e"] = jnp.zeros((D,), dtype=jnp.float32)
    inp["g2h"] = jnp.ones((D,), dtype=jnp.float32)
    inp["b2h"] = jnp.zeros((D,), dtype=jnp.float32)
    inp["g2e"] = jnp.ones((D,), dtype=jnp.float32)
    inp["b2e"] = jnp.zeros((D,), dtype=jnp.float32)
    return inp


def reference(h, e, edge_index, WQ, WK, WV, WE, WOh, bOh, WOe, bOe,
              g1h, b1h, g1e, b1e, W1h, bF1h, W2h, bF2h,
              W1e, bF1e, W2e, bF2e, g2h, b2h, g2e, b2e):
    return _forward(h, e, edge_index, WQ, WK, WV, WE, WOh, bOh, WOe, bOe,
                    g1h, b1h, g1e, b1e, W1h, bF1h, W2h, bF2h,
                    W1e, bF1e, W2e, bF2e, g2h, b2h, g2e, b2e)

if __name__ == "__main__":
    import jax
    _d = setup_inputs()
    print(jax.jit(kernel)(*tuple(_d.values())))

</pallas_src>

<mosaic_0001>
#map = affine_map<(d0, d1) -> (0)>
#map1 = affine_map<(d0, d1) -> (0, 0)>
#map2 = affine_map<(d0, d1) -> (0, 0, 0)>
module attributes {stable_mosaic.version = 14 : i64} {
  func.func @sk(%arg0: i32, %arg1: i32, %arg2: memref<320000xi32, #tpu.memory_space<hbm>>, %arg3: memref<160000x128xf32, #tpu.memory_space<hbm>>, %arg4: memref<160000x128xf32, #tpu.memory_space<hbm>>, %arg5: memref<2x10112x128xf32, #tpu.memory_space<hbm>>, %arg6: memref<2x10112x128xf32, #tpu.memory_space<hbm>>, %arg7: memref<10112x128xf32, #tpu.memory_space<vmem_shared>>, %arg8: memref<1x128xi32, #tpu.memory_space<vmem>>, %arg9: memref<1x128xi32, #tpu.memory_space<vmem>>, %arg10: memref<128x128xf32, #tpu.memory_space<vmem>>, %arg11: memref<128x128xf32, #tpu.memory_space<vmem>>, %arg12: memref<1x16xi32, #tpu.memory_space<vmem>>, %arg13: memref<16x128xf32, #tpu.memory_space<vmem>>, %arg14: memref<!tpu.dma_semaphore, #tpu.memory_space<semaphore_mem>>, %arg15: memref<!tpu.dma_semaphore, #tpu.memory_space<semaphore_mem>>, %arg16: memref<!tpu.dma_semaphore, #tpu.memory_space<semaphore_mem>>, %arg17: memref<!tpu.dma_semaphore, #tpu.memory_space<semaphore_mem>>) attributes {dimension_semantics = [#tpu.dimension_semantics<core_parallel>, #tpu.dimension_semantics<subcore_parallel>], iteration_bounds = array<i64: 2, 16>, scalar_prefetch = 0 : i64, scratch_operands = 11 : i64, tpu.core_type = #tpu.core_type<sc_vector_subcore>, window_params = [{transform_indices = #map}, {transform_indices = #map1}, {transform_indices = #map1}, {transform_indices = #map2}, {transform_indices = #map2}]} {
    %mul3A = arith.constant 10000 : i32
    %mul3A_0 = arith.muli %arg1, %mul3A : i32
    %mul3A_1 = arith.constant 632 : i32
    %mul3A_2 = arith.muli %arg1, %mul3A_1 : i32
    "tpu.region"() ({
      %run_scoped3A = tpu.sem_alloc : memref<!tpu.dma_semaphore, #tpu.memory_space<semaphore_mem>>
      %dma_start3A = arith.constant 0 : i32
      %dma_start3A_11 = tpu.memref_slice %arg7[%mul3A_2, %dma_start3A] : memref<10112x128xf32, #tpu.memory_space<vmem_shared>> -> memref<632x128xf32, #tpu.memory_space<vmem_shared>>
      %dma_start3A_12 = arith.constant 0 : i32
      %dma_start3A_13 = tpu.memref_slice %arg5[%arg0, %mul3A_2, %dma_start3A_12] : memref<2x10112x128xf32, #tpu.memory_space<hbm>> -> memref<1x632x128xf32, #tpu.memory_space<hbm>>
      %dma_start3A_14 = tpu.memref_squeeze %dma_start3A_13 : memref<1x632x128xf32, #tpu.memory_space<hbm>> -> memref<632x128xf32, #tpu.memory_space<hbm>>
      tpu.enqueue_dma source(%dma_start3A_14 : memref<632x128xf32, #tpu.memory_space<hbm>>) target(%dma_start3A_11 : memref<632x128xf32, #tpu.memory_space<vmem_shared>>) target_semaphore(%run_scoped3A : memref<!tpu.dma_semaphore, #tpu.memory_space<semaphore_mem>>)
      %dma_wait3A = arith.constant 0 : i32
      %dma_wait3A_15 = tpu.memref_slice %arg7[%mul3A_2, %dma_wait3A] : memref<10112x128xf32, #tpu.memory_space<vmem_shared>> -> memref<632x128xf32, #tpu.memory_space<vmem_shared>>
      %dma_wait3A_16 = arith.constant 0 : i32
      %dma_wait3A_17 = tpu.memref_slice %arg5[%arg0, %mul3A_2, %dma_wait3A_16] : memref<2x10112x128xf32, #tpu.memory_space<hbm>> -> memref<1x632x128xf32, #tpu.memory_space<hbm>>
      %dma_wait3A_18 = tpu.memref_squeeze %dma_wait3A_17 : memref<1x632x128xf32, #tpu.memory_space<hbm>> -> memref<632x128xf32, #tpu.memory_space<hbm>>
      tpu.wait_dma2 semaphore(%run_scoped3A : memref<!tpu.dma_semaphore, #tpu.memory_space<semaphore_mem>>) src(%dma_wait3A_18 : memref<632x128xf32, #tpu.memory_space<hbm>>) dst(%dma_wait3A_15 : memref<632x128xf32, #tpu.memory_space<vmem_shared>>)
      tpu.yield
    }) : () -> ()
    %barrier3A = arith.constant 0 : index
    tpu.barrier barrier_id(%barrier3A)
    %eq3A = arith.constant 0 : i32
    %eq3A_3 = arith.cmpi eq, %arg0, %eq3A : i32
    %convert_element_type3A = arith.extui %eq3A_3 : i1 to i32
    %cond3A = arith.constant 0 : i32
    %cond3A_4 = arith.cmpi ne, %convert_element_type3A, %cond3A : i32
    scf.if %cond3A_4 {
      %scan3A = arith.constant 0 : i32
      %scan3A_11 = arith.constant 39 : i32
      %scan3A_12 = arith.addi %scan3A, %scan3A_11 : i32
      %scan3A_13 = arith.constant 1 : i32
      scf.for %scan3A_19 = %scan3A to %scan3A_12 step %scan3A_13  : i32 {
        %mul3A_20 = arith.constant 1 : i32
        %mul3A_21 = arith.muli %scan3A_19, %mul3A_20 : i32
        %add3A_22 = arith.constant 0 : i32
        %add3A_23 = arith.addi %add3A_22, %mul3A_21 : i32
        %mul3A_24 = arith.constant 2 : i32
        %mul3A_25 = arith.muli %mul3A_24, %add3A_23 : i32
        %mul3A_26 = arith.constant 128 : i32
        %mul3A_27 = arith.muli %mul3A_25, %mul3A_26 : i32
        %add3A_28 = arith.addi %mul3A_0, %mul3A_27 : i32
        %add3A_29 = arith.constant 128 : i32
        %add3A_30 = arith.addi %add3A_28, %add3A_29 : i32
        %add3A_31 = arith.constant 160000 : i32
        %add3A_32 = arith.addi %add3A_31, %add3A_28 : i32
        %run_scoped3A_33 = arith.constant 0 : i32
        "tpu.region"() ({
          %run_scoped3A_79 = tpu.sem_alloc : memref<!tpu.dma_semaphore, #tpu.memory_space<semaphore_mem>>
          %dma_start3A_80 = arith.constant 0 : i32
          %dma_start3A_81 = tpu.memref_slice %arg8[%run_scoped3A_33, %dma_start3A_80] : memref<1x128xi32, #tpu.memory_space<vmem>> -> memref<1x128xi32, #tpu.memory_space<vmem>>
          %dma_start3A_82 = tpu.memref_squeeze %dma_start3A_81 : memref<1x128xi32, #tpu.memory_space<vmem>> -> memref<128xi32, #tpu.memory_space<vmem>>
          %dma_start3A_83 = tpu.memref_slice %arg2[%add3A_32] : memref<320000xi32, #tpu.memory_space<hbm>> -> memref<128xi32, #tpu.memory_space<hbm>>
          %dma_start3A_84 = arith.constant 0 : i32
          %dma_start3A_85 = tpu.memref_slice %arg8[%run_scoped3A_33, %dma_start3A_84] : memref<1x128xi32, #tpu.memory_space<vmem>> -> memref<1x128xi32, #tpu.memory_space<vmem>>
          %dma_start3A_86 = tpu.memref_squeeze %dma_start3A_85 : memref<1x128xi32, #tpu.memory_space<vmem>> -> memref<128xi32, #tpu.memory_space<vmem>>
          %dma_start3A_87 = tpu.memref_slice %arg2[%add3A_32] : memref<320000xi32, #tpu.memory_space<hbm>> -> memref<128xi32, #tpu.memory_space<hbm>>
          tpu.enqueue_dma source(%dma_start3A_87 : memref<128xi32, #tpu.memory_space<hbm>>) target(%dma_start3A_86 : memref<128xi32, #tpu.memory_space<vmem>>) target_semaphore(%run_scoped3A_79 : memref<!tpu.dma_semaphore, #tpu.memory_space<semaphore_mem>>)
          %dma_wait3A_88 = arith.constant 0 : i32
          %dma_wait3A_89 = tpu.memref_slice %arg8[%run_scoped3A_33, %dma_wait3A_88] : memref<1x128xi32, #tpu.memory_space<vmem>> -> memref<1x128xi32, #tpu.memory_space<vmem>>
          %dma_wait3A_90 = tpu.memref_squeeze %dma_wait3A_89 : memref<1x128xi32, #tpu.memory_space<vmem>> -> memref<128xi32, #tpu.memory_space<vmem>>
          %dma_wait3A_91 = tpu.memref_slice %arg2[%add3A_32] : memref<320000xi32, #tpu.memory_space<hbm>> -> memref<128xi32, #tpu.memory_space<hbm>>
          %dma_wait3A_92 = arith.constant 0 : i32
          %dma_wait3A_93 = tpu.memref_slice %arg8[%run_scoped3A_33, %dma_wait3A_92] : memref<1x128xi32, #tpu.memory_space<vmem>> -> memref<1x128xi32, #tpu.memory_space<vmem>>
          %dma_wait3A_94 = tpu.memref_squeeze %dma_wait3A_93 : memref<1x128xi32, #tpu.memory_space<vmem>> -> memref<128xi32, #tpu.memory_space<vmem>>
          %dma_wait3A_95 = tpu.memref_slice %arg2[%add3A_32] : memref<320000xi32, #tpu.memory_space<hbm>> -> memref<128xi32, #tpu.memory_space<hbm>>
          tpu.wait_dma2 semaphore(%run_scoped3A_79 : memref<!tpu.dma_semaphore, #tpu.memory_space<semaphore_mem>>) src(%dma_wait3A_95 : memref<128xi32, #tpu.memory_space<hbm>>) dst(%dma_wait3A_94 : memref<128xi32, #tpu.memory_space<vmem>>)
          tpu.yield
        }) : () -> ()
        %add3A_34 = arith.constant 160000 : i32
        %add3A_35 = arith.addi %add3A_34, %add3A_30 : i32
        %run_scoped3A_36 = arith.constant 0 : i32
        "tpu.region"() ({
          %run_scoped3A_79 = tpu.sem_alloc : memref<!tpu.dma_semaphore, #tpu.memory_space<semaphore_mem>>
          %dma_start3A_80 = arith.constant 0 : i32
          %dma_start3A_81 = tpu.memref_slice %arg9[%run_scoped3A_36, %dma_start3A_80] : memref<1x128xi32, #tpu.memory_space<vmem>> -> memref<1x128xi32, #tpu.memory_space<vmem>>
          %dma_start3A_82 = tpu.memref_squeeze %dma_start3A_81 : memref<1x128xi32, #tpu.memory_space<vmem>> -> memref<128xi32, #tpu.memory_space<vmem>>
          %dma_start3A_83 = tpu.memref_slice %arg2[%add3A_35] : memref<320000xi32, #tpu.memory_space<hbm>> -> memref<128xi32, #tpu.memory_space<hbm>>
          %dma_start3A_84 = arith.constant 0 : i32
          %dma_start3A_85 = tpu.memref_slice %arg9[%run_scoped3A_36, %dma_start3A_84] : memref<1x128xi32, #tpu.memory_space<vmem>> -> memref<1x128xi32, #tpu.memory_space<vmem>>
          %dma_start3A_86 = tpu.memref_squeeze %dma_start3A_85 : memref<1x128xi32, #tpu.memory_space<vmem>> -> memref<128xi32, #tpu.memory_space<vmem>>
          %dma_start3A_87 = tpu.memref_slice %arg2[%add3A_35] : memref<320000xi32, #tpu.memory_space<hbm>> -> memref<128xi32, #tpu.memory_space<hbm>>
          tpu.enqueue_dma source(%dma_start3A_87 : memref<128xi32, #tpu.memory_space<hbm>>) target(%dma_start3A_86 : memref<128xi32, #tpu.memory_space<vmem>>) target_semaphore(%run_scoped3A_79 : memref<!tpu.dma_semaphore, #tpu.memory_space<semaphore_mem>>)
          %dma_wait3A_88 = arith.constant 0 : i32
          %dma_wait3A_89 = tpu.memref_slice %arg9[%run_scoped3A_36, %dma_wait3A_88] : memref<1x128xi32, #tpu.memory_space<vmem>> -> memref<1x128xi32, #tpu.memory_space<vmem>>
          %dma_wait3A_90 = tpu.memref_squeeze %dma_wait3A_89 : memref<1x128xi32, #tpu.memory_space<vmem>> -> memref<128xi32, #tpu.memory_space<vmem>>
          %dma_wait3A_91 = tpu.memref_slice %arg2[%add3A_35] : memref<320000xi32, #tpu.memory_space<hbm>> -> memref<128xi32, #tpu.memory_space<hbm>>
          %dma_wait3A_92 = arith.constant 0 : i32
          %dma_wait3A_93 = tpu.memref_slice %arg9[%run_scoped3A_36, %dma_wait3A_92] : memref<1x128xi32, #tpu.memory_space<vmem>> -> memref<1x128xi32, #tpu.memory_space<vmem>>
          %dma_wait3A_94 = tpu.memref_squeeze %dma_wait3A_93 : memref<1x128xi32, #tpu.memory_space<vmem>> -> memref<128xi32, #tpu.memory_space<vmem>>
          %dma_wait3A_95 = tpu.memref_slice %arg2[%add3A_35] : memref<320000xi32, #tpu.memory_space<hbm>> -> memref<128xi32, #tpu.memory_space<hbm>>
          tpu.wait_dma2 semaphore(%run_scoped3A_79 : memref<!tpu.dma_semaphore, #tpu.memory_space<semaphore_mem>>) src(%dma_wait3A_95 : memref<128xi32, #tpu.memory_space<hbm>>) dst(%dma_wait3A_94 : memref<128xi32, #tpu.memory_space<vmem>>)
          tpu.yield
        }) : () -> ()
        %dma_start3A = arith.constant 0 : i32
        %dma_start3A_37 = tpu.memref_slice %arg3[%add3A_28, %dma_start3A] : memref<160000x128xf32, #tpu.memory_space<hbm>> -> memref<128x128xf32, #tpu.memory_space<hbm>>
        %dma_start3A_38 = arith.constant 0 : i32
        %dma_start3A_39 = tpu.memref_slice %arg3[%add3A_28, %dma_start3A_38] : memref<160000x128xf32, #tpu.memory_space<hbm>> -> memref<128x128xf32, #tpu.memory_space<hbm>>
        tpu.enqueue_dma source(%dma_start3A_39 : memref<128x128xf32, #tpu.memory_space<hbm>>) target(%arg10 : memref<128x128xf32, #tpu.memory_space<vmem>>) target_semaphore(%arg14 : memref<!tpu.dma_semaphore, #tpu.memory_space<semaphore_mem>>)
        %dma_start3A_40 = arith.constant 0 : i32
        %dma_start3A_41 = tpu.memref_slice %arg3[%add3A_30, %dma_start3A_40] : memref<160000x128xf32, #tpu.memory_space<hbm>> -> memref<128x128xf32, #tpu.memory_space<hbm>>
        %dma_start3A_42 = arith.constant 0 : i32
        %dma_start3A_43 = tpu.memref_slice %arg3[%add3A_30, %dma_start3A_42] : memref<160000x128xf32, #tpu.memory_space<hbm>> -> memref<128x128xf32, #tpu.memory_space<hbm>>
        tpu.enqueue_dma source(%dma_start3A_43 : memref<128x128xf32, #tpu.memory_space<hbm>>) target(%arg11 : memref<128x128xf32, #tpu.memory_space<vmem>>) target_semaphore(%arg15 : memref<!tpu.dma_semaphore, #tpu.memory_space<semaphore_mem>>)
        %dma_wait3A = arith.constant 0 : i32
        %dma_wait3A_44 = tpu.memref_slice %arg3[%add3A_28, %dma_wait3A] : memref<160000x128xf32, #tpu.memory_space<hbm>> -> memref<128x128xf32, #tpu.memory_space<hbm>>
        %dma_wait3A_45 = arith.constant 0 : i32
        %dma_wait3A_46 = tpu.memref_slice %arg3[%add3A_28, %dma_wait3A_45] : memref<160000x128xf32, #tpu.memory_space<hbm>> -> memref<128x128xf32, #tpu.memory_space<hbm>>
        tpu.wait_dma2 semaphore(%arg14 : memref<!tpu.dma_semaphore, #tpu.memory_space<semaphore_mem>>) src(%dma_wait3A_46 : memref<128x128xf32, #tpu.memory_space<hbm>>) dst(%arg10 : memref<128x128xf32, #tpu.memory_space<vmem>>)
        %dma_start3A_47 = arith.constant 0 : i32
        %dma_start3A_48 = arith.constant 0 : i32
        %dma_start3A_49 = tpu.memref_slice %arg8[%dma_start3A_47, %dma_start3A_48] : memref<1x128xi32, #tpu.memory_space<vmem>> -> memref<1x128xi32, #tpu.memory_space<vmem>>
        %dma_start3A_50 = tpu.memref_squeeze %dma_start3A_49 : memref<1x128xi32, #tpu.memory_space<vmem>> -> memref<128xi32, #tpu.memory_space<vmem>>
        %dma_start3A_51 = arith.constant 0 : i32
        %dma_start3A_52 = arith.constant 0 : i32
        %dma_start3A_53 = tpu.memref_slice %arg7[%dma_start3A_51, %dma_start3A_52] : memref<10112x128xf32, #tpu.memory_space<vmem_shared>> -> memref<10112x128xf32, #tpu.memory_space<vmem_shared>>
        tpu.enqueue_indirect_dma source(%arg10 : memref<128x128xf32, #tpu.memory_space<vmem>>) target(%dma_start3A_53 : memref<10112x128xf32, #tpu.memory_space<vmem_shared>>) offsets(%dma_start3A_50 : memref<128xi32, #tpu.memory_space<vmem>>) semaphore(%arg16 : memref<!tpu.dma_semaphore, #tpu.memory_space<semaphore_mem>>) {add = true}
        %dma_wait3A_54 = arith.constant 0 : i32
        %dma_wait3A_55 = tpu.memref_slice %arg3[%add3A_30, %dma_wait3A_54] : memref<160000x128xf32, #tpu.memory_space<hbm>> -> memref<128x128xf32, #tpu.memory_space<hbm>>
        %dma_wait3A_56 = arith.constant 0 : i32
        %dma_wait3A_57 = tpu.memref_slice %arg3[%add3A_30, %dma_wait3A_56] : memref<160000x128xf32, #tpu.memory_space<hbm>> -> memref<128x128xf32, #tpu.memory_space<hbm>>
        tpu.wait_dma2 semaphore(%arg15 : memref<!tpu.dma_semaphore, #tpu.memory_space<semaphore_mem>>) src(%dma_wait3A_57 : memref<128x128xf32, #tpu.memory_space<hbm>>) dst(%arg11 : memref<128x128xf32, #tpu.memory_space<vmem>>)
        %dma_start3A_58 = arith.constant 0 : i32
        %dma_start3A_59 = arith.constant 0 : i32
        %dma_start3A_60 = tpu.memref_slice %arg9[%dma_start3A_58, %dma_start3A_59] : memref<1x128xi32, #tpu.memory_space<vmem>> -> memref<1x128xi32, #tpu.memory_space<vmem>>
        %dma_start3A_61 = tpu.memref_squeeze %dma_start3A_60 : memref<1x128xi32, #tpu.memory_space<vmem>> -> memref<128xi32, #tpu.memory_space<vmem>>
        %dma_start3A_62 = arith.constant 0 : i32
        %dma_start3A_63 = arith.constant 0 : i32
        %dma_start3A_64 = tpu.memref_slice %arg7[%dma_start3A_62, %dma_start3A_63] : memref<10112x128xf32, #tpu.memory_space<vmem_shared>> -> memref<10112x128xf32, #tpu.memory_space<vmem_shared>>
        tpu.enqueue_indirect_dma source(%arg11 : memref<128x128xf32, #tpu.memory_space<vmem>>) target(%dma_start3A_64 : memref<10112x128xf32, #tpu.memory_space<vmem_shared>>) offsets(%dma_start3A_61 : memref<128xi32, #tpu.memory_space<vmem>>) semaphore(%arg17 : memref<!tpu.dma_semaphore, #tpu.memory_space<semaphore_mem>>) {add = true}
        %dma_wait3A_65 = arith.constant 0 : i32
        %dma_wait3A_66 = arith.constant 0 : i32
        %dma_wait3A_67 = tpu.memref_slice %arg8[%dma_wait3A_65, %dma_wait3A_66] : memref<1x128xi32, #tpu.memory_space<vmem>> -> memref<1x128xi32, #tpu.memory_space<vmem>>
        %dma_wait3A_68 = tpu.memref_squeeze %dma_wait3A_67 : memref<1x128xi32, #tpu.memory_space<vmem>> -> memref<128xi32, #tpu.memory_space<vmem>>
        %dma_wait3A_69 = arith.constant 0 : i32
        %dma_wait3A_70 = arith.constant 0 : i32
        %dma_wait3A_71 = tpu.memref_slice %arg7[%dma_wait3A_69, %dma_wait3A_70] : memref<10112x128xf32, #tpu.memory_space<vmem_shared>> -> memref<10112x128xf32, #tpu.memory_space<vmem_shared>>
        tpu.wait_indirect_dma semaphore(%arg16 : memref<!tpu.dma_semaphore, #tpu.memory_space<semaphore_mem>>) src(%arg10 : memref<128x128xf32, #tpu.memory_space<vmem>>) dst(%dma_wait3A_71 : memref<10112x128xf32, #tpu.memory_space<vmem_shared>>)
        %dma_wait3A_72 = arith.constant 0 : i32
        %dma_wait3A_73 = arith.constant 0 : i32
        %dma_wait3A_74 = tpu.memref_slice %arg9[%dma_wait3A_72, %dma_wait3A_73] : memref<1x128xi32, #tpu.memory_space<vmem>> -> memref<1x128xi32, #tpu.memory_space<vmem>>
        %dma_wait3A_75 = tpu.memref_squeeze %dma_wait3A_74 : memref<1x128xi32, #tpu.memory_space<vmem>> -> memref<128xi32, #tpu.memory_space<vmem>>
        %dma_wait3A_76 = arith.constant 0 : i32
        %dma_wait3A_77 = arith.constant 0 : i32
        %dma_wait3A_78 = tpu.memref_slice %arg7[%dma_wait3A_76, %dma_wait3A_77] : memref<10112x128xf32, #tpu.memory_space<vmem_shared>> -> memref<10112x128xf32, #tpu.memory_space<vmem_shared>>
        tpu.wait_indirect_dma semaphore(%arg17 : memref<!tpu.dma_semaphore, #tpu.memory_space<semaphore_mem>>) src(%arg11 : memref<128x128xf32, #tpu.memory_space<vmem>>) dst(%dma_wait3A_78 : memref<10112x128xf32, #tpu.memory_space<vmem_shared>>)
      }
      %scan3A_14 = arith.constant 39 : i32
      %add3A = arith.constant 9984 : i32
      %add3A_15 = arith.addi %mul3A_0, %add3A : i32
      %add3A_16 = arith.constant 160000 : i32
      %add3A_17 = arith.addi %add3A_16, %add3A_15 : i32
      %run_scoped3A = arith.constant 0 : i32
      "tpu.region"() ({
        %run_scoped3A_19 = tpu.sem_alloc : memref<!tpu.dma_semaphore, #tpu.memory_space<semaphore_mem>>
        %dma_start3A = arith.constant 0 : i32
        %dma_start3A_20 = tpu.memref_slice %arg12[%run_scoped3A, %dma_start3A] : memref<1x16xi32, #tpu.memory_space<vmem>> -> memref<1x16xi32, #tpu.memory_space<vmem>>
        %dma_start3A_21 = tpu.memref_squeeze %dma_start3A_20 : memref<1x16xi32, #tpu.memory_space<vmem>> -> memref<16xi32, #tpu.memory_space<vmem>>
        %dma_start3A_22 = tpu.memref_slice %arg2[%add3A_17] : memref<320000xi32, #tpu.memory_space<hbm>> -> memref<16xi32, #tpu.memory_space<hbm>>
        %dma_start3A_23 = arith.constant 0 : i32
        %dma_start3A_24 = tpu.memref_slice %arg12[%run_scoped3A, %dma_start3A_23] : memref<1x16xi32, #tpu.memory_space<vmem>> -> memref<1x16xi32, #tpu.memory_space<vmem>>
        %dma_start3A_25 = tpu.memref_squeeze %dma_start3A_24 : memref<1x16xi32, #tpu.memory_space<vmem>> -> memref<16xi32, #tpu.memory_space<vmem>>
        %dma_start3A_26 = tpu.memref_slice %arg2[%add3A_17] : memref<320000xi32, #tpu.memory_space<hbm>> -> memref<16xi32, #tpu.memory_space<hbm>>
        tpu.enqueue_dma source(%dma_start3A_26 : memref<16xi32, #tpu.memory_space<hbm>>) target(%dma_start3A_25 : memref<16xi32, #tpu.memory_space<vmem>>) target_semaphore(%run_scoped3A_19 : memref<!tpu.dma_semaphore, #tpu.memory_space<semaphore_mem>>)
        %dma_wait3A = arith.constant 0 : i32
        %dma_wait3A_27 = tpu.memref_slice %arg12[%run_scoped3A, %dma_wait3A] : memref<1x16xi32, #tpu.memory_space<vmem>> -> memref<1x16xi32, #tpu.memory_space<vmem>>
        %dma_wait3A_28 = tpu.memref_squeeze %dma_wait3A_27 : memref<1x16xi32, #tpu.memory_space<vmem>> -> memref<16xi32, #tpu.memory_space<vmem>>
        %dma_wait3A_29 = tpu.memref_slice %arg2[%add3A_17] : memref<320000xi32, #tpu.memory_space<hbm>> -> memref<16xi32, #tpu.memory_space<hbm>>
        %dma_wait3A_30 = arith.constant 0 : i32
        %dma_wait3A_31 = tpu.memref_slice %arg12[%run_scoped3A, %dma_wait3A_30] : memref<1x16xi32, #tpu.memory_space<vmem>> -> memref<1x16xi32, #tpu.memory_space<vmem>>
        %dma_wait3A_32 = tpu.memref_squeeze %dma_wait3A_31 : memref<1x16xi32, #tpu.memory_space<vmem>> -> memref<16xi32, #tpu.memory_space<vmem>>
        %dma_wait3A_33 = tpu.memref_slice %arg2[%add3A_17] : memref<320000xi32, #tpu.memory_space<hbm>> -> memref<16xi32, #tpu.memory_space<hbm>>
        tpu.wait_dma2 semaphore(%run_scoped3A_19 : memref<!tpu.dma_semaphore, #tpu.memory_space<semaphore_mem>>) src(%dma_wait3A_33 : memref<16xi32, #tpu.memory_space<hbm>>) dst(%dma_wait3A_32 : memref<16xi32, #tpu.memory_space<vmem>>)
        tpu.yield
      }) : () -> ()
      "tpu.region"() ({
        %run_scoped3A_19 = tpu.sem_alloc : memref<!tpu.dma_semaphore, #tpu.memory_space<semaphore_mem>>
        %dma_start3A = arith.constant 0 : i32
        %dma_start3A_20 = tpu.memref_slice %arg3[%add3A_15, %dma_start3A] : memref<160000x128xf32, #tpu.memory_space<hbm>> -> memref<16x128xf32, #tpu.memory_space<hbm>>
        %dma_start3A_21 = arith.constant 0 : i32
        %dma_start3A_22 = tpu.memref_slice %arg3[%add3A_15, %dma_start3A_21] : memref<160000x128xf32, #tpu.memory_space<hbm>> -> memref<16x128xf32, #tpu.memory_space<hbm>>
        tpu.enqueue_dma source(%dma_start3A_22 : memref<16x128xf32, #tpu.memory_space<hbm>>) target(%arg13 : memref<16x128xf32, #tpu.memory_space<vmem>>) target_semaphore(%run_scoped3A_19 : memref<!tpu.dma_semaphore, #tpu.memory_space<semaphore_mem>>)
        %dma_wait3A = arith.constant 0 : i32
        %dma_wait3A_23 = tpu.memref_slice %arg3[%add3A_15, %dma_wait3A] : memref<160000x128xf32, #tpu.memory_space<hbm>> -> memref<16x128xf32, #tpu.memory_space<hbm>>
        %dma_wait3A_24 = arith.constant 0 : i32
        %dma_wait3A_25 = tpu.memref_slice %arg3[%add3A_15, %dma_wait3A_24] : memref<160000x128xf32, #tpu.memory_space<hbm>> -> memref<16x128xf32, #tpu.memory_space<hbm>>
        tpu.wait_dma2 semaphore(%run_scoped3A_19 : memref<!tpu.dma_semaphore, #tpu.memory_space<semaphore_mem>>) src(%dma_wait3A_25 : memref<16x128xf32, #tpu.memory_space<hbm>>) dst(%arg13 : memref<16x128xf32, #tpu.memory_space<vmem>>)
        tpu.yield
      }) : () -> ()
      %run_scoped3A_18 = arith.constant 0 : i32
      "tpu.region"() ({
        %run_scoped3A_19 = tpu.sem_alloc : memref<!tpu.dma_semaphore, #tpu.memory_space<semaphore_mem>>
        %dma_start3A = arith.constant 0 : i32
        %dma_start3A_20 = tpu.memref_slice %arg12[%run_scoped3A_18, %dma_start3A] : memref<1x16xi32, #tpu.memory_space<vmem>> -> memref<1x16xi32, #tpu.memory_space<vmem>>
        %dma_start3A_21 = tpu.memref_squeeze %dma_start3A_20 : memref<1x16xi32, #tpu.memory_space<vmem>> -> memref<16xi32, #tpu.memory_space<vmem>>
        %dma_start3A_22 = arith.constant 0 : i32
        %dma_start3A_23 = arith.constant 0 : i32
        %dma_start3A_24 = tpu.memref_slice %arg7[%dma_start3A_22, %dma_start3A_23] : memref<10112x128xf32, #tpu.memory_space<vmem_shared>> -> memref<10112x128xf32, #tpu.memory_space<vmem_shared>>
        tpu.enqueue_indirect_dma source(%arg13 : memref<16x128xf32, #tpu.memory_space<vmem>>) target(%dma_start3A_24 : memref<10112x128xf32, #tpu.memory_space<vmem_shared>>) offsets(%dma_start3A_21 : memref<16xi32, #tpu.memory_space<vmem>>) semaphore(%run_scoped3A_19 : memref<!tpu.dma_semaphore, #tpu.memory_space<semaphore_mem>>) {add = true}
        %dma_wait3A = arith.constant 0 : i32
        %dma_wait3A_25 = tpu.memref_slice %arg12[%run_scoped3A_18, %dma_wait3A] : memref<1x16xi32, #tpu.memory_space<vmem>> -> memref<1x16xi32, #tpu.memory_space<vmem>>
        %dma_wait3A_26 = tpu.memref_squeeze %dma_wait3A_25 : memref<1x16xi32, #tpu.memory_space<vmem>> -> memref<16xi32, #tpu.memory_space<vmem>>
        %dma_wait3A_27 = arith.constant 0 : i32
        %dma_wait3A_28 = arith.constant 0 : i32
        %dma_wait3A_29 = tpu.memref_slice %arg7[%dma_wait3A_27, %dma_wait3A_28] : memref<10112x128xf32, #tpu.memory_space<vmem_shared>> -> memref<10112x128xf32, #tpu.memory_space<vmem_shared>>
        tpu.wait_indirect_dma semaphore(%run_scoped3A_19 : memref<!tpu.dma_semaphore, #tpu.memory_space<semaphore_mem>>) src(%arg13 : memref<16x128xf32, #tpu.memory_space<vmem>>) dst(%dma_wait3A_29 : memref<10112x128xf32, #tpu.memory_space<vmem_shared>>)
        tpu.yield
      }) : () -> ()
    } else {
    }
    %eq3A_5 = arith.constant 1 : i32
    %eq3A_6 = arith.cmpi eq, %arg0, %eq3A_5 : i32
    %convert_element_type3A_7 = arith.extui %eq3A_6 : i1 to i32
    %cond3A_8 = arith.constant 0 : i32
    %cond3A_9 = arith.cmpi ne, %convert_element_type3A_7, %cond3A_8 : i32
    scf.if %cond3A_9 {
      %scan3A = arith.constant 0 : i32
      %scan3A_11 = arith.constant 39 : i32
      %scan3A_12 = arith.addi %scan3A, %scan3A_11 : i32
      %scan3A_13 = arith.constant 1 : i32
      scf.for %scan3A_19 = %scan3A to %scan3A_12 step %scan3A_13  : i32 {
        %mul3A_20 = arith.constant 1 : i32
        %mul3A_21 = arith.muli %scan3A_19, %mul3A_20 : i32
        %add3A_22 = arith.constant 0 : i32
        %add3A_23 = arith.addi %add3A_22, %mul3A_21 : i32
        %mul3A_24 = arith.constant 2 : i32
        %mul3A_25 = arith.muli %mul3A_24, %add3A_23 : i32
        %mul3A_26 = arith.constant 128 : i32
        %mul3A_27 = arith.muli %mul3A_25, %mul3A_26 : i32
        %add3A_28 = arith.addi %mul3A_0, %mul3A_27 : i32
        %add3A_29 = arith.constant 128 : i32
        %add3A_30 = arith.addi %add3A_28, %add3A_29 : i32
        %add3A_31 = arith.constant 160000 : i32
        %add3A_32 = arith.addi %add3A_31, %add3A_28 : i32
        %run_scoped3A_33 = arith.constant 0 : i32
        "tpu.region"() ({
          %run_scoped3A_79 = tpu.sem_alloc : memref<!tpu.dma_semaphore, #tpu.memory_space<semaphore_mem>>
          %dma_start3A_80 = arith.constant 0 : i32
          %dma_start3A_81 = tpu.memref_slice %arg8[%run_scoped3A_33, %dma_start3A_80] : memref<1x128xi32, #tpu.memory_space<vmem>> -> memref<1x128xi32, #tpu.memory_space<vmem>>
          %dma_start3A_82 = tpu.memref_squeeze %dma_start3A_81 : memref<1x128xi32, #tpu.memory_space<vmem>> -> memref<128xi32, #tpu.memory_space<vmem>>
          %dma_start3A_83 = tpu.memref_slice %arg2[%add3A_32] : memref<320000xi32, #tpu.memory_space<hbm>> -> memref<128xi32, #tpu.memory_space<hbm>>
          %dma_start3A_84 = arith.constant 0 : i32
          %dma_start3A_85 = tpu.memref_slice %arg8[%run_scoped3A_33, %dma_start3A_84] : memref<1x128xi32, #tpu.memory_space<vmem>> -> memref<1x128xi32, #tpu.memory_space<vmem>>
          %dma_start3A_86 = tpu.memref_squeeze %dma_start3A_85 : memref<1x128xi32, #tpu.memory_space<vmem>> -> memref<128xi32, #tpu.memory_space<vmem>>
          %dma_start3A_87 = tpu.memref_slice %arg2[%add3A_32] : memref<320000xi32, #tpu.memory_space<hbm>> -> memref<128xi32, #tpu.memory_space<hbm>>
          tpu.enqueue_dma source(%dma_start3A_87 : memref<128xi32, #tpu.memory_space<hbm>>) target(%dma_start3A_86 : memref<128xi32, #tpu.memory_space<vmem>>) target_semaphore(%run_scoped3A_79 : memref<!tpu.dma_semaphore, #tpu.memory_space<semaphore_mem>>)
          %dma_wait3A_88 = arith.constant 0 : i32
          %dma_wait3A_89 = tpu.memref_slice %arg8[%run_scoped3A_33, %dma_wait3A_88] : memref<1x128xi32, #tpu.memory_space<vmem>> -> memref<1x128xi32, #tpu.memory_space<vmem>>
          %dma_wait3A_90 = tpu.memref_squeeze %dma_wait3A_89 : memref<1x128xi32, #tpu.memory_space<vmem>> -> memref<128xi32, #tpu.memory_space<vmem>>
          %dma_wait3A_91 = tpu.memref_slice %arg2[%add3A_32] : memref<320000xi32, #tpu.memory_space<hbm>> -> memref<128xi32, #tpu.memory_space<hbm>>
          %dma_wait3A_92 = arith.constant 0 : i32
          %dma_wait3A_93 = tpu.memref_slice %arg8[%run_scoped3A_33, %dma_wait3A_92] : memref<1x128xi32, #tpu.memory_space<vmem>> -> memref<1x128xi32, #tpu.memory_space<vmem>>
          %dma_wait3A_94 = tpu.memref_squeeze %dma_wait3A_93 : memref<1x128xi32, #tpu.memory_space<vmem>> -> memref<128xi32, #tpu.memory_space<vmem>>
          %dma_wait3A_95 = tpu.memref_slice %arg2[%add3A_32] : memref<320000xi32, #tpu.memory_space<hbm>> -> memref<128xi32, #tpu.memory_space<hbm>>
          tpu.wait_dma2 semaphore(%run_scoped3A_79 : memref<!tpu.dma_semaphore, #tpu.memory_space<semaphore_mem>>) src(%dma_wait3A_95 : memref<128xi32, #tpu.memory_space<hbm>>) dst(%dma_wait3A_94 : memref<128xi32, #tpu.memory_space<vmem>>)
          tpu.yield
        }) : () -> ()
        %add3A_34 = arith.constant 160000 : i32
        %add3A_35 = arith.addi %add3A_34, %add3A_30 : i32
        %run_scoped3A_36 = arith.constant 0 : i32
        "tpu.region"() ({
          %run_scoped3A_79 = tpu.sem_alloc : memref<!tpu.dma_semaphore, #tpu.memory_space<semaphore_mem>>
          %dma_start3A_80 = arith.constant 0 : i32
          %dma_start3A_81 = tpu.memref_slice %arg9[%run_scoped3A_36, %dma_start3A_80] : memref<1x128xi32, #tpu.memory_space<vmem>> -> memref<1x128xi32, #tpu.memory_space<vmem>>
          %dma_start3A_82 = tpu.memref_squeeze %dma_start3A_81 : memref<1x128xi32, #tpu.memory_space<vmem>> -> memref<128xi32, #tpu.memory_space<vmem>>
          %dma_start3A_83 = tpu.memref_slice %arg2[%add3A_35] : memref<320000xi32, #tpu.memory_space<hbm>> -> memref<128xi32, #tpu.memory_space<hbm>>
          %dma_start3A_84 = arith.constant 0 : i32
          %dma_start3A_85 = tpu.memref_slice %arg9[%run_scoped3A_36, %dma_start3A_84] : memref<1x128xi32, #tpu.memory_space<vmem>> -> memref<1x128xi32, #tpu.memory_space<vmem>>
          %dma_start3A_86 = tpu.memref_squeeze %dma_start3A_85 : memref<1x128xi32, #tpu.memory_space<vmem>> -> memref<128xi32, #tpu.memory_space<vmem>>
          %dma_start3A_87 = tpu.memref_slice %arg2[%add3A_35] : memref<320000xi32, #tpu.memory_space<hbm>> -> memref<128xi32, #tpu.memory_space<hbm>>
          tpu.enqueue_dma source(%dma_start3A_87 : memref<128xi32, #tpu.memory_space<hbm>>) target(%dma_start3A_86 : memref<128xi32, #tpu.memory_space<vmem>>) target_semaphore(%run_scoped3A_79 : memref<!tpu.dma_semaphore, #tpu.memory_space<semaphore_mem>>)
          %dma_wait3A_88 = arith.constant 0 : i32
          %dma_wait3A_89 = tpu.memref_slice %arg9[%run_scoped3A_36, %dma_wait3A_88] : memref<1x128xi32, #tpu.memory_space<vmem>> -> memref<1x128xi32, #tpu.memory_space<vmem>>
          %dma_wait3A_90 = tpu.memref_squeeze %dma_wait3A_89 : memref<1x128xi32, #tpu.memory_space<vmem>> -> memref<128xi32, #tpu.memory_space<vmem>>
          %dma_wait3A_91 = tpu.memref_slice %arg2[%add3A_35] : memref<320000xi32, #tpu.memory_space<hbm>> -> memref<128xi32, #tpu.memory_space<hbm>>
          %dma_wait3A_92 = arith.constant 0 : i32
          %dma_wait3A_93 = tpu.memref_slice %arg9[%run_scoped3A_36, %dma_wait3A_92] : memref<1x128xi32, #tpu.memory_space<vmem>> -> memref<1x128xi32, #tpu.memory_space<vmem>>
          %dma_wait3A_94 = tpu.memref_squeeze %dma_wait3A_93 : memref<1x128xi32, #tpu.memory_space<vmem>> -> memref<128xi32, #tpu.memory_space<vmem>>
          %dma_wait3A_95 = tpu.memref_slice %arg2[%add3A_35] : memref<320000xi32, #tpu.memory_space<hbm>> -> memref<128xi32, #tpu.memory_space<hbm>>
          tpu.wait_dma2 semaphore(%run_scoped3A_79 : memref<!tpu.dma_semaphore, #tpu.memory_space<semaphore_mem>>) src(%dma_wait3A_95 : memref<128xi32, #tpu.memory_space<hbm>>) dst(%dma_wait3A_94 : memref<128xi32, #tpu.memory_space<vmem>>)
          tpu.yield
        }) : () -> ()
        %dma_start3A = arith.constant 0 : i32
        %dma_start3A_37 = tpu.memref_slice %arg4[%add3A_28, %dma_start3A] : memref<160000x128xf32, #tpu.memory_space<hbm>> -> memref<128x128xf32, #tpu.memory_space<hbm>>
        %dma_start3A_38 = arith.constant 0 : i32
        %dma_start3A_39 = tpu.memref_slice %arg4[%add3A_28, %dma_start3A_38] : memref<160000x128xf32, #tpu.memory_space<hbm>> -> memref<128x128xf32, #tpu.memory_space<hbm>>
        tpu.enqueue_dma source(%dma_start3A_39 : memref<128x128xf32, #tpu.memory_space<hbm>>) target(%arg10 : memref<128x128xf32, #tpu.memory_space<vmem>>) target_semaphore(%arg14 : memref<!tpu.dma_semaphore, #tpu.memory_space<semaphore_mem>>)
        %dma_start3A_40 = arith.constant 0 : i32
        %dma_start3A_41 = tpu.memref_slice %arg4[%add3A_30, %dma_start3A_40] : memref<160000x128xf32, #tpu.memory_space<hbm>> -> memref<128x128xf32, #tpu.memory_space<hbm>>
        %dma_start3A_42 = arith.constant 0 : i32
        %dma_start3A_43 = tpu.memref_slice %arg4[%add3A_30, %dma_start3A_42] : memref<160000x128xf32, #tpu.memory_space<hbm>> -> memref<128x128xf32, #tpu.memory_space<hbm>>
        tpu.enqueue_dma source(%dma_start3A_43 : memref<128x128xf32, #tpu.memory_space<hbm>>) target(%arg11 : memref<128x128xf32, #tpu.memory_space<vmem>>) target_semaphore(%arg15 : memref<!tpu.dma_semaphore, #tpu.memory_space<semaphore_mem>>)
        %dma_wait3A = arith.constant 0 : i32
        %dma_wait3A_44 = tpu.memref_slice %arg4[%add3A_28, %dma_wait3A] : memref<160000x128xf32, #tpu.memory_space<hbm>> -> memref<128x128xf32, #tpu.memory_space<hbm>>
        %dma_wait3A_45 = arith.constant 0 : i32
        %dma_wait3A_46 = tpu.memref_slice %arg4[%add3A_28, %dma_wait3A_45] : memref<160000x128xf32, #tpu.memory_space<hbm>> -> memref<128x128xf32, #tpu.memory_space<hbm>>
        tpu.wait_dma2 semaphore(%arg14 : memref<!tpu.dma_semaphore, #tpu.memory_space<semaphore_mem>>) src(%dma_wait3A_46 : memref<128x128xf32, #tpu.memory_space<hbm>>) dst(%arg10 : memref<128x128xf32, #tpu.memory_space<vmem>>)
        %dma_start3A_47 = arith.constant 0 : i32
        %dma_start3A_48 = arith.constant 0 : i32
        %dma_start3A_49 = tpu.memref_slice %arg8[%dma_start3A_47, %dma_start3A_48] : memref<1x128xi32, #tpu.memory_space<vmem>> -> memref<1x128xi32, #tpu.memory_space<vmem>>
        %dma_start3A_50 = tpu.memref_squeeze %dma_start3A_49 : memref<1x128xi32, #tpu.memory_space<vmem>> -> memref<128xi32, #tpu.memory_space<vmem>>
        %dma_start3A_51 = arith.constant 0 : i32
        %dma_start3A_52 = arith.constant 0 : i32
        %dma_start3A_53 = tpu.memref_slice %arg7[%dma_start3A_51, %dma_start3A_52] : memref<10112x128xf32, #tpu.memory_space<vmem_shared>> -> memref<10112x128xf32, #tpu.memory_space<vmem_shared>>
        tpu.enqueue_indirect_dma source(%arg10 : memref<128x128xf32, #tpu.memory_space<vmem>>) target(%dma_start3A_53 : memref<10112x128xf32, #tpu.memory_space<vmem_shared>>) offsets(%dma_start3A_50 : memref<128xi32, #tpu.memory_space<vmem>>) semaphore(%arg16 : memref<!tpu.dma_semaphore, #tpu.memory_space<semaphore_mem>>) {add = true}
        %dma_wait3A_54 = arith.constant 0 : i32
        %dma_wait3A_55 = tpu.memref_slice %arg4[%add3A_30, %dma_wait3A_54] : memref<160000x128xf32, #tpu.memory_space<hbm>> -> memref<128x128xf32, #tpu.memory_space<hbm>>
        %dma_wait3A_56 = arith.constant 0 : i32
        %dma_wait3A_57 = tpu.memref_slice %arg4[%add3A_30, %dma_wait3A_56] : memref<160000x128xf32, #tpu.memory_space<hbm>> -> memref<128x128xf32, #tpu.memory_space<hbm>>
        tpu.wait_dma2 semaphore(%arg15 : memref<!tpu.dma_semaphore, #tpu.memory_space<semaphore_mem>>) src(%dma_wait3A_57 : memref<128x128xf32, #tpu.memory_space<hbm>>) dst(%arg11 : memref<128x128xf32, #tpu.memory_space<vmem>>)
        %dma_start3A_58 = arith.constant 0 : i32
        %dma_start3A_59 = arith.constant 0 : i32
        %dma_start3A_60 = tpu.memref_slice %arg9[%dma_start3A_58, %dma_start3A_59] : memref<1x128xi32, #tpu.memory_space<vmem>> -> memref<1x128xi32, #tpu.memory_space<vmem>>
        %dma_start3A_61 = tpu.memref_squeeze %dma_start3A_60 : memref<1x128xi32, #tpu.memory_space<vmem>> -> memref<128xi32, #tpu.memory_space<vmem>>
        %dma_start3A_62 = arith.constant 0 : i32
        %dma_start3A_63 = arith.constant 0 : i32
        %dma_start3A_64 = tpu.memref_slice %arg7[%dma_start3A_62, %dma_start3A_63] : memref<10112x128xf32, #tpu.memory_space<vmem_shared>> -> memref<10112x128xf32, #tpu.memory_space<vmem_shared>>
        tpu.enqueue_indirect_dma source(%arg11 : memref<128x128xf32, #tpu.memory_space<vmem>>) target(%dma_start3A_64 : memref<10112x128xf32, #tpu.memory_space<vmem_shared>>) offsets(%dma_start3A_61 : memref<128xi32, #tpu.memory_space<vmem>>) semaphore(%arg17 : memref<!tpu.dma_semaphore, #tpu.memory_space<semaphore_mem>>) {add = true}
        %dma_wait3A_65 = arith.constant 0 : i32
        %dma_wait3A_66 = arith.constant 0 : i32
        %dma_wait3A_67 = tpu.memref_slice %arg8[%dma_wait3A_65, %dma_wait3A_66] : memref<1x128xi32, #tpu.memory_space<vmem>> -> memref<1x128xi32, #tpu.memory_space<vmem>>
        %dma_wait3A_68 = tpu.memref_squeeze %dma_wait3A_67 : memref<1x128xi32, #tpu.memory_space<vmem>> -> memref<128xi32, #tpu.memory_space<vmem>>
        %dma_wait3A_69 = arith.constant 0 : i32
        %dma_wait3A_70 = arith.constant 0 : i32
        %dma_wait3A_71 = tpu.memref_slice %arg7[%dma_wait3A_69, %dma_wait3A_70] : memref<10112x128xf32, #tpu.memory_space<vmem_shared>> -> memref<10112x128xf32, #tpu.memory_space<vmem_shared>>
        tpu.wait_indirect_dma semaphore(%arg16 : memref<!tpu.dma_semaphore, #tpu.memory_space<semaphore_mem>>) src(%arg10 : memref<128x128xf32, #tpu.memory_space<vmem>>) dst(%dma_wait3A_71 : memref<10112x128xf32, #tpu.memory_space<vmem_shared>>)
        %dma_wait3A_72 = arith.constant 0 : i32
        %dma_wait3A_73 = arith.constant 0 : i32
        %dma_wait3A_74 = tpu.memref_slice %arg9[%dma_wait3A_72, %dma_wait3A_73] : memref<1x128xi32, #tpu.memory_space<vmem>> -> memref<1x128xi32, #tpu.memory_space<vmem>>
        %dma_wait3A_75 = tpu.memref_squeeze %dma_wait3A_74 : memref<1x128xi32, #tpu.memory_space<vmem>> -> memref<128xi32, #tpu.memory_space<vmem>>
        %dma_wait3A_76 = arith.constant 0 : i32
        %dma_wait3A_77 = arith.constant 0 : i32
        %dma_wait3A_78 = tpu.memref_slice %arg7[%dma_wait3A_76, %dma_wait3A_77] : memref<10112x128xf32, #tpu.memory_space<vmem_shared>> -> memref<10112x128xf32, #tpu.memory_space<vmem_shared>>
        tpu.wait_indirect_dma semaphore(%arg17 : memref<!tpu.dma_semaphore, #tpu.memory_space<semaphore_mem>>) src(%arg11 : memref<128x128xf32, #tpu.memory_space<vmem>>) dst(%dma_wait3A_78 : memref<10112x128xf32, #tpu.memory_space<vmem_shared>>)
      }
      %scan3A_14 = arith.constant 39 : i32
      %add3A = arith.constant 9984 : i32
      %add3A_15 = arith.addi %mul3A_0, %add3A : i32
      %add3A_16 = arith.constant 160000 : i32
      %add3A_17 = arith.addi %add3A_16, %add3A_15 : i32
      %run_scoped3A = arith.constant 0 : i32
      "tpu.region"() ({
        %run_scoped3A_19 = tpu.sem_alloc : memref<!tpu.dma_semaphore, #tpu.memory_space<semaphore_mem>>
        %dma_start3A = arith.constant 0 : i32
        %dma_start3A_20 = tpu.memref_slice %arg12[%run_scoped3A, %dma_start3A] : memref<1x16xi32, #tpu.memory_space<vmem>> -> memref<1x16xi32, #tpu.memory_space<vmem>>
        %dma_start3A_21 = tpu.memref_squeeze %dma_start3A_20 : memref<1x16xi32, #tpu.memory_space<vmem>> -> memref<16xi32, #tpu.memory_space<vmem>>
        %dma_start3A_22 = tpu.memref_slice %arg2[%add3A_17] : memref<320000xi32, #tpu.memory_space<hbm>> -> memref<16xi32, #tpu.memory_space<hbm>>
        %dma_start3A_23 = arith.constant 0 : i32
        %dma_start3A_24 = tpu.memref_slice %arg12[%run_scoped3A, %dma_start3A_23] : memref<1x16xi32, #tpu.memory_space<vmem>> -> memref<1x16xi32, #tpu.memory_space<vmem>>
        %dma_start3A_25 = tpu.memref_squeeze %dma_start3A_24 : memref<1x16xi32, #tpu.memory_space<vmem>> -> memref<16xi32, #tpu.memory_space<vmem>>
        %dma_start3A_26 = tpu.memref_slice %arg2[%add3A_17] : memref<320000xi32, #tpu.memory_space<hbm>> -> memref<16xi32, #tpu.memory_space<hbm>>
        tpu.enqueue_dma source(%dma_start3A_26 : memref<16xi32, #tpu.memory_space<hbm>>) target(%dma_start3A_25 : memref<16xi32, #tpu.memory_space<vmem>>) target_semaphore(%run_scoped3A_19 : memref<!tpu.dma_semaphore, #tpu.memory_space<semaphore_mem>>)
        %dma_wait3A = arith.constant 0 : i32
        %dma_wait3A_27 = tpu.memref_slice %arg12[%run_scoped3A, %dma_wait3A] : memref<1x16xi32, #tpu.memory_space<vmem>> -> memref<1x16xi32, #tpu.memory_space<vmem>>
        %dma_wait3A_28 = tpu.memref_squeeze %dma_wait3A_27 : memref<1x16xi32, #tpu.memory_space<vmem>> -> memref<16xi32, #tpu.memory_space<vmem>>
        %dma_wait3A_29 = tpu.memref_slice %arg2[%add3A_17] : memref<320000xi32, #tpu.memory_space<hbm>> -> memref<16xi32, #tpu.memory_space<hbm>>
        %dma_wait3A_30 = arith.constant 0 : i32
        %dma_wait3A_31 = tpu.memref_slice %arg12[%run_scoped3A, %dma_wait3A_30] : memref<1x16xi32, #tpu.memory_space<vmem>> -> memref<1x16xi32, #tpu.memory_space<vmem>>
        %dma_wait3A_32 = tpu.memref_squeeze %dma_wait3A_31 : memref<1x16xi32, #tpu.memory_space<vmem>> -> memref<16xi32, #tpu.memory_space<vmem>>
        %dma_wait3A_33 = tpu.memref_slice %arg2[%add3A_17] : memref<320000xi32, #tpu.memory_space<hbm>> -> memref<16xi32, #tpu.memory_space<hbm>>
        tpu.wait_dma2 semaphore(%run_scoped3A_19 : memref<!tpu.dma_semaphore, #tpu.memory_space<semaphore_mem>>) src(%dma_wait3A_33 : memref<16xi32, #tpu.memory_space<hbm>>) dst(%dma_wait3A_32 : memref<16xi32, #tpu.memory_space<vmem>>)
        tpu.yield
      }) : () -> ()
      "tpu.region"() ({
        %run_scoped3A_19 = tpu.sem_alloc : memref<!tpu.dma_semaphore, #tpu.memory_space<semaphore_mem>>
        %dma_start3A = arith.constant 0 : i32
        %dma_start3A_20 = tpu.memref_slice %arg4[%add3A_15, %dma_start3A] : memref<160000x128xf32, #tpu.memory_space<hbm>> -> memref<16x128xf32, #tpu.memory_space<hbm>>
        %dma_start3A_21 = arith.constant 0 : i32
        %dma_start3A_22 = tpu.memref_slice %arg4[%add3A_15, %dma_start3A_21] : memref<160000x128xf32, #tpu.memory_space<hbm>> -> memref<16x128xf32, #tpu.memory_space<hbm>>
        tpu.enqueue_dma source(%dma_start3A_22 : memref<16x128xf32, #tpu.memory_space<hbm>>) target(%arg13 : memref<16x128xf32, #tpu.memory_space<vmem>>) target_semaphore(%run_scoped3A_19 : memref<!tpu.dma_semaphore, #tpu.memory_space<semaphore_mem>>)
        %dma_wait3A = arith.constant 0 : i32
        %dma_wait3A_23 = tpu.memref_slice %arg4[%add3A_15, %dma_wait3A] : memref<160000x128xf32, #tpu.memory_space<hbm>> -> memref<16x128xf32, #tpu.memory_space<hbm>>
        %dma_wait3A_24 = arith.constant 0 : i32
        %dma_wait3A_25 = tpu.memref_slice %arg4[%add3A_15, %dma_wait3A_24] : memref<160000x128xf32, #tpu.memory_space<hbm>> -> memref<16x128xf32, #tpu.memory_space<hbm>>
        tpu.wait_dma2 semaphore(%run_scoped3A_19 : memref<!tpu.dma_semaphore, #tpu.memory_space<semaphore_mem>>) src(%dma_wait3A_25 : memref<16x128xf32, #tpu.memory_space<hbm>>) dst(%arg13 : memref<16x128xf32, #tpu.memory_space<vmem>>)
        tpu.yield
      }) : () -> ()
      %run_scoped3A_18 = arith.constant 0 : i32
      "tpu.region"() ({
        %run_scoped3A_19 = tpu.sem_alloc : memref<!tpu.dma_semaphore, #tpu.memory_space<semaphore_mem>>
        %dma_start3A = arith.constant 0 : i32
        %dma_start3A_20 = tpu.memref_slice %arg12[%run_scoped3A_18, %dma_start3A] : memref<1x16xi32, #tpu.memory_space<vmem>> -> memref<1x16xi32, #tpu.memory_space<vmem>>
        %dma_start3A_21 = tpu.memref_squeeze %dma_start3A_20 : memref<1x16xi32, #tpu.memory_space<vmem>> -> memref<16xi32, #tpu.memory_space<vmem>>
        %dma_start3A_22 = arith.constant 0 : i32
        %dma_start3A_23 = arith.constant 0 : i32
        %dma_start3A_24 = tpu.memref_slice %arg7[%dma_start3A_22, %dma_start3A_23] : memref<10112x128xf32, #tpu.memory_space<vmem_shared>> -> memref<10112x128xf32, #tpu.memory_space<vmem_shared>>
        tpu.enqueue_indirect_dma source(%arg13 : memref<16x128xf32, #tpu.memory_space<vmem>>) target(%dma_start3A_24 : memref<10112x128xf32, #tpu.memory_space<vmem_shared>>) offsets(%dma_start3A_21 : memref<16xi32, #tpu.memory_space<vmem>>) semaphore(%run_scoped3A_19 : memref<!tpu.dma_semaphore, #tpu.memory_space<semaphore_mem>>) {add = true}
        %dma_wait3A = arith.constant 0 : i32
        %dma_wait3A_25 = tpu.memref_slice %arg12[%run_scoped3A_18, %dma_wait3A] : memref<1x16xi32, #tpu.memory_space<vmem>> -> memref<1x16xi32, #tpu.memory_space<vmem>>
        %dma_wait3A_26 = tpu.memref_squeeze %dma_wait3A_25 : memref<1x16xi32, #tpu.memory_space<vmem>> -> memref<16xi32, #tpu.memory_space<vmem>>
        %dma_wait3A_27 = arith.constant 0 : i32
        %dma_wait3A_28 = arith.constant 0 : i32
        %dma_wait3A_29 = tpu.memref_slice %arg7[%dma_wait3A_27, %dma_wait3A_28] : memref<10112x128xf32, #tpu.memory_space<vmem_shared>> -> memref<10112x128xf32, #tpu.memory_space<vmem_shared>>
        tpu.wait_indirect_dma semaphore(%run_scoped3A_19 : memref<!tpu.dma_semaphore, #tpu.memory_space<semaphore_mem>>) src(%arg13 : memref<16x128xf32, #tpu.memory_space<vmem>>) dst(%dma_wait3A_29 : memref<10112x128xf32, #tpu.memory_space<vmem_shared>>)
        tpu.yield
      }) : () -> ()
    } else {
    }
    %barrier3A_10 = arith.constant 0 : index
    tpu.barrier barrier_id(%barrier3A_10)
    "tpu.region"() ({
      %run_scoped3A = tpu.sem_alloc : memref<!tpu.dma_semaphore, #tpu.memory_space<semaphore_mem>>
      %dma_start3A = arith.constant 0 : i32
      %dma_start3A_11 = tpu.memref_slice %arg6[%arg0, %mul3A_2, %dma_start3A] : memref<2x10112x128xf32, #tpu.memory_space<hbm>> -> memref<1x632x128xf32, #tpu.memory_space<hbm>>
      %dma_start3A_12 = tpu.memref_squeeze %dma_start3A_11 : memref<1x632x128xf32, #tpu.memory_space<hbm>> -> memref<632x128xf32, #tpu.memory_space<hbm>>
      %dma_start3A_13 = arith.constant 0 : i32
      %dma_start3A_14 = tpu.memref_slice %arg7[%mul3A_2, %dma_start3A_13] : memref<10112x128xf32, #tpu.memory_space<vmem_shared>> -> memref<632x128xf32, #tpu.memory_space<vmem_shared>>
      tpu.enqueue_dma source(%dma_start3A_14 : memref<632x128xf32, #tpu.memory_space<vmem_shared>>) target(%dma_start3A_12 : memref<632x128xf32, #tpu.memory_space<hbm>>) target_semaphore(%run_scoped3A : memref<!tpu.dma_semaphore, #tpu.memory_space<semaphore_mem>>)
      %dma_wait3A = arith.constant 0 : i32
      %dma_wait3A_15 = tpu.memref_slice %arg6[%arg0, %mul3A_2, %dma_wait3A] : memref<2x10112x128xf32, #tpu.memory_space<hbm>> -> memref<1x632x128xf32, #tpu.memory_space<hbm>>
      %dma_wait3A_16 = tpu.memref_squeeze %dma_wait3A_15 : memref<1x632x128xf32, #tpu.memory_space<hbm>> -> memref<632x128xf32, #tpu.memory_space<hbm>>
      %dma_wait3A_17 = arith.constant 0 : i32
      %dma_wait3A_18 = tpu.memref_slice %arg7[%mul3A_2, %dma_wait3A_17] : memref<10112x128xf32, #tpu.memory_space<vmem_shared>> -> memref<632x128xf32, #tpu.memory_space<vmem_shared>>
      tpu.wait_dma2 semaphore(%run_scoped3A : memref<!tpu.dma_semaphore, #tpu.memory_space<semaphore_mem>>) src(%dma_wait3A_18 : memref<632x128xf32, #tpu.memory_space<vmem_shared>>) dst(%dma_wait3A_16 : memref<632x128xf32, #tpu.memory_space<hbm>>)
      tpu.yield
    }) : () -> ()
    return
  }
}

#map = affine_map<(d0, d1) -> (0)>
#map1 = affine_map<(d0, d1) -> (0, 0)>
module attributes {stable_mosaic.version = 14 : i64} {
  func.func @gk(%arg0: i32, %arg1: i32, %arg2: memref<320000xi32, #tpu.memory_space<hbm>>, %arg3: memref<320000xi32, #tpu.memory_space<hbm>>, %arg4: memref<10000x128xf32, #tpu.memory_space<hbm>>, %arg5: memref<10000x128xf32, #tpu.memory_space<hbm>>, %arg6: memref<160000x128xf32, #tpu.memory_space<hbm>>, %arg7: memref<160000x128xf32, #tpu.memory_space<hbm>>, %arg8: memref<128xi32, #tpu.memory_space<vmem>>, %arg9: memref<128xi32, #tpu.memory_space<vmem>>, %arg10: memref<128xi32, #tpu.memory_space<vmem>>, %arg11: memref<128xi32, #tpu.memory_space<vmem>>, %arg12: memref<128x128xf32, #tpu.memory_space<vmem>>, %arg13: memref<128x128xf32, #tpu.memory_space<vmem>>, %arg14: memref<128x128xf32, #tpu.memory_space<vmem>>, %arg15: memref<128x128xf32, #tpu.memory_space<vmem>>, %arg16: memref<8x128xf32, #tpu.memory_space<vmem>>, %arg17: memref<8x128xf32, #tpu.memory_space<vmem>>, %arg18: memref<!tpu.dma_semaphore, #tpu.memory_space<semaphore_mem>>, %arg19: memref<!tpu.dma_semaphore, #tpu.memory_space<semaphore_mem>>) attributes {dimension_semantics = [#tpu.dimension_semantics<core_parallel>, #tpu.dimension_semantics<subcore_parallel>], iteration_bounds = array<i64: 2, 16>, scalar_prefetch = 0 : i64, scratch_operands = 12 : i64, tpu.core_type = #tpu.core_type<sc_vector_subcore>, window_params = [{transform_indices = #map}, {transform_indices = #map}, {transform_indices = #map1}, {transform_indices = #map1}, {transform_indices = #map1}, {transform_indices = #map1}]} {
    %mul3A = arith.constant 16 : i32
    %mul3A_0 = arith.muli %arg0, %mul3A : i32
    %add3A = arith.addi %mul3A_0, %arg1 : i32
    %mul3A_1 = arith.constant 5000 : i32
    %mul3A_2 = arith.muli %add3A, %mul3A_1 : i32
    %scan3A = arith.constant 0 : i32
    %scan3A_3 = arith.constant 19 : i32
    %scan3A_4 = arith.addi %scan3A, %scan3A_3 : i32
    %scan3A_5 = arith.constant 1 : i32
    scf.for %scan3A_57 = %scan3A to %scan3A_4 step %scan3A_5  : i32 {
      %mul3A_58 = arith.constant 1 : i32
      %mul3A_59 = arith.muli %scan3A_57, %mul3A_58 : i32
      %add3A_60 = arith.constant 0 : i32
      %add3A_61 = arith.addi %add3A_60, %mul3A_59 : i32
      %mul3A_62 = arith.constant 2 : i32
      %mul3A_63 = arith.muli %mul3A_62, %add3A_61 : i32
      %mul3A_64 = arith.constant 128 : i32
      %mul3A_65 = arith.muli %mul3A_63, %mul3A_64 : i32
      %add3A_66 = arith.addi %mul3A_2, %mul3A_65 : i32
      %add3A_67 = arith.constant 128 : i32
      %add3A_68 = arith.addi %add3A_66, %add3A_67 : i32
      %add3A_69 = arith.constant 0 : i32
      %add3A_70 = arith.addi %add3A_69, %add3A_66 : i32
      "tpu.region"() ({
        %run_scoped3A = tpu.sem_alloc : memref<!tpu.dma_semaphore, #tpu.memory_space<semaphore_mem>>
        %dma_start3A_117 = arith.constant 0 : i32
        %dma_start3A_118 = tpu.memref_slice %arg8[%dma_start3A_117] : memref<128xi32, #tpu.memory_space<vmem>> -> memref<128xi32, #tpu.memory_space<vmem>>
        %dma_start3A_119 = tpu.memref_slice %arg2[%add3A_70] : memref<320000xi32, #tpu.memory_space<hbm>> -> memref<128xi32, #tpu.memory_space<hbm>>
        %dma_start3A_120 = arith.constant 0 : i32
        %dma_start3A_121 = tpu.memref_slice %arg8[%dma_start3A_120] : memref<128xi32, #tpu.memory_space<vmem>> -> memref<128xi32, #tpu.memory_space<vmem>>
        %dma_start3A_122 = tpu.memref_slice %arg2[%add3A_70] : memref<320000xi32, #tpu.memory_space<hbm>> -> memref<128xi32, #tpu.memory_space<hbm>>
        tpu.enqueue_dma source(%dma_start3A_122 : memref<128xi32, #tpu.memory_space<hbm>>) target(%dma_start3A_121 : memref<128xi32, #tpu.memory_space<vmem>>) target_semaphore(%run_scoped3A : memref<!tpu.dma_semaphore, #tpu.memory_space<semaphore_mem>>)
        %dma_wait3A_123 = arith.constant 0 : i32
        %dma_wait3A_124 = tpu.memref_slice %arg8[%dma_wait3A_123] : memref<128xi32, #tpu.memory_space<vmem>> -> memref<128xi32, #tpu.memory_space<vmem>>
        %dma_wait3A_125 = tpu.memref_slice %arg2[%add3A_70] : memref<320000xi32, #tpu.memory_space<hbm>> -> memref<128xi32, #tpu.memory_space<hbm>>
        %dma_wait3A_126 = arith.constant 0 : i32
        %dma_wait3A_127 = tpu.memref_slice %arg8[%dma_wait3A_126] : memref<128xi32, #tpu.memory_space<vmem>> -> memref<128xi32, #tpu.memory_space<vmem>>
        %dma_wait3A_128 = tpu.memref_slice %arg2[%add3A_70] : memref<320000xi32, #tpu.memory_space<hbm>> -> memref<128xi32, #tpu.memory_space<hbm>>
        tpu.wait_dma2 semaphore(%run_scoped3A : memref<!tpu.dma_semaphore, #tpu.memory_space<semaphore_mem>>) src(%dma_wait3A_128 : memref<128xi32, #tpu.memory_space<hbm>>) dst(%dma_wait3A_127 : memref<128xi32, #tpu.memory_space<vmem>>)
        tpu.yield
      }) : () -> ()
      %add3A_71 = arith.constant 0 : i32
      %add3A_72 = arith.addi %add3A_71, %add3A_66 : i32
      "tpu.region"() ({
        %run_scoped3A = tpu.sem_alloc : memref<!tpu.dma_semaphore, #tpu.memory_space<semaphore_mem>>
        %dma_start3A_117 = arith.constant 0 : i32
        %dma_start3A_118 = tpu.memref_slice %arg9[%dma_start3A_117] : memref<128xi32, #tpu.memory_space<vmem>> -> memref<128xi32, #tpu.memory_space<vmem>>
        %dma_start3A_119 = tpu.memref_slice %arg3[%add3A_72] : memref<320000xi32, #tpu.memory_space<hbm>> -> memref<128xi32, #tpu.memory_space<hbm>>
        %dma_start3A_120 = arith.constant 0 : i32
        %dma_start3A_121 = tpu.memref_slice %arg9[%dma_start3A_120] : memref<128xi32, #tpu.memory_space<vmem>> -> memref<128xi32, #tpu.memory_space<vmem>>
        %dma_start3A_122 = tpu.memref_slice %arg3[%add3A_72] : memref<320000xi32, #tpu.memory_space<hbm>> -> memref<128xi32, #tpu.memory_space<hbm>>
        tpu.enqueue_dma source(%dma_start3A_122 : memref<128xi32, #tpu.memory_space<hbm>>) target(%dma_start3A_121 : memref<128xi32, #tpu.memory_space<vmem>>) target_semaphore(%run_scoped3A : memref<!tpu.dma_semaphore, #tpu.memory_space<semaphore_mem>>)
        %dma_wait3A_123 = arith.constant 0 : i32
        %dma_wait3A_124 = tpu.memref_slice %arg9[%dma_wait3A_123] : memref<128xi32, #tpu.memory_space<vmem>> -> memref<128xi32, #tpu.memory_space<vmem>>
        %dma_wait3A_125 = tpu.memref_slice %arg3[%add3A_72] : memref<320000xi32, #tpu.memory_space<hbm>> -> memref<128xi32, #tpu.memory_space<hbm>>
        %dma_wait3A_126 = arith.constant 0 : i32
        %dma_wait3A_127 = tpu.memref_slice %arg9[%dma_wait3A_126] : memref<128xi32, #tpu.memory_space<vmem>> -> memref<128xi32, #tpu.memory_space<vmem>>
        %dma_wait3A_128 = tpu.memref_slice %arg3[%add3A_72] : memref<320000xi32, #tpu.memory_space<hbm>> -> memref<128xi32, #tpu.memory_space<hbm>>
        tpu.wait_dma2 semaphore(%run_scoped3A : memref<!tpu.dma_semaphore, #tpu.memory_space<semaphore_mem>>) src(%dma_wait3A_128 : memref<128xi32, #tpu.memory_space<hbm>>) dst(%dma_wait3A_127 : memref<128xi32, #tpu.memory_space<vmem>>)
        tpu.yield
      }) : () -> ()
      %dma_start3A_73 = arith.constant 0 : i32
      %dma_start3A_74 = tpu.memref_slice %arg8[%dma_start3A_73] : memref<128xi32, #tpu.memory_space<vmem>> -> memref<128xi32, #tpu.memory_space<vmem>>
      %dma_start3A_75 = arith.constant 0 : i32
      %dma_start3A_76 = arith.constant 0 : i32
      %dma_start3A_77 = tpu.memref_slice %arg4[%dma_start3A_75, %dma_start3A_76] : memref<10000x128xf32, #tpu.memory_space<hbm>> -> memref<10000x128xf32, #tpu.memory_space<hbm>>
      tpu.enqueue_indirect_dma source(%dma_start3A_77 : memref<10000x128xf32, #tpu.memory_space<hbm>>) target(%arg12 : memref<128x128xf32, #tpu.memory_space<vmem>>) offsets(%dma_start3A_74 : memref<128xi32, #tpu.memory_space<vmem>>) semaphore(%arg18 : memref<!tpu.dma_semaphore, #tpu.memory_space<semaphore_mem>>)
      %dma_start3A_78 = arith.constant 0 : i32
      %dma_start3A_79 = tpu.memref_slice %arg9[%dma_start3A_78] : memref<128xi32, #tpu.memory_space<vmem>> -> memref<128xi32, #tpu.memory_space<vmem>>
      %dma_start3A_80 = arith.constant 0 : i32
      %dma_start3A_81 = arith.constant 0 : i32
      %dma_start3A_82 = tpu.memref_slice %arg5[%dma_start3A_80, %dma_start3A_81] : memref<10000x128xf32, #tpu.memory_space<hbm>> -> memref<10000x128xf32, #tpu.memory_space<hbm>>
      tpu.enqueue_indirect_dma source(%dma_start3A_82 : memref<10000x128xf32, #tpu.memory_space<hbm>>) target(%arg13 : memref<128x128xf32, #tpu.memory_space<vmem>>) offsets(%dma_start3A_79 : memref<128xi32, #tpu.memory_space<vmem>>) semaphore(%arg18 : memref<!tpu.dma_semaphore, #tpu.memory_space<semaphore_mem>>)
      %add3A_83 = arith.constant 0 : i32
      %add3A_84 = arith.addi %add3A_83, %add3A_68 : i32
      "tpu.region"() ({
        %run_scoped3A = tpu.sem_alloc : memref<!tpu.dma_semaphore, #tpu.memory_space<semaphore_mem>>
        %dma_start3A_117 = arith.constant 0 : i32
        %dma_start3A_118 = tpu.memref_slice %arg10[%dma_start3A_117] : memref<128xi32, #tpu.memory_space<vmem>> -> memref<128xi32, #tpu.memory_space<vmem>>
        %dma_start3A_119 = tpu.memref_slice %arg2[%add3A_84] : memref<320000xi32, #tpu.memory_space<hbm>> -> memref<128xi32, #tpu.memory_space<hbm>>
        %dma_start3A_120 = arith.constant 0 : i32
        %dma_start3A_121 = tpu.memref_slice %arg10[%dma_start3A_120] : memref<128xi32, #tpu.memory_space<vmem>> -> memref<128xi32, #tpu.memory_space<vmem>>
        %dma_start3A_122 = tpu.memref_slice %arg2[%add3A_84] : memref<320000xi32, #tpu.memory_space<hbm>> -> memref<128xi32, #tpu.memory_space<hbm>>
        tpu.enqueue_dma source(%dma_start3A_122 : memref<128xi32, #tpu.memory_space<hbm>>) target(%dma_start3A_121 : memref<128xi32, #tpu.memory_space<vmem>>) target_semaphore(%run_scoped3A : memref<!tpu.dma_semaphore, #tpu.memory_space<semaphore_mem>>)
        %dma_wait3A_123 = arith.constant 0 : i32
        %dma_wait3A_124 = tpu.memref_slice %arg10[%dma_wait3A_123] : memref<128xi32, #tpu.memory_space<vmem>> -> memref<128xi32, #tpu.memory_space<vmem>>
        %dma_wait3A_125 = tpu.memref_slice %arg2[%add3A_84] : memref<320000xi32, #tpu.memory_space<hbm>> -> memref<128xi32, #tpu.memory_space<hbm>>
        %dma_wait3A_126 = arith.constant 0 : i32
        %dma_wait3A_127 = tpu.memref_slice %arg10[%dma_wait3A_126] : memref<128xi32, #tpu.memory_space<vmem>> -> memref<128xi32, #tpu.memory_space<vmem>>
        %dma_wait3A_128 = tpu.memref_slice %arg2[%add3A_84] : memref<320000xi32, #tpu.memory_space<hbm>> -> memref<128xi32, #tpu.memory_space<hbm>>
        tpu.wait_dma2 semaphore(%run_scoped3A : memref<!tpu.dma_semaphore, #tpu.memory_space<semaphore_mem>>) src(%dma_wait3A_128 : memref<128xi32, #tpu.memory_space<hbm>>) dst(%dma_wait3A_127 : memref<128xi32, #tpu.memory_space<vmem>>)
        tpu.yield
      }) : () -> ()
      %add3A_85 = arith.constant 0 : i32
      %add3A_86 = arith.addi %add3A_85, %add3A_68 : i32
      "tpu.region"() ({
        %run_scoped3A = tpu.sem_alloc : memref<!tpu.dma_semaphore, #tpu.memory_space<semaphore_mem>>
        %dma_start3A_117 = arith.constant 0 : i32
        %dma_start3A_118 = tpu.memref_slice %arg11[%dma_start3A_117] : memref<128xi32, #tpu.memory_space<vmem>> -> memref<128xi32, #tpu.memory_space<vmem>>
        %dma_start3A_119 = tpu.memref_slice %arg3[%add3A_86] : memref<320000xi32, #tpu.memory_space<hbm>> -> memref<128xi32, #tpu.memory_space<hbm>>
        %dma_start3A_120 = arith.constant 0 : i32
        %dma_start3A_121 = tpu.memref_slice %arg11[%dma_start3A_120] : memref<128xi32, #tpu.memory_space<vmem>> -> memref<128xi32, #tpu.memory_space<vmem>>
        %dma_start3A_122 = tpu.memref_slice %arg3[%add3A_86] : memref<320000xi32, #tpu.memory_space<hbm>> -> memref<128xi32, #tpu.memory_space<hbm>>
        tpu.enqueue_dma source(%dma_start3A_122 : memref<128xi32, #tpu.memory_space<hbm>>) target(%dma_start3A_121 : memref<128xi32, #tpu.memory_space<vmem>>) target_semaphore(%run_scoped3A : memref<!tpu.dma_semaphore, #tpu.memory_space<semaphore_mem>>)
        %dma_wait3A_123 = arith.constant 0 : i32
        %dma_wait3A_124 = tpu.memref_slice %arg11[%dma_wait3A_123] : memref<128xi32, #tpu.memory_space<vmem>> -> memref<128xi32, #tpu.memory_space<vmem>>
        %dma_wait3A_125 = tpu.memref_slice %arg3[%add3A_86] : memref<320000xi32, #tpu.memory_space<hbm>> -> memref<128xi32, #tpu.memory_space<hbm>>
        %dma_wait3A_126 = arith.constant 0 : i32
        %dma_wait3A_127 = tpu.memref_slice %arg11[%dma_wait3A_126] : memref<128xi32, #tpu.memory_space<vmem>> -> memref<128xi32, #tpu.memory_space<vmem>>
        %dma_wait3A_128 = tpu.memref_slice %arg3[%add3A_86] : memref<320000xi32, #tpu.memory_space<hbm>> -> memref<128xi32, #tpu.memory_space<hbm>>
        tpu.wait_dma2 semaphore(%run_scoped3A : memref<!tpu.dma_semaphore, #tpu.memory_space<semaphore_mem>>) src(%dma_wait3A_128 : memref<128xi32, #tpu.memory_space<hbm>>) dst(%dma_wait3A_127 : memref<128xi32, #tpu.memory_space<vmem>>)
        tpu.yield
      }) : () -> ()
      %dma_start3A_87 = arith.constant 0 : i32
      %dma_start3A_88 = tpu.memref_slice %arg10[%dma_start3A_87] : memref<128xi32, #tpu.memory_space<vmem>> -> memref<128xi32, #tpu.memory_space<vmem>>
      %dma_start3A_89 = arith.constant 0 : i32
      %dma_start3A_90 = arith.constant 0 : i32
      %dma_start3A_91 = tpu.memref_slice %arg4[%dma_start3A_89, %dma_start3A_90] : memref<10000x128xf32, #tpu.memory_space<hbm>> -> memref<10000x128xf32, #tpu.memory_space<hbm>>
      tpu.enqueue_indirect_dma source(%dma_start3A_91 : memref<10000x128xf32, #tpu.memory_space<hbm>>) target(%arg14 : memref<128x128xf32, #tpu.memory_space<vmem>>) offsets(%dma_start3A_88 : memref<128xi32, #tpu.memory_space<vmem>>) semaphore(%arg19 : memref<!tpu.dma_semaphore, #tpu.memory_space<semaphore_mem>>)
      %dma_start3A_92 = arith.constant 0 : i32
      %dma_start3A_93 = tpu.memref_slice %arg11[%dma_start3A_92] : memref<128xi32, #tpu.memory_space<vmem>> -> memref<128xi32, #tpu.memory_space<vmem>>
      %dma_start3A_94 = arith.constant 0 : i32
      %dma_start3A_95 = arith.constant 0 : i32
      %dma_start3A_96 = tpu.memref_slice %arg5[%dma_start3A_94, %dma_start3A_95] : memref<10000x128xf32, #tpu.memory_space<hbm>> -> memref<10000x128xf32, #tpu.memory_space<hbm>>
      tpu.enqueue_indirect_dma source(%dma_start3A_96 : memref<10000x128xf32, #tpu.memory_space<hbm>>) target(%arg15 : memref<128x128xf32, #tpu.memory_space<vmem>>) offsets(%dma_start3A_93 : memref<128xi32, #tpu.memory_space<vmem>>) semaphore(%arg19 : memref<!tpu.dma_semaphore, #tpu.memory_space<semaphore_mem>>)
      %dma_wait3A_97 = arith.constant 0 : i32
      %dma_wait3A_98 = tpu.memref_slice %arg8[%dma_wait3A_97] : memref<128xi32, #tpu.memory_space<vmem>> -> memref<128xi32, #tpu.memory_space<vmem>>
      %dma_wait3A_99 = arith.constant 0 : i32
      %dma_wait3A_100 = arith.constant 0 : i32
      %dma_wait3A_101 = tpu.memref_slice %arg4[%dma_wait3A_99, %dma_wait3A_100] : memref<10000x128xf32, #tpu.memory_space<hbm>> -> memref<10000x128xf32, #tpu.memory_space<hbm>>
      tpu.wait_indirect_dma semaphore(%arg18 : memref<!tpu.dma_semaphore, #tpu.memory_space<semaphore_mem>>) src(%dma_wait3A_101 : memref<10000x128xf32, #tpu.memory_space<hbm>>) dst(%arg12 : memref<128x128xf32, #tpu.memory_space<vmem>>)
      %dma_wait3A_102 = arith.constant 0 : i32
      %dma_wait3A_103 = tpu.memref_slice %arg9[%dma_wait3A_102] : memref<128xi32, #tpu.memory_space<vmem>> -> memref<128xi32, #tpu.memory_space<vmem>>
      %dma_wait3A_104 = arith.constant 0 : i32
      %dma_wait3A_105 = arith.constant 0 : i32
      %dma_wait3A_106 = tpu.memref_slice %arg5[%dma_wait3A_104, %dma_wait3A_105] : memref<10000x128xf32, #tpu.memory_space<hbm>> -> memref<10000x128xf32, #tpu.memory_space<hbm>>
      tpu.wait_indirect_dma semaphore(%arg18 : memref<!tpu.dma_semaphore, #tpu.memory_space<semaphore_mem>>) src(%dma_wait3A_106 : memref<10000x128xf32, #tpu.memory_space<hbm>>) dst(%arg13 : memref<128x128xf32, #tpu.memory_space<vmem>>)
      "tpu.region"() ({
        %run_scoped3A = tpu.sem_alloc : memref<!tpu.dma_semaphore, #tpu.memory_space<semaphore_mem>>
        %dma_start3A_117 = arith.constant 0 : i32
        %dma_start3A_118 = tpu.memref_slice %arg6[%add3A_66, %dma_start3A_117] : memref<160000x128xf32, #tpu.memory_space<hbm>> -> memref<128x128xf32, #tpu.memory_space<hbm>>
        %dma_start3A_119 = arith.constant 0 : i32
        %dma_start3A_120 = tpu.memref_slice %arg6[%add3A_66, %dma_start3A_119] : memref<160000x128xf32, #tpu.memory_space<hbm>> -> memref<128x128xf32, #tpu.memory_space<hbm>>
        tpu.enqueue_dma source(%arg12 : memref<128x128xf32, #tpu.memory_space<vmem>>) target(%dma_start3A_120 : memref<128x128xf32, #tpu.memory_space<hbm>>) target_semaphore(%run_scoped3A : memref<!tpu.dma_semaphore, #tpu.memory_space<semaphore_mem>>)
        %dma_wait3A_121 = arith.constant 0 : i32
        %dma_wait3A_122 = tpu.memref_slice %arg6[%add3A_66, %dma_wait3A_121] : memref<160000x128xf32, #tpu.memory_space<hbm>> -> memref<128x128xf32, #tpu.memory_space<hbm>>
        %dma_wait3A_123 = arith.constant 0 : i32
        %dma_wait3A_124 = tpu.memref_slice %arg6[%add3A_66, %dma_wait3A_123] : memref<160000x128xf32, #tpu.memory_space<hbm>> -> memref<128x128xf32, #tpu.memory_space<hbm>>
        tpu.wait_dma2 semaphore(%run_scoped3A : memref<!tpu.dma_semaphore, #tpu.memory_space<semaphore_mem>>) src(%arg12 : memref<128x128xf32, #tpu.memory_space<vmem>>) dst(%dma_wait3A_124 : memref<128x128xf32, #tpu.memory_space<hbm>>)
        tpu.yield
      }) : () -> ()
      "tpu.region"() ({
        %run_scoped3A = tpu.sem_alloc : memref<!tpu.dma_semaphore, #tpu.memory_space<semaphore_mem>>
        %dma_start3A_117 = arith.constant 0 : i32
        %dma_start3A_118 = tpu.memref_slice %arg7[%add3A_66, %dma_start3A_117] : memref<160000x128xf32, #tpu.memory_space<hbm>> -> memref<128x128xf32, #tpu.memory_space<hbm>>
        %dma_start3A_119 = arith.constant 0 : i32
        %dma_start3A_120 = tpu.memref_slice %arg7[%add3A_66, %dma_start3A_119] : memref<160000x128xf32, #tpu.memory_space<hbm>> -> memref<128x128xf32, #tpu.memory_space<hbm>>
        tpu.enqueue_dma source(%arg13 : memref<128x128xf32, #tpu.memory_space<vmem>>) target(%dma_start3A_120 : memref<128x128xf32, #tpu.memory_space<hbm>>) target_semaphore(%run_scoped3A : memref<!tpu.dma_semaphore, #tpu.memory_space<semaphore_mem>>)
        %dma_wait3A_121 = arith.constant 0 : i32
        %dma_wait3A_122 = tpu.memref_slice %arg7[%add3A_66, %dma_wait3A_121] : memref<160000x128xf32, #tpu.memory_space<hbm>> -> memref<128x128xf32, #tpu.memory_space<hbm>>
        %dma_wait3A_123 = arith.constant 0 : i32
        %dma_wait3A_124 = tpu.memref_slice %arg7[%add3A_66, %dma_wait3A_123] : memref<160000x128xf32, #tpu.memory_space<hbm>> -> memref<128x128xf32, #tpu.memory_space<hbm>>
        tpu.wait_dma2 semaphore(%run_scoped3A : memref<!tpu.dma_semaphore, #tpu.memory_space<semaphore_mem>>) src(%arg13 : memref<128x128xf32, #tpu.memory_space<vmem>>) dst(%dma_wait3A_124 : memref<128x128xf32, #tpu.memory_space<hbm>>)
        tpu.yield
      }) : () -> ()
      %dma_wait3A_107 = arith.constant 0 : i32
      %dma_wait3A_108 = tpu.memref_slice %arg10[%dma_wait3A_107] : memref<128xi32, #tpu.memory_space<vmem>> -> memref<128xi32, #tpu.memory_space<vmem>>
      %dma_wait3A_109 = arith.constant 0 : i32
      %dma_wait3A_110 = arith.constant 0 : i32
      %dma_wait3A_111 = tpu.memref_slice %arg4[%dma_wait3A_109, %dma_wait3A_110] : memref<10000x128xf32, #tpu.memory_space<hbm>> -> memref<10000x128xf32, #tpu.memory_space<hbm>>
      tpu.wait_indirect_dma semaphore(%arg19 : memref<!tpu.dma_semaphore, #tpu.memory_space<semaphore_mem>>) src(%dma_wait3A_111 : memref<10000x128xf32, #tpu.memory_space<hbm>>) dst(%arg14 : memref<128x128xf32, #tpu.memory_space<vmem>>)
      %dma_wait3A_112 = arith.constant 0 : i32
      %dma_wait3A_113 = tpu.memref_slice %arg11[%dma_wait3A_112] : memref<128xi32, #tpu.memory_space<vmem>> -> memref<128xi32, #tpu.memory_space<vmem>>
      %dma_wait3A_114 = arith.constant 0 : i32
      %dma_wait3A_115 = arith.constant 0 : i32
      %dma_wait3A_116 = tpu.memref_slice %arg5[%dma_wait3A_114, %dma_wait3A_115] : memref<10000x128xf32, #tpu.memory_space<hbm>> -> memref<10000x128xf32, #tpu.memory_space<hbm>>
      tpu.wait_indirect_dma semaphore(%arg19 : memref<!tpu.dma_semaphore, #tpu.memory_space<semaphore_mem>>) src(%dma_wait3A_116 : memref<10000x128xf32, #tpu.memory_space<hbm>>) dst(%arg15 : memref<128x128xf32, #tpu.memory_space<vmem>>)
      "tpu.region"() ({
        %run_scoped3A = tpu.sem_alloc : memref<!tpu.dma_semaphore, #tpu.memory_space<semaphore_mem>>
        %dma_start3A_117 = arith.constant 0 : i32
        %dma_start3A_118 = tpu.memref_slice %arg6[%add3A_68, %dma_start3A_117] : memref<160000x128xf32, #tpu.memory_space<hbm>> -> memref<128x128xf32, #tpu.memory_space<hbm>>
        %dma_start3A_119 = arith.constant 0 : i32
        %dma_start3A_120 = tpu.memref_slice %arg6[%add3A_68, %dma_start3A_119] : memref<160000x128xf32, #tpu.memory_space<hbm>> -> memref<128x128xf32, #tpu.memory_space<hbm>>
        tpu.enqueue_dma source(%arg14 : memref<128x128xf32, #tpu.memory_space<vmem>>) target(%dma_start3A_120 : memref<128x128xf32, #tpu.memory_space<hbm>>) target_semaphore(%run_scoped3A : memref<!tpu.dma_semaphore, #tpu.memory_space<semaphore_mem>>)
        %dma_wait3A_121 = arith.constant 0 : i32
        %dma_wait3A_122 = tpu.memref_slice %arg6[%add3A_68, %dma_wait3A_121] : memref<160000x128xf32, #tpu.memory_space<hbm>> -> memref<128x128xf32, #tpu.memory_space<hbm>>
        %dma_wait3A_123 = arith.constant 0 : i32
        %dma_wait3A_124 = tpu.memref_slice %arg6[%add3A_68, %dma_wait3A_123] : memref<160000x128xf32, #tpu.memory_space<hbm>> -> memref<128x128xf32, #tpu.memory_space<hbm>>
        tpu.wait_dma2 semaphore(%run_scoped3A : memref<!tpu.dma_semaphore, #tpu.memory_space<semaphore_mem>>) src(%arg14 : memref<128x128xf32, #tpu.memory_space<vmem>>) dst(%dma_wait3A_124 : memref<128x128xf32, #tpu.memory_space<hbm>>)
        tpu.yield
      }) : () -> ()
      "tpu.region"() ({
        %run_scoped3A = tpu.sem_alloc : memref<!tpu.dma_semaphore, #tpu.memory_space<semaphore_mem>>
        %dma_start3A_117 = arith.constant 0 : i32
        %dma_start3A_118 = tpu.memref_slice %arg7[%add3A_68, %dma_start3A_117] : memref<160000x128xf32, #tpu.memory_space<hbm>> -> memref<128x128xf32, #tpu.memory_space<hbm>>
        %dma_start3A_119 = arith.constant 0 : i32
        %dma_start3A_120 = tpu.memref_slice %arg7[%add3A_68, %dma_start3A_119] : memref<160000x128xf32, #tpu.memory_space<hbm>> -> memref<128x128xf32, #tpu.memory_space<hbm>>
        tpu.enqueue_dma source(%arg15 : memref<128x128xf32, #tpu.memory_space<vmem>>) target(%dma_start3A_120 : memref<128x128xf32, #tpu.memory_space<hbm>>) target_semaphore(%run_scoped3A : memref<!tpu.dma_semaphore, #tpu.memory_space<semaphore_mem>>)
        %dma_wait3A_121 = arith.constant 0 : i32
        %dma_wait3A_122 = tpu.memref_slice %arg7[%add3A_68, %dma_wait3A_121] : memref<160000x128xf32, #tpu.memory_space<hbm>> -> memref<128x128xf32, #tpu.memory_space<hbm>>
        %dma_wait3A_123 = arith.constant 0 : i32
        %dma_wait3A_124 = tpu.memref_slice %arg7[%add3A_68, %dma_wait3A_123] : memref<160000x128xf32, #tpu.memory_space<hbm>> -> memref<128x128xf32, #tpu.memory_space<hbm>>
        tpu.wait_dma2 semaphore(%run_scoped3A : memref<!tpu.dma_semaphore, #tpu.memory_space<semaphore_mem>>) src(%arg15 : memref<128x128xf32, #tpu.memory_space<vmem>>) dst(%dma_wait3A_124 : memref<128x128xf32, #tpu.memory_space<hbm>>)
        tpu.yield
      }) : () -> ()
    }
    %scan3A_6 = arith.constant 19 : i32
    %add3A_7 = arith.constant 4864 : i32
    %add3A_8 = arith.addi %mul3A_2, %add3A_7 : i32
    %add3A_9 = arith.constant 0 : i32
    %add3A_10 = arith.addi %add3A_9, %add3A_8 : i32
    "tpu.region"() ({
      %run_scoped3A = tpu.sem_alloc : memref<!tpu.dma_semaphore, #tpu.memory_space<semaphore_mem>>
      %dma_start3A_57 = arith.constant 0 : i32
      %dma_start3A_58 = tpu.memref_slice %arg8[%dma_start3A_57] : memref<128xi32, #tpu.memory_space<vmem>> -> memref<128xi32, #tpu.memory_space<vmem>>
      %dma_start3A_59 = tpu.memref_slice %arg2[%add3A_10] : memref<320000xi32, #tpu.memory_space<hbm>> -> memref<128xi32, #tpu.memory_space<hbm>>
      %dma_start3A_60 = arith.constant 0 : i32
      %dma_start3A_61 = tpu.memref_slice %arg8[%dma_start3A_60] : memref<128xi32, #tpu.memory_space<vmem>> -> memref<128xi32, #tpu.memory_space<vmem>>
      %dma_start3A_62 = tpu.memref_slice %arg2[%add3A_10] : memref<320000xi32, #tpu.memory_space<hbm>> -> memref<128xi32, #tpu.memory_space<hbm>>
      tpu.enqueue_dma source(%dma_start3A_62 : memref<128xi32, #tpu.memory_space<hbm>>) target(%dma_start3A_61 : memref<128xi32, #tpu.memory_space<vmem>>) target_semaphore(%run_scoped3A : memref<!tpu.dma_semaphore, #tpu.memory_space<semaphore_mem>>)
      %dma_wait3A_63 = arith.constant 0 : i32
      %dma_wait3A_64 = tpu.memref_slice %arg8[%dma_wait3A_63] : memref<128xi32, #tpu.memory_space<vmem>> -> memref<128xi32, #tpu.memory_space<vmem>>
      %dma_wait3A_65 = tpu.memref_slice %arg2[%add3A_10] : memref<320000xi32, #tpu.memory_space<hbm>> -> memref<128xi32, #tpu.memory_space<hbm>>
      %dma_wait3A_66 = arith.constant 0 : i32
      %dma_wait3A_67 = tpu.memref_slice %arg8[%dma_wait3A_66] : memref<128xi32, #tpu.memory_space<vmem>> -> memref<128xi32, #tpu.memory_space<vmem>>
      %dma_wait3A_68 = tpu.memref_slice %arg2[%add3A_10] : memref<320000xi32, #tpu.memory_space<hbm>> -> memref<128xi32, #tpu.memory_space<hbm>>
      tpu.wait_dma2 semaphore(%run_scoped3A : memref<!tpu.dma_semaphore, #tpu.memory_space<semaphore_mem>>) src(%dma_wait3A_68 : memref<128xi32, #tpu.memory_space<hbm>>) dst(%dma_wait3A_67 : memref<128xi32, #tpu.memory_space<vmem>>)
      tpu.yield
    }) : () -> ()
    %add3A_11 = arith.constant 0 : i32
    %add3A_12 = arith.addi %add3A_11, %add3A_8 : i32
    "tpu.region"() ({
      %run_scoped3A = tpu.sem_alloc : memref<!tpu.dma_semaphore, #tpu.memory_space<semaphore_mem>>
      %dma_start3A_57 = arith.constant 0 : i32
      %dma_start3A_58 = tpu.memref_slice %arg9[%dma_start3A_57] : memref<128xi32, #tpu.memory_space<vmem>> -> memref<128xi32, #tpu.memory_space<vmem>>
      %dma_start3A_59 = tpu.memref_slice %arg3[%add3A_12] : memref<320000xi32, #tpu.memory_space<hbm>> -> memref<128xi32, #tpu.memory_space<hbm>>
      %dma_start3A_60 = arith.constant 0 : i32
      %dma_start3A_61 = tpu.memref_slice %arg9[%dma_start3A_60] : memref<128xi32, #tpu.memory_space<vmem>> -> memref<128xi32, #tpu.memory_space<vmem>>
      %dma_start3A_62 = tpu.memref_slice %arg3[%add3A_12] : memref<320000xi32, #tpu.memory_space<hbm>> -> memref<128xi32, #tpu.memory_space<hbm>>
      tpu.enqueue_dma source(%dma_start3A_62 : memref<128xi32, #tpu.memory_space<hbm>>) target(%dma_start3A_61 : memref<128xi32, #tpu.memory_space<vmem>>) target_semaphore(%run_scoped3A : memref<!tpu.dma_semaphore, #tpu.memory_space<semaphore_mem>>)
      %dma_wait3A_63 = arith.constant 0 : i32
      %dma_wait3A_64 = tpu.memref_slice %arg9[%dma_wait3A_63] : memref<128xi32, #tpu.memory_space<vmem>> -> memref<128xi32, #tpu.memory_space<vmem>>
      %dma_wait3A_65 = tpu.memref_slice %arg3[%add3A_12] : memref<320000xi32, #tpu.memory_space<hbm>> -> memref<128xi32, #tpu.memory_space<hbm>>
      %dma_wait3A_66 = arith.constant 0 : i32
      %dma_wait3A_67 = tpu.memref_slice %arg9[%dma_wait3A_66] : memref<128xi32, #tpu.memory_space<vmem>> -> memref<128xi32, #tpu.memory_space<vmem>>
      %dma_wait3A_68 = tpu.memref_slice %arg3[%add3A_12] : memref<320000xi32, #tpu.memory_space<hbm>> -> memref<128xi32, #tpu.memory_space<hbm>>
      tpu.wait_dma2 semaphore(%run_scoped3A : memref<!tpu.dma_semaphore, #tpu.memory_space<semaphore_mem>>) src(%dma_wait3A_68 : memref<128xi32, #tpu.memory_space<hbm>>) dst(%dma_wait3A_67 : memref<128xi32, #tpu.memory_space<vmem>>)
      tpu.yield
    }) : () -> ()
    %dma_start3A = arith.constant 0 : i32
    %dma_start3A_13 = tpu.memref_slice %arg8[%dma_start3A] : memref<128xi32, #tpu.memory_space<vmem>> -> memref<128xi32, #tpu.memory_space<vmem>>
    %dma_start3A_14 = arith.constant 0 : i32
    %dma_start3A_15 = arith.constant 0 : i32
    %dma_start3A_16 = tpu.memref_slice %arg4[%dma_start3A_14, %dma_start3A_15] : memref<10000x128xf32, #tpu.memory_space<hbm>> -> memref<10000x128xf32, #tpu.memory_space<hbm>>
    tpu.enqueue_indirect_dma source(%dma_start3A_16 : memref<10000x128xf32, #tpu.memory_space<hbm>>) target(%arg12 : memref<128x128xf32, #tpu.memory_space<vmem>>) offsets(%dma_start3A_13 : memref<128xi32, #tpu.memory_space<vmem>>) semaphore(%arg18 : memref<!tpu.dma_semaphore, #tpu.memory_space<semaphore_mem>>)
    %dma_start3A_17 = arith.constant 0 : i32
    %dma_start3A_18 = tpu.memref_slice %arg9[%dma_start3A_17] : memref<128xi32, #tpu.memory_space<vmem>> -> memref<128xi32, #tpu.memory_space<vmem>>
    %dma_start3A_19 = arith.constant 0 : i32
    %dma_start3A_20 = arith.constant 0 : i32
    %dma_start3A_21 = tpu.memref_slice %arg5[%dma_start3A_19, %dma_start3A_20] : memref<10000x128xf32, #tpu.memory_space<hbm>> -> memref<10000x128xf32, #tpu.memory_space<hbm>>
    tpu.enqueue_indirect_dma source(%dma_start3A_21 : memref<10000x128xf32, #tpu.memory_space<hbm>>) target(%arg13 : memref<128x128xf32, #tpu.memory_space<vmem>>) offsets(%dma_start3A_18 : memref<128xi32, #tpu.memory_space<vmem>>) semaphore(%arg18 : memref<!tpu.dma_semaphore, #tpu.memory_space<semaphore_mem>>)
    %dma_wait3A = arith.constant 0 : i32
    %dma_wait3A_22 = tpu.memref_slice %arg8[%dma_wait3A] : memref<128xi32, #tpu.memory_space<vmem>> -> memref<128xi32, #tpu.memory_space<vmem>>
    %dma_wait3A_23 = arith.constant 0 : i32
    %dma_wait3A_24 = arith.constant 0 : i32
    %dma_wait3A_25 = tpu.memref_slice %arg4[%dma_wait3A_23, %dma_wait3A_24] : memref<10000x128xf32, #tpu.memory_space<hbm>> -> memref<10000x128xf32, #tpu.memory_space<hbm>>
    tpu.wait_indirect_dma semaphore(%arg18 : memref<!tpu.dma_semaphore, #tpu.memory_space<semaphore_mem>>) src(%dma_wait3A_25 : memref<10000x128xf32, #tpu.memory_space<hbm>>) dst(%arg12 : memref<128x128xf32, #tpu.memory_space<vmem>>)
    %dma_wait3A_26 = arith.constant 0 : i32
    %dma_wait3A_27 = tpu.memref_slice %arg9[%dma_wait3A_26] : memref<128xi32, #tpu.memory_space<vmem>> -> memref<128xi32, #tpu.memory_space<vmem>>
    %dma_wait3A_28 = arith.constant 0 : i32
    %dma_wait3A_29 = arith.constant 0 : i32
    %dma_wait3A_30 = tpu.memref_slice %arg5[%dma_wait3A_28, %dma_wait3A_29] : memref<10000x128xf32, #tpu.memory_space<hbm>> -> memref<10000x128xf32, #tpu.memory_space<hbm>>
    tpu.wait_indirect_dma semaphore(%arg18 : memref<!tpu.dma_semaphore, #tpu.memory_space<semaphore_mem>>) src(%dma_wait3A_30 : memref<10000x128xf32, #tpu.memory_space<hbm>>) dst(%arg13 : memref<128x128xf32, #tpu.memory_space<vmem>>)
    "tpu.region"() ({
      %run_scoped3A = tpu.sem_alloc : memref<!tpu.dma_semaphore, #tpu.memory_space<semaphore_mem>>
      %dma_start3A_57 = arith.constant 0 : i32
      %dma_start3A_58 = tpu.memref_slice %arg6[%add3A_8, %dma_start3A_57] : memref<160000x128xf32, #tpu.memory_space<hbm>> -> memref<128x128xf32, #tpu.memory_space<hbm>>
      %dma_start3A_59 = arith.constant 0 : i32
      %dma_start3A_60 = tpu.memref_slice %arg6[%add3A_8, %dma_start3A_59] : memref<160000x128xf32, #tpu.memory_space<hbm>> -> memref<128x128xf32, #tpu.memory_space<hbm>>
      tpu.enqueue_dma source(%arg12 : memref<128x128xf32, #tpu.memory_space<vmem>>) target(%dma_start3A_60 : memref<128x128xf32, #tpu.memory_space<hbm>>) target_semaphore(%run_scoped3A : memref<!tpu.dma_semaphore, #tpu.memory_space<semaphore_mem>>)
      %dma_wait3A_61 = arith.constant 0 : i32
      %dma_wait3A_62 = tpu.memref_slice %arg6[%add3A_8, %dma_wait3A_61] : memref<160000x128xf32, #tpu.memory_space<hbm>> -> memref<128x128xf32, #tpu.memory_space<hbm>>
      %dma_wait3A_63 = arith.constant 0 : i32
      %dma_wait3A_64 = tpu.memref_slice %arg6[%add3A_8, %dma_wait3A_63] : memref<160000x128xf32, #tpu.memory_space<hbm>> -> memref<128x128xf32, #tpu.memory_space<hbm>>
      tpu.wait_dma2 semaphore(%run_scoped3A : memref<!tpu.dma_semaphore, #tpu.memory_space<semaphore_mem>>) src(%arg12 : memref<128x128xf32, #tpu.memory_space<vmem>>) dst(%dma_wait3A_64 : memref<128x128xf32, #tpu.memory_space<hbm>>)
      tpu.yield
    }) : () -> ()
    "tpu.region"() ({
      %run_scoped3A = tpu.sem_alloc : memref<!tpu.dma_semaphore, #tpu.memory_space<semaphore_mem>>
      %dma_start3A_57 = arith.constant 0 : i32
      %dma_start3A_58 = tpu.memref_slice %arg7[%add3A_8, %dma_start3A_57] : memref<160000x128xf32, #tpu.memory_space<hbm>> -> memref<128x128xf32, #tpu.memory_space<hbm>>
      %dma_start3A_59 = arith.constant 0 : i32
      %dma_start3A_60 = tpu.memref_slice %arg7[%add3A_8, %dma_start3A_59] : memref<160000x128xf32, #tpu.memory_space<hbm>> -> memref<128x128xf32, #tpu.memory_space<hbm>>
      tpu.enqueue_dma source(%arg13 : memref<128x128xf32, #tpu.memory_space<vmem>>) target(%dma_start3A_60 : memref<128x128xf32, #tpu.memory_space<hbm>>) target_semaphore(%run_scoped3A : memref<!tpu.dma_semaphore, #tpu.memory_space<semaphore_mem>>)
      %dma_wait3A_61 = arith.constant 0 : i32
      %dma_wait3A_62 = tpu.memref_slice %arg7[%add3A_8, %dma_wait3A_61] : memref<160000x128xf32, #tpu.memory_space<hbm>> -> memref<128x128xf32, #tpu.memory_space<hbm>>
      %dma_wait3A_63 = arith.constant 0 : i32
      %dma_wait3A_64 = tpu.memref_slice %arg7[%add3A_8, %dma_wait3A_63] : memref<160000x128xf32, #tpu.memory_space<hbm>> -> memref<128x128xf32, #tpu.memory_space<hbm>>
      tpu.wait_dma2 semaphore(%run_scoped3A : memref<!tpu.dma_semaphore, #tpu.memory_space<semaphore_mem>>) src(%arg13 : memref<128x128xf32, #tpu.memory_space<vmem>>) dst(%dma_wait3A_64 : memref<128x128xf32, #tpu.memory_space<hbm>>)
      tpu.yield
    }) : () -> ()
    %add3A_31 = arith.constant 4992 : i32
    %add3A_32 = arith.addi %mul3A_2, %add3A_31 : i32
    %add3A_33 = arith.constant 0 : i32
    %add3A_34 = arith.addi %add3A_33, %add3A_32 : i32
    "tpu.region"() ({
      %run_scoped3A = tpu.sem_alloc : memref<!tpu.dma_semaphore, #tpu.memory_space<semaphore_mem>>
      %dma_start3A_57 = arith.constant 0 : i32
      %dma_start3A_58 = tpu.memref_slice %arg10[%dma_start3A_57] : memref<128xi32, #tpu.memory_space<vmem>> -> memref<8xi32, #tpu.memory_space<vmem>>
      %dma_start3A_59 = tpu.memref_slice %arg2[%add3A_34] : memref<320000xi32, #tpu.memory_space<hbm>> -> memref<8xi32, #tpu.memory_space<hbm>>
      %dma_start3A_60 = arith.constant 0 : i32
      %dma_start3A_61 = tpu.memref_slice %arg10[%dma_start3A_60] : memref<128xi32, #tpu.memory_space<vmem>> -> memref<8xi32, #tpu.memory_space<vmem>>
      %dma_start3A_62 = tpu.memref_slice %arg2[%add3A_34] : memref<320000xi32, #tpu.memory_space<hbm>> -> memref<8xi32, #tpu.memory_space<hbm>>
      tpu.enqueue_dma source(%dma_start3A_62 : memref<8xi32, #tpu.memory_space<hbm>>) target(%dma_start3A_61 : memref<8xi32, #tpu.memory_space<vmem>>) target_semaphore(%run_scoped3A : memref<!tpu.dma_semaphore, #tpu.memory_space<semaphore_mem>>)
      %dma_wait3A_63 = arith.constant 0 : i32
      %dma_wait3A_64 = tpu.memref_slice %arg10[%dma_wait3A_63] : memref<128xi32, #tpu.memory_space<vmem>> -> memref<8xi32, #tpu.memory_space<vmem>>
      %dma_wait3A_65 = tpu.memref_slice %arg2[%add3A_34] : memref<320000xi32, #tpu.memory_space<hbm>> -> memref<8xi32, #tpu.memory_space<hbm>>
      %dma_wait3A_66 = arith.constant 0 : i32
      %dma_wait3A_67 = tpu.memref_slice %arg10[%dma_wait3A_66] : memref<128xi32, #tpu.memory_space<vmem>> -> memref<8xi32, #tpu.memory_space<vmem>>
      %dma_wait3A_68 = tpu.memref_slice %arg2[%add3A_34] : memref<320000xi32, #tpu.memory_space<hbm>> -> memref<8xi32, #tpu.memory_space<hbm>>
      tpu.wait_dma2 semaphore(%run_scoped3A : memref<!tpu.dma_semaphore, #tpu.memory_space<semaphore_mem>>) src(%dma_wait3A_68 : memref<8xi32, #tpu.memory_space<hbm>>) dst(%dma_wait3A_67 : memref<8xi32, #tpu.memory_space<vmem>>)
      tpu.yield
    }) : () -> ()
    %add3A_35 = arith.constant 0 : i32
    %add3A_36 = arith.addi %add3A_35, %add3A_32 : i32
    "tpu.region"() ({
      %run_scoped3A = tpu.sem_alloc : memref<!tpu.dma_semaphore, #tpu.memory_space<semaphore_mem>>
      %dma_start3A_57 = arith.constant 0 : i32
      %dma_start3A_58 = tpu.memref_slice %arg11[%dma_start3A_57] : memref<128xi32, #tpu.memory_space<vmem>> -> memref<8xi32, #tpu.memory_space<vmem>>
      %dma_start3A_59 = tpu.memref_slice %arg3[%add3A_36] : memref<320000xi32, #tpu.memory_space<hbm>> -> memref<8xi32, #tpu.memory_space<hbm>>
      %dma_start3A_60 = arith.constant 0 : i32
      %dma_start3A_61 = tpu.memref_slice %arg11[%dma_start3A_60] : memref<128xi32, #tpu.memory_space<vmem>> -> memref<8xi32, #tpu.memory_space<vmem>>
      %dma_start3A_62 = tpu.memref_slice %arg3[%add3A_36] : memref<320000xi32, #tpu.memory_space<hbm>> -> memref<8xi32, #tpu.memory_space<hbm>>
      tpu.enqueue_dma source(%dma_start3A_62 : memref<8xi32, #tpu.memory_space<hbm>>) target(%dma_start3A_61 : memref<8xi32, #tpu.memory_space<vmem>>) target_semaphore(%run_scoped3A : memref<!tpu.dma_semaphore, #tpu.memory_space<semaphore_mem>>)
      %dma_wait3A_63 = arith.constant 0 : i32
      %dma_wait3A_64 = tpu.memref_slice %arg11[%dma_wait3A_63] : memref<128xi32, #tpu.memory_space<vmem>> -> memref<8xi32, #tpu.memory_space<vmem>>
      %dma_wait3A_65 = tpu.memref_slice %arg3[%add3A_36] : memref<320000xi32, #tpu.memory_space<hbm>> -> memref<8xi32, #tpu.memory_space<hbm>>
      %dma_wait3A_66 = arith.constant 0 : i32
      %dma_wait3A_67 = tpu.memref_slice %arg11[%dma_wait3A_66] : memref<128xi32, #tpu.memory_space<vmem>> -> memref<8xi32, #tpu.memory_space<vmem>>
      %dma_wait3A_68 = tpu.memref_slice %arg3[%add3A_36] : memref<320000xi32, #tpu.memory_space<hbm>> -> memref<8xi32, #tpu.memory_space<hbm>>
      tpu.wait_dma2 semaphore(%run_scoped3A : memref<!tpu.dma_semaphore, #tpu.memory_space<semaphore_mem>>) src(%dma_wait3A_68 : memref<8xi32, #tpu.memory_space<hbm>>) dst(%dma_wait3A_67 : memref<8xi32, #tpu.memory_space<vmem>>)
      tpu.yield
    }) : () -> ()
    %dma_start3A_37 = arith.constant 0 : i32
    %dma_start3A_38 = tpu.memref_slice %arg10[%dma_start3A_37] : memref<128xi32, #tpu.memory_space<vmem>> -> memref<8xi32, #tpu.memory_space<vmem>>
    %dma_start3A_39 = arith.constant 0 : i32
    %dma_start3A_40 = arith.constant 0 : i32
    %dma_start3A_41 = tpu.memref_slice %arg4[%dma_start3A_39, %dma_start3A_40] : memref<10000x128xf32, #tpu.memory_space<hbm>> -> memref<10000x128xf32, #tpu.memory_space<hbm>>
    tpu.enqueue_indirect_dma source(%dma_start3A_41 : memref<10000x128xf32, #tpu.memory_space<hbm>>) target(%arg16 : memref<8x128xf32, #tpu.memory_space<vmem>>) offsets(%dma_start3A_38 : memref<8xi32, #tpu.memory_space<vmem>>) semaphore(%arg19 : memref<!tpu.dma_semaphore, #tpu.memory_space<semaphore_mem>>)
    %dma_start3A_42 = arith.constant 0 : i32
    %dma_start3A_43 = tpu.memref_slice %arg11[%dma_start3A_42] : memref<128xi32, #tpu.memory_space<vmem>> -> memref<8xi32, #tpu.memory_space<vmem>>
    %dma_start3A_44 = arith.constant 0 : i32
    %dma_start3A_45 = arith.constant 0 : i32
    %dma_start3A_46 = tpu.memref_slice %arg5[%dma_start3A_44, %dma_start3A_45] : memref<10000x128xf32, #tpu.memory_space<hbm>> -> memref<10000x128xf32, #tpu.memory_space<hbm>>
    tpu.enqueue_indirect_dma source(%dma_start3A_46 : memref<10000x128xf32, #tpu.memory_space<hbm>>) target(%arg17 : memref<8x128xf32, #tpu.memory_space<vmem>>) offsets(%dma_start3A_43 : memref<8xi32, #tpu.memory_space<vmem>>) semaphore(%arg19 : memref<!tpu.dma_semaphore, #tpu.memory_space<semaphore_mem>>)
    %dma_wait3A_47 = arith.constant 0 : i32
    %dma_wait3A_48 = tpu.memref_slice %arg10[%dma_wait3A_47] : memref<128xi32, #tpu.memory_space<vmem>> -> memref<8xi32, #tpu.memory_space<vmem>>
    %dma_wait3A_49 = arith.constant 0 : i32
    %dma_wait3A_50 = arith.constant 0 : i32
    %dma_wait3A_51 = tpu.memref_slice %arg4[%dma_wait3A_49, %dma_wait3A_50] : memref<10000x128xf32, #tpu.memory_space<hbm>> -> memref<10000x128xf32, #tpu.memory_space<hbm>>
    tpu.wait_indirect_dma semaphore(%arg19 : memref<!tpu.dma_semaphore, #tpu.memory_space<semaphore_mem>>) src(%dma_wait3A_51 : memref<10000x128xf32, #tpu.memory_space<hbm>>) dst(%arg16 : memref<8x128xf32, #tpu.memory_space<vmem>>)
    %dma_wait3A_52 = arith.constant 0 : i32
    %dma_wait3A_53 = tpu.memref_slice %arg11[%dma_wait3A_52] : memref<128xi32, #tpu.memory_space<vmem>> -> memref<8xi32, #tpu.memory_space<vmem>>
    %dma_wait3A_54 = arith.constant 0 : i32
    %dma_wait3A_55 = arith.constant 0 : i32
    %dma_wait3A_56 = tpu.memref_slice %arg5[%dma_wait3A_54, %dma_wait3A_55] : memref<10000x128xf32, #tpu.memory_space<hbm>> -> memref<10000x128xf32, #tpu.memory_space<hbm>>
    tpu.wait_indirect_dma semaphore(%arg19 : memref<!tpu.dma_semaphore, #tpu.memory_space<semaphore_mem>>) src(%dma_wait3A_56 : memref<10000x128xf32, #tpu.memory_space<hbm>>) dst(%arg17 : memref<8x128xf32, #tpu.memory_space<vmem>>)
    "tpu.region"() ({
      %run_scoped3A = tpu.sem_alloc : memref<!tpu.dma_semaphore, #tpu.memory_space<semaphore_mem>>
      %dma_start3A_57 = arith.constant 0 : i32
      %dma_start3A_58 = tpu.memref_slice %arg6[%add3A_32, %dma_start3A_57] : memref<160000x128xf32, #tpu.memory_space<hbm>> -> memref<8x128xf32, #tpu.memory_space<hbm>>
      %dma_start3A_59 = arith.constant 0 : i32
      %dma_start3A_60 = tpu.memref_slice %arg6[%add3A_32, %dma_start3A_59] : memref<160000x128xf32, #tpu.memory_space<hbm>> -> memref<8x128xf32, #tpu.memory_space<hbm>>
      tpu.enqueue_dma source(%arg16 : memref<8x128xf32, #tpu.memory_space<vmem>>) target(%dma_start3A_60 : memref<8x128xf32, #tpu.memory_space<hbm>>) target_semaphore(%run_scoped3A : memref<!tpu.dma_semaphore, #tpu.memory_space<semaphore_mem>>)
      %dma_wait3A_61 = arith.constant 0 : i32
      %dma_wait3A_62 = tpu.memref_slice %arg6[%add3A_32, %dma_wait3A_61] : memref<160000x128xf32, #tpu.memory_space<hbm>> -> memref<8x128xf32, #tpu.memory_space<hbm>>
      %dma_wait3A_63 = arith.constant 0 : i32
      %dma_wait3A_64 = tpu.memref_slice %arg6[%add3A_32, %dma_wait3A_63] : memref<160000x128xf32, #tpu.memory_space<hbm>> -> memref<8x128xf32, #tpu.memory_space<hbm>>
      tpu.wait_dma2 semaphore(%run_scoped3A : memref<!tpu.dma_semaphore, #tpu.memory_space<semaphore_mem>>) src(%arg16 : memref<8x128xf32, #tpu.memory_space<vmem>>) dst(%dma_wait3A_64 : memref<8x128xf32, #tpu.memory_space<hbm>>)
      tpu.yield
    }) : () -> ()
    "tpu.region"() ({
      %run_scoped3A = tpu.sem_alloc : memref<!tpu.dma_semaphore, #tpu.memory_space<semaphore_mem>>
      %dma_start3A_57 = arith.constant 0 : i32
      %dma_start3A_58 = tpu.memref_slice %arg7[%add3A_32, %dma_start3A_57] : memref<160000x128xf32, #tpu.memory_space<hbm>> -> memref<8x128xf32, #tpu.memory_space<hbm>>
      %dma_start3A_59 = arith.constant 0 : i32
      %dma_start3A_60 = tpu.memref_slice %arg7[%add3A_32, %dma_start3A_59] : memref<160000x128xf32, #tpu.memory_space<hbm>> -> memref<8x128xf32, #tpu.memory_space<hbm>>
      tpu.enqueue_dma source(%arg17 : memref<8x128xf32, #tpu.memory_space<vmem>>) target(%dma_start3A_60 : memref<8x128xf32, #tpu.memory_space<hbm>>) target_semaphore(%run_scoped3A : memref<!tpu.dma_semaphore, #tpu.memory_space<semaphore_mem>>)
      %dma_wait3A_61 = arith.constant 0 : i32
      %dma_wait3A_62 = tpu.memref_slice %arg7[%add3A_32, %dma_wait3A_61] : memref<160000x128xf32, #tpu.memory_space<hbm>> -> memref<8x128xf32, #tpu.memory_space<hbm>>
      %dma_wait3A_63 = arith.constant 0 : i32
      %dma_wait3A_64 = tpu.memref_slice %arg7[%add3A_32, %dma_wait3A_63] : memref<160000x128xf32, #tpu.memory_space<hbm>> -> memref<8x128xf32, #tpu.memory_space<hbm>>
      tpu.wait_dma2 semaphore(%run_scoped3A : memref<!tpu.dma_semaphore, #tpu.memory_space<semaphore_mem>>) src(%arg17 : memref<8x128xf32, #tpu.memory_space<vmem>>) dst(%dma_wait3A_64 : memref<8x128xf32, #tpu.memory_space<hbm>>)
      tpu.yield
    }) : () -> ()
    return
  }
}

#map = affine_map<(d0, d1) -> (0)>
#map1 = affine_map<(d0, d1) -> (0, 0)>
#map2 = affine_map<(d0, d1) -> (0, 0, 0)>
module attributes {stable_mosaic.version = 14 : i64} {
  func.func @sk(%arg0: i32, %arg1: i32, %arg2: memref<320000xi32, #tpu.memory_space<hbm>>, %arg3: memref<160000x128xf32, #tpu.memory_space<hbm>>, %arg4: memref<160000x128xf32, #tpu.memory_space<hbm>>, %arg5: memref<2x10112x128xf32, #tpu.memory_space<hbm>>, %arg6: memref<10112x128xf32, #tpu.memory_space<vmem_shared>>, %arg7: memref<1x128xi32, #tpu.memory_space<vmem>>, %arg8: memref<1x128xi32, #tpu.memory_space<vmem>>, %arg9: memref<128x128xf32, #tpu.memory_space<vmem>>, %arg10: memref<128x128xf32, #tpu.memory_space<vmem>>, %arg11: memref<1x16xi32, #tpu.memory_space<vmem>>, %arg12: memref<16x128xf32, #tpu.memory_space<vmem>>, %arg13: memref<!tpu.dma_semaphore, #tpu.memory_space<semaphore_mem>>, %arg14: memref<!tpu.dma_semaphore, #tpu.memory_space<semaphore_mem>>, %arg15: memref<!tpu.dma_semaphore, #tpu.memory_space<semaphore_mem>>, %arg16: memref<!tpu.dma_semaphore, #tpu.memory_space<semaphore_mem>>) attributes {dimension_semantics = [#tpu.dimension_semantics<core_parallel>, #tpu.dimension_semantics<subcore_parallel>], iteration_bounds = array<i64: 2, 16>, scalar_prefetch = 0 : i64, scratch_operands = 11 : i64, tpu.core_type = #tpu.core_type<sc_vector_subcore>, window_params = [{transform_indices = #map}, {transform_indices = #map1}, {transform_indices = #map1}, {transform_indices = #map2}]} {
    %mul3A = arith.constant 10000 : i32
    %mul3A_0 = arith.muli %arg1, %mul3A : i32
    %mul3A_1 = arith.constant 632 : i32
    %mul3A_2 = arith.muli %arg1, %mul3A_1 : i32
    %scan3A = arith.constant 0 : i32
    %scan3A_3 = arith.constant 128 : i32
    %scan3A_4 = arith.addi %scan3A, %scan3A_3 : i32
    %scan3A_5 = arith.constant 1 : i32
    scf.for %scan3A_34 = %scan3A to %scan3A_4 step %scan3A_5  : i32 {
      %mul3A_35 = arith.constant 1 : i32
      %mul3A_36 = arith.muli %scan3A_34, %mul3A_35 : i32
      %add3A_37 = arith.constant 0 : i32
      %add3A_38 = arith.addi %add3A_37, %mul3A_36 : i32
      %broadcast_in_dim3A = arith.constant 0.000000e+00 : f32
      %broadcast_in_dim3A_39 = vector.broadcast %broadcast_in_dim3A : f32 to vector<16xf32>
      %swap3A = arith.index_cast %add3A_38 : i32 to index
      %swap3A_40 = arith.constant 0 : index
      %swap3A_41 = tpu.vector_load %arg9[%swap3A, %swap3A_40] {strides = array<i32>} : memref<128x128xf32, #tpu.memory_space<vmem>>, vector<1x16xf32>,
      %swap3A_42 = vector.shape_cast %swap3A_41 : vector<1x16xf32> to vector<16xf32>
      %swap3A_43 = vector.shape_cast %broadcast_in_dim3A_39 : vector<16xf32> to vector<1x16xf32>
      tpu.vector_store %arg9[%swap3A, %swap3A_40], %swap3A_43 {strides = array<i32>} : memref<128x128xf32, #tpu.memory_space<vmem>>, vector<1x16xf32>,
      %broadcast_in_dim3A_44 = arith.constant 0.000000e+00 : f32
      %broadcast_in_dim3A_45 = vector.broadcast %broadcast_in_dim3A_44 : f32 to vector<16xf32>
      %swap3A_46 = arith.index_cast %add3A_38 : i32 to index
      %swap3A_47 = arith.constant 16 : index
      %swap3A_48 = tpu.vector_load %arg9[%swap3A_46, %swap3A_47] {strides = array<i32>} : memref<128x128xf32, #tpu.memory_space<vmem>>, vector<1x16xf32>,
      %swap3A_49 = vector.shape_cast %swap3A_48 : vector<1x16xf32> to vector<16xf32>
      %swap3A_50 = vector.shape_cast %broadcast_in_dim3A_45 : vector<16xf32> to vector<1x16xf32>
      tpu.vector_store %arg9[%swap3A_46, %swap3A_47], %swap3A_50 {strides = array<i32>} : memref<128x128xf32, #tpu.memory_space<vmem>>, vector<1x16xf32>,
      %broadcast_in_dim3A_51 = arith.constant 0.000000e+00 : f32
      %broadcast_in_dim3A_52 = vector.broadcast %broadcast_in_dim3A_51 : f32 to vector<16xf32>
      %swap3A_53 = arith.index_cast %add3A_38 : i32 to index
      %swap3A_54 = arith.constant 32 : index
      %swap3A_55 = tpu.vector_load %arg9[%swap3A_53, %swap3A_54] {strides = array<i32>} : memref<128x128xf32, #tpu.memory_space<vmem>>, vector<1x16xf32>,
      %swap3A_56 = vector.shape_cast %swap3A_55 : vector<1x16xf32> to vector<16xf32>
      %swap3A_57 = vector.shape_cast %broadcast_in_dim3A_52 : vector<16xf32> to vector<1x16xf32>
      tpu.vector_store %arg9[%swap3A_53, %swap3A_54], %swap3A_57 {strides = array<i32>} : memref<128x128xf32, #tpu.memory_space<vmem>>, vector<1x16xf32>,
      %broadcast_in_dim3A_58 = arith.constant 0.000000e+00 : f32
      %broadcast_in_dim3A_59 = vector.broadcast %broadcast_in_dim3A_58 : f32 to vector<16xf32>
      %swap3A_60 = arith.index_cast %add3A_38 : i32 to index
      %swap3A_61 = arith.constant 48 : index
      %swap3A_62 = tpu.vector_load %arg9[%swap3A_60, %swap3A_61] {strides = array<i32>} : memref<128x128xf32, #tpu.memory_space<vmem>>, vector<1x16xf32>,
      %swap3A_63 = vector.shape_cast %swap3A_62 : vector<1x16xf32> to vector<16xf32>
      %swap3A_64 = vector.shape_cast %broadcast_in_dim3A_59 : vector<16xf32> to vector<1x16xf32>
      tpu.vector_store %arg9[%swap3A_60, %swap3A_61], %swap3A_64 {strides = array<i32>} : memref<128x128xf32, #tpu.memory_space<vmem>>, vector<1x16xf32>,
      %broadcast_in_dim3A_65 = arith.constant 0.000000e+00 : f32
      %broadcast_in_dim3A_66 = vector.broadcast %broadcast_in_dim3A_65 : f32 to vector<16xf32>
      %swap3A_67 = arith.index_cast %add3A_38 : i32 to index
      %swap3A_68 = arith.constant 64 : index
      %swap3A_69 = tpu.vector_load %arg9[%swap3A_67, %swap3A_68] {strides = array<i32>} : memref<128x128xf32, #tpu.memory_space<vmem>>, vector<1x16xf32>,
      %swap3A_70 = vector.shape_cast %swap3A_69 : vector<1x16xf32> to vector<16xf32>
      %swap3A_71 = vector.shape_cast %broadcast_in_dim3A_66 : vector<16xf32> to vector<1x16xf32>
      tpu.vector_store %arg9[%swap3A_67, %swap3A_68], %swap3A_71 {strides = array<i32>} : memref<128x128xf32, #tpu.memory_space<vmem>>, vector<1x16xf32>,
      %broadcast_in_dim3A_72 = arith.constant 0.000000e+00 : f32
      %broadcast_in_dim3A_73 = vector.broadcast %broadcast_in_dim3A_72 : f32 to vector<16xf32>
      %swap3A_74 = arith.index_cast %add3A_38 : i32 to index
      %swap3A_75 = arith.constant 80 : index
      %swap3A_76 = tpu.vector_load %arg9[%swap3A_74, %swap3A_75] {strides = array<i32>} : memref<128x128xf32, #tpu.memory_space<vmem>>, vector<1x16xf32>,
      %swap3A_77 = vector.shape_cast %swap3A_76 : vector<1x16xf32> to vector<16xf32>
      %swap3A_78 = vector.shape_cast %broadcast_in_dim3A_73 : vector<16xf32> to vector<1x16xf32>
      tpu.vector_store %arg9[%swap3A_74, %swap3A_75], %swap3A_78 {strides = array<i32>} : memref<128x128xf32, #tpu.memory_space<vmem>>, vector<1x16xf32>,
      %broadcast_in_dim3A_79 = arith.constant 0.000000e+00 : f32
      %broadcast_in_dim3A_80 = vector.broadcast %broadcast_in_dim3A_79 : f32 to vector<16xf32>
      %swap3A_81 = arith.index_cast %add3A_38 : i32 to index
      %swap3A_82 = arith.constant 96 : index
      %swap3A_83 = tpu.vector_load %arg9[%swap3A_81, %swap3A_82] {strides = array<i32>} : memref<128x128xf32, #tpu.memory_space<vmem>>, vector<1x16xf32>,
      %swap3A_84 = vector.shape_cast %swap3A_83 : vector<1x16xf32> to vector<16xf32>
      %swap3A_85 = vector.shape_cast %broadcast_in_dim3A_80 : vector<16xf32> to vector<1x16xf32>
      tpu.vector_store %arg9[%swap3A_81, %swap3A_82], %swap3A_85 {strides = array<i32>} : memref<128x128xf32, #tpu.memory_space<vmem>>, vector<1x16xf32>,
      %broadcast_in_dim3A_86 = arith.constant 0.000000e+00 : f32
      %broadcast_in_dim3A_87 = vector.broadcast %broadcast_in_dim3A_86 : f32 to vector<16xf32>
      %swap3A_88 = arith.index_cast %add3A_38 : i32 to index
      %swap3A_89 = arith.constant 112 : index
      %swap3A_90 = tpu.vector_load %arg9[%swap3A_88, %swap3A_89] {strides = array<i32>} : memref<128x128xf32, #tpu.memory_space<vmem>>, vector<1x16xf32>,
      %swap3A_91 = vector.shape_cast %swap3A_90 : vector<1x16xf32> to vector<16xf32>
      %swap3A_92 = vector.shape_cast %broadcast_in_dim3A_87 : vector<16xf32> to vector<1x16xf32>
      tpu.vector_store %arg9[%swap3A_88, %swap3A_89], %swap3A_92 {strides = array<i32>} : memref<128x128xf32, #tpu.memory_space<vmem>>, vector<1x16xf32>,
    }
    %scan3A_6 = arith.constant 128 : i32
    %mul3A_7 = arith.constant 632 : i32
    %mul3A_8 = arith.muli %arg1, %mul3A_7 : i32
    %add3A = arith.constant 0 : i32
    %add3A_9 = arith.addi %mul3A_8, %add3A : i32
    "tpu.region"() ({
      %run_scoped3A = tpu.sem_alloc : memref<!tpu.dma_semaphore, #tpu.memory_space<semaphore_mem>>
      %dma_start3A = arith.constant 0 : i32
      %dma_start3A_34 = tpu.memref_slice %arg6[%add3A_9, %dma_start3A] : memref<10112x128xf32, #tpu.memory_space<vmem_shared>> -> memref<128x128xf32, #tpu.memory_space<vmem_shared>>
      %dma_start3A_35 = arith.constant 0 : i32
      %dma_start3A_36 = tpu.memref_slice %arg6[%add3A_9, %dma_start3A_35] : memref<10112x128xf32, #tpu.memory_space<vmem_shared>> -> memref<128x128xf32, #tpu.memory_space<vmem_shared>>
      tpu.enqueue_dma source(%arg9 : memref<128x128xf32, #tpu.memory_space<vmem>>) target(%dma_start3A_36 : memref<128x128xf32, #tpu.memory_space<vmem_shared>>) target_semaphore(%run_scoped3A : memref<!tpu.dma_semaphore, #tpu.memory_space<semaphore_mem>>)
      %dma_wait3A = arith.constant 0 : i32
      %dma_wait3A_37 = tpu.memref_slice %arg6[%add3A_9, %dma_wait3A] : memref<10112x128xf32, #tpu.memory_space<vmem_shared>> -> memref<128x128xf32, #tpu.memory_space<vmem_shared>>
      %dma_wait3A_38 = arith.constant 0 : i32
      %dma_wait3A_39 = tpu.memref_slice %arg6[%add3A_9, %dma_wait3A_38] : memref<10112x128xf32, #tpu.memory_space<vmem_shared>> -> memref<128x128xf32, #tpu.memory_space<vmem_shared>>
      tpu.wait_dma2 semaphore(%run_scoped3A : memref<!tpu.dma_semaphore, #tpu.memory_space<semaphore_mem>>) src(%arg9 : memref<128x128xf32, #tpu.memory_space<vmem>>) dst(%dma_wait3A_39 : memref<128x128xf32, #tpu.memory_space<vmem_shared>>)
      tpu.yield
    }) : () -> ()
    %mul3A_10 = arith.constant 632 : i32
    %mul3A_11 = arith.muli %arg1, %mul3A_10 : i32
    %add3A_12 = arith.constant 128 : i32
    %add3A_13 = arith.addi %mul3A_11, %add3A_12 : i32
    "tpu.region"() ({
      %run_scoped3A = tpu.sem_alloc : memref<!tpu.dma_semaphore, #tpu.memory_space<semaphore_mem>>
      %dma_start3A = arith.constant 0 : i32
      %dma_start3A_34 = tpu.memref_slice %arg6[%add3A_13, %dma_start3A] : memref<10112x128xf32, #tpu.memory_space<vmem_shared>> -> memref<128x128xf32, #tpu.memory_space<vmem_shared>>
      %dma_start3A_35 = arith.constant 0 : i32
      %dma_start3A_36 = tpu.memref_slice %arg6[%add3A_13, %dma_start3A_35] : memref<10112x128xf32, #tpu.memory_space<vmem_shared>> -> memref<128x128xf32, #tpu.memory_space<vmem_shared>>
      tpu.enqueue_dma source(%arg9 : memref<128x128xf32, #tpu.memory_space<vmem>>) target(%dma_start3A_36 : memref<128x128xf32, #tpu.memory_space<vmem_shared>>) target_semaphore(%run_scoped3A : memref<!tpu.dma_semaphore, #tpu.memory_space<semaphore_mem>>)
      %dma_wait3A = arith.constant 0 : i32
      %dma_wait3A_37 = tpu.memref_slice %arg6[%add3A_13, %dma_wait3A] : memref<10112x128xf32, #tpu.memory_space<vmem_shared>> -> memref<128x128xf32, #tpu.memory_space<vmem_shared>>
      %dma_wait3A_38 = arith.constant 0 : i32
      %dma_wait3A_39 = tpu.memref_slice %arg6[%add3A_13, %dma_wait3A_38] : memref<10112x128xf32, #tpu.memory_space<vmem_shared>> -> memref<128x128xf32, #tpu.memory_space<vmem_shared>>
      tpu.wait_dma2 semaphore(%run_scoped3A : memref<!tpu.dma_semaphore, #tpu.memory_space<semaphore_mem>>) src(%arg9 : memref<128x128xf32, #tpu.memory_space<vmem>>) dst(%dma_wait3A_39 : memref<128x128xf32, #tpu.memory_space<vmem_shared>>)
      tpu.yield
    }) : () -> ()
    %mul3A_14 = arith.constant 632 : i32
    %mul3A_15 = arith.muli %arg1, %mul3A_14 : i32
    %add3A_16 = arith.constant 256 : i32
    %add3A_17 = arith.addi %mul3A_15, %add3A_16 : i32
    "tpu.region"() ({
      %run_scoped3A = tpu.sem_alloc : memref<!tpu.dma_semaphore, #tpu.memory_space<semaphore_mem>>
      %dma_start3A = arith.constant 0 : i32
      %dma_start3A_34 = tpu.memref_slice %arg6[%add3A_17, %dma_start3A] : memref<10112x128xf32, #tpu.memory_space<vmem_shared>> -> memref<128x128xf32, #tpu.memory_space<vmem_shared>>
      %dma_start3A_35 = arith.constant 0 : i32
      %dma_start3A_36 = tpu.memref_slice %arg6[%add3A_17, %dma_start3A_35] : memref<10112x128xf32, #tpu.memory_space<vmem_shared>> -> memref<128x128xf32, #tpu.memory_space<vmem_shared>>
      tpu.enqueue_dma source(%arg9 : memref<128x128xf32, #tpu.memory_space<vmem>>) target(%dma_start3A_36 : memref<128x128xf32, #tpu.memory_space<vmem_shared>>) target_semaphore(%run_scoped3A : memref<!tpu.dma_semaphore, #tpu.memory_space<semaphore_mem>>)
      %dma_wait3A = arith.constant 0 : i32
      %dma_wait3A_37 = tpu.memref_slice %arg6[%add3A_17, %dma_wait3A] : memref<10112x128xf32, #tpu.memory_space<vmem_shared>> -> memref<128x128xf32, #tpu.memory_space<vmem_shared>>
      %dma_wait3A_38 = arith.constant 0 : i32
      %dma_wait3A_39 = tpu.memref_slice %arg6[%add3A_17, %dma_wait3A_38] : memref<10112x128xf32, #tpu.memory_space<vmem_shared>> -> memref<128x128xf32, #tpu.memory_space<vmem_shared>>
      tpu.wait_dma2 semaphore(%run_scoped3A : memref<!tpu.dma_semaphore, #tpu.memory_space<semaphore_mem>>) src(%arg9 : memref<128x128xf32, #tpu.memory_space<vmem>>) dst(%dma_wait3A_39 : memref<128x128xf32, #tpu.memory_space<vmem_shared>>)
      tpu.yield
    }) : () -> ()
    %mul3A_18 = arith.constant 632 : i32
    %mul3A_19 = arith.muli %arg1, %mul3A_18 : i32
    %add3A_20 = arith.constant 384 : i32
    %add3A_21 = arith.addi %mul3A_19, %add3A_20 : i32
    "tpu.region"() ({
      %run_scoped3A = tpu.sem_alloc : memref<!tpu.dma_semaphore, #tpu.memory_space<semaphore_mem>>
      %dma_start3A = arith.constant 0 : i32
      %dma_start3A_34 = tpu.memref_slice %arg6[%add3A_21, %dma_start3A] : memref<10112x128xf32, #tpu.memory_space<vmem_shared>> -> memref<128x128xf32, #tpu.memory_space<vmem_shared>>
      %dma_start3A_35 = arith.constant 0 : i32
      %dma_start3A_36 = tpu.memref_slice %arg6[%add3A_21, %dma_start3A_35] : memref<10112x128xf32, #tpu.memory_space<vmem_shared>> -> memref<128x128xf32, #tpu.memory_space<vmem_shared>>
      tpu.enqueue_dma source(%arg9 : memref<128x128xf32, #tpu.memory_space<vmem>>) target(%dma_start3A_36 : memref<128x128xf32, #tpu.memory_space<vmem_shared>>) target_semaphore(%run_scoped3A : memref<!tpu.dma_semaphore, #tpu.memory_space<semaphore_mem>>)
      %dma_wait3A = arith.constant 0 : i32
      %dma_wait3A_37 = tpu.memref_slice %arg6[%add3A_21, %dma_wait3A] : memref<10112x128xf32, #tpu.memory_space<vmem_shared>> -> memref<128x128xf32, #tpu.memory_space<vmem_shared>>
      %dma_wait3A_38 = arith.constant 0 : i32
      %dma_wait3A_39 = tpu.memref_slice %arg6[%add3A_21, %dma_wait3A_38] : memref<10112x128xf32, #tpu.memory_space<vmem_shared>> -> memref<128x128xf32, #tpu.memory_space<vmem_shared>>
      tpu.wait_dma2 semaphore(%run_scoped3A : memref<!tpu.dma_semaphore, #tpu.memory_space<semaphore_mem>>) src(%arg9 : memref<128x128xf32, #tpu.memory_space<vmem>>) dst(%dma_wait3A_39 : memref<128x128xf32, #tpu.memory_space<vmem_shared>>)
      tpu.yield
    }) : () -> ()
    %mul3A_22 = arith.constant 632 : i32
    %mul3A_23 = arith.muli %arg1, %mul3A_22 : i32
    %add3A_24 = arith.constant 512 : i32
    %add3A_25 = arith.addi %mul3A_23, %add3A_24 : i32
    "tpu.region"() ({
      %run_scoped3A = tpu.sem_alloc : memref<!tpu.dma_semaphore, #tpu.memory_space<semaphore_mem>>
      %dma_start3A = arith.constant 0 : i32
      %dma_start3A_34 = arith.constant 0 : i32
      %dma_start3A_35 = tpu.memref_slice %arg9[%dma_start3A, %dma_start3A_34] : memref<128x128xf32, #tpu.memory_space<vmem>> -> memref<120x128xf32, #tpu.memory_space<vmem>>
      %dma_start3A_36 = arith.constant 0 : i32
      %dma_start3A_37 = tpu.memref_slice %arg6[%add3A_25, %dma_start3A_36] : memref<10112x128xf32, #tpu.memory_space<vmem_shared>> -> memref<120x128xf32, #tpu.memory_space<vmem_shared>>
      %dma_start3A_38 = arith.constant 0 : i32
      %dma_start3A_39 = tpu.memref_slice %arg6[%add3A_25, %dma_start3A_38] : memref<10112x128xf32, #tpu.memory_space<vmem_shared>> -> memref<120x128xf32, #tpu.memory_space<vmem_shared>>
      %dma_start3A_40 = arith.constant 0 : i32
      %dma_start3A_41 = arith.constant 0 : i32
      %dma_start3A_42 = tpu.memref_slice %arg9[%dma_start3A_40, %dma_start3A_41] : memref<128x128xf32, #tpu.memory_space<vmem>> -> memref<120x128xf32, #tpu.memory_space<vmem>>
      tpu.enqueue_dma source(%dma_start3A_42 : memref<120x128xf32, #tpu.memory_space<vmem>>) target(%dma_start3A_39 : memref<120x128xf32, #tpu.memory_space<vmem_shared>>) target_semaphore(%run_scoped3A : memref<!tpu.dma_semaphore, #tpu.memory_space<semaphore_mem>>)
      %dma_wait3A = arith.constant 0 : i32
      %dma_wait3A_43 = arith.constant 0 : i32
      %dma_wait3A_44 = tpu.memref_slice %arg9[%dma_wait3A, %dma_wait3A_43] : memref<128x128xf32, #tpu.memory_space<vmem>> -> memref<120x128xf32, #tpu.memory_space<vmem>>
      %dma_wait3A_45 = arith.constant 0 : i32
      %dma_wait3A_46 = tpu.memref_slice %arg6[%add3A_25, %dma_wait3A_45] : memref<10112x128xf32, #tpu.memory_space<vmem_shared>> -> memref<120x128xf32, #tpu.memory_space<vmem_shared>>
      %dma_wait3A_47 = arith.constant 0 : i32
      %dma_wait3A_48 = tpu.memref_slice %arg6[%add3A_25, %dma_wait3A_47] : memref<10112x128xf32, #tpu.memory_space<vmem_shared>> -> memref<120x128xf32, #tpu.memory_space<vmem_shared>>
      %dma_wait3A_49 = arith.constant 0 : i32
      %dma_wait3A_50 = arith.constant 0 : i32
      %dma_wait3A_51 = tpu.memref_slice %arg9[%dma_wait3A_49, %dma_wait3A_50] : memref<128x128xf32, #tpu.memory_space<vmem>> -> memref<120x128xf32, #tpu.memory_space<vmem>>
      tpu.wait_dma2 semaphore(%run_scoped3A : memref<!tpu.dma_semaphore, #tpu.memory_space<semaphore_mem>>) src(%dma_wait3A_51 : memref<120x128xf32, #tpu.memory_space<vmem>>) dst(%dma_wait3A_48 : memref<120x128xf32, #tpu.memory_space<vmem_shared>>)
      tpu.yield
    }) : () -> ()
    %barrier3A = arith.constant 0 : index
    tpu.barrier barrier_id(%barrier3A)
    %eq3A = arith.constant 0 : i32
    %eq3A_26 = arith.cmpi eq, %arg0, %eq3A : i32
    %convert_element_type3A = arith.extui %eq3A_26 : i1 to i32
    %cond3A = arith.constant 0 : i32
    %cond3A_27 = arith.cmpi ne, %convert_element_type3A, %cond3A : i32
    scf.if %cond3A_27 {
      %scan3A_34 = arith.constant 0 : i32
      %scan3A_35 = arith.constant 39 : i32
      %scan3A_36 = arith.addi %scan3A_34, %scan3A_35 : i32
      %scan3A_37 = arith.constant 1 : i32
      scf.for %scan3A_44 = %scan3A_34 to %scan3A_36 step %scan3A_37  : i32 {
        %mul3A_45 = arith.constant 1 : i32
        %mul3A_46 = arith.muli %scan3A_44, %mul3A_45 : i32
        %add3A_47 = arith.constant 0 : i32
        %add3A_48 = arith.addi %add3A_47, %mul3A_46 : i32
        %mul3A_49 = arith.constant 2 : i32
        %mul3A_50 = arith.muli %mul3A_49, %add3A_48 : i32
        %mul3A_51 = arith.constant 128 : i32
        %mul3A_52 = arith.muli %mul3A_50, %mul3A_51 : i32
        %add3A_53 = arith.addi %mul3A_0, %mul3A_52 : i32
        %add3A_54 = arith.constant 128 : i32
        %add3A_55 = arith.addi %add3A_53, %add3A_54 : i32
        %add3A_56 = arith.constant 0 : i32
        %add3A_57 = arith.addi %add3A_56, %add3A_53 : i32
        %run_scoped3A_58 = arith.constant 0 : i32
        "tpu.region"() ({
          %run_scoped3A_104 = tpu.sem_alloc : memref<!tpu.dma_semaphore, #tpu.memory_space<semaphore_mem>>
          %dma_start3A_105 = arith.constant 0 : i32
          %dma_start3A_106 = tpu.memref_slice %arg7[%run_scoped3A_58, %dma_start3A_105] : memref<1x128xi32, #tpu.memory_space<vmem>> -> memref<1x128xi32, #tpu.memory_space<vmem>>
          %dma_start3A_107 = tpu.memref_squeeze %dma_start3A_106 : memref<1x128xi32, #tpu.memory_space<vmem>> -> memref<128xi32, #tpu.memory_space<vmem>>
          %dma_start3A_108 = tpu.memref_slice %arg2[%add3A_57] : memref<320000xi32, #tpu.memory_space<hbm>> -> memref<128xi32, #tpu.memory_space<hbm>>
          %dma_start3A_109 = arith.constant 0 : i32
          %dma_start3A_110 = tpu.memref_slice %arg7[%run_scoped3A_58, %dma_start3A_109] : memref<1x128xi32, #tpu.memory_space<vmem>> -> memref<1x128xi32, #tpu.memory_space<vmem>>
          %dma_start3A_111 = tpu.memref_squeeze %dma_start3A_110 : memref<1x128xi32, #tpu.memory_space<vmem>> -> memref<128xi32, #tpu.memory_space<vmem>>
          %dma_start3A_112 = tpu.memref_slice %arg2[%add3A_57] : memref<320000xi32, #tpu.memory_space<hbm>> -> memref<128xi32, #tpu.memory_space<hbm>>
          tpu.enqueue_dma source(%dma_start3A_112 : memref<128xi32, #tpu.memory_space<hbm>>) target(%dma_start3A_111 : memref<128xi32, #tpu.memory_space<vmem>>) target_semaphore(%run_scoped3A_104 : memref<!tpu.dma_semaphore, #tpu.memory_space<semaphore_mem>>)
          %dma_wait3A_113 = arith.constant 0 : i32
          %dma_wait3A_114 = tpu.memref_slice %arg7[%run_scoped3A_58, %dma_wait3A_113] : memref<1x128xi32, #tpu.memory_space<vmem>> -> memref<1x128xi32, #tpu.memory_space<vmem>>
          %dma_wait3A_115 = tpu.memref_squeeze %dma_wait3A_114 : memref<1x128xi32, #tpu.memory_space<vmem>> -> memref<128xi32, #tpu.memory_space<vmem>>
          %dma_wait3A_116 = tpu.memref_slice %arg2[%add3A_57] : memref<320000xi32, #tpu.memory_space<hbm>> -> memref<128xi32, #tpu.memory_space<hbm>>
          %dma_wait3A_117 = arith.constant 0 : i32
          %dma_wait3A_118 = tpu.memref_slice %arg7[%run_scoped3A_58, %dma_wait3A_117] : memref<1x128xi32, #tpu.memory_space<vmem>> -> memref<1x128xi32, #tpu.memory_space<vmem>>
          %dma_wait3A_119 = tpu.memref_squeeze %dma_wait3A_118 : memref<1x128xi32, #tpu.memory_space<vmem>> -> memref<128xi32, #tpu.memory_space<vmem>>
          %dma_wait3A_120 = tpu.memref_slice %arg2[%add3A_57] : memref<320000xi32, #tpu.memory_space<hbm>> -> memref<128xi32, #tpu.memory_space<hbm>>
          tpu.wait_dma2 semaphore(%run_scoped3A_104 : memref<!tpu.dma_semaphore, #tpu.memory_space<semaphore_mem>>) src(%dma_wait3A_120 : memref<128xi32, #tpu.memory_space<hbm>>) dst(%dma_wait3A_119 : memref<128xi32, #tpu.memory_space<vmem>>)
          tpu.yield
        }) : () -> ()
        %add3A_59 = arith.constant 0 : i32
        %add3A_60 = arith.addi %add3A_59, %add3A_55 : i32
        %run_scoped3A_61 = arith.constant 0 : i32
        "tpu.region"() ({
          %run_scoped3A_104 = tpu.sem_alloc : memref<!tpu.dma_semaphore, #tpu.memory_space<semaphore_mem>>
          %dma_start3A_105 = arith.constant 0 : i32
          %dma_start3A_106 = tpu.memref_slice %arg8[%run_scoped3A_61, %dma_start3A_105] : memref<1x128xi32, #tpu.memory_space<vmem>> -> memref<1x128xi32, #tpu.memory_space<vmem>>
          %dma_start3A_107 = tpu.memref_squeeze %dma_start3A_106 : memref<1x128xi32, #tpu.memory_space<vmem>> -> memref<128xi32, #tpu.memory_space<vmem>>
          %dma_start3A_108 = tpu.memref_slice %arg2[%add3A_60] : memref<320000xi32, #tpu.memory_space<hbm>> -> memref<128xi32, #tpu.memory_space<hbm>>
          %dma_start3A_109 = arith.constant 0 : i32
          %dma_start3A_110 = tpu.memref_slice %arg8[%run_scoped3A_61, %dma_start3A_109] : memref<1x128xi32, #tpu.memory_space<vmem>> -> memref<1x128xi32, #tpu.memory_space<vmem>>
          %dma_start3A_111 = tpu.memref_squeeze %dma_start3A_110 : memref<1x128xi32, #tpu.memory_space<vmem>> -> memref<128xi32, #tpu.memory_space<vmem>>
          %dma_start3A_112 = tpu.memref_slice %arg2[%add3A_60] : memref<320000xi32, #tpu.memory_space<hbm>> -> memref<128xi32, #tpu.memory_space<hbm>>
          tpu.enqueue_dma source(%dma_start3A_112 : memref<128xi32, #tpu.memory_space<hbm>>) target(%dma_start3A_111 : memref<128xi32, #tpu.memory_space<vmem>>) target_semaphore(%run_scoped3A_104 : memref<!tpu.dma_semaphore, #tpu.memory_space<semaphore_mem>>)
          %dma_wait3A_113 = arith.constant 0 : i32
          %dma_wait3A_114 = tpu.memref_slice %arg8[%run_scoped3A_61, %dma_wait3A_113] : memref<1x128xi32, #tpu.memory_space<vmem>> -> memref<1x128xi32, #tpu.memory_space<vmem>>
          %dma_wait3A_115 = tpu.memref_squeeze %dma_wait3A_114 : memref<1x128xi32, #tpu.memory_space<vmem>> -> memref<128xi32, #tpu.memory_space<vmem>>
          %dma_wait3A_116 = tpu.memref_slice %arg2[%add3A_60] : memref<320000xi32, #tpu.memory_space<hbm>> -> memref<128xi32, #tpu.memory_space<hbm>>
          %dma_wait3A_117 = arith.constant 0 : i32
          %dma_wait3A_118 = tpu.memref_slice %arg8[%run_scoped3A_61, %dma_wait3A_117] : memref<1x128xi32, #tpu.memory_space<vmem>> -> memref<1x128xi32, #tpu.memory_space<vmem>>
          %dma_wait3A_119 = tpu.memref_squeeze %dma_wait3A_118 : memref<1x128xi32, #tpu.memory_space<vmem>> -> memref<128xi32, #tpu.memory_space<vmem>>
          %dma_wait3A_120 = tpu.memref_slice %arg2[%add3A_60] : memref<320000xi32, #tpu.memory_space<hbm>> -> memref<128xi32, #tpu.memory_space<hbm>>
          tpu.wait_dma2 semaphore(%run_scoped3A_104 : memref<!tpu.dma_semaphore, #tpu.memory_space<semaphore_mem>>) src(%dma_wait3A_120 : memref<128xi32, #tpu.memory_space<hbm>>) dst(%dma_wait3A_119 : memref<128xi32, #tpu.memory_space<vmem>>)
          tpu.yield
        }) : () -> ()
        %dma_start3A = arith.constant 0 : i32
        %dma_start3A_62 = tpu.memref_slice %arg3[%add3A_53, %dma_start3A] : memref<160000x128xf32, #tpu.memory_space<hbm>> -> memref<128x128xf32, #tpu.memory_space<hbm>>
        %dma_start3A_63 = arith.constant 0 : i32
        %dma_start3A_64 = tpu.memref_slice %arg3[%add3A_53, %dma_start3A_63] : memref<160000x128xf32, #tpu.memory_space<hbm>> -> memref<128x128xf32, #tpu.memory_space<hbm>>
        tpu.enqueue_dma source(%dma_start3A_64 : memref<128x128xf32, #tpu.memory_space<hbm>>) target(%arg9 : memref<128x128xf32, #tpu.memory_space<vmem>>) target_semaphore(%arg13 : memref<!tpu.dma_semaphore, #tpu.memory_space<semaphore_mem>>)
        %dma_start3A_65 = arith.constant 0 : i32
        %dma_start3A_66 = tpu.memref_slice %arg3[%add3A_55, %dma_start3A_65] : memref<160000x128xf32, #tpu.memory_space<hbm>> -> memref<128x128xf32, #tpu.memory_space<hbm>>
        %dma_start3A_67 = arith.constant 0 : i32
        %dma_start3A_68 = tpu.memref_slice %arg3[%add3A_55, %dma_start3A_67] : memref<160000x128xf32, #tpu.memory_space<hbm>> -> memref<128x128xf32, #tpu.memory_space<hbm>>
        tpu.enqueue_dma source(%dma_start3A_68 : memref<128x128xf32, #tpu.memory_space<hbm>>) target(%arg10 : memref<128x128xf32, #tpu.memory_space<vmem>>) target_semaphore(%arg14 : memref<!tpu.dma_semaphore, #tpu.memory_space<semaphore_mem>>)
        %dma_wait3A = arith.constant 0 : i32
        %dma_wait3A_69 = tpu.memref_slice %arg3[%add3A_53, %dma_wait3A] : memref<160000x128xf32, #tpu.memory_space<hbm>> -> memref<128x128xf32, #tpu.memory_space<hbm>>
        %dma_wait3A_70 = arith.constant 0 : i32
        %dma_wait3A_71 = tpu.memref_slice %arg3[%add3A_53, %dma_wait3A_70] : memref<160000x128xf32, #tpu.memory_space<hbm>> -> memref<128x128xf32, #tpu.memory_space<hbm>>
        tpu.wait_dma2 semaphore(%arg13 : memref<!tpu.dma_semaphore, #tpu.memory_space<semaphore_mem>>) src(%dma_wait3A_71 : memref<128x128xf32, #tpu.memory_space<hbm>>) dst(%arg9 : memref<128x128xf32, #tpu.memory_space<vmem>>)
        %dma_start3A_72 = arith.constant 0 : i32
        %dma_start3A_73 = arith.constant 0 : i32
        %dma_start3A_74 = tpu.memref_slice %arg7[%dma_start3A_72, %dma_start3A_73] : memref<1x128xi32, #tpu.memory_space<vmem>> -> memref<1x128xi32, #tpu.memory_space<vmem>>
        %dma_start3A_75 = tpu.memref_squeeze %dma_start3A_74 : memref<1x128xi32, #tpu.memory_space<vmem>> -> memref<128xi32, #tpu.memory_space<vmem>>
        %dma_start3A_76 = arith.constant 0 : i32
        %dma_start3A_77 = arith.constant 0 : i32
        %dma_start3A_78 = tpu.memref_slice %arg6[%dma_start3A_76, %dma_start3A_77] : memref<10112x128xf32, #tpu.memory_space<vmem_shared>> -> memref<10112x128xf32, #tpu.memory_space<vmem_shared>>
        tpu.enqueue_indirect_dma source(%arg9 : memref<128x128xf32, #tpu.memory_space<vmem>>) target(%dma_start3A_78 : memref<10112x128xf32, #tpu.memory_space<vmem_shared>>) offsets(%dma_start3A_75 : memref<128xi32, #tpu.memory_space<vmem>>) semaphore(%arg15 : memref<!tpu.dma_semaphore, #tpu.memory_space<semaphore_mem>>) {add = true}
        %dma_wait3A_79 = arith.constant 0 : i32
        %dma_wait3A_80 = tpu.memref_slice %arg3[%add3A_55, %dma_wait3A_79] : memref<160000x128xf32, #tpu.memory_space<hbm>> -> memref<128x128xf32, #tpu.memory_space<hbm>>
        %dma_wait3A_81 = arith.constant 0 : i32
        %dma_wait3A_82 = tpu.memref_slice %arg3[%add3A_55, %dma_wait3A_81] : memref<160000x128xf32, #tpu.memory_space<hbm>> -> memref<128x128xf32, #tpu.memory_space<hbm>>
        tpu.wait_dma2 semaphore(%arg14 : memref<!tpu.dma_semaphore, #tpu.memory_space<semaphore_mem>>) src(%dma_wait3A_82 : memref<128x128xf32, #tpu.memory_space<hbm>>) dst(%arg10 : memref<128x128xf32, #tpu.memory_space<vmem>>)
        %dma_start3A_83 = arith.constant 0 : i32
        %dma_start3A_84 = arith.constant 0 : i32
        %dma_start3A_85 = tpu.memref_slice %arg8[%dma_start3A_83, %dma_start3A_84] : memref<1x128xi32, #tpu.memory_space<vmem>> -> memref<1x128xi32, #tpu.memory_space<vmem>>
        %dma_start3A_86 = tpu.memref_squeeze %dma_start3A_85 : memref<1x128xi32, #tpu.memory_space<vmem>> -> memref<128xi32, #tpu.memory_space<vmem>>
        %dma_start3A_87 = arith.constant 0 : i32
        %dma_start3A_88 = arith.constant 0 : i32
        %dma_start3A_89 = tpu.memref_slice %arg6[%dma_start3A_87, %dma_start3A_88] : memref<10112x128xf32, #tpu.memory_space<vmem_shared>> -> memref<10112x128xf32, #tpu.memory_space<vmem_shared>>
        tpu.enqueue_indirect_dma source(%arg10 : memref<128x128xf32, #tpu.memory_space<vmem>>) target(%dma_start3A_89 : memref<10112x128xf32, #tpu.memory_space<vmem_shared>>) offsets(%dma_start3A_86 : memref<128xi32, #tpu.memory_space<vmem>>) semaphore(%arg16 : memref<!tpu.dma_semaphore, #tpu.memory_space<semaphore_mem>>) {add = true}
        %dma_wait3A_90 = arith.constant 0 : i32
        %dma_wait3A_91 = arith.constant 0 : i32
        %dma_wait3A_92 = tpu.memref_slice %arg7[%dma_wait3A_90, %dma_wait3A_91] : memref<1x128xi32, #tpu.memory_space<vmem>> -> memref<1x128xi32, #tpu.memory_space<vmem>>
        %dma_wait3A_93 = tpu.memref_squeeze %dma_wait3A_92 : memref<1x128xi32, #tpu.memory_space<vmem>> -> memref<128xi32, #tpu.memory_space<vmem>>
        %dma_wait3A_94 = arith.constant 0 : i32
        %dma_wait3A_95 = arith.constant 0 : i32
        %dma_wait3A_96 = tpu.memref_slice %arg6[%dma_wait3A_94, %dma_wait3A_95] : memref<10112x128xf32, #tpu.memory_space<vmem_shared>> -> memref<10112x128xf32, #tpu.memory_space<vmem_shared>>
        tpu.wait_indirect_dma semaphore(%arg15 : memref<!tpu.dma_semaphore, #tpu.memory_space<semaphore_mem>>) src(%arg9 : memref<128x128xf32, #tpu.memory_space<vmem>>) dst(%dma_wait3A_96 : memref<10112x128xf32, #tpu.memory_space<vmem_shared>>)
        %dma_wait3A_97 = arith.constant 0 : i32
        %dma_wait3A_98 = arith.constant 0 : i32
        %dma_wait3A_99 = tpu.memref_slice %arg8[%dma_wait3A_97, %dma_wait3A_98] : memref<1x128xi32, #tpu.memory_space<vmem>> -> memref<1x128xi32, #tpu.memory_space<vmem>>
        %dma_wait3A_100 = tpu.memref_squeeze %dma_wait3A_99 : memref<1x128xi32, #tpu.memory_space<vmem>> -> memref<128xi32, #tpu.memory_space<vmem>>
        %dma_wait3A_101 = arith.constant 0 : i32
        %dma_wait3A_102 = arith.constant 0 : i32
        %dma_wait3A_103 = tpu.memref_slice %arg6[%dma_wait3A_101, %dma_wait3A_102] : memref<10112x128xf32, #tpu.memory_space<vmem_shared>> -> memref<10112x128xf32, #tpu.memory_space<vmem_shared>>
        tpu.wait_indirect_dma semaphore(%arg16 : memref<!tpu.dma_semaphore, #tpu.memory_space<semaphore_mem>>) src(%arg10 : memref<128x128xf32, #tpu.memory_space<vmem>>) dst(%dma_wait3A_103 : memref<10112x128xf32, #tpu.memory_space<vmem_shared>>)
      }
      %scan3A_38 = arith.constant 39 : i32
      %add3A_39 = arith.constant 9984 : i32
      %add3A_40 = arith.addi %mul3A_0, %add3A_39 : i32
      %add3A_41 = arith.constant 0 : i32
      %add3A_42 = arith.addi %add3A_41, %add3A_40 : i32
      %run_scoped3A = arith.constant 0 : i32
      "tpu.region"() ({
        %run_scoped3A_44 = tpu.sem_alloc : memref<!tpu.dma_semaphore, #tpu.memory_space<semaphore_mem>>
        %dma_start3A = arith.constant 0 : i32
        %dma_start3A_45 = tpu.memref_slice %arg11[%run_scoped3A, %dma_start3A] : memref<1x16xi32, #tpu.memory_space<vmem>> -> memref<1x16xi32, #tpu.memory_space<vmem>>
        %dma_start3A_46 = tpu.memref_squeeze %dma_start3A_45 : memref<1x16xi32, #tpu.memory_space<vmem>> -> memref<16xi32, #tpu.memory_space<vmem>>
        %dma_start3A_47 = tpu.memref_slice %arg2[%add3A_42] : memref<320000xi32, #tpu.memory_space<hbm>> -> memref<16xi32, #tpu.memory_space<hbm>>
        %dma_start3A_48 = arith.constant 0 : i32
        %dma_start3A_49 = tpu.memref_slice %arg11[%run_scoped3A, %dma_start3A_48] : memref<1x16xi32, #tpu.memory_space<vmem>> -> memref<1x16xi32, #tpu.memory_space<vmem>>
        %dma_start3A_50 = tpu.memref_squeeze %dma_start3A_49 : memref<1x16xi32, #tpu.memory_space<vmem>> -> memref<16xi32, #tpu.memory_space<vmem>>
        %dma_start3A_51 = tpu.memref_slice %arg2[%add3A_42] : memref<320000xi32, #tpu.memory_space<hbm>> -> memref<16xi32, #tpu.memory_space<hbm>>
        tpu.enqueue_dma source(%dma_start3A_51 : memref<16xi32, #tpu.memory_space<hbm>>) target(%dma_start3A_50 : memref<16xi32, #tpu.memory_space<vmem>>) target_semaphore(%run_scoped3A_44 : memref<!tpu.dma_semaphore, #tpu.memory_space<semaphore_mem>>)
        %dma_wait3A = arith.constant 0 : i32
        %dma_wait3A_52 = tpu.memref_slice %arg11[%run_scoped3A, %dma_wait3A] : memref<1x16xi32, #tpu.memory_space<vmem>> -> memref<1x16xi32, #tpu.memory_space<vmem>>
        %dma_wait3A_53 = tpu.memref_squeeze %dma_wait3A_52 : memref<1x16xi32, #tpu.memory_space<vmem>> -> memref<16xi32, #tpu.memory_space<vmem>>
        %dma_wait3A_54 = tpu.memref_slice %arg2[%add3A_42] : memref<320000xi32, #tpu.memory_space<hbm>> -> memref<16xi32, #tpu.memory_space<hbm>>
        %dma_wait3A_55 = arith.constant 0 : i32
        %dma_wait3A_56 = tpu.memref_slice %arg11[%run_scoped3A, %dma_wait3A_55] : memref<1x16xi32, #tpu.memory_space<vmem>> -> memref<1x16xi32, #tpu.memory_space<vmem>>
        %dma_wait3A_57 = tpu.memref_squeeze %dma_wait3A_56 : memref<1x16xi32, #tpu.memory_space<vmem>> -> memref<16xi32, #tpu.memory_space<vmem>>
        %dma_wait3A_58 = tpu.memref_slice %arg2[%add3A_42] : memref<320000xi32, #tpu.memory_space<hbm>> -> memref<16xi32, #tpu.memory_space<hbm>>
        tpu.wait_dma2 semaphore(%run_scoped3A_44 : memref<!tpu.dma_semaphore, #tpu.memory_space<semaphore_mem>>) src(%dma_wait3A_58 : memref<16xi32, #tpu.memory_space<hbm>>) dst(%dma_wait3A_57 : memref<16xi32, #tpu.memory_space<vmem>>)
        tpu.yield
      }) : () -> ()
      "tpu.region"() ({
        %run_scoped3A_44 = tpu.sem_alloc : memref<!tpu.dma_semaphore, #tpu.memory_space<semaphore_mem>>
        %dma_start3A = arith.constant 0 : i32
        %dma_start3A_45 = tpu.memref_slice %arg3[%add3A_40, %dma_start3A] : memref<160000x128xf32, #tpu.memory_space<hbm>> -> memref<16x128xf32, #tpu.memory_space<hbm>>
        %dma_start3A_46 = arith.constant 0 : i32
        %dma_start3A_47 = tpu.memref_slice %arg3[%add3A_40, %dma_start3A_46] : memref<160000x128xf32, #tpu.memory_space<hbm>> -> memref<16x128xf32, #tpu.memory_space<hbm>>
        tpu.enqueue_dma source(%dma_start3A_47 : memref<16x128xf32, #tpu.memory_space<hbm>>) target(%arg12 : memref<16x128xf32, #tpu.memory_space<vmem>>) target_semaphore(%run_scoped3A_44 : memref<!tpu.dma_semaphore, #tpu.memory_space<semaphore_mem>>)
        %dma_wait3A = arith.constant 0 : i32
        %dma_wait3A_48 = tpu.memref_slice %arg3[%add3A_40, %dma_wait3A] : memref<160000x128xf32, #tpu.memory_space<hbm>> -> memref<16x128xf32, #tpu.memory_space<hbm>>
        %dma_wait3A_49 = arith.constant 0 : i32
        %dma_wait3A_50 = tpu.memref_slice %arg3[%add3A_40, %dma_wait3A_49] : memref<160000x128xf32, #tpu.memory_space<hbm>> -> memref<16x128xf32, #tpu.memory_space<hbm>>
        tpu.wait_dma2 semaphore(%run_scoped3A_44 : memref<!tpu.dma_semaphore, #tpu.memory_space<semaphore_mem>>) src(%dma_wait3A_50 : memref<16x128xf32, #tpu.memory_space<hbm>>) dst(%arg12 : memref<16x128xf32, #tpu.memory_space<vmem>>)
        tpu.yield
      }) : () -> ()
      %run_scoped3A_43 = arith.constant 0 : i32
      "tpu.region"() ({
        %run_scoped3A_44 = tpu.sem_alloc : memref<!tpu.dma_semaphore, #tpu.memory_space<semaphore_mem>>
        %dma_start3A = arith.constant 0 : i32
        %dma_start3A_45 = tpu.memref_slice %arg11[%run_scoped3A_43, %dma_start3A] : memref<1x16xi32, #tpu.memory_space<vmem>> -> memref<1x16xi32, #tpu.memory_space<vmem>>
        %dma_start3A_46 = tpu.memref_squeeze %dma_start3A_45 : memref<1x16xi32, #tpu.memory_space<vmem>> -> memref<16xi32, #tpu.memory_space<vmem>>
        %dma_start3A_47 = arith.constant 0 : i32
        %dma_start3A_48 = arith.constant 0 : i32
        %dma_start3A_49 = tpu.memref_slice %arg6[%dma_start3A_47, %dma_start3A_48] : memref<10112x128xf32, #tpu.memory_space<vmem_shared>> -> memref<10112x128xf32, #tpu.memory_space<vmem_shared>>
        tpu.enqueue_indirect_dma source(%arg12 : memref<16x128xf32, #tpu.memory_space<vmem>>) target(%dma_start3A_49 : memref<10112x128xf32, #tpu.memory_space<vmem_shared>>) offsets(%dma_start3A_46 : memref<16xi32, #tpu.memory_space<vmem>>) semaphore(%run_scoped3A_44 : memref<!tpu.dma_semaphore, #tpu.memory_space<semaphore_mem>>) {add = true}
        %dma_wait3A = arith.constant 0 : i32
        %dma_wait3A_50 = tpu.memref_slice %arg11[%run_scoped3A_43, %dma_wait3A] : memref<1x16xi32, #tpu.memory_space<vmem>> -> memref<1x16xi32, #tpu.memory_space<vmem>>
        %dma_wait3A_51 = tpu.memref_squeeze %dma_wait3A_50 : memref<1x16xi32, #tpu.memory_space<vmem>> -> memref<16xi32, #tpu.memory_space<vmem>>
        %dma_wait3A_52 = arith.constant 0 : i32
        %dma_wait3A_53 = arith.constant 0 : i32
        %dma_wait3A_54 = tpu.memref_slice %arg6[%dma_wait3A_52, %dma_wait3A_53] : memref<10112x128xf32, #tpu.memory_space<vmem_shared>> -> memref<10112x128xf32, #tpu.memory_space<vmem_shared>>
        tpu.wait_indirect_dma semaphore(%run_scoped3A_44 : memref<!tpu.dma_semaphore, #tpu.memory_space<semaphore_mem>>) src(%arg12 : memref<16x128xf32, #tpu.memory_space<vmem>>) dst(%dma_wait3A_54 : memref<10112x128xf32, #tpu.memory_space<vmem_shared>>)
        tpu.yield
      }) : () -> ()
    } else {
    }
    %eq3A_28 = arith.constant 1 : i32
    %eq3A_29 = arith.cmpi eq, %arg0, %eq3A_28 : i32
    %convert_element_type3A_30 = arith.extui %eq3A_29 : i1 to i32
    %cond3A_31 = arith.constant 0 : i32
    %cond3A_32 = arith.cmpi ne, %convert_element_type3A_30, %cond3A_31 : i32
    scf.if %cond3A_32 {
      %scan3A_34 = arith.constant 0 : i32
      %scan3A_35 = arith.constant 39 : i32
      %scan3A_36 = arith.addi %scan3A_34, %scan3A_35 : i32
      %scan3A_37 = arith.constant 1 : i32
      scf.for %scan3A_44 = %scan3A_34 to %scan3A_36 step %scan3A_37  : i32 {
        %mul3A_45 = arith.constant 1 : i32
        %mul3A_46 = arith.muli %scan3A_44, %mul3A_45 : i32
        %add3A_47 = arith.constant 0 : i32
        %add3A_48 = arith.addi %add3A_47, %mul3A_46 : i32
        %mul3A_49 = arith.constant 2 : i32
        %mul3A_50 = arith.muli %mul3A_49, %add3A_48 : i32
        %mul3A_51 = arith.constant 128 : i32
        %mul3A_52 = arith.muli %mul3A_50, %mul3A_51 : i32
        %add3A_53 = arith.addi %mul3A_0, %mul3A_52 : i32
        %add3A_54 = arith.constant 128 : i32
        %add3A_55 = arith.addi %add3A_53, %add3A_54 : i32
        %add3A_56 = arith.constant 0 : i32
        %add3A_57 = arith.addi %add3A_56, %add3A_53 : i32
        %run_scoped3A_58 = arith.constant 0 : i32
        "tpu.region"() ({
          %run_scoped3A_104 = tpu.sem_alloc : memref<!tpu.dma_semaphore, #tpu.memory_space<semaphore_mem>>
          %dma_start3A_105 = arith.constant 0 : i32
          %dma_start3A_106 = tpu.memref_slice %arg7[%run_scoped3A_58, %dma_start3A_105] : memref<1x128xi32, #tpu.memory_space<vmem>> -> memref<1x128xi32, #tpu.memory_space<vmem>>
          %dma_start3A_107 = tpu.memref_squeeze %dma_start3A_106 : memref<1x128xi32, #tpu.memory_space<vmem>> -> memref<128xi32, #tpu.memory_space<vmem>>
          %dma_start3A_108 = tpu.memref_slice %arg2[%add3A_57] : memref<320000xi32, #tpu.memory_space<hbm>> -> memref<128xi32, #tpu.memory_space<hbm>>
          %dma_start3A_109 = arith.constant 0 : i32
          %dma_start3A_110 = tpu.memref_slice %arg7[%run_scoped3A_58, %dma_start3A_109] : memref<1x128xi32, #tpu.memory_space<vmem>> -> memref<1x128xi32, #tpu.memory_space<vmem>>
          %dma_start3A_111 = tpu.memref_squeeze %dma_start3A_110 : memref<1x128xi32, #tpu.memory_space<vmem>> -> memref<128xi32, #tpu.memory_space<vmem>>
          %dma_start3A_112 = tpu.memref_slice %arg2[%add3A_57] : memref<320000xi32, #tpu.memory_space<hbm>> -> memref<128xi32, #tpu.memory_space<hbm>>
          tpu.enqueue_dma source(%dma_start3A_112 : memref<128xi32, #tpu.memory_space<hbm>>) target(%dma_start3A_111 : memref<128xi32, #tpu.memory_space<vmem>>) target_semaphore(%run_scoped3A_104 : memref<!tpu.dma_semaphore, #tpu.memory_space<semaphore_mem>>)
          %dma_wait3A_113 = arith.constant 0 : i32
          %dma_wait3A_114 = tpu.memref_slice %arg7[%run_scoped3A_58, %dma_wait3A_113] : memref<1x128xi32, #tpu.memory_space<vmem>> -> memref<1x128xi32, #tpu.memory_space<vmem>>
          %dma_wait3A_115 = tpu.memref_squeeze %dma_wait3A_114 : memref<1x128xi32, #tpu.memory_space<vmem>> -> memref<128xi32, #tpu.memory_space<vmem>>
          %dma_wait3A_116 = tpu.memref_slice %arg2[%add3A_57] : memref<320000xi32, #tpu.memory_space<hbm>> -> memref<128xi32, #tpu.memory_space<hbm>>
          %dma_wait3A_117 = arith.constant 0 : i32
          %dma_wait3A_118 = tpu.memref_slice %arg7[%run_scoped3A_58, %dma_wait3A_117] : memref<1x128xi32, #tpu.memory_space<vmem>> -> memref<1x128xi32, #tpu.memory_space<vmem>>
          %dma_wait3A_119 = tpu.memref_squeeze %dma_wait3A_118 : memref<1x128xi32, #tpu.memory_space<vmem>> -> memref<128xi32, #tpu.memory_space<vmem>>
          %dma_wait3A_120 = tpu.memref_slice %arg2[%add3A_57] : memref<320000xi32, #tpu.memory_space<hbm>> -> memref<128xi32, #tpu.memory_space<hbm>>
          tpu.wait_dma2 semaphore(%run_scoped3A_104 : memref<!tpu.dma_semaphore, #tpu.memory_space<semaphore_mem>>) src(%dma_wait3A_120 : memref<128xi32, #tpu.memory_space<hbm>>) dst(%dma_wait3A_119 : memref<128xi32, #tpu.memory_space<vmem>>)
          tpu.yield
        }) : () -> ()
        %add3A_59 = arith.constant 0 : i32
        %add3A_60 = arith.addi %add3A_59, %add3A_55 : i32
        %run_scoped3A_61 = arith.constant 0 : i32
        "tpu.region"() ({
          %run_scoped3A_104 = tpu.sem_alloc : memref<!tpu.dma_semaphore, #tpu.memory_space<semaphore_mem>>
          %dma_start3A_105 = arith.constant 0 : i32
          %dma_start3A_106 = tpu.memref_slice %arg8[%run_scoped3A_61, %dma_start3A_105] : memref<1x128xi32, #tpu.memory_space<vmem>> -> memref<1x128xi32, #tpu.memory_space<vmem>>
          %dma_start3A_107 = tpu.memref_squeeze %dma_start3A_106 : memref<1x128xi32, #tpu.memory_space<vmem>> -> memref<128xi32, #tpu.memory_space<vmem>>
          %dma_start3A_108 = tpu.memref_slice %arg2[%add3A_60] : memref<320000xi32, #tpu.memory_space<hbm>> -> memref<128xi32, #tpu.memory_space<hbm>>
          %dma_start3A_109 = arith.constant 0 : i32
          %dma_start3A_110 = tpu.memref_slice %arg8[%run_scoped3A_61, %dma_start3A_109] : memref<1x128xi32, #tpu.memory_space<vmem>> -> memref<1x128xi32, #tpu.memory_space<vmem>>
          %dma_start3A_111 = tpu.memref_squeeze %dma_start3A_110 : memref<1x128xi32, #tpu.memory_space<vmem>> -> memref<128xi32, #tpu.memory_space<vmem>>
          %dma_start3A_112 = tpu.memref_slice %arg2[%add3A_60] : memref<320000xi32, #tpu.memory_space<hbm>> -> memref<128xi32, #tpu.memory_space<hbm>>
          tpu.enqueue_dma source(%dma_start3A_112 : memref<128xi32, #tpu.memory_space<hbm>>) target(%dma_start3A_111 : memref<128xi32, #tpu.memory_space<vmem>>) target_semaphore(%run_scoped3A_104 : memref<!tpu.dma_semaphore, #tpu.memory_space<semaphore_mem>>)
          %dma_wait3A_113 = arith.constant 0 : i32
          %dma_wait3A_114 = tpu.memref_slice %arg8[%run_scoped3A_61, %dma_wait3A_113] : memref<1x128xi32, #tpu.memory_space<vmem>> -> memref<1x128xi32, #tpu.memory_space<vmem>>
          %dma_wait3A_115 = tpu.memref_squeeze %dma_wait3A_114 : memref<1x128xi32, #tpu.memory_space<vmem>> -> memref<128xi32, #tpu.memory_space<vmem>>
          %dma_wait3A_116 = tpu.memref_slice %arg2[%add3A_60] : memref<320000xi32, #tpu.memory_space<hbm>> -> memref<128xi32, #tpu.memory_space<hbm>>
          %dma_wait3A_117 = arith.constant 0 : i32
          %dma_wait3A_118 = tpu.memref_slice %arg8[%run_scoped3A_61, %dma_wait3A_117] : memref<1x128xi32, #tpu.memory_space<vmem>> -> memref<1x128xi32, #tpu.memory_space<vmem>>
          %dma_wait3A_119 = tpu.memref_squeeze %dma_wait3A_118 : memref<1x128xi32, #tpu.memory_space<vmem>> -> memref<128xi32, #tpu.memory_space<vmem>>
          %dma_wait3A_120 = tpu.memref_slice %arg2[%add3A_60] : memref<320000xi32, #tpu.memory_space<hbm>> -> memref<128xi32, #tpu.memory_space<hbm>>
          tpu.wait_dma2 semaphore(%run_scoped3A_104 : memref<!tpu.dma_semaphore, #tpu.memory_space<semaphore_mem>>) src(%dma_wait3A_120 : memref<128xi32, #tpu.memory_space<hbm>>) dst(%dma_wait3A_119 : memref<128xi32, #tpu.memory_space<vmem>>)
          tpu.yield
        }) : () -> ()
        %dma_start3A = arith.constant 0 : i32
        %dma_start3A_62 = tpu.memref_slice %arg4[%add3A_53, %dma_start3A] : memref<160000x128xf32, #tpu.memory_space<hbm>> -> memref<128x128xf32, #tpu.memory_space<hbm>>
        %dma_start3A_63 = arith.constant 0 : i32
        %dma_start3A_64 = tpu.memref_slice %arg4[%add3A_53, %dma_start3A_63] : memref<160000x128xf32, #tpu.memory_space<hbm>> -> memref<128x128xf32, #tpu.memory_space<hbm>>
        tpu.enqueue_dma source(%dma_start3A_64 : memref<128x128xf32, #tpu.memory_space<hbm>>) target(%arg9 : memref<128x128xf32, #tpu.memory_space<vmem>>) target_semaphore(%arg13 : memref<!tpu.dma_semaphore, #tpu.memory_space<semaphore_mem>>)
        %dma_start3A_65 = arith.constant 0 : i32
        %dma_start3A_66 = tpu.memref_slice %arg4[%add3A_55, %dma_start3A_65] : memref<160000x128xf32, #tpu.memory_space<hbm>> -> memref<128x128xf32, #tpu.memory_space<hbm>>
        %dma_start3A_67 = arith.constant 0 : i32
        %dma_start3A_68 = tpu.memref_slice %arg4[%add3A_55, %dma_start3A_67] : memref<160000x128xf32, #tpu.memory_space<hbm>> -> memref<128x128xf32, #tpu.memory_space<hbm>>
        tpu.enqueue_dma source(%dma_start3A_68 : memref<128x128xf32, #tpu.memory_space<hbm>>) target(%arg10 : memref<128x128xf32, #tpu.memory_space<vmem>>) target_semaphore(%arg14 : memref<!tpu.dma_semaphore, #tpu.memory_space<semaphore_mem>>)
        %dma_wait3A = arith.constant 0 : i32
        %dma_wait3A_69 = tpu.memref_slice %arg4[%add3A_53, %dma_wait3A] : memref<160000x128xf32, #tpu.memory_space<hbm>> -> memref<128x128xf32, #tpu.memory_space<hbm>>
        %dma_wait3A_70 = arith.constant 0 : i32
        %dma_wait3A_71 = tpu.memref_slice %arg4[%add3A_53, %dma_wait3A_70] : memref<160000x128xf32, #tpu.memory_space<hbm>> -> memref<128x128xf32, #tpu.memory_space<hbm>>
        tpu.wait_dma2 semaphore(%arg13 : memref<!tpu.dma_semaphore, #tpu.memory_space<semaphore_mem>>) src(%dma_wait3A_71 : memref<128x128xf32, #tpu.memory_space<hbm>>) dst(%arg9 : memref<128x128xf32, #tpu.memory_space<vmem>>)
        %dma_start3A_72 = arith.constant 0 : i32
        %dma_start3A_73 = arith.constant 0 : i32
        %dma_start3A_74 = tpu.memref_slice %arg7[%dma_start3A_72, %dma_start3A_73] : memref<1x128xi32, #tpu.memory_space<vmem>> -> memref<1x128xi32, #tpu.memory_space<vmem>>
        %dma_start3A_75 = tpu.memref_squeeze %dma_start3A_74 : memref<1x128xi32, #tpu.memory_space<vmem>> -> memref<128xi32, #tpu.memory_space<vmem>>
        %dma_start3A_76 = arith.constant 0 : i32
        %dma_start3A_77 = arith.constant 0 : i32
        %dma_start3A_78 = tpu.memref_slice %arg6[%dma_start3A_76, %dma_start3A_77] : memref<10112x128xf32, #tpu.memory_space<vmem_shared>> -> memref<10112x128xf32, #tpu.memory_space<vmem_shared>>
        tpu.enqueue_indirect_dma source(%arg9 : memref<128x128xf32, #tpu.memory_space<vmem>>) target(%dma_start3A_78 : memref<10112x128xf32, #tpu.memory_space<vmem_shared>>) offsets(%dma_start3A_75 : memref<128xi32, #tpu.memory_space<vmem>>) semaphore(%arg15 : memref<!tpu.dma_semaphore, #tpu.memory_space<semaphore_mem>>) {add = true}
        %dma_wait3A_79 = arith.constant 0 : i32
        %dma_wait3A_80 = tpu.memref_slice %arg4[%add3A_55, %dma_wait3A_79] : memref<160000x128xf32, #tpu.memory_space<hbm>> -> memref<128x128xf32, #tpu.memory_space<hbm>>
        %dma_wait3A_81 = arith.constant 0 : i32
        %dma_wait3A_82 = tpu.memref_slice %arg4[%add3A_55, %dma_wait3A_81] : memref<160000x128xf32, #tpu.memory_space<hbm>> -> memref<128x128xf32, #tpu.memory_space<hbm>>
        tpu.wait_dma2 semaphore(%arg14 : memref<!tpu.dma_semaphore, #tpu.memory_space<semaphore_mem>>) src(%dma_wait3A_82 : memref<128x128xf32, #tpu.memory_space<hbm>>) dst(%arg10 : memref<128x128xf32, #tpu.memory_space<vmem>>)
        %dma_start3A_83 = arith.constant 0 : i32
        %dma_start3A_84 = arith.constant 0 : i32
        %dma_start3A_85 = tpu.memref_slice %arg8[%dma_start3A_83, %dma_start3A_84] : memref<1x128xi32, #tpu.memory_space<vmem>> -> memref<1x128xi32, #tpu.memory_space<vmem>>
        %dma_start3A_86 = tpu.memref_squeeze %dma_start3A_85 : memref<1x128xi32, #tpu.memory_space<vmem>> -> memref<128xi32, #tpu.memory_space<vmem>>
        %dma_start3A_87 = arith.constant 0 : i32
        %dma_start3A_88 = arith.constant 0 : i32
        %dma_start3A_89 = tpu.memref_slice %arg6[%dma_start3A_87, %dma_start3A_88] : memref<10112x128xf32, #tpu.memory_space<vmem_shared>> -> memref<10112x128xf32, #tpu.memory_space<vmem_shared>>
        tpu.enqueue_indirect_dma source(%arg10 : memref<128x128xf32, #tpu.memory_space<vmem>>) target(%dma_start3A_89 : memref<10112x128xf32, #tpu.memory_space<vmem_shared>>) offsets(%dma_start3A_86 : memref<128xi32, #tpu.memory_space<vmem>>) semaphore(%arg16 : memref<!tpu.dma_semaphore, #tpu.memory_space<semaphore_mem>>) {add = true}
        %dma_wait3A_90 = arith.constant 0 : i32
        %dma_wait3A_91 = arith.constant 0 : i32
        %dma_wait3A_92 = tpu.memref_slice %arg7[%dma_wait3A_90, %dma_wait3A_91] : memref<1x128xi32, #tpu.memory_space<vmem>> -> memref<1x128xi32, #tpu.memory_space<vmem>>
        %dma_wait3A_93 = tpu.memref_squeeze %dma_wait3A_92 : memref<1x128xi32, #tpu.memory_space<vmem>> -> memref<128xi32, #tpu.memory_space<vmem>>
        %dma_wait3A_94 = arith.constant 0 : i32
        %dma_wait3A_95 = arith.constant 0 : i32
        %dma_wait3A_96 = tpu.memref_slice %arg6[%dma_wait3A_94, %dma_wait3A_95] : memref<10112x128xf32, #tpu.memory_space<vmem_shared>> -> memref<10112x128xf32, #tpu.memory_space<vmem_shared>>
        tpu.wait_indirect_dma semaphore(%arg15 : memref<!tpu.dma_semaphore, #tpu.memory_space<semaphore_mem>>) src(%arg9 : memref<128x128xf32, #tpu.memory_space<vmem>>) dst(%dma_wait3A_96 : memref<10112x128xf32, #tpu.memory_space<vmem_shared>>)
        %dma_wait3A_97 = arith.constant 0 : i32
        %dma_wait3A_98 = arith.constant 0 : i32
        %dma_wait3A_99 = tpu.memref_slice %arg8[%dma_wait3A_97, %dma_wait3A_98] : memref<1x128xi32, #tpu.memory_space<vmem>> -> memref<1x128xi32, #tpu.memory_space<vmem>>
        %dma_wait3A_100 = tpu.memref_squeeze %dma_wait3A_99 : memref<1x128xi32, #tpu.memory_space<vmem>> -> memref<128xi32, #tpu.memory_space<vmem>>
        %dma_wait3A_101 = arith.constant 0 : i32
        %dma_wait3A_102 = arith.constant 0 : i32
        %dma_wait3A_103 = tpu.memref_slice %arg6[%dma_wait3A_101, %dma_wait3A_102] : memref<10112x128xf32, #tpu.memory_space<vmem_shared>> -> memref<10112x128xf32, #tpu.memory_space<vmem_shared>>
        tpu.wait_indirect_dma semaphore(%arg16 : memref<!tpu.dma_semaphore, #tpu.memory_space<semaphore_mem>>) src(%arg10 : memref<128x128xf32, #tpu.memory_space<vmem>>) dst(%dma_wait3A_103 : memref<10112x128xf32, #tpu.memory_space<vmem_shared>>)
      }
      %scan3A_38 = arith.constant 39 : i32
      %add3A_39 = arith.constant 9984 : i32
      %add3A_40 = arith.addi %mul3A_0, %add3A_39 : i32
      %add3A_41 = arith.constant 0 : i32
      %add3A_42 = arith.addi %add3A_41, %add3A_40 : i32
      %run_scoped3A = arith.constant 0 : i32
      "tpu.region"() ({
        %run_scoped3A_44 = tpu.sem_alloc : memref<!tpu.dma_semaphore, #tpu.memory_space<semaphore_mem>>
        %dma_start3A = arith.constant 0 : i32
        %dma_start3A_45 = tpu.memref_slice %arg11[%run_scoped3A, %dma_start3A] : memref<1x16xi32, #tpu.memory_space<vmem>> -> memref<1x16xi32, #tpu.memory_space<vmem>>
        %dma_start3A_46 = tpu.memref_squeeze %dma_start3A_45 : memref<1x16xi32, #tpu.memory_space<vmem>> -> memref<16xi32, #tpu.memory_space<vmem>>
        %dma_start3A_47 = tpu.memref_slice %arg2[%add3A_42] : memref<320000xi32, #tpu.memory_space<hbm>> -> memref<16xi32, #tpu.memory_space<hbm>>
        %dma_start3A_48 = arith.constant 0 : i32
        %dma_start3A_49 = tpu.memref_slice %arg11[%run_scoped3A, %dma_start3A_48] : memref<1x16xi32, #tpu.memory_space<vmem>> -> memref<1x16xi32, #tpu.memory_space<vmem>>
        %dma_start3A_50 = tpu.memref_squeeze %dma_start3A_49 : memref<1x16xi32, #tpu.memory_space<vmem>> -> memref<16xi32, #tpu.memory_space<vmem>>
        %dma_start3A_51 = tpu.memref_slice %arg2[%add3A_42] : memref<320000xi32, #tpu.memory_space<hbm>> -> memref<16xi32, #tpu.memory_space<hbm>>
        tpu.enqueue_dma source(%dma_start3A_51 : memref<16xi32, #tpu.memory_space<hbm>>) target(%dma_start3A_50 : memref<16xi32, #tpu.memory_space<vmem>>) target_semaphore(%run_scoped3A_44 : memref<!tpu.dma_semaphore, #tpu.memory_space<semaphore_mem>>)
        %dma_wait3A = arith.constant 0 : i32
        %dma_wait3A_52 = tpu.memref_slice %arg11[%run_scoped3A, %dma_wait3A] : memref<1x16xi32, #tpu.memory_space<vmem>> -> memref<1x16xi32, #tpu.memory_space<vmem>>
        %dma_wait3A_53 = tpu.memref_squeeze %dma_wait3A_52 : memref<1x16xi32, #tpu.memory_space<vmem>> -> memref<16xi32, #tpu.memory_space<vmem>>
        %dma_wait3A_54 = tpu.memref_slice %arg2[%add3A_42] : memref<320000xi32, #tpu.memory_space<hbm>> -> memref<16xi32, #tpu.memory_space<hbm>>
        %dma_wait3A_55 = arith.constant 0 : i32
        %dma_wait3A_56 = tpu.memref_slice %arg11[%run_scoped3A, %dma_wait3A_55] : memref<1x16xi32, #tpu.memory_space<vmem>> -> memref<1x16xi32, #tpu.memory_space<vmem>>
        %dma_wait3A_57 = tpu.memref_squeeze %dma_wait3A_56 : memref<1x16xi32, #tpu.memory_space<vmem>> -> memref<16xi32, #tpu.memory_space<vmem>>
        %dma_wait3A_58 = tpu.memref_slice %arg2[%add3A_42] : memref<320000xi32, #tpu.memory_space<hbm>> -> memref<16xi32, #tpu.memory_space<hbm>>
        tpu.wait_dma2 semaphore(%run_scoped3A_44 : memref<!tpu.dma_semaphore, #tpu.memory_space<semaphore_mem>>) src(%dma_wait3A_58 : memref<16xi32, #tpu.memory_space<hbm>>) dst(%dma_wait3A_57 : memref<16xi32, #tpu.memory_space<vmem>>)
        tpu.yield
      }) : () -> ()
      "tpu.region"() ({
        %run_scoped3A_44 = tpu.sem_alloc : memref<!tpu.dma_semaphore, #tpu.memory_space<semaphore_mem>>
        %dma_start3A = arith.constant 0 : i32
        %dma_start3A_45 = tpu.memref_slice %arg4[%add3A_40, %dma_start3A] : memref<160000x128xf32, #tpu.memory_space<hbm>> -> memref<16x128xf32, #tpu.memory_space<hbm>>
        %dma_start3A_46 = arith.constant 0 : i32
        %dma_start3A_47 = tpu.memref_slice %arg4[%add3A_40, %dma_start3A_46] : memref<160000x128xf32, #tpu.memory_space<hbm>> -> memref<16x128xf32, #tpu.memory_space<hbm>>
        tpu.enqueue_dma source(%dma_start3A_47 : memref<16x128xf32, #tpu.memory_space<hbm>>) target(%arg12 : memref<16x128xf32, #tpu.memory_space<vmem>>) target_semaphore(%run_scoped3A_44 : memref<!tpu.dma_semaphore, #tpu.memory_space<semaphore_mem>>)
        %dma_wait3A = arith.constant 0 : i32
        %dma_wait3A_48 = tpu.memref_slice %arg4[%add3A_40, %dma_wait3A] : memref<160000x128xf32, #tpu.memory_space<hbm>> -> memref<16x128xf32, #tpu.memory_space<hbm>>
        %dma_wait3A_49 = arith.constant 0 : i32
        %dma_wait3A_50 = tpu.memref_slice %arg4[%add3A_40, %dma_wait3A_49] : memref<160000x128xf32, #tpu.memory_space<hbm>> -> memref<16x128xf32, #tpu.memory_space<hbm>>
        tpu.wait_dma2 semaphore(%run_scoped3A_44 : memref<!tpu.dma_semaphore, #tpu.memory_space<semaphore_mem>>) src(%dma_wait3A_50 : memref<16x128xf32, #tpu.memory_space<hbm>>) dst(%arg12 : memref<16x128xf32, #tpu.memory_space<vmem>>)
        tpu.yield
      }) : () -> ()
      %run_scoped3A_43 = arith.constant 0 : i32
      "tpu.region"() ({
        %run_scoped3A_44 = tpu.sem_alloc : memref<!tpu.dma_semaphore, #tpu.memory_space<semaphore_mem>>
        %dma_start3A = arith.constant 0 : i32
        %dma_start3A_45 = tpu.memref_slice %arg11[%run_scoped3A_43, %dma_start3A] : memref<1x16xi32, #tpu.memory_space<vmem>> -> memref<1x16xi32, #tpu.memory_space<vmem>>
        %dma_start3A_46 = tpu.memref_squeeze %dma_start3A_45 : memref<1x16xi32, #tpu.memory_space<vmem>> -> memref<16xi32, #tpu.memory_space<vmem>>
        %dma_start3A_47 = arith.constant 0 : i32
        %dma_start3A_48 = arith.constant 0 : i32
        %dma_start3A_49 = tpu.memref_slice %arg6[%dma_start3A_47, %dma_start3A_48] : memref<10112x128xf32, #tpu.memory_space<vmem_shared>> -> memref<10112x128xf32, #tpu.memory_space<vmem_shared>>
        tpu.enqueue_indirect_dma source(%arg12 : memref<16x128xf32, #tpu.memory_space<vmem>>) target(%dma_start3A_49 : memref<10112x128xf32, #tpu.memory_space<vmem_shared>>) offsets(%dma_start3A_46 : memref<16xi32, #tpu.memory_space<vmem>>) semaphore(%run_scoped3A_44 : memref<!tpu.dma_semaphore, #tpu.memory_space<semaphore_mem>>) {add = true}
        %dma_wait3A = arith.constant 0 : i32
        %dma_wait3A_50 = tpu.memref_slice %arg11[%run_scoped3A_43, %dma_wait3A] : memref<1x16xi32, #tpu.memory_space<vmem>> -> memref<1x16xi32, #tpu.memory_space<vmem>>
        %dma_wait3A_51 = tpu.memref_squeeze %dma_wait3A_50 : memref<1x16xi32, #tpu.memory_space<vmem>> -> memref<16xi32, #tpu.memory_space<vmem>>
        %dma_wait3A_52 = arith.constant 0 : i32
        %dma_wait3A_53 = arith.constant 0 : i32
        %dma_wait3A_54 = tpu.memref_slice %arg6[%dma_wait3A_52, %dma_wait3A_53] : memref<10112x128xf32, #tpu.memory_space<vmem_shared>> -> memref<10112x128xf32, #tpu.memory_space<vmem_shared>>
        tpu.wait_indirect_dma semaphore(%run_scoped3A_44 : memref<!tpu.dma_semaphore, #tpu.memory_space<semaphore_mem>>) src(%arg12 : memref<16x128xf32, #tpu.memory_space<vmem>>) dst(%dma_wait3A_54 : memref<10112x128xf32, #tpu.memory_space<vmem_shared>>)
        tpu.yield
      }) : () -> ()
    } else {
    }
    %barrier3A_33 = arith.constant 0 : index
    tpu.barrier barrier_id(%barrier3A_33)
    "tpu.region"() ({
      %run_scoped3A = tpu.sem_alloc : memref<!tpu.dma_semaphore, #tpu.memory_space<semaphore_mem>>
      %dma_start3A = arith.constant 0 : i32
      %dma_start3A_34 = tpu.memref_slice %arg5[%arg0, %mul3A_2, %dma_start3A] : memref<2x10112x128xf32, #tpu.memory_space<hbm>> -> memref<1x632x128xf32, #tpu.memory_space<hbm>>
      %dma_start3A_35 = tpu.memref_squeeze %dma_start3A_34 : memref<1x632x128xf32, #tpu.memory_space<hbm>> -> memref<632x128xf32, #tpu.memory_space<hbm>>
      %dma_start3A_36 = arith.constant 0 : i32
      %dma_start3A_37 = tpu.memref_slice %arg6[%mul3A_2, %dma_start3A_36] : memref<10112x128xf32, #tpu.memory_space<vmem_shared>> -> memref<632x128xf32, #tpu.memory_space<vmem_shared>>
      tpu.enqueue_dma source(%dma_start3A_37 : memref<632x128xf32, #tpu.memory_space<vmem_shared>>) target(%dma_start3A_35 : memref<632x128xf32, #tpu.memory_space<hbm>>) target_semaphore(%run_scoped3A : memref<!tpu.dma_semaphore, #tpu.memory_space<semaphore_mem>>)
      %dma_wait3A = arith.constant 0 : i32
      %dma_wait3A_38 = tpu.memref_slice %arg5[%arg0, %mul3A_2, %dma_wait3A] : memref<2x10112x128xf32, #tpu.memory_space<hbm>> -> memref<1x632x128xf32, #tpu.memory_space<hbm>>
      %dma_wait3A_39 = tpu.memref_squeeze %dma_wait3A_38 : memref<1x632x128xf32, #tpu.memory_space<hbm>> -> memref<632x128xf32, #tpu.memory_space<hbm>>
      %dma_wait3A_40 = arith.constant 0 : i32
      %dma_wait3A_41 = tpu.memref_slice %arg6[%mul3A_2, %dma_wait3A_40] : memref<10112x128xf32, #tpu.memory_space<vmem_shared>> -> memref<632x128xf32, #tpu.memory_space<vmem_shared>>
      tpu.wait_dma2 semaphore(%run_scoped3A : memref<!tpu.dma_semaphore, #tpu.memory_space<semaphore_mem>>) src(%dma_wait3A_41 : memref<632x128xf32, #tpu.memory_space<vmem_shared>>) dst(%dma_wait3A_39 : memref<632x128xf32, #tpu.memory_space<hbm>>)
      tpu.yield
    }) : () -> ()
    return
  }
}

#map = affine_map<(d0, d1) -> (0)>
#map1 = affine_map<(d0, d1) -> (0, 0)>
module attributes {stable_mosaic.version = 14 : i64} {
  func.func @gk(%arg0: i32, %arg1: i32, %arg2: memref<320000xi32, #tpu.memory_space<hbm>>, %arg3: memref<320000xi32, #tpu.memory_space<hbm>>, %arg4: memref<10000x128xf32, #tpu.memory_space<hbm>>, %arg5: memref<10000x128xf32, #tpu.memory_space<hbm>>, %arg6: memref<160000x128xf32, #tpu.memory_space<hbm>>, %arg7: memref<160000x128xf32, #tpu.memory_space<hbm>>, %arg8: memref<128xi32, #tpu.memory_space<vmem>>, %arg9: memref<128xi32, #tpu.memory_space<vmem>>, %arg10: memref<128xi32, #tpu.memory_space<vmem>>, %arg11: memref<128xi32, #tpu.memory_space<vmem>>, %arg12: memref<128x128xf32, #tpu.memory_space<vmem>>, %arg13: memref<128x128xf32, #tpu.memory_space<vmem>>, %arg14: memref<128x128xf32, #tpu.memory_space<vmem>>, %arg15: memref<128x128xf32, #tpu.memory_space<vmem>>, %arg16: memref<8x128xf32, #tpu.memory_space<vmem>>, %arg17: memref<8x128xf32, #tpu.memory_space<vmem>>, %arg18: memref<!tpu.dma_semaphore, #tpu.memory_space<semaphore_mem>>, %arg19: memref<!tpu.dma_semaphore, #tpu.memory_space<semaphore_mem>>) attributes {dimension_semantics = [#tpu.dimension_semantics<core_parallel>, #tpu.dimension_semantics<subcore_parallel>], iteration_bounds = array<i64: 2, 16>, scalar_prefetch = 0 : i64, scratch_operands = 12 : i64, tpu.core_type = #tpu.core_type<sc_vector_subcore>, window_params = [{transform_indices = #map}, {transform_indices = #map}, {transform_indices = #map1}, {transform_indices = #map1}, {transform_indices = #map1}, {transform_indices = #map1}]} {
    %mul3A = arith.constant 16 : i32
    %mul3A_0 = arith.muli %arg0, %mul3A : i32
    %add3A = arith.addi %mul3A_0, %arg1 : i32
    %mul3A_1 = arith.constant 5000 : i32
    %mul3A_2 = arith.muli %add3A, %mul3A_1 : i32
    %scan3A = arith.constant 0 : i32
    %scan3A_3 = arith.constant 19 : i32
    %scan3A_4 = arith.addi %scan3A, %scan3A_3 : i32
    %scan3A_5 = arith.constant 1 : i32
    scf.for %scan3A_57 = %scan3A to %scan3A_4 step %scan3A_5  : i32 {
      %mul3A_58 = arith.constant 1 : i32
      %mul3A_59 = arith.muli %scan3A_57, %mul3A_58 : i32
      %add3A_60 = arith.constant 0 : i32
      %add3A_61 = arith.addi %add3A_60, %mul3A_59 : i32
      %mul3A_62 = arith.constant 2 : i32
      %mul3A_63 = arith.muli %mul3A_62, %add3A_61 : i32
      %mul3A_64 = arith.constant 128 : i32
      %mul3A_65 = arith.muli %mul3A_63, %mul3A_64 : i32
      %add3A_66 = arith.addi %mul3A_2, %mul3A_65 : i32
      %add3A_67 = arith.constant 128 : i32
      %add3A_68 = arith.addi %add3A_66, %add3A_67 : i32
      %add3A_69 = arith.constant 160000 : i32
      %add3A_70 = arith.addi %add3A_69, %add3A_66 : i32
      "tpu.region"() ({
        %run_scoped3A = tpu.sem_alloc : memref<!tpu.dma_semaphore, #tpu.memory_space<semaphore_mem>>
        %dma_start3A_117 = arith.constant 0 : i32
        %dma_start3A_118 = tpu.memref_slice %arg8[%dma_start3A_117] : memref<128xi32, #tpu.memory_space<vmem>> -> memref<128xi32, #tpu.memory_space<vmem>>
        %dma_start3A_119 = tpu.memref_slice %arg2[%add3A_70] : memref<320000xi32, #tpu.memory_space<hbm>> -> memref<128xi32, #tpu.memory_space<hbm>>
        %dma_start3A_120 = arith.constant 0 : i32
        %dma_start3A_121 = tpu.memref_slice %arg8[%dma_start3A_120] : memref<128xi32, #tpu.memory_space<vmem>> -> memref<128xi32, #tpu.memory_space<vmem>>
        %dma_start3A_122 = tpu.memref_slice %arg2[%add3A_70] : memref<320000xi32, #tpu.memory_space<hbm>> -> memref<128xi32, #tpu.memory_space<hbm>>
        tpu.enqueue_dma source(%dma_start3A_122 : memref<128xi32, #tpu.memory_space<hbm>>) target(%dma_start3A_121 : memref<128xi32, #tpu.memory_space<vmem>>) target_semaphore(%run_scoped3A : memref<!tpu.dma_semaphore, #tpu.memory_space<semaphore_mem>>)
        %dma_wait3A_123 = arith.constant 0 : i32
        %dma_wait3A_124 = tpu.memref_slice %arg8[%dma_wait3A_123] : memref<128xi32, #tpu.memory_space<vmem>> -> memref<128xi32, #tpu.memory_space<vmem>>
        %dma_wait3A_125 = tpu.memref_slice %arg2[%add3A_70] : memref<320000xi32, #tpu.memory_space<hbm>> -> memref<128xi32, #tpu.memory_space<hbm>>
        %dma_wait3A_126 = arith.constant 0 : i32
        %dma_wait3A_127 = tpu.memref_slice %arg8[%dma_wait3A_126] : memref<128xi32, #tpu.memory_space<vmem>> -> memref<128xi32, #tpu.memory_space<vmem>>
        %dma_wait3A_128 = tpu.memref_slice %arg2[%add3A_70] : memref<320000xi32, #tpu.memory_space<hbm>> -> memref<128xi32, #tpu.memory_space<hbm>>
        tpu.wait_dma2 semaphore(%run_scoped3A : memref<!tpu.dma_semaphore, #tpu.memory_space<semaphore_mem>>) src(%dma_wait3A_128 : memref<128xi32, #tpu.memory_space<hbm>>) dst(%dma_wait3A_127 : memref<128xi32, #tpu.memory_space<vmem>>)
        tpu.yield
      }) : () -> ()
      %add3A_71 = arith.constant 160000 : i32
      %add3A_72 = arith.addi %add3A_71, %add3A_66 : i32
      "tpu.region"() ({
        %run_scoped3A = tpu.sem_alloc : memref<!tpu.dma_semaphore, #tpu.memory_space<semaphore_mem>>
        %dma_start3A_117 = arith.constant 0 : i32
        %dma_start3A_118 = tpu.memref_slice %arg9[%dma_start3A_117] : memref<128xi32, #tpu.memory_space<vmem>> -> memref<128xi32, #tpu.memory_space<vmem>>
        %dma_start3A_119 = tpu.memref_slice %arg3[%add3A_72] : memref<320000xi32, #tpu.memory_space<hbm>> -> memref<128xi32, #tpu.memory_space<hbm>>
        %dma_start3A_120 = arith.constant 0 : i32
        %dma_start3A_121 = tpu.memref_slice %arg9[%dma_start3A_120] : memref<128xi32, #tpu.memory_space<vmem>> -> memref<128xi32, #tpu.memory_space<vmem>>
        %dma_start3A_122 = tpu.memref_slice %arg3[%add3A_72] : memref<320000xi32, #tpu.memory_space<hbm>> -> memref<128xi32, #tpu.memory_space<hbm>>
        tpu.enqueue_dma source(%dma_start3A_122 : memref<128xi32, #tpu.memory_space<hbm>>) target(%dma_start3A_121 : memref<128xi32, #tpu.memory_space<vmem>>) target_semaphore(%run_scoped3A : memref<!tpu.dma_semaphore, #tpu.memory_space<semaphore_mem>>)
        %dma_wait3A_123 = arith.constant 0 : i32
        %dma_wait3A_124 = tpu.memref_slice %arg9[%dma_wait3A_123] : memref<128xi32, #tpu.memory_space<vmem>> -> memref<128xi32, #tpu.memory_space<vmem>>
        %dma_wait3A_125 = tpu.memref_slice %arg3[%add3A_72] : memref<320000xi32, #tpu.memory_space<hbm>> -> memref<128xi32, #tpu.memory_space<hbm>>
        %dma_wait3A_126 = arith.constant 0 : i32
        %dma_wait3A_127 = tpu.memref_slice %arg9[%dma_wait3A_126] : memref<128xi32, #tpu.memory_space<vmem>> -> memref<128xi32, #tpu.memory_space<vmem>>
        %dma_wait3A_128 = tpu.memref_slice %arg3[%add3A_72] : memref<320000xi32, #tpu.memory_space<hbm>> -> memref<128xi32, #tpu.memory_space<hbm>>
        tpu.wait_dma2 semaphore(%run_scoped3A : memref<!tpu.dma_semaphore, #tpu.memory_space<semaphore_mem>>) src(%dma_wait3A_128 : memref<128xi32, #tpu.memory_space<hbm>>) dst(%dma_wait3A_127 : memref<128xi32, #tpu.memory_space<vmem>>)
        tpu.yield
      }) : () -> ()
      %dma_start3A_73 = arith.constant 0 : i32
      %dma_start3A_74 = tpu.memref_slice %arg8[%dma_start3A_73] : memref<128xi32, #tpu.memory_space<vmem>> -> memref<128xi32, #tpu.memory_space<vmem>>
      %dma_start3A_75 = arith.constant 0 : i32
      %dma_start3A_76 = arith.constant 0 : i32
      %dma_start3A_77 = tpu.memref_slice %arg4[%dma_start3A_75, %dma_start3A_76] : memref<10000x128xf32, #tpu.memory_space<hbm>> -> memref<10000x128xf32, #tpu.memory_space<hbm>>
      tpu.enqueue_indirect_dma source(%dma_start3A_77 : memref<10000x128xf32, #tpu.memory_space<hbm>>) target(%arg12 : memref<128x128xf32, #tpu.memory_space<vmem>>) offsets(%dma_start3A_74 : memref<128xi32, #tpu.memory_space<vmem>>) semaphore(%arg18 : memref<!tpu.dma_semaphore, #tpu.memory_space<semaphore_mem>>)
      %dma_start3A_78 = arith.constant 0 : i32
      %dma_start3A_79 = tpu.memref_slice %arg9[%dma_start3A_78] : memref<128xi32, #tpu.memory_space<vmem>> -> memref<128xi32, #tpu.memory_space<vmem>>
      %dma_start3A_80 = arith.constant 0 : i32
      %dma_start3A_81 = arith.constant 0 : i32
      %dma_start3A_82 = tpu.memref_slice %arg5[%dma_start3A_80, %dma_start3A_81] : memref<10000x128xf32, #tpu.memory_space<hbm>> -> memref<10000x128xf32, #tpu.memory_space<hbm>>
      tpu.enqueue_indirect_dma source(%dma_start3A_82 : memref<10000x128xf32, #tpu.memory_space<hbm>>) target(%arg13 : memref<128x128xf32, #tpu.memory_space<vmem>>) offsets(%dma_start3A_79 : memref<128xi32, #tpu.memory_space<vmem>>) semaphore(%arg18 : memref<!tpu.dma_semaphore, #tpu.memory_space<semaphore_mem>>)
      %add3A_83 = arith.constant 160000 : i32
      %add3A_84 = arith.addi %add3A_83, %add3A_68 : i32
      "tpu.region"() ({
        %run_scoped3A = tpu.sem_alloc : memref<!tpu.dma_semaphore, #tpu.memory_space<semaphore_mem>>
        %dma_start3A_117 = arith.constant 0 : i32
        %dma_start3A_118 = tpu.memref_slice %arg10[%dma_start3A_117] : memref<128xi32, #tpu.memory_space<vmem>> -> memref<128xi32, #tpu.memory_space<vmem>>
        %dma_start3A_119 = tpu.memref_slice %arg2[%add3A_84] : memref<320000xi32, #tpu.memory_space<hbm>> -> memref<128xi32, #tpu.memory_space<hbm>>
        %dma_start3A_120 = arith.constant 0 : i32
        %dma_start3A_121 = tpu.memref_slice %arg10[%dma_start3A_120] : memref<128xi32, #tpu.memory_space<vmem>> -> memref<128xi32, #tpu.memory_space<vmem>>
        %dma_start3A_122 = tpu.memref_slice %arg2[%add3A_84] : memref<320000xi32, #tpu.memory_space<hbm>> -> memref<128xi32, #tpu.memory_space<hbm>>
        tpu.enqueue_dma source(%dma_start3A_122 : memref<128xi32, #tpu.memory_space<hbm>>) target(%dma_start3A_121 : memref<128xi32, #tpu.memory_space<vmem>>) target_semaphore(%run_scoped3A : memref<!tpu.dma_semaphore, #tpu.memory_space<semaphore_mem>>)
        %dma_wait3A_123 = arith.constant 0 : i32
        %dma_wait3A_124 = tpu.memref_slice %arg10[%dma_wait3A_123] : memref<128xi32, #tpu.memory_space<vmem>> -> memref<128xi32, #tpu.memory_space<vmem>>
        %dma_wait3A_125 = tpu.memref_slice %arg2[%add3A_84] : memref<320000xi32, #tpu.memory_space<hbm>> -> memref<128xi32, #tpu.memory_space<hbm>>
        %dma_wait3A_126 = arith.constant 0 : i32
        %dma_wait3A_127 = tpu.memref_slice %arg10[%dma_wait3A_126] : memref<128xi32, #tpu.memory_space<vmem>> -> memref<128xi32, #tpu.memory_space<vmem>>
        %dma_wait3A_128 = tpu.memref_slice %arg2[%add3A_84] : memref<320000xi32, #tpu.memory_space<hbm>> -> memref<128xi32, #tpu.memory_space<hbm>>
        tpu.wait_dma2 semaphore(%run_scoped3A : memref<!tpu.dma_semaphore, #tpu.memory_space<semaphore_mem>>) src(%dma_wait3A_128 : memref<128xi32, #tpu.memory_space<hbm>>) dst(%dma_wait3A_127 : memref<128xi32, #tpu.memory_space<vmem>>)
        tpu.yield
      }) : () -> ()
      %add3A_85 = arith.constant 160000 : i32
      %add3A_86 = arith.addi %add3A_85, %add3A_68 : i32
      "tpu.region"() ({
        %run_scoped3A = tpu.sem_alloc : memref<!tpu.dma_semaphore, #tpu.memory_space<semaphore_mem>>
        %dma_start3A_117 = arith.constant 0 : i32
        %dma_start3A_118 = tpu.memref_slice %arg11[%dma_start3A_117] : memref<128xi32, #tpu.memory_space<vmem>> -> memref<128xi32, #tpu.memory_space<vmem>>
        %dma_start3A_119 = tpu.memref_slice %arg3[%add3A_86] : memref<320000xi32, #tpu.memory_space<hbm>> -> memref<128xi32, #tpu.memory_space<hbm>>
        %dma_start3A_120 = arith.constant 0 : i32
        %dma_start3A_121 = tpu.memref_slice %arg11[%dma_start3A_120] : memref<128xi32, #tpu.memory_space<vmem>> -> memref<128xi32, #tpu.memory_space<vmem>>
        %dma_start3A_122 = tpu.memref_slice %arg3[%add3A_86] : memref<320000xi32, #tpu.memory_space<hbm>> -> memref<128xi32, #tpu.memory_space<hbm>>
        tpu.enqueue_dma source(%dma_start3A_122 : memref<128xi32, #tpu.memory_space<hbm>>) target(%dma_start3A_121 : memref<128xi32, #tpu.memory_space<vmem>>) target_semaphore(%run_scoped3A : memref<!tpu.dma_semaphore, #tpu.memory_space<semaphore_mem>>)
        %dma_wait3A_123 = arith.constant 0 : i32
        %dma_wait3A_124 = tpu.memref_slice %arg11[%dma_wait3A_123] : memref<128xi32, #tpu.memory_space<vmem>> -> memref<128xi32, #tpu.memory_space<vmem>>
        %dma_wait3A_125 = tpu.memref_slice %arg3[%add3A_86] : memref<320000xi32, #tpu.memory_space<hbm>> -> memref<128xi32, #tpu.memory_space<hbm>>
        %dma_wait3A_126 = arith.constant 0 : i32
        %dma_wait3A_127 = tpu.memref_slice %arg11[%dma_wait3A_126] : memref<128xi32, #tpu.memory_space<vmem>> -> memref<128xi32, #tpu.memory_space<vmem>>
        %dma_wait3A_128 = tpu.memref_slice %arg3[%add3A_86] : memref<320000xi32, #tpu.memory_space<hbm>> -> memref<128xi32, #tpu.memory_space<hbm>>
        tpu.wait_dma2 semaphore(%run_scoped3A : memref<!tpu.dma_semaphore, #tpu.memory_space<semaphore_mem>>) src(%dma_wait3A_128 : memref<128xi32, #tpu.memory_space<hbm>>) dst(%dma_wait3A_127 : memref<128xi32, #tpu.memory_space<vmem>>)
        tpu.yield
      }) : () -> ()
      %dma_start3A_87 = arith.constant 0 : i32
      %dma_start3A_88 = tpu.memref_slice %arg10[%dma_start3A_87] : memref<128xi32, #tpu.memory_space<vmem>> -> memref<128xi32, #tpu.memory_space<vmem>>
      %dma_start3A_89 = arith.constant 0 : i32
      %dma_start3A_90 = arith.constant 0 : i32
      %dma_start3A_91 = tpu.memref_slice %arg4[%dma_start3A_89, %dma_start3A_90] : memref<10000x128xf32, #tpu.memory_space<hbm>> -> memref<10000x128xf32, #tpu.memory_space<hbm>>
      tpu.enqueue_indirect_dma source(%dma_start3A_91 : memref<10000x128xf32, #tpu.memory_space<hbm>>) target(%arg14 : memref<128x128xf32, #tpu.memory_space<vmem>>) offsets(%dma_start3A_88 : memref<128xi32, #tpu.memory_space<vmem>>) semaphore(%arg19 : memref<!tpu.dma_semaphore, #tpu.memory_space<semaphore_mem>>)
      %dma_start3A_92 = arith.constant 0 : i32
      %dma_start3A_93 = tpu.memref_slice %arg11[%dma_start3A_92] : memref<128xi32, #tpu.memory_space<vmem>> -> memref<128xi32, #tpu.memory_space<vmem>>
      %dma_start3A_94 = arith.constant 0 : i32
      %dma_start3A_95 = arith.constant 0 : i32
      %dma_start3A_96 = tpu.memref_slice %arg5[%dma_start3A_94, %dma_start3A_95] : memref<10000x128xf32, #tpu.memory_space<hbm>> -> memref<10000x128xf32, #tpu.memory_space<hbm>>
      tpu.enqueue_indirect_dma source(%dma_start3A_96 : memref<10000x128xf32, #tpu.memory_space<hbm>>) target(%arg15 : memref<128x128xf32, #tpu.memory_space<vmem>>) offsets(%dma_start3A_93 : memref<128xi32, #tpu.memory_space<vmem>>) semaphore(%arg19 : memref<!tpu.dma_semaphore, #tpu.memory_space<semaphore_mem>>)
      %dma_wait3A_97 = arith.constant 0 : i32
      %dma_wait3A_98 = tpu.memref_slice %arg8[%dma_wait3A_97] : memref<128xi32, #tpu.memory_space<vmem>> -> memref<128xi32, #tpu.memory_space<vmem>>
      %dma_wait3A_99 = arith.constant 0 : i32
      %dma_wait3A_100 = arith.constant 0 : i32
      %dma_wait3A_101 = tpu.memref_slice %arg4[%dma_wait3A_99, %dma_wait3A_100] : memref<10000x128xf32, #tpu.memory_space<hbm>> -> memref<10000x128xf32, #tpu.memory_space<hbm>>
      tpu.wait_indirect_dma semaphore(%arg18 : memref<!tpu.dma_semaphore, #tpu.memory_space<semaphore_mem>>) src(%dma_wait3A_101 : memref<10000x128xf32, #tpu.memory_space<hbm>>) dst(%arg12 : memref<128x128xf32, #tpu.memory_space<vmem>>)
      %dma_wait3A_102 = arith.constant 0 : i32
      %dma_wait3A_103 = tpu.memref_slice %arg9[%dma_wait3A_102] : memref<128xi32, #tpu.memory_space<vmem>> -> memref<128xi32, #tpu.memory_space<vmem>>
      %dma_wait3A_104 = arith.constant 0 : i32
      %dma_wait3A_105 = arith.constant 0 : i32
      %dma_wait3A_106 = tpu.memref_slice %arg5[%dma_wait3A_104, %dma_wait3A_105] : memref<10000x128xf32, #tpu.memory_space<hbm>> -> memref<10000x128xf32, #tpu.memory_space<hbm>>
      tpu.wait_indirect_dma semaphore(%arg18 : memref<!tpu.dma_semaphore, #tpu.memory_space<semaphore_mem>>) src(%dma_wait3A_106 : memref<10000x128xf32, #tpu.memory_space<hbm>>) dst(%arg13 : memref<128x128xf32, #tpu.memory_space<vmem>>)
      "tpu.region"() ({
        %run_scoped3A = tpu.sem_alloc : memref<!tpu.dma_semaphore, #tpu.memory_space<semaphore_mem>>
        %dma_start3A_117 = arith.constant 0 : i32
        %dma_start3A_118 = tpu.memref_slice %arg6[%add3A_66, %dma_start3A_117] : memref<160000x128xf32, #tpu.memory_space<hbm>> -> memref<128x128xf32, #tpu.memory_space<hbm>>
        %dma_start3A_119 = arith.constant 0 : i32
        %dma_start3A_120 = tpu.memref_slice %arg6[%add3A_66, %dma_start3A_119] : memref<160000x128xf32, #tpu.memory_space<hbm>> -> memref<128x128xf32, #tpu.memory_space<hbm>>
        tpu.enqueue_dma source(%arg12 : memref<128x128xf32, #tpu.memory_space<vmem>>) target(%dma_start3A_120 : memref<128x128xf32, #tpu.memory_space<hbm>>) target_semaphore(%run_scoped3A : memref<!tpu.dma_semaphore, #tpu.memory_space<semaphore_mem>>)
        %dma_wait3A_121 = arith.constant 0 : i32
        %dma_wait3A_122 = tpu.memref_slice %arg6[%add3A_66, %dma_wait3A_121] : memref<160000x128xf32, #tpu.memory_space<hbm>> -> memref<128x128xf32, #tpu.memory_space<hbm>>
        %dma_wait3A_123 = arith.constant 0 : i32
        %dma_wait3A_124 = tpu.memref_slice %arg6[%add3A_66, %dma_wait3A_123] : memref<160000x128xf32, #tpu.memory_space<hbm>> -> memref<128x128xf32, #tpu.memory_space<hbm>>
        tpu.wait_dma2 semaphore(%run_scoped3A : memref<!tpu.dma_semaphore, #tpu.memory_space<semaphore_mem>>) src(%arg12 : memref<128x128xf32, #tpu.memory_space<vmem>>) dst(%dma_wait3A_124 : memref<128x128xf32, #tpu.memory_space<hbm>>)
        tpu.yield
      }) : () -> ()
      "tpu.region"() ({
        %run_scoped3A = tpu.sem_alloc : memref<!tpu.dma_semaphore, #tpu.memory_space<semaphore_mem>>
        %dma_start3A_117 = arith.constant 0 : i32
        %dma_start3A_118 = tpu.memref_slice %arg7[%add3A_66, %dma_start3A_117] : memref<160000x128xf32, #tpu.memory_space<hbm>> -> memref<128x128xf32, #tpu.memory_space<hbm>>
        %dma_start3A_119 = arith.constant 0 : i32
        %dma_start3A_120 = tpu.memref_slice %arg7[%add3A_66, %dma_start3A_119] : memref<160000x128xf32, #tpu.memory_space<hbm>> -> memref<128x128xf32, #tpu.memory_space<hbm>>
        tpu.enqueue_dma source(%arg13 : memref<128x128xf32, #tpu.memory_space<vmem>>) target(%dma_start3A_120 : memref<128x128xf32, #tpu.memory_space<hbm>>) target_semaphore(%run_scoped3A : memref<!tpu.dma_semaphore, #tpu.memory_space<semaphore_mem>>)
        %dma_wait3A_121 = arith.constant 0 : i32
        %dma_wait3A_122 = tpu.memref_slice %arg7[%add3A_66, %dma_wait3A_121] : memref<160000x128xf32, #tpu.memory_space<hbm>> -> memref<128x128xf32, #tpu.memory_space<hbm>>
        %dma_wait3A_123 = arith.constant 0 : i32
        %dma_wait3A_124 = tpu.memref_slice %arg7[%add3A_66, %dma_wait3A_123] : memref<160000x128xf32, #tpu.memory_space<hbm>> -> memref<128x128xf32, #tpu.memory_space<hbm>>
        tpu.wait_dma2 semaphore(%run_scoped3A : memref<!tpu.dma_semaphore, #tpu.memory_space<semaphore_mem>>) src(%arg13 : memref<128x128xf32, #tpu.memory_space<vmem>>) dst(%dma_wait3A_124 : memref<128x128xf32, #tpu.memory_space<hbm>>)
        tpu.yield
      }) : () -> ()
      %dma_wait3A_107 = arith.constant 0 : i32
      %dma_wait3A_108 = tpu.memref_slice %arg10[%dma_wait3A_107] : memref<128xi32, #tpu.memory_space<vmem>> -> memref<128xi32, #tpu.memory_space<vmem>>
      %dma_wait3A_109 = arith.constant 0 : i32
      %dma_wait3A_110 = arith.constant 0 : i32
      %dma_wait3A_111 = tpu.memref_slice %arg4[%dma_wait3A_109, %dma_wait3A_110] : memref<10000x128xf32, #tpu.memory_space<hbm>> -> memref<10000x128xf32, #tpu.memory_space<hbm>>
      tpu.wait_indirect_dma semaphore(%arg19 : memref<!tpu.dma_semaphore, #tpu.memory_space<semaphore_mem>>) src(%dma_wait3A_111 : memref<10000x128xf32, #tpu.memory_space<hbm>>) dst(%arg14 : memref<128x128xf32, #tpu.memory_space<vmem>>)
      %dma_wait3A_112 = arith.constant 0 : i32
      %dma_wait3A_113 = tpu.memref_slice %arg11[%dma_wait3A_112] : memref<128xi32, #tpu.memory_space<vmem>> -> memref<128xi32, #tpu.memory_space<vmem>>
      %dma_wait3A_114 = arith.constant 0 : i32
      %dma_wait3A_115 = arith.constant 0 : i32
      %dma_wait3A_116 = tpu.memref_slice %arg5[%dma_wait3A_114, %dma_wait3A_115] : memref<10000x128xf32, #tpu.memory_space<hbm>> -> memref<10000x128xf32, #tpu.memory_space<hbm>>
      tpu.wait_indirect_dma semaphore(%arg19 : memref<!tpu.dma_semaphore, #tpu.memory_space<semaphore_mem>>) src(%dma_wait3A_116 : memref<10000x128xf32, #tpu.memory_space<hbm>>) dst(%arg15 : memref<128x128xf32, #tpu.memory_space<vmem>>)
      "tpu.region"() ({
        %run_scoped3A = tpu.sem_alloc : memref<!tpu.dma_semaphore, #tpu.memory_space<semaphore_mem>>
        %dma_start3A_117 = arith.constant 0 : i32
        %dma_start3A_118 = tpu.memref_slice %arg6[%add3A_68, %dma_start3A_117] : memref<160000x128xf32, #tpu.memory_space<hbm>> -> memref<128x128xf32, #tpu.memory_space<hbm>>
        %dma_start3A_119 = arith.constant 0 : i32
        %dma_start3A_120 = tpu.memref_slice %arg6[%add3A_68, %dma_start3A_119] : memref<160000x128xf32, #tpu.memory_space<hbm>> -> memref<128x128xf32, #tpu.memory_space<hbm>>
        tpu.enqueue_dma source(%arg14 : memref<128x128xf32, #tpu.memory_space<vmem>>) target(%dma_start3A_120 : memref<128x128xf32, #tpu.memory_space<hbm>>) target_semaphore(%run_scoped3A : memref<!tpu.dma_semaphore, #tpu.memory_space<semaphore_mem>>)
        %dma_wait3A_121 = arith.constant 0 : i32
        %dma_wait3A_122 = tpu.memref_slice %arg6[%add3A_68, %dma_wait3A_121] : memref<160000x128xf32, #tpu.memory_space<hbm>> -> memref<128x128xf32, #tpu.memory_space<hbm>>
        %dma_wait3A_123 = arith.constant 0 : i32
        %dma_wait3A_124 = tpu.memref_slice %arg6[%add3A_68, %dma_wait3A_123] : memref<160000x128xf32, #tpu.memory_space<hbm>> -> memref<128x128xf32, #tpu.memory_space<hbm>>
        tpu.wait_dma2 semaphore(%run_scoped3A : memref<!tpu.dma_semaphore, #tpu.memory_space<semaphore_mem>>) src(%arg14 : memref<128x128xf32, #tpu.memory_space<vmem>>) dst(%dma_wait3A_124 : memref<128x128xf32, #tpu.memory_space<hbm>>)
        tpu.yield
      }) : () -> ()
      "tpu.region"() ({
        %run_scoped3A = tpu.sem_alloc : memref<!tpu.dma_semaphore, #tpu.memory_space<semaphore_mem>>
        %dma_start3A_117 = arith.constant 0 : i32
        %dma_start3A_118 = tpu.memref_slice %arg7[%add3A_68, %dma_start3A_117] : memref<160000x128xf32, #tpu.memory_space<hbm>> -> memref<128x128xf32, #tpu.memory_space<hbm>>
        %dma_start3A_119 = arith.constant 0 : i32
        %dma_start3A_120 = tpu.memref_slice %arg7[%add3A_68, %dma_start3A_119] : memref<160000x128xf32, #tpu.memory_space<hbm>> -> memref<128x128xf32, #tpu.memory_space<hbm>>
        tpu.enqueue_dma source(%arg15 : memref<128x128xf32, #tpu.memory_space<vmem>>) target(%dma_start3A_120 : memref<128x128xf32, #tpu.memory_space<hbm>>) target_semaphore(%run_scoped3A : memref<!tpu.dma_semaphore, #tpu.memory_space<semaphore_mem>>)
        %dma_wait3A_121 = arith.constant 0 : i32
        %dma_wait3A_122 = tpu.memref_slice %arg7[%add3A_68, %dma_wait3A_121] : memref<160000x128xf32, #tpu.memory_space<hbm>> -> memref<128x128xf32, #tpu.memory_space<hbm>>
        %dma_wait3A_123 = arith.constant 0 : i32
        %dma_wait3A_124 = tpu.memref_slice %arg7[%add3A_68, %dma_wait3A_123] : memref<160000x128xf32, #tpu.memory_space<hbm>> -> memref<128x128xf32, #tpu.memory_space<hbm>>
        tpu.wait_dma2 semaphore(%run_scoped3A : memref<!tpu.dma_semaphore, #tpu.memory_space<semaphore_mem>>) src(%arg15 : memref<128x128xf32, #tpu.memory_space<vmem>>) dst(%dma_wait3A_124 : memref<128x128xf32, #tpu.memory_space<hbm>>)
        tpu.yield
      }) : () -> ()
    }
    %scan3A_6 = arith.constant 19 : i32
    %add3A_7 = arith.constant 4864 : i32
    %add3A_8 = arith.addi %mul3A_2, %add3A_7 : i32
    %add3A_9 = arith.constant 160000 : i32
    %add3A_10 = arith.addi %add3A_9, %add3A_8 : i32
    "tpu.region"() ({
      %run_scoped3A = tpu.sem_alloc : memref<!tpu.dma_semaphore, #tpu.memory_space<semaphore_mem>>
      %dma_start3A_57 = arith.constant 0 : i32
      %dma_start3A_58 = tpu.memref_slice %arg8[%dma_start3A_57] : memref<128xi32, #tpu.memory_space<vmem>> -> memref<128xi32, #tpu.memory_space<vmem>>
      %dma_start3A_59 = tpu.memref_slice %arg2[%add3A_10] : memref<320000xi32, #tpu.memory_space<hbm>> -> memref<128xi32, #tpu.memory_space<hbm>>
      %dma_start3A_60 = arith.constant 0 : i32
      %dma_start3A_61 = tpu.memref_slice %arg8[%dma_start3A_60] : memref<128xi32, #tpu.memory_space<vmem>> -> memref<128xi32, #tpu.memory_space<vmem>>
      %dma_start3A_62 = tpu.memref_slice %arg2[%add3A_10] : memref<320000xi32, #tpu.memory_space<hbm>> -> memref<128xi32, #tpu.memory_space<hbm>>
      tpu.enqueue_dma source(%dma_start3A_62 : memref<128xi32, #tpu.memory_space<hbm>>) target(%dma_start3A_61 : memref<128xi32, #tpu.memory_space<vmem>>) target_semaphore(%run_scoped3A : memref<!tpu.dma_semaphore, #tpu.memory_space<semaphore_mem>>)
      %dma_wait3A_63 = arith.constant 0 : i32
      %dma_wait3A_64 = tpu.memref_slice %arg8[%dma_wait3A_63] : memref<128xi32, #tpu.memory_space<vmem>> -> memref<128xi32, #tpu.memory_space<vmem>>
      %dma_wait3A_65 = tpu.memref_slice %arg2[%add3A_10] : memref<320000xi32, #tpu.memory_space<hbm>> -> memref<128xi32, #tpu.memory_space<hbm>>
      %dma_wait3A_66 = arith.constant 0 : i32
      %dma_wait3A_67 = tpu.memref_slice %arg8[%dma_wait3A_66] : memref<128xi32, #tpu.memory_space<vmem>> -> memref<128xi32, #tpu.memory_space<vmem>>
      %dma_wait3A_68 = tpu.memref_slice %arg2[%add3A_10] : memref<320000xi32, #tpu.memory_space<hbm>> -> memref<128xi32, #tpu.memory_space<hbm>>
      tpu.wait_dma2 semaphore(%run_scoped3A : memref<!tpu.dma_semaphore, #tpu.memory_space<semaphore_mem>>) src(%dma_wait3A_68 : memref<128xi32, #tpu.memory_space<hbm>>) dst(%dma_wait3A_67 : memref<128xi32, #tpu.memory_space<vmem>>)
      tpu.yield
    }) : () -> ()
    %add3A_11 = arith.constant 160000 : i32
    %add3A_12 = arith.addi %add3A_11, %add3A_8 : i32
    "tpu.region"() ({
      %run_scoped3A = tpu.sem_alloc : memref<!tpu.dma_semaphore, #tpu.memory_space<semaphore_mem>>
      %dma_start3A_57 = arith.constant 0 : i32
      %dma_start3A_58 = tpu.memref_slice %arg9[%dma_start3A_57] : memref<128xi32, #tpu.memory_space<vmem>> -> memref<128xi32, #tpu.memory_space<vmem>>
      %dma_start3A_59 = tpu.memref_slice %arg3[%add3A_12] : memref<320000xi32, #tpu.memory_space<hbm>> -> memref<128xi32, #tpu.memory_space<hbm>>
      %dma_start3A_60 = arith.constant 0 : i32
      %dma_start3A_61 = tpu.memref_slice %arg9[%dma_start3A_60] : memref<128xi32, #tpu.memory_space<vmem>> -> memref<128xi32, #tpu.memory_space<vmem>>
      %dma_start3A_62 = tpu.memref_slice %arg3[%add3A_12] : memref<320000xi32, #tpu.memory_space<hbm>> -> memref<128xi32, #tpu.memory_space<hbm>>
      tpu.enqueue_dma source(%dma_start3A_62 : memref<128xi32, #tpu.memory_space<hbm>>) target(%dma_start3A_61 : memref<128xi32, #tpu.memory_space<vmem>>) target_semaphore(%run_scoped3A : memref<!tpu.dma_semaphore, #tpu.memory_space<semaphore_mem>>)
      %dma_wait3A_63 = arith.constant 0 : i32
      %dma_wait3A_64 = tpu.memref_slice %arg9[%dma_wait3A_63] : memref<128xi32, #tpu.memory_space<vmem>> -> memref<128xi32, #tpu.memory_space<vmem>>
      %dma_wait3A_65 = tpu.memref_slice %arg3[%add3A_12] : memref<320000xi32, #tpu.memory_space<hbm>> -> memref<128xi32, #tpu.memory_space<hbm>>
      %dma_wait3A_66 = arith.constant 0 : i32
      %dma_wait3A_67 = tpu.memref_slice %arg9[%dma_wait3A_66] : memref<128xi32, #tpu.memory_space<vmem>> -> memref<128xi32, #tpu.memory_space<vmem>>
      %dma_wait3A_68 = tpu.memref_slice %arg3[%add3A_12] : memref<320000xi32, #tpu.memory_space<hbm>> -> memref<128xi32, #tpu.memory_space<hbm>>
      tpu.wait_dma2 semaphore(%run_scoped3A : memref<!tpu.dma_semaphore, #tpu.memory_space<semaphore_mem>>) src(%dma_wait3A_68 : memref<128xi32, #tpu.memory_space<hbm>>) dst(%dma_wait3A_67 : memref<128xi32, #tpu.memory_space<vmem>>)
      tpu.yield
    }) : () -> ()
    %dma_start3A = arith.constant 0 : i32
    %dma_start3A_13 = tpu.memref_slice %arg8[%dma_start3A] : memref<128xi32, #tpu.memory_space<vmem>> -> memref<128xi32, #tpu.memory_space<vmem>>
    %dma_start3A_14 = arith.constant 0 : i32
    %dma_start3A_15 = arith.constant 0 : i32
    %dma_start3A_16 = tpu.memref_slice %arg4[%dma_start3A_14, %dma_start3A_15] : memref<10000x128xf32, #tpu.memory_space<hbm>> -> memref<10000x128xf32, #tpu.memory_space<hbm>>
    tpu.enqueue_indirect_dma source(%dma_start3A_16 : memref<10000x128xf32, #tpu.memory_space<hbm>>) target(%arg12 : memref<128x128xf32, #tpu.memory_space<vmem>>) offsets(%dma_start3A_13 : memref<128xi32, #tpu.memory_space<vmem>>) semaphore(%arg18 : memref<!tpu.dma_semaphore, #tpu.memory_space<semaphore_mem>>)
    %dma_start3A_17 = arith.constant 0 : i32
    %dma_start3A_18 = tpu.memref_slice %arg9[%dma_start3A_17] : memref<128xi32, #tpu.memory_space<vmem>> -> memref<128xi32, #tpu.memory_space<vmem>>
    %dma_start3A_19 = arith.constant 0 : i32
    %dma_start3A_20 = arith.constant 0 : i32
    %dma_start3A_21 = tpu.memref_slice %arg5[%dma_start3A_19, %dma_start3A_20] : memref<10000x128xf32, #tpu.memory_space<hbm>> -> memref<10000x128xf32, #tpu.memory_space<hbm>>
    tpu.enqueue_indirect_dma source(%dma_start3A_21 : memref<10000x128xf32, #tpu.memory_space<hbm>>) target(%arg13 : memref<128x128xf32, #tpu.memory_space<vmem>>) offsets(%dma_start3A_18 : memref<128xi32, #tpu.memory_space<vmem>>) semaphore(%arg18 : memref<!tpu.dma_semaphore, #tpu.memory_space<semaphore_mem>>)
    %dma_wait3A = arith.constant 0 : i32
    %dma_wait3A_22 = tpu.memref_slice %arg8[%dma_wait3A] : memref<128xi32, #tpu.memory_space<vmem>> -> memref<128xi32, #tpu.memory_space<vmem>>
    %dma_wait3A_23 = arith.constant 0 : i32
    %dma_wait3A_24 = arith.constant 0 : i32
    %dma_wait3A_25 = tpu.memref_slice %arg4[%dma_wait3A_23, %dma_wait3A_24] : memref<10000x128xf32, #tpu.memory_space<hbm>> -> memref<10000x128xf32, #tpu.memory_space<hbm>>
    tpu.wait_indirect_dma semaphore(%arg18 : memref<!tpu.dma_semaphore, #tpu.memory_space<semaphore_mem>>) src(%dma_wait3A_25 : memref<10000x128xf32, #tpu.memory_space<hbm>>) dst(%arg12 : memref<128x128xf32, #tpu.memory_space<vmem>>)
    %dma_wait3A_26 = arith.constant 0 : i32
    %dma_wait3A_27 = tpu.memref_slice %arg9[%dma_wait3A_26] : memref<128xi32, #tpu.memory_space<vmem>> -> memref<128xi32, #tpu.memory_space<vmem>>
    %dma_wait3A_28 = arith.constant 0 : i32
    %dma_wait3A_29 = arith.constant 0 : i32
    %dma_wait3A_30 = tpu.memref_slice %arg5[%dma_wait3A_28, %dma_wait3A_29] : memref<10000x128xf32, #tpu.memory_space<hbm>> -> memref<10000x128xf32, #tpu.memory_space<hbm>>
    tpu.wait_indirect_dma semaphore(%arg18 : memref<!tpu.dma_semaphore, #tpu.memory_space<semaphore_mem>>) src(%dma_wait3A_30 : memref<10000x128xf32, #tpu.memory_space<hbm>>) dst(%arg13 : memref<128x128xf32, #tpu.memory_space<vmem>>)
    "tpu.region"() ({
      %run_scoped3A = tpu.sem_alloc : memref<!tpu.dma_semaphore, #tpu.memory_space<semaphore_mem>>
      %dma_start3A_57 = arith.constant 0 : i32
      %dma_start3A_58 = tpu.memref_slice %arg6[%add3A_8, %dma_start3A_57] : memref<160000x128xf32, #tpu.memory_space<hbm>> -> memref<128x128xf32, #tpu.memory_space<hbm>>
      %dma_start3A_59 = arith.constant 0 : i32
      %dma_start3A_60 = tpu.memref_slice %arg6[%add3A_8, %dma_start3A_59] : memref<160000x128xf32, #tpu.memory_space<hbm>> -> memref<128x128xf32, #tpu.memory_space<hbm>>
      tpu.enqueue_dma source(%arg12 : memref<128x128xf32, #tpu.memory_space<vmem>>) target(%dma_start3A_60 : memref<128x128xf32, #tpu.memory_space<hbm>>) target_semaphore(%run_scoped3A : memref<!tpu.dma_semaphore, #tpu.memory_space<semaphore_mem>>)
      %dma_wait3A_61 = arith.constant 0 : i32
      %dma_wait3A_62 = tpu.memref_slice %arg6[%add3A_8, %dma_wait3A_61] : memref<160000x128xf32, #tpu.memory_space<hbm>> -> memref<128x128xf32, #tpu.memory_space<hbm>>
      %dma_wait3A_63 = arith.constant 0 : i32
      %dma_wait3A_64 = tpu.memref_slice %arg6[%add3A_8, %dma_wait3A_63] : memref<160000x128xf32, #tpu.memory_space<hbm>> -> memref<128x128xf32, #tpu.memory_space<hbm>>
      tpu.wait_dma2 semaphore(%run_scoped3A : memref<!tpu.dma_semaphore, #tpu.memory_space<semaphore_mem>>) src(%arg12 : memref<128x128xf32, #tpu.memory_space<vmem>>) dst(%dma_wait3A_64 : memref<128x128xf32, #tpu.memory_space<hbm>>)
      tpu.yield
    }) : () -> ()
    "tpu.region"() ({
      %run_scoped3A = tpu.sem_alloc : memref<!tpu.dma_semaphore, #tpu.memory_space<semaphore_mem>>
      %dma_start3A_57 = arith.constant 0 : i32
      %dma_start3A_58 = tpu.memref_slice %arg7[%add3A_8, %dma_start3A_57] : memref<160000x128xf32, #tpu.memory_space<hbm>> -> memref<128x128xf32, #tpu.memory_space<hbm>>
      %dma_start3A_59 = arith.constant 0 : i32
      %dma_start3A_60 = tpu.memref_slice %arg7[%add3A_8, %dma_start3A_59] : memref<160000x128xf32, #tpu.memory_space<hbm>> -> memref<128x128xf32, #tpu.memory_space<hbm>>
      tpu.enqueue_dma source(%arg13 : memref<128x128xf32, #tpu.memory_space<vmem>>) target(%dma_start3A_60 : memref<128x128xf32, #tpu.memory_space<hbm>>) target_semaphore(%run_scoped3A : memref<!tpu.dma_semaphore, #tpu.memory_space<semaphore_mem>>)
      %dma_wait3A_61 = arith.constant 0 : i32
      %dma_wait3A_62 = tpu.memref_slice %arg7[%add3A_8, %dma_wait3A_61] : memref<160000x128xf32, #tpu.memory_space<hbm>> -> memref<128x128xf32, #tpu.memory_space<hbm>>
      %dma_wait3A_63 = arith.constant 0 : i32
      %dma_wait3A_64 = tpu.memref_slice %arg7[%add3A_8, %dma_wait3A_63] : memref<160000x128xf32, #tpu.memory_space<hbm>> -> memref<128x128xf32, #tpu.memory_space<hbm>>
      tpu.wait_dma2 semaphore(%run_scoped3A : memref<!tpu.dma_semaphore, #tpu.memory_space<semaphore_mem>>) src(%arg13 : memref<128x128xf32, #tpu.memory_space<vmem>>) dst(%dma_wait3A_64 : memref<128x128xf32, #tpu.memory_space<hbm>>)
      tpu.yield
    }) : () -> ()
    %add3A_31 = arith.constant 4992 : i32
    %add3A_32 = arith.addi %mul3A_2, %add3A_31 : i32
    %add3A_33 = arith.constant 160000 : i32
    %add3A_34 = arith.addi %add3A_33, %add3A_32 : i32
    "tpu.region"() ({
      %run_scoped3A = tpu.sem_alloc : memref<!tpu.dma_semaphore, #tpu.memory_space<semaphore_mem>>
      %dma_start3A_57 = arith.constant 0 : i32
      %dma_start3A_58 = tpu.memref_slice %arg10[%dma_start3A_57] : memref<128xi32, #tpu.memory_space<vmem>> -> memref<8xi32, #tpu.memory_space<vmem>>
      %dma_start3A_59 = tpu.memref_slice %arg2[%add3A_34] : memref<320000xi32, #tpu.memory_space<hbm>> -> memref<8xi32, #tpu.memory_space<hbm>>
      %dma_start3A_60 = arith.constant 0 : i32
      %dma_start3A_61 = tpu.memref_slice %arg10[%dma_start3A_60] : memref<128xi32, #tpu.memory_space<vmem>> -> memref<8xi32, #tpu.memory_space<vmem>>
      %dma_start3A_62 = tpu.memref_slice %arg2[%add3A_34] : memref<320000xi32, #tpu.memory_space<hbm>> -> memref<8xi32, #tpu.memory_space<hbm>>
      tpu.enqueue_dma source(%dma_start3A_62 : memref<8xi32, #tpu.memory_space<hbm>>) target(%dma_start3A_61 : memref<8xi32, #tpu.memory_space<vmem>>) target_semaphore(%run_scoped3A : memref<!tpu.dma_semaphore, #tpu.memory_space<semaphore_mem>>)
      %dma_wait3A_63 = arith.constant 0 : i32
      %dma_wait3A_64 = tpu.memref_slice %arg10[%dma_wait3A_63] : memref<128xi32, #tpu.memory_space<vmem>> -> memref<8xi32, #tpu.memory_space<vmem>>
      %dma_wait3A_65 = tpu.memref_slice %arg2[%add3A_34] : memref<320000xi32, #tpu.memory_space<hbm>> -> memref<8xi32, #tpu.memory_space<hbm>>
      %dma_wait3A_66 = arith.constant 0 : i32
      %dma_wait3A_67 = tpu.memref_slice %arg10[%dma_wait3A_66] : memref<128xi32, #tpu.memory_space<vmem>> -> memref<8xi32, #tpu.memory_space<vmem>>
      %dma_wait3A_68 = tpu.memref_slice %arg2[%add3A_34] : memref<320000xi32, #tpu.memory_space<hbm>> -> memref<8xi32, #tpu.memory_space<hbm>>
      tpu.wait_dma2 semaphore(%run_scoped3A : memref<!tpu.dma_semaphore, #tpu.memory_space<semaphore_mem>>) src(%dma_wait3A_68 : memref<8xi32, #tpu.memory_space<hbm>>) dst(%dma_wait3A_67 : memref<8xi32, #tpu.memory_space<vmem>>)
      tpu.yield
    }) : () -> ()
    %add3A_35 = arith.constant 160000 : i32
    %add3A_36 = arith.addi %add3A_35, %add3A_32 : i32
    "tpu.region"() ({
      %run_scoped3A = tpu.sem_alloc : memref<!tpu.dma_semaphore, #tpu.memory_space<semaphore_mem>>
      %dma_start3A_57 = arith.constant 0 : i32
      %dma_start3A_58 = tpu.memref_slice %arg11[%dma_start3A_57] : memref<128xi32, #tpu.memory_space<vmem>> -> memref<8xi32, #tpu.memory_space<vmem>>
      %dma_start3A_59 = tpu.memref_slice %arg3[%add3A_36] : memref<320000xi32, #tpu.memory_space<hbm>> -> memref<8xi32, #tpu.memory_space<hbm>>
      %dma_start3A_60 = arith.constant 0 : i32
      %dma_start3A_61 = tpu.memref_slice %arg11[%dma_start3A_60] : memref<128xi32, #tpu.memory_space<vmem>> -> memref<8xi32, #tpu.memory_space<vmem>>
      %dma_start3A_62 = tpu.memref_slice %arg3[%add3A_36] : memref<320000xi32, #tpu.memory_space<hbm>> -> memref<8xi32, #tpu.memory_space<hbm>>
      tpu.enqueue_dma source(%dma_start3A_62 : memref<8xi32, #tpu.memory_space<hbm>>) target(%dma_start3A_61 : memref<8xi32, #tpu.memory_space<vmem>>) target_semaphore(%run_scoped3A : memref<!tpu.dma_semaphore, #tpu.memory_space<semaphore_mem>>)
      %dma_wait3A_63 = arith.constant 0 : i32
      %dma_wait3A_64 = tpu.memref_slice %arg11[%dma_wait3A_63] : memref<128xi32, #tpu.memory_space<vmem>> -> memref<8xi32, #tpu.memory_space<vmem>>
      %dma_wait3A_65 = tpu.memref_slice %arg3[%add3A_36] : memref<320000xi32, #tpu.memory_space<hbm>> -> memref<8xi32, #tpu.memory_space<hbm>>
      %dma_wait3A_66 = arith.constant 0 : i32
      %dma_wait3A_67 = tpu.memref_slice %arg11[%dma_wait3A_66] : memref<128xi32, #tpu.memory_space<vmem>> -> memref<8xi32, #tpu.memory_space<vmem>>
      %dma_wait3A_68 = tpu.memref_slice %arg3[%add3A_36] : memref<320000xi32, #tpu.memory_space<hbm>> -> memref<8xi32, #tpu.memory_space<hbm>>
      tpu.wait_dma2 semaphore(%run_scoped3A : memref<!tpu.dma_semaphore, #tpu.memory_space<semaphore_mem>>) src(%dma_wait3A_68 : memref<8xi32, #tpu.memory_space<hbm>>) dst(%dma_wait3A_67 : memref<8xi32, #tpu.memory_space<vmem>>)
      tpu.yield
    }) : () -> ()
    %dma_start3A_37 = arith.constant 0 : i32
    %dma_start3A_38 = tpu.memref_slice %arg10[%dma_start3A_37] : memref<128xi32, #tpu.memory_space<vmem>> -> memref<8xi32, #tpu.memory_space<vmem>>
    %dma_start3A_39 = arith.constant 0 : i32
    %dma_start3A_40 = arith.constant 0 : i32
    %dma_start3A_41 = tpu.memref_slice %arg4[%dma_start3A_39, %dma_start3A_40] : memref<10000x128xf32, #tpu.memory_space<hbm>> -> memref<10000x128xf32, #tpu.memory_space<hbm>>
    tpu.enqueue_indirect_dma source(%dma_start3A_41 : memref<10000x128xf32, #tpu.memory_space<hbm>>) target(%arg16 : memref<8x128xf32, #tpu.memory_space<vmem>>) offsets(%dma_start3A_38 : memref<8xi32, #tpu.memory_space<vmem>>) semaphore(%arg19 : memref<!tpu.dma_semaphore, #tpu.memory_space<semaphore_mem>>)
    %dma_start3A_42 = arith.constant 0 : i32
    %dma_start3A_43 = tpu.memref_slice %arg11[%dma_start3A_42] : memref<128xi32, #tpu.memory_space<vmem>> -> memref<8xi32, #tpu.memory_space<vmem>>
    %dma_start3A_44 = arith.constant 0 : i32
    %dma_start3A_45 = arith.constant 0 : i32
    %dma_start3A_46 = tpu.memref_slice %arg5[%dma_start3A_44, %dma_start3A_45] : memref<10000x128xf32, #tpu.memory_space<hbm>> -> memref<10000x128xf32, #tpu.memory_space<hbm>>
    tpu.enqueue_indirect_dma source(%dma_start3A_46 : memref<10000x128xf32, #tpu.memory_space<hbm>>) target(%arg17 : memref<8x128xf32, #tpu.memory_space<vmem>>) offsets(%dma_start3A_43 : memref<8xi32, #tpu.memory_space<vmem>>) semaphore(%arg19 : memref<!tpu.dma_semaphore, #tpu.memory_space<semaphore_mem>>)
    %dma_wait3A_47 = arith.constant 0 : i32
    %dma_wait3A_48 = tpu.memref_slice %arg10[%dma_wait3A_47] : memref<128xi32, #tpu.memory_space<vmem>> -> memref<8xi32, #tpu.memory_space<vmem>>
    %dma_wait3A_49 = arith.constant 0 : i32
    %dma_wait3A_50 = arith.constant 0 : i32
    %dma_wait3A_51 = tpu.memref_slice %arg4[%dma_wait3A_49, %dma_wait3A_50] : memref<10000x128xf32, #tpu.memory_space<hbm>> -> memref<10000x128xf32, #tpu.memory_space<hbm>>
    tpu.wait_indirect_dma semaphore(%arg19 : memref<!tpu.dma_semaphore, #tpu.memory_space<semaphore_mem>>) src(%dma_wait3A_51 : memref<10000x128xf32, #tpu.memory_space<hbm>>) dst(%arg16 : memref<8x128xf32, #tpu.memory_space<vmem>>)
    %dma_wait3A_52 = arith.constant 0 : i32
    %dma_wait3A_53 = tpu.memref_slice %arg11[%dma_wait3A_52] : memref<128xi32, #tpu.memory_space<vmem>> -> memref<8xi32, #tpu.memory_space<vmem>>
    %dma_wait3A_54 = arith.constant 0 : i32
    %dma_wait3A_55 = arith.constant 0 : i32
    %dma_wait3A_56 = tpu.memref_slice %arg5[%dma_wait3A_54, %dma_wait3A_55] : memref<10000x128xf32, #tpu.memory_space<hbm>> -> memref<10000x128xf32, #tpu.memory_space<hbm>>
    tpu.wait_indirect_dma semaphore(%arg19 : memref<!tpu.dma_semaphore, #tpu.memory_space<semaphore_mem>>) src(%dma_wait3A_56 : memref<10000x128xf32, #tpu.memory_space<hbm>>) dst(%arg17 : memref<8x128xf32, #tpu.memory_space<vmem>>)
    "tpu.region"() ({
      %run_scoped3A = tpu.sem_alloc : memref<!tpu.dma_semaphore, #tpu.memory_space<semaphore_mem>>
      %dma_start3A_57 = arith.constant 0 : i32
      %dma_start3A_58 = tpu.memref_slice %arg6[%add3A_32, %dma_start3A_57] : memref<160000x128xf32, #tpu.memory_space<hbm>> -> memref<8x128xf32, #tpu.memory_space<hbm>>
      %dma_start3A_59 = arith.constant 0 : i32
      %dma_start3A_60 = tpu.memref_slice %arg6[%add3A_32, %dma_start3A_59] : memref<160000x128xf32, #tpu.memory_space<hbm>> -> memref<8x128xf32, #tpu.memory_space<hbm>>
      tpu.enqueue_dma source(%arg16 : memref<8x128xf32, #tpu.memory_space<vmem>>) target(%dma_start3A_60 : memref<8x128xf32, #tpu.memory_space<hbm>>) target_semaphore(%run_scoped3A : memref<!tpu.dma_semaphore, #tpu.memory_space<semaphore_mem>>)
      %dma_wait3A_61 = arith.constant 0 : i32
      %dma_wait3A_62 = tpu.memref_slice %arg6[%add3A_32, %dma_wait3A_61] : memref<160000x128xf32, #tpu.memory_space<hbm>> -> memref<8x128xf32, #tpu.memory_space<hbm>>
      %dma_wait3A_63 = arith.constant 0 : i32
      %dma_wait3A_64 = tpu.memref_slice %arg6[%add3A_32, %dma_wait3A_63] : memref<160000x128xf32, #tpu.memory_space<hbm>> -> memref<8x128xf32, #tpu.memory_space<hbm>>
      tpu.wait_dma2 semaphore(%run_scoped3A : memref<!tpu.dma_semaphore, #tpu.memory_space<semaphore_mem>>) src(%arg16 : memref<8x128xf32, #tpu.memory_space<vmem>>) dst(%dma_wait3A_64 : memref<8x128xf32, #tpu.memory_space<hbm>>)
      tpu.yield
    }) : () -> ()
    "tpu.region"() ({
      %run_scoped3A = tpu.sem_alloc : memref<!tpu.dma_semaphore, #tpu.memory_space<semaphore_mem>>
      %dma_start3A_57 = arith.constant 0 : i32
      %dma_start3A_58 = tpu.memref_slice %arg7[%add3A_32, %dma_start3A_57] : memref<160000x128xf32, #tpu.memory_space<hbm>> -> memref<8x128xf32, #tpu.memory_space<hbm>>
      %dma_start3A_59 = arith.constant 0 : i32
      %dma_start3A_60 = tpu.memref_slice %arg7[%add3A_32, %dma_start3A_59] : memref<160000x128xf32, #tpu.memory_space<hbm>> -> memref<8x128xf32, #tpu.memory_space<hbm>>
      tpu.enqueue_dma source(%arg17 : memref<8x128xf32, #tpu.memory_space<vmem>>) target(%dma_start3A_60 : memref<8x128xf32, #tpu.memory_space<hbm>>) target_semaphore(%run_scoped3A : memref<!tpu.dma_semaphore, #tpu.memory_space<semaphore_mem>>)
      %dma_wait3A_61 = arith.constant 0 : i32
      %dma_wait3A_62 = tpu.memref_slice %arg7[%add3A_32, %dma_wait3A_61] : memref<160000x128xf32, #tpu.memory_space<hbm>> -> memref<8x128xf32, #tpu.memory_space<hbm>>
      %dma_wait3A_63 = arith.constant 0 : i32
      %dma_wait3A_64 = tpu.memref_slice %arg7[%add3A_32, %dma_wait3A_63] : memref<160000x128xf32, #tpu.memory_space<hbm>> -> memref<8x128xf32, #tpu.memory_space<hbm>>
      tpu.wait_dma2 semaphore(%run_scoped3A : memref<!tpu.dma_semaphore, #tpu.memory_space<semaphore_mem>>) src(%arg17 : memref<8x128xf32, #tpu.memory_space<vmem>>) dst(%dma_wait3A_64 : memref<8x128xf32, #tpu.memory_space<hbm>>)
      tpu.yield
    }) : () -> ()
    return
  }
}

module attributes {stable_mosaic.version = 14 : i64} {
  func.func @_epass1_body(%arg0: i32, %arg1: memref<3200x128xf32, #tpu.memory_space<vmem>>, %arg2: memref<3200x128xf32, #tpu.memory_space<vmem>>, %arg3: memref<3200x128xf32, #tpu.memory_space<vmem>>, %arg4: memref<128x128xf32, #tpu.memory_space<vmem>>, %arg5: memref<128x128xf32, #tpu.memory_space<vmem>>, %arg6: memref<1x128xf32, #tpu.memory_space<vmem>>, %arg7: memref<3200x128xf32, #tpu.memory_space<vmem>>, %arg8: memref<3200x128xf32, #tpu.memory_space<vmem>>, %arg9: memref<3200x128xbf16, #tpu.memory_space<vmem>>, %arg10: memref<8x128xf32, #tpu.memory_space<vmem>>) attributes {dimension_semantics = [#tpu.dimension_semantics<arbitrary>], iteration_bounds = array<i64: 50>, scalar_prefetch = 0 : i64, scratch_operands = 0 : i64, tpu.core_type = #tpu.core_type<tc>, window_params = [{transform_indices = @transform_0, window_bounds = array<i64: 3200, 128>}, {transform_indices = @transform_1, window_bounds = array<i64: 3200, 128>}, {transform_indices = @transform_2, window_bounds = array<i64: 3200, 128>}, {pipeline_mode = #tpu.pipeline_mode<synchronous>, transform_indices = @transform_3, window_bounds = array<i64: 128, 128>}, {pipeline_mode = #tpu.pipeline_mode<synchronous>, transform_indices = @transform_4, window_bounds = array<i64: 128, 128>}, {pipeline_mode = #tpu.pipeline_mode<synchronous>, transform_indices = @transform_5, window_bounds = array<i64: 1, 128>}, {transform_indices = @transform_6, window_bounds = array<i64: 3200, 128>}, {transform_indices = @transform_7, window_bounds = array<i64: 3200, 128>}, {transform_indices = @transform_8, window_bounds = array<i64: 3200, 128>}, {pipeline_mode = #tpu.pipeline_mode<synchronous>, transform_indices = @transform_9, window_bounds = array<i64: 8, 128>}]} {
    %get3A = arith.constant 0 : index
    %get3A_0 = arith.constant 0 : index
    %get3A_1 = vector.load %arg1[%get3A, %get3A_0] : memref<3200x128xf32, #tpu.memory_space<vmem>>, vector<3200x128xf32>
    %convert_element_type3A = arith.truncf %get3A_1 : vector<3200x128xf32> to vector<3200x128xbf16>
    %get3A_2 = arith.constant 0 : index
    %get3A_3 = arith.constant 0 : index
    %get3A_4 = vector.load %arg4[%get3A_2, %get3A_3] : memref<128x128xf32, #tpu.memory_space<vmem>>, vector<128x128xf32>
    %convert_element_type3A_5 = arith.truncf %get3A_4 : vector<128x128xf32> to vector<128x128xbf16>
    %dot_general3A = arith.constant dense<0.000000e+00> : vector<3200x128xf32>
    %dot_general3A_6 = tpu.matmul %convert_element_type3A, %convert_element_type3A_5, %dot_general3A {dimension_numbers = #tpu.dot_dimension_numbers<[1], [0], [0], [1], [0, 0, 1, 1], [], []>, transpose_lhs_hint = false} : vector<3200x128xbf16>, vector<128x128xbf16>, vector<3200x128xf32> -> vector<3200x128xf32>
    %get3A_7 = arith.constant 0 : index
    %get3A_8 = arith.constant 0 : index
    %get3A_9 = vector.load %arg2[%get3A_7, %get3A_8] : memref<3200x128xf32, #tpu.memory_space<vmem>>, vector<3200x128xf32>
    %bitcast_convert_type3A = tpu.bitcast %get3A_9 : vector<3200x128xf32> -> vector<3200x128xi32>
    %shift_left3A = arith.constant 16 : i32
    %shift_left3A_10 = vector.broadcast %shift_left3A : i32 to vector<3200x128xi32>
    %shift_left3A_11 = arith.shli %bitcast_convert_type3A, %shift_left3A_10 : vector<3200x128xi32>
    %bitcast_convert_type3A_12 = tpu.bitcast %shift_left3A_11 : vector<3200x128xi32> -> vector<3200x128xf32>
    %and3A = arith.constant -65536 : i32
    %and3A_13 = vector.broadcast %and3A : i32 to vector<3200x128xi32>
    %and3A_14 = arith.andi %bitcast_convert_type3A, %and3A_13 : vector<3200x128xi32>
    %bitcast_convert_type3A_15 = tpu.bitcast %and3A_14 : vector<3200x128xi32> -> vector<3200x128xf32>
    %get3A_16 = arith.constant 0 : index
    %get3A_17 = arith.constant 0 : index
    %get3A_18 = vector.load %arg3[%get3A_16, %get3A_17] : memref<3200x128xf32, #tpu.memory_space<vmem>>, vector<3200x128xf32>
    %slice3A = vector.extract_strided_slice %bitcast_convert_type3A_12 {offsets = [0, 0], sizes = [3200, 64], strides = [1, 1]} : vector<3200x128xf32> to vector<3200x64xf32>
    %slice3A_19 = vector.extract_strided_slice %get3A_18 {offsets = [0, 0], sizes = [3200, 64], strides = [1, 1]} : vector<3200x128xf32> to vector<3200x64xf32>
    %mul3A = arith.mulf %slice3A, %slice3A_19 : vector<3200x64xf32>
    %convert_element_type3A_20 = arith.truncf %mul3A : vector<3200x64xf32> to vector<3200x64xbf16>
    %slice3A_21 = vector.extract_strided_slice %bitcast_convert_type3A_15 {offsets = [0, 0], sizes = [3200, 64], strides = [1, 1]} : vector<3200x128xf32> to vector<3200x64xf32>
    %slice3A_22 = vector.extract_strided_slice %get3A_18 {offsets = [0, 64], sizes = [3200, 64], strides = [1, 1]} : vector<3200x128xf32> to vector<3200x64xf32>
    %mul3A_23 = arith.mulf %slice3A_21, %slice3A_22 : vector<3200x64xf32>
    %convert_element_type3A_24 = arith.truncf %mul3A_23 : vector<3200x64xf32> to vector<3200x64xbf16>
    %iota3A = tpu.iota {dimensions = array<i32: 0>} : vector<64x128xi32>
    %jit3A = arith.constant 16 : i32
    %div3A = vector.broadcast %jit3A : i32 to vector<64x128xi32>
    %div3A_25 = arith.divsi %iota3A, %div3A : vector<64x128xi32>
    %sign3A = arith.constant 0 : i32
    %sign3A_26 = vector.broadcast %sign3A : i32 to vector<64x128xi32>
    %sign3A_27 = arith.cmpi sgt, %iota3A, %sign3A_26 : vector<64x128xi32>
    %sign3A_28 = arith.extui %sign3A_27 : vector<64x128xi1> to vector<64x128xi32>
    %sign3A_29 = arith.constant 0 : i32
    %sign3A_30 = vector.broadcast %sign3A_29 : i32 to vector<64x128xi32>
    %sign3A_31 = arith.cmpi slt, %iota3A, %sign3A_30 : vector<64x128xi32>
    %sign3A_32 = arith.extui %sign3A_31 : vector<64x128xi1> to vector<64x128xi32>
    %sign3A_33 = arith.subi %sign3A_28, %sign3A_32 : vector<64x128xi32>
    %sign3A_34 = arith.constant 0 : i32
    %sign3A_35 = arith.cmpi sgt, %jit3A, %sign3A_34 : i32
    %sign3A_36 = arith.extui %sign3A_35 : i1 to i32
    %sign3A_37 = arith.constant 0 : i32
    %sign3A_38 = arith.cmpi slt, %jit3A, %sign3A_37 : i32
    %sign3A_39 = arith.extui %sign3A_38 : i1 to i32
    %sign3A_40 = arith.subi %sign3A_36, %sign3A_39 : i32
    %ne3A = vector.broadcast %sign3A_40 : i32 to vector<64x128xi32>
    %ne3A_41 = arith.cmpi ne, %sign3A_33, %ne3A : vector<64x128xi32>
    %rem3A = vector.broadcast %jit3A : i32 to vector<64x128xi32>
    %rem3A_42 = arith.remsi %iota3A, %rem3A : vector<64x128xi32>
    %ne3A_43 = arith.constant 0 : i32
    %ne3A_44 = vector.broadcast %ne3A_43 : i32 to vector<64x128xi32>
    %ne3A_45 = arith.cmpi ne, %rem3A_42, %ne3A_44 : vector<64x128xi32>
    %and3A_46 = arith.andi %ne3A_41, %ne3A_45 : vector<64x128xi1>
    %sub3A = arith.constant 1 : i32
    %sub3A_47 = vector.broadcast %sub3A : i32 to vector<64x128xi32>
    %sub3A_48 = arith.subi %div3A_25, %sub3A_47 : vector<64x128xi32>
    %select_n3A = arith.select %and3A_46, %sub3A_48, %div3A_25 : vector<64x128xi1>, vector<64x128xi32>
    %iota3A_49 = tpu.iota {dimensions = array<i32: 1>} : vector<64x128xi32>
    %jit3A_50 = arith.constant 16 : i32
    %div3A_51 = vector.broadcast %jit3A_50 : i32 to vector<64x128xi32>
    %div3A_52 = arith.divsi %iota3A_49, %div3A_51 : vector<64x128xi32>
    %sign3A_53 = arith.constant 0 : i32
    %sign3A_54 = vector.broadcast %sign3A_53 : i32 to vector<64x128xi32>
    %sign3A_55 = arith.cmpi sgt, %iota3A_49, %sign3A_54 : vector<64x128xi32>
    %sign3A_56 = arith.extui %sign3A_55 : vector<64x128xi1> to vector<64x128xi32>
    %sign3A_57 = arith.constant 0 : i32
    %sign3A_58 = vector.broadcast %sign3A_57 : i32 to vector<64x128xi32>
    %sign3A_59 = arith.cmpi slt, %iota3A_49, %sign3A_58 : vector<64x128xi32>
    %sign3A_60 = arith.extui %sign3A_59 : vector<64x128xi1> to vector<64x128xi32>
    %sign3A_61 = arith.subi %sign3A_56, %sign3A_60 : vector<64x128xi32>
    %sign3A_62 = arith.constant 0 : i32
    %sign3A_63 = arith.cmpi sgt, %jit3A_50, %sign3A_62 : i32
    %sign3A_64 = arith.extui %sign3A_63 : i1 to i32
    %sign3A_65 = arith.constant 0 : i32
    %sign3A_66 = arith.cmpi slt, %jit3A_50, %sign3A_65 : i32
    %sign3A_67 = arith.extui %sign3A_66 : i1 to i32
    %sign3A_68 = arith.subi %sign3A_64, %sign3A_67 : i32
    %ne3A_69 = vector.broadcast %sign3A_68 : i32 to vector<64x128xi32>
    %ne3A_70 = arith.cmpi ne, %sign3A_61, %ne3A_69 : vector<64x128xi32>
    %rem3A_71 = vector.broadcast %jit3A_50 : i32 to vector<64x128xi32>
    %rem3A_72 = arith.remsi %iota3A_49, %rem3A_71 : vector<64x128xi32>
    %ne3A_73 = arith.constant 0 : i32
    %ne3A_74 = vector.broadcast %ne3A_73 : i32 to vector<64x128xi32>
    %ne3A_75 = arith.cmpi ne, %rem3A_72, %ne3A_74 : vector<64x128xi32>
    %and3A_76 = arith.andi %ne3A_70, %ne3A_75 : vector<64x128xi1>
    %sub3A_77 = arith.constant 1 : i32
    %sub3A_78 = vector.broadcast %sub3A_77 : i32 to vector<64x128xi32>
    %sub3A_79 = arith.subi %div3A_52, %sub3A_78 : vector<64x128xi32>
    %select_n3A_80 = arith.select %and3A_76, %sub3A_79, %div3A_52 : vector<64x128xi1>, vector<64x128xi32>
    %eq3A = arith.cmpi eq, %select_n3A, %select_n3A_80 : vector<64x128xi32>
    %jit3A_81 = arith.constant 1.000000e+00 : f32
    %jit3A_82 = arith.constant 0.000000e+00 : f32
    %broadcast_in_dim3A = vector.broadcast %jit3A_81 : f32 to vector<64x128xf32>
    %broadcast_in_dim3A_83 = vector.broadcast %jit3A_82 : f32 to vector<64x128xf32>
    %select_n3A_84 = arith.select %eq3A, %broadcast_in_dim3A, %broadcast_in_dim3A_83 : vector<64x128xi1>, vector<64x128xf32>
    %convert_element_type3A_85 = arith.truncf %select_n3A_84 : vector<64x128xf32> to vector<64x128xbf16>
    %add3A = arith.constant 4 : i32
    %add3A_86 = vector.broadcast %add3A : i32 to vector<64x128xi32>
    %add3A_87 = arith.addi %select_n3A, %add3A_86 : vector<64x128xi32>
    %eq3A_88 = arith.cmpi eq, %add3A_87, %select_n3A_80 : vector<64x128xi32>
    %jit3A_89 = arith.constant 1.000000e+00 : f32
    %jit3A_90 = arith.constant 0.000000e+00 : f32
    %broadcast_in_dim3A_91 = vector.broadcast %jit3A_89 : f32 to vector<64x128xf32>
    %broadcast_in_dim3A_92 = vector.broadcast %jit3A_90 : f32 to vector<64x128xf32>
    %select_n3A_93 = arith.select %eq3A_88, %broadcast_in_dim3A_91, %broadcast_in_dim3A_92 : vector<64x128xi1>, vector<64x128xf32>
    %convert_element_type3A_94 = arith.truncf %select_n3A_93 : vector<64x128xf32> to vector<64x128xbf16>
    %dot_general3A_95 = arith.constant dense<0.000000e+00> : vector<3200x128xf32>
    %dot_general3A_96 = tpu.matmul %convert_element_type3A_20, %convert_element_type3A_85, %dot_general3A_95 {dimension_numbers = #tpu.dot_dimension_numbers<[1], [0], [0], [1], [0, 0, 1, 1], [], []>, transpose_lhs_hint = false} : vector<3200x64xbf16>, vector<64x128xbf16>, vector<3200x128xf32> -> vector<3200x128xf32>
    %dot_general3A_97 = arith.constant dense<0.000000e+00> : vector<3200x128xf32>
    %dot_general3A_98 = tpu.matmul %convert_element_type3A_24, %convert_element_type3A_94, %dot_general3A_97 {dimension_numbers = #tpu.dot_dimension_numbers<[1], [0], [0], [1], [0, 0, 1, 1], [], []>, transpose_lhs_hint = false} : vector<3200x64xbf16>, vector<64x128xbf16>, vector<3200x128xf32> -> vector<3200x128xf32>
    %add3A_99 = arith.addf %dot_general3A_96, %dot_general3A_98 : vector<3200x128xf32>
    %mul3A_100 = arith.constant 2.500000e-01 : f32
    %mul3A_101 = vector.broadcast %mul3A_100 : f32 to vector<3200x128xf32>
    %mul3A_102 = arith.mulf %add3A_99, %mul3A_101 : vector<3200x128xf32>
    %add3A_103 = arith.addf %mul3A_102, %dot_general3A_6 : vector<3200x128xf32>
    %exp3A = math.exp %add3A_103 : vector<3200x128xf32>
    %swap3A = arith.constant 0 : index
    %swap3A_104 = arith.constant 0 : index
    %swap3A_105 = vector.load %arg7[%swap3A, %swap3A_104] : memref<3200x128xf32, #tpu.memory_space<vmem>>, vector<3200x128xf32>
    tpu.vector_store %arg7[%swap3A, %swap3A_104], %exp3A {strides = array<i32>} : memref<3200x128xf32, #tpu.memory_space<vmem>>, vector<3200x128xf32>,
    %slice3A_106 = vector.extract_strided_slice %bitcast_convert_type3A_12 {offsets = [0, 64], sizes = [3200, 64], strides = [1, 1]} : vector<3200x128xf32> to vector<3200x64xf32>
    %slice3A_107 = vector.extract_strided_slice %exp3A {offsets = [0, 0], sizes = [3200, 64], strides = [1, 1]} : vector<3200x128xf32> to vector<3200x64xf32>
    %mul3A_108 = arith.mulf %slice3A_106, %slice3A_107 : vector<3200x64xf32>
    %slice3A_109 = vector.extract_strided_slice %bitcast_convert_type3A_15 {offsets = [0, 64], sizes = [3200, 64], strides = [1, 1]} : vector<3200x128xf32> to vector<3200x64xf32>
    %slice3A_110 = vector.extract_strided_slice %exp3A {offsets = [0, 64], sizes = [3200, 64], strides = [1, 1]} : vector<3200x128xf32> to vector<3200x64xf32>
    %mul3A_111 = arith.mulf %slice3A_109, %slice3A_110 : vector<3200x64xf32>
    %concatenate3A = tpu.concatenate %mul3A_108, %mul3A_111 in 1 : vector<3200x64xf32>, vector<3200x64xf32> -> vector<3200x128xf32>
    %swap3A_112 = arith.constant 0 : index
    %swap3A_113 = arith.constant 0 : index
    %swap3A_114 = vector.load %arg8[%swap3A_112, %swap3A_113] : memref<3200x128xf32, #tpu.memory_space<vmem>>, vector<3200x128xf32>
    tpu.vector_store %arg8[%swap3A_112, %swap3A_113], %concatenate3A {strides = array<i32>} : memref<3200x128xf32, #tpu.memory_space<vmem>>, vector<3200x128xf32>,
    %convert_element_type3A_115 = arith.truncf %add3A_103 : vector<3200x128xf32> to vector<3200x128xbf16>
    %get3A_116 = arith.constant 0 : index
    %get3A_117 = arith.constant 0 : index
    %get3A_118 = vector.load %arg5[%get3A_116, %get3A_117] : memref<128x128xf32, #tpu.memory_space<vmem>>, vector<128x128xf32>
    %convert_element_type3A_119 = arith.truncf %get3A_118 : vector<128x128xf32> to vector<128x128xbf16>
    %dot_general3A_120 = arith.constant dense<0.000000e+00> : vector<3200x128xf32>
    %dot_general3A_121 = tpu.matmul %convert_element_type3A_115, %convert_element_type3A_119, %dot_general3A_120 {dimension_numbers = #tpu.dot_dimension_numbers<[1], [0], [0], [1], [0, 0, 1, 1], [], []>, transpose_lhs_hint = false} : vector<3200x128xbf16>, vector<128x128xbf16>, vector<3200x128xf32> -> vector<3200x128xf32>
    %add3A_122 = arith.addf %get3A_1, %dot_general3A_121 : vector<3200x128xf32>
    %get3A_123 = arith.constant 0 : index
    %get3A_124 = arith.constant 0 : index
    %get3A_125 = vector.load %arg6[%get3A_123, %get3A_124] : memref<1x128xf32, #tpu.memory_space<vmem>>, vector<1x128xf32>
    %add3A_126 = vector.broadcast %get3A_125 : vector<1x128xf32> to vector<3200x128xf32>
    %add3A_127 = arith.addf %add3A_122, %add3A_126 : vector<3200x128xf32>
    %convert_element_type3A_128 = arith.truncf %add3A_127 : vector<3200x128xf32> to vector<3200x128xbf16>
    %swap3A_129 = arith.constant 0 : index
    %swap3A_130 = arith.constant 0 : index
    %swap3A_131 = vector.load %arg9[%swap3A_129, %swap3A_130] : memref<3200x128xbf16, #tpu.memory_space<vmem>>, vector<3200x128xbf16>
    tpu.vector_store %arg9[%swap3A_129, %swap3A_130], %convert_element_type3A_128 {strides = array<i32>} : memref<3200x128xbf16, #tpu.memory_space<vmem>>, vector<3200x128xbf16>,
    %reduce_sum3A = arith.constant dense<0.000000e+00> : vector<128xf32>
    %reduce_sum3A_132 = vector.multi_reduction <add>, %add3A_127, %reduce_sum3A [0] : vector<3200x128xf32> to vector<128xf32>
    %broadcast_in_dim3A_133 = vector.shape_cast %reduce_sum3A_132 : vector<128xf32> to vector<1x128xf32>
    %mul3A_134 = arith.mulf %add3A_127, %add3A_127 : vector<3200x128xf32>
    %reduce_sum3A_135 = arith.constant dense<0.000000e+00> : vector<128xf32>
    %reduce_sum3A_136 = vector.multi_reduction <add>, %mul3A_134, %reduce_sum3A_135 [0] : vector<3200x128xf32> to vector<128xf32>
    %broadcast_in_dim3A_137 = vector.shape_cast %reduce_sum3A_136 : vector<128xf32> to vector<1x128xf32>
    %broadcast_in_dim3A_138 = arith.constant 0.000000e+00 : f32
    %broadcast_in_dim3A_139 = vector.broadcast %broadcast_in_dim3A_138 : f32 to vector<6x128xf32>
    %concatenate3A_140 = tpu.concatenate %broadcast_in_dim3A_133, %broadcast_in_dim3A_137, %broadcast_in_dim3A_139 in 0 : vector<1x128xf32>, vector<1x128xf32>, vector<6x128xf32> -> vector<8x128xf32>
    %eq3A_141 = arith.constant 0 : i32
    %eq3A_142 = arith.cmpi eq, %arg0, %eq3A_141 : i32
    %convert_element_type3A_143 = arith.extui %eq3A_142 : i1 to i32
    %cond3A = arith.constant 0 : i32
    %cond3A_144 = arith.cmpi ne, %convert_element_type3A_143, %cond3A : i32
    scf.if %cond3A_144 {
      %swap3A_149 = arith.constant 0 : index
      %swap3A_150 = arith.constant 0 : index
      %swap3A_151 = vector.load %arg10[%swap3A_149, %swap3A_150] : memref<8x128xf32, #tpu.memory_space<vmem>>, vector<8x128xf32>
      tpu.vector_store %arg10[%swap3A_149, %swap3A_150], %concatenate3A_140 {strides = array<i32>} : memref<8x128xf32, #tpu.memory_space<vmem>>, vector<8x128xf32>,
    } else {
    }
    %gt3A = arith.constant 0 : i32
    %gt3A_145 = arith.cmpi sgt, %arg0, %gt3A : i32
    %convert_element_type3A_146 = arith.extui %gt3A_145 : i1 to i32
    %cond3A_147 = arith.constant 0 : i32
    %cond3A_148 = arith.cmpi ne, %convert_element_type3A_146, %cond3A_147 : i32
    scf.if %cond3A_148 {
      %get3A_149 = arith.constant 0 : index
      %get3A_150 = arith.constant 0 : index
      %get3A_151 = vector.load %arg10[%get3A_149, %get3A_150] : memref<8x128xf32, #tpu.memory_space<vmem>>, vector<8x128xf32>
      %add3A_152 = arith.addf %get3A_151, %concatenate3A_140 : vector<8x128xf32>
      %swap3A_153 = arith.constant 0 : index
      %swap3A_154 = arith.constant 0 : index
      %swap3A_155 = vector.load %arg10[%swap3A_153, %swap3A_154] : memref<8x128xf32, #tpu.memory_space<vmem>>, vector<8x128xf32>
      tpu.vector_store %arg10[%swap3A_153, %swap3A_154], %add3A_152 {strides = array<i32>} : memref<8x128xf32, #tpu.memory_space<vmem>>, vector<8x128xf32>,
    } else {
    }
    return
  }
  func.func @transform_0(%arg0: i32) -> (i32, i32) {
    %add3A = arith.constant 0 : i32
    %add3A_0 = arith.addi %arg0, %add3A : i32
    %c0_i32 = arith.constant 0 : i32
    %c0_i32_1 = arith.constant 0 : i32
    return %add3A_0, %c0_i32 : i32, i32
  }
  func.func @transform_1(%arg0: i32) -> (i32, i32) {
    %c0_i32 = arith.constant 0 : i32
    %c0_i32_0 = arith.constant 0 : i32
    return %arg0, %c0_i32 : i32, i32
  }
  func.func @transform_2(%arg0: i32) -> (i32, i32) {
    %c0_i32 = arith.constant 0 : i32
    %c0_i32_0 = arith.constant 0 : i32
    return %arg0, %c0_i32 : i32, i32
  }
  func.func @transform_3(%arg0: i32) -> (i32, i32) {
    %c0_i32 = arith.constant 0 : i32
    %c0_i32_0 = arith.constant 0 : i32
    %c0_i32_1 = arith.constant 0 : i32
    return %c0_i32, %c0_i32_0 : i32, i32
  }
  func.func @transform_4(%arg0: i32) -> (i32, i32) {
    %c0_i32 = arith.constant 0 : i32
    %c0_i32_0 = arith.constant 0 : i32
    %c0_i32_1 = arith.constant 0 : i32
    return %c0_i32, %c0_i32_0 : i32, i32
  }
  func.func @transform_5(%arg0: i32) -> (i32, i32) {
    %c0_i32 = arith.constant 0 : i32
    %c0_i32_0 = arith.constant 0 : i32
    %c0_i32_1 = arith.constant 0 : i32
    return %c0_i32, %c0_i32_0 : i32, i32
  }
  func.func @transform_6(%arg0: i32) -> (i32, i32) {
    %c0_i32 = arith.constant 0 : i32
    %c0_i32_0 = arith.constant 0 : i32
    return %arg0, %c0_i32 : i32, i32
  }
  func.func @transform_7(%arg0: i32) -> (i32, i32) {
    %c0_i32 = arith.constant 0 : i32
    %c0_i32_0 = arith.constant 0 : i32
    return %arg0, %c0_i32 : i32, i32
  }
  func.func @transform_8(%arg0: i32) -> (i32, i32) {
    %c0_i32 = arith.constant 0 : i32
    %c0_i32_0 = arith.constant 0 : i32
    return %arg0, %c0_i32 : i32, i32
  }
  func.func @transform_9(%arg0: i32) -> (i32, i32) {
    %c0_i32 = arith.constant 0 : i32
    %c0_i32_0 = arith.constant 0 : i32
    %c0_i32_1 = arith.constant 0 : i32
    return %c0_i32, %c0_i32_0 : i32, i32
  }
}

module attributes {stable_mosaic.version = 14 : i64} {
  func.func @_qkv_body(%arg0: memref<10000x128xf32, #tpu.memory_space<vmem>>, %arg1: memref<128x128xf32, #tpu.memory_space<vmem>>, %arg2: memref<128x128xf32, #tpu.memory_space<vmem>>, %arg3: memref<128x128xf32, #tpu.memory_space<vmem>>, %arg4: memref<10000x128xf32, #tpu.memory_space<vmem>>, %arg5: memref<10000x128xf32, #tpu.memory_space<vmem>>) attributes {dimension_semantics = [], scalar_prefetch = 0 : i64, scratch_operands = 0 : i64, tpu.core_type = #tpu.core_type<tc>} {
    %get3A = arith.constant 0 : index
    %get3A_0 = arith.constant 0 : index
    %get3A_1 = vector.load %arg0[%get3A, %get3A_0] : memref<10000x128xf32, #tpu.memory_space<vmem>>, vector<10000x128xf32>
    %get3A_2 = arith.constant 0 : index
    %get3A_3 = arith.constant 0 : index
    %get3A_4 = vector.load %arg1[%get3A_2, %get3A_3] : memref<128x128xf32, #tpu.memory_space<vmem>>, vector<128x128xf32>
    %dot_general3A = arith.constant dense<0.000000e+00> : vector<10000x128xf32>
    %dot_general3A_5 = tpu.matmul %get3A_1, %get3A_4, %dot_general3A {dimension_numbers = #tpu.dot_dimension_numbers<[1], [0], [0], [1], [0, 0, 1, 1], [], []>, transpose_lhs_hint = false} : vector<10000x128xf32>, vector<128x128xf32>, vector<10000x128xf32> -> vector<10000x128xf32>
    %swap3A = arith.constant 0 : index
    %swap3A_6 = arith.constant 0 : index
    %swap3A_7 = vector.load %arg4[%swap3A, %swap3A_6] : memref<10000x128xf32, #tpu.memory_space<vmem>>, vector<10000x128xf32>
    tpu.vector_store %arg4[%swap3A, %swap3A_6], %dot_general3A_5 {strides = array<i32>} : memref<10000x128xf32, #tpu.memory_space<vmem>>, vector<10000x128xf32>,
    %get3A_8 = arith.constant 0 : index
    %get3A_9 = arith.constant 0 : index
    %get3A_10 = vector.load %arg2[%get3A_8, %get3A_9] : memref<128x128xf32, #tpu.memory_space<vmem>>, vector<128x128xf32>
    %dot_general3A_11 = arith.constant dense<0.000000e+00> : vector<10000x128xf32>
    %dot_general3A_12 = tpu.matmul %get3A_1, %get3A_10, %dot_general3A_11 {dimension_numbers = #tpu.dot_dimension_numbers<[1], [0], [0], [1], [0, 0, 1, 1], [], []>, transpose_lhs_hint = false} : vector<10000x128xf32>, vector<128x128xf32>, vector<10000x128xf32> -> vector<10000x128xf32>
    %get3A_13 = arith.constant 0 : index
    %get3A_14 = arith.constant 0 : index
    %get3A_15 = vector.load %arg3[%get3A_13, %get3A_14] : memref<128x128xf32, #tpu.memory_space<vmem>>, vector<128x128xf32>
    %dot_general3A_16 = arith.constant dense<0.000000e+00> : vector<10000x128xf32>
    %dot_general3A_17 = tpu.matmul %get3A_1, %get3A_15, %dot_general3A_16 {dimension_numbers = #tpu.dot_dimension_numbers<[1], [0], [0], [1], [0, 0, 1, 1], [], []>, transpose_lhs_hint = false} : vector<10000x128xf32>, vector<128x128xf32>, vector<10000x128xf32> -> vector<10000x128xf32>
    %slice3A = vector.extract_strided_slice %dot_general3A_12 {offsets = [0, 0], sizes = [10000, 64], strides = [1, 1]} : vector<10000x128xf32> to vector<10000x64xf32>
    %slice3A_18 = vector.extract_strided_slice %dot_general3A_17 {offsets = [0, 0], sizes = [10000, 64], strides = [1, 1]} : vector<10000x128xf32> to vector<10000x64xf32>
    %concatenate3A = tpu.concatenate %slice3A, %slice3A_18 in 1 : vector<10000x64xf32>, vector<10000x64xf32> -> vector<10000x128xf32>
    %slice3A_19 = vector.extract_strided_slice %dot_general3A_12 {offsets = [0, 64], sizes = [10000, 64], strides = [1, 1]} : vector<10000x128xf32> to vector<10000x64xf32>
    %slice3A_20 = vector.extract_strided_slice %dot_general3A_17 {offsets = [0, 64], sizes = [10000, 64], strides = [1, 1]} : vector<10000x128xf32> to vector<10000x64xf32>
    %concatenate3A_21 = tpu.concatenate %slice3A_19, %slice3A_20 in 1 : vector<10000x64xf32>, vector<10000x64xf32> -> vector<10000x128xf32>
    %convert_element_type3A = arith.truncf %concatenate3A : vector<10000x128xf32> to vector<10000x128xbf16>
    %bitcast_convert_type3A = tpu.bitcast %convert_element_type3A : vector<10000x128xbf16> -> vector<10000x128xi16>
    %convert_element_type3A_22 = arith.extui %bitcast_convert_type3A : vector<10000x128xi16> to vector<10000x128xi32>
    %convert_element_type3A_23 = arith.truncf %concatenate3A_21 : vector<10000x128xf32> to vector<10000x128xbf16>
    %bitcast_convert_type3A_24 = tpu.bitcast %convert_element_type3A_23 : vector<10000x128xbf16> -> vector<10000x128xi16>
    %convert_element_type3A_25 = arith.extui %bitcast_convert_type3A_24 : vector<10000x128xi16> to vector<10000x128xi32>
    %shift_left3A = arith.constant 16 : i32
    %shift_left3A_26 = vector.broadcast %shift_left3A : i32 to vector<10000x128xi32>
    %shift_left3A_27 = arith.shli %convert_element_type3A_25, %shift_left3A_26 : vector<10000x128xi32>
    %or3A = arith.ori %convert_element_type3A_22, %shift_left3A_27 : vector<10000x128xi32>
    %bitcast_convert_type3A_28 = tpu.bitcast %or3A : vector<10000x128xi32> -> vector<10000x128xf32>
    %swap3A_29 = arith.constant 0 : index
    %swap3A_30 = arith.constant 0 : index
    %swap3A_31 = vector.load %arg5[%swap3A_29, %swap3A_30] : memref<10000x128xf32, #tpu.memory_space<vmem>>, vector<10000x128xf32>
    tpu.vector_store %arg5[%swap3A_29, %swap3A_30], %bitcast_convert_type3A_28 {strides = array<i32>} : memref<10000x128xf32, #tpu.memory_space<vmem>>, vector<10000x128xf32>,
    return
  }
}

module attributes {stable_mosaic.version = 14 : i64} {
  func.func @_epass1_body(%arg0: i32, %arg1: memref<3200x128xf32, #tpu.memory_space<vmem>>, %arg2: memref<3200x128xf32, #tpu.memory_space<vmem>>, %arg3: memref<3200x128xf32, #tpu.memory_space<vmem>>, %arg4: memref<128x128xf32, #tpu.memory_space<vmem>>, %arg5: memref<128x128xf32, #tpu.memory_space<vmem>>, %arg6: memref<1x128xf32, #tpu.memory_space<vmem>>, %arg7: memref<3200x128xf32, #tpu.memory_space<vmem>>, %arg8: memref<3200x128xf32, #tpu.memory_space<vmem>>, %arg9: memref<3200x128xbf16, #tpu.memory_space<vmem>>, %arg10: memref<8x128xf32, #tpu.memory_space<vmem>>) attributes {dimension_semantics = [#tpu.dimension_semantics<arbitrary>], iteration_bounds = array<i64: 50>, scalar_prefetch = 0 : i64, scratch_operands = 0 : i64, tpu.core_type = #tpu.core_type<tc>, window_params = [{transform_indices = @transform_0, window_bounds = array<i64: 3200, 128>}, {transform_indices = @transform_1, window_bounds = array<i64: 3200, 128>}, {transform_indices = @transform_2, window_bounds = array<i64: 3200, 128>}, {pipeline_mode = #tpu.pipeline_mode<synchronous>, transform_indices = @transform_3, window_bounds = array<i64: 128, 128>}, {pipeline_mode = #tpu.pipeline_mode<synchronous>, transform_indices = @transform_4, window_bounds = array<i64: 128, 128>}, {pipeline_mode = #tpu.pipeline_mode<synchronous>, transform_indices = @transform_5, window_bounds = array<i64: 1, 128>}, {transform_indices = @transform_6, window_bounds = array<i64: 3200, 128>}, {transform_indices = @transform_7, window_bounds = array<i64: 3200, 128>}, {transform_indices = @transform_8, window_bounds = array<i64: 3200, 128>}, {pipeline_mode = #tpu.pipeline_mode<synchronous>, transform_indices = @transform_9, window_bounds = array<i64: 8, 128>}]} {
    %get3A = arith.constant 0 : index
    %get3A_0 = arith.constant 0 : index
    %get3A_1 = vector.load %arg1[%get3A, %get3A_0] : memref<3200x128xf32, #tpu.memory_space<vmem>>, vector<3200x128xf32>
    %convert_element_type3A = arith.truncf %get3A_1 : vector<3200x128xf32> to vector<3200x128xbf16>
    %get3A_2 = arith.constant 0 : index
    %get3A_3 = arith.constant 0 : index
    %get3A_4 = vector.load %arg4[%get3A_2, %get3A_3] : memref<128x128xf32, #tpu.memory_space<vmem>>, vector<128x128xf32>
    %convert_element_type3A_5 = arith.truncf %get3A_4 : vector<128x128xf32> to vector<128x128xbf16>
    %dot_general3A = arith.constant dense<0.000000e+00> : vector<3200x128xf32>
    %dot_general3A_6 = tpu.matmul %convert_element_type3A, %convert_element_type3A_5, %dot_general3A {dimension_numbers = #tpu.dot_dimension_numbers<[1], [0], [0], [1], [0, 0, 1, 1], [], []>, transpose_lhs_hint = false} : vector<3200x128xbf16>, vector<128x128xbf16>, vector<3200x128xf32> -> vector<3200x128xf32>
    %get3A_7 = arith.constant 0 : index
    %get3A_8 = arith.constant 0 : index
    %get3A_9 = vector.load %arg2[%get3A_7, %get3A_8] : memref<3200x128xf32, #tpu.memory_space<vmem>>, vector<3200x128xf32>
    %bitcast_convert_type3A = tpu.bitcast %get3A_9 : vector<3200x128xf32> -> vector<3200x128xi32>
    %shift_left3A = arith.constant 16 : i32
    %shift_left3A_10 = vector.broadcast %shift_left3A : i32 to vector<3200x128xi32>
    %shift_left3A_11 = arith.shli %bitcast_convert_type3A, %shift_left3A_10 : vector<3200x128xi32>
    %bitcast_convert_type3A_12 = tpu.bitcast %shift_left3A_11 : vector<3200x128xi32> -> vector<3200x128xf32>
    %and3A = arith.constant -65536 : i32
    %and3A_13 = vector.broadcast %and3A : i32 to vector<3200x128xi32>
    %and3A_14 = arith.andi %bitcast_convert_type3A, %and3A_13 : vector<3200x128xi32>
    %bitcast_convert_type3A_15 = tpu.bitcast %and3A_14 : vector<3200x128xi32> -> vector<3200x128xf32>
    %get3A_16 = arith.constant 0 : index
    %get3A_17 = arith.constant 0 : index
    %get3A_18 = vector.load %arg3[%get3A_16, %get3A_17] : memref<3200x128xf32, #tpu.memory_space<vmem>>, vector<3200x128xf32>
    %slice3A = vector.extract_strided_slice %bitcast_convert_type3A_12 {offsets = [0, 0], sizes = [3200, 64], strides = [1, 1]} : vector<3200x128xf32> to vector<3200x64xf32>
    %slice3A_19 = vector.extract_strided_slice %get3A_18 {offsets = [0, 0], sizes = [3200, 64], strides = [1, 1]} : vector<3200x128xf32> to vector<3200x64xf32>
    %mul3A = arith.mulf %slice3A, %slice3A_19 : vector<3200x64xf32>
    %convert_element_type3A_20 = arith.truncf %mul3A : vector<3200x64xf32> to vector<3200x64xbf16>
    %slice3A_21 = vector.extract_strided_slice %bitcast_convert_type3A_15 {offsets = [0, 0], sizes = [3200, 64], strides = [1, 1]} : vector<3200x128xf32> to vector<3200x64xf32>
    %slice3A_22 = vector.extract_strided_slice %get3A_18 {offsets = [0, 64], sizes = [3200, 64], strides = [1, 1]} : vector<3200x128xf32> to vector<3200x64xf32>
    %mul3A_23 = arith.mulf %slice3A_21, %slice3A_22 : vector<3200x64xf32>
    %convert_element_type3A_24 = arith.truncf %mul3A_23 : vector<3200x64xf32> to vector<3200x64xbf16>
    %iota3A = tpu.iota {dimensions = array<i32: 0>} : vector<64x128xi32>
    %jit3A = arith.constant 16 : i32
    %div3A = vector.broadcast %jit3A : i32 to vector<64x128xi32>
    %div3A_25 = arith.divsi %iota3A, %div3A : vector<64x128xi32>
    %sign3A = arith.constant 0 : i32
    %sign3A_26 = vector.broadcast %sign3A : i32 to vector<64x128xi32>
    %sign3A_27 = arith.cmpi sgt, %iota3A, %sign3A_26 : vector<64x128xi32>
    %sign3A_28 = arith.extui %sign3A_27 : vector<64x128xi1> to vector<64x128xi32>
    %sign3A_29 = arith.constant 0 : i32
    %sign3A_30 = vector.broadcast %sign3A_29 : i32 to vector<64x128xi32>
    %sign3A_31 = arith.cmpi slt, %iota3A, %sign3A_30 : vector<64x128xi32>
    %sign3A_32 = arith.extui %sign3A_31 : vector<64x128xi1> to vector<64x128xi32>
    %sign3A_33 = arith.subi %sign3A_28, %sign3A_32 : vector<64x128xi32>
    %sign3A_34 = arith.constant 0 : i32
    %sign3A_35 = arith.cmpi sgt, %jit3A, %sign3A_34 : i32
    %sign3A_36 = arith.extui %sign3A_35 : i1 to i32
    %sign3A_37 = arith.constant 0 : i32
    %sign3A_38 = arith.cmpi slt, %jit3A, %sign3A_37 : i32
    %sign3A_39 = arith.extui %sign3A_38 : i1 to i32
    %sign3A_40 = arith.subi %sign3A_36, %sign3A_39 : i32
    %ne3A = vector.broadcast %sign3A_40 : i32 to vector<64x128xi32>
    %ne3A_41 = arith.cmpi ne, %sign3A_33, %ne3A : vector<64x128xi32>
    %rem3A = vector.broadcast %jit3A : i32 to vector<64x128xi32>
    %rem3A_42 = arith.remsi %iota3A, %rem3A : vector<64x128xi32>
    %ne3A_43 = arith.constant 0 : i32
    %ne3A_44 = vector.broadcast %ne3A_43 : i32 to vector<64x128xi32>
    %ne3A_45 = arith.cmpi ne, %rem3A_42, %ne3A_44 : vector<64x128xi32>
    %and3A_46 = arith.andi %ne3A_41, %ne3A_45 : vector<64x128xi1>
    %sub3A = arith.constant 1 : i32
    %sub3A_47 = vector.broadcast %sub3A : i32 to vector<64x128xi32>
    %sub3A_48 = arith.subi %div3A_25, %sub3A_47 : vector<64x128xi32>
    %select_n3A = arith.select %and3A_46, %sub3A_48, %div3A_25 : vector<64x128xi1>, vector<64x128xi32>
    %iota3A_49 = tpu.iota {dimensions = array<i32: 1>} : vector<64x128xi32>
    %jit3A_50 = arith.constant 16 : i32
    %div3A_51 = vector.broadcast %jit3A_50 : i32 to vector<64x128xi32>
    %div3A_52 = arith.divsi %iota3A_49, %div3A_51 : vector<64x128xi32>
    %sign3A_53 = arith.constant 0 : i32
    %sign3A_54 = vector.broadcast %sign3A_53 : i32 to vector<64x128xi32>
    %sign3A_55 = arith.cmpi sgt, %iota3A_49, %sign3A_54 : vector<64x128xi32>
    %sign3A_56 = arith.extui %sign3A_55 : vector<64x128xi1> to vector<64x128xi32>
    %sign3A_57 = arith.constant 0 : i32
    %sign3A_58 = vector.broadcast %sign3A_57 : i32 to vector<64x128xi32>
    %sign3A_59 = arith.cmpi slt, %iota3A_49, %sign3A_58 : vector<64x128xi32>
    %sign3A_60 = arith.extui %sign3A_59 : vector<64x128xi1> to vector<64x128xi32>
    %sign3A_61 = arith.subi %sign3A_56, %sign3A_60 : vector<64x128xi32>
    %sign3A_62 = arith.constant 0 : i32
    %sign3A_63 = arith.cmpi sgt, %jit3A_50, %sign3A_62 : i32
    %sign3A_64 = arith.extui %sign3A_63 : i1 to i32
    %sign3A_65 = arith.constant 0 : i32
    %sign3A_66 = arith.cmpi slt, %jit3A_50, %sign3A_65 : i32
    %sign3A_67 = arith.extui %sign3A_66 : i1 to i32
    %sign3A_68 = arith.subi %sign3A_64, %sign3A_67 : i32
    %ne3A_69 = vector.broadcast %sign3A_68 : i32 to vector<64x128xi32>
    %ne3A_70 = arith.cmpi ne, %sign3A_61, %ne3A_69 : vector<64x128xi32>
    %rem3A_71 = vector.broadcast %jit3A_50 : i32 to vector<64x128xi32>
    %rem3A_72 = arith.remsi %iota3A_49, %rem3A_71 : vector<64x128xi32>
    %ne3A_73 = arith.constant 0 : i32
    %ne3A_74 = vector.broadcast %ne3A_73 : i32 to vector<64x128xi32>
    %ne3A_75 = arith.cmpi ne, %rem3A_72, %ne3A_74 : vector<64x128xi32>
    %and3A_76 = arith.andi %ne3A_70, %ne3A_75 : vector<64x128xi1>
    %sub3A_77 = arith.constant 1 : i32
    %sub3A_78 = vector.broadcast %sub3A_77 : i32 to vector<64x128xi32>
    %sub3A_79 = arith.subi %div3A_52, %sub3A_78 : vector<64x128xi32>
    %select_n3A_80 = arith.select %and3A_76, %sub3A_79, %div3A_52 : vector<64x128xi1>, vector<64x128xi32>
    %eq3A = arith.cmpi eq, %select_n3A, %select_n3A_80 : vector<64x128xi32>
    %jit3A_81 = arith.constant 1.000000e+00 : f32
    %jit3A_82 = arith.constant 0.000000e+00 : f32
    %broadcast_in_dim3A = vector.broadcast %jit3A_81 : f32 to vector<64x128xf32>
    %broadcast_in_dim3A_83 = vector.broadcast %jit3A_82 : f32 to vector<64x128xf32>
    %select_n3A_84 = arith.select %eq3A, %broadcast_in_dim3A, %broadcast_in_dim3A_83 : vector<64x128xi1>, vector<64x128xf32>
    %convert_element_type3A_85 = arith.truncf %select_n3A_84 : vector<64x128xf32> to vector<64x128xbf16>
    %add3A = arith.constant 4 : i32
    %add3A_86 = vector.broadcast %add3A : i32 to vector<64x128xi32>
    %add3A_87 = arith.addi %select_n3A, %add3A_86 : vector<64x128xi32>
    %eq3A_88 = arith.cmpi eq, %add3A_87, %select_n3A_80 : vector<64x128xi32>
    %jit3A_89 = arith.constant 1.000000e+00 : f32
    %jit3A_90 = arith.constant 0.000000e+00 : f32
    %broadcast_in_dim3A_91 = vector.broadcast %jit3A_89 : f32 to vector<64x128xf32>
    %broadcast_in_dim3A_92 = vector.broadcast %jit3A_90 : f32 to vector<64x128xf32>
    %select_n3A_93 = arith.select %eq3A_88, %broadcast_in_dim3A_91, %broadcast_in_dim3A_92 : vector<64x128xi1>, vector<64x128xf32>
    %convert_element_type3A_94 = arith.truncf %select_n3A_93 : vector<64x128xf32> to vector<64x128xbf16>
    %dot_general3A_95 = arith.constant dense<0.000000e+00> : vector<3200x128xf32>
    %dot_general3A_96 = tpu.matmul %convert_element_type3A_20, %convert_element_type3A_85, %dot_general3A_95 {dimension_numbers = #tpu.dot_dimension_numbers<[1], [0], [0], [1], [0, 0, 1, 1], [], []>, transpose_lhs_hint = false} : vector<3200x64xbf16>, vector<64x128xbf16>, vector<3200x128xf32> -> vector<3200x128xf32>
    %dot_general3A_97 = arith.constant dense<0.000000e+00> : vector<3200x128xf32>
    %dot_general3A_98 = tpu.matmul %convert_element_type3A_24, %convert_element_type3A_94, %dot_general3A_97 {dimension_numbers = #tpu.dot_dimension_numbers<[1], [0], [0], [1], [0, 0, 1, 1], [], []>, transpose_lhs_hint = false} : vector<3200x64xbf16>, vector<64x128xbf16>, vector<3200x128xf32> -> vector<3200x128xf32>
    %add3A_99 = arith.addf %dot_general3A_96, %dot_general3A_98 : vector<3200x128xf32>
    %mul3A_100 = arith.constant 2.500000e-01 : f32
    %mul3A_101 = vector.broadcast %mul3A_100 : f32 to vector<3200x128xf32>
    %mul3A_102 = arith.mulf %add3A_99, %mul3A_101 : vector<3200x128xf32>
    %add3A_103 = arith.addf %mul3A_102, %dot_general3A_6 : vector<3200x128xf32>
    %exp3A = math.exp %add3A_103 : vector<3200x128xf32>
    %swap3A = arith.constant 0 : index
    %swap3A_104 = arith.constant 0 : index
    %swap3A_105 = vector.load %arg7[%swap3A, %swap3A_104] : memref<3200x128xf32, #tpu.memory_space<vmem>>, vector<3200x128xf32>
    tpu.vector_store %arg7[%swap3A, %swap3A_104], %exp3A {strides = array<i32>} : memref<3200x128xf32, #tpu.memory_space<vmem>>, vector<3200x128xf32>,
    %slice3A_106 = vector.extract_strided_slice %bitcast_convert_type3A_12 {offsets = [0, 64], sizes = [3200, 64], strides = [1, 1]} : vector<3200x128xf32> to vector<3200x64xf32>
    %slice3A_107 = vector.extract_strided_slice %exp3A {offsets = [0, 0], sizes = [3200, 64], strides = [1, 1]} : vector<3200x128xf32> to vector<3200x64xf32>
    %mul3A_108 = arith.mulf %slice3A_106, %slice3A_107 : vector<3200x64xf32>
    %slice3A_109 = vector.extract_strided_slice %bitcast_convert_type3A_15 {offsets = [0, 64], sizes = [3200, 64], strides = [1, 1]} : vector<3200x128xf32> to vector<3200x64xf32>
    %slice3A_110 = vector.extract_strided_slice %exp3A {offsets = [0, 64], sizes = [3200, 64], strides = [1, 1]} : vector<3200x128xf32> to vector<3200x64xf32>
    %mul3A_111 = arith.mulf %slice3A_109, %slice3A_110 : vector<3200x64xf32>
    %concatenate3A = tpu.concatenate %mul3A_108, %mul3A_111 in 1 : vector<3200x64xf32>, vector<3200x64xf32> -> vector<3200x128xf32>
    %swap3A_112 = arith.constant 0 : index
    %swap3A_113 = arith.constant 0 : index
    %swap3A_114 = vector.load %arg8[%swap3A_112, %swap3A_113] : memref<3200x128xf32, #tpu.memory_space<vmem>>, vector<3200x128xf32>
    tpu.vector_store %arg8[%swap3A_112, %swap3A_113], %concatenate3A {strides = array<i32>} : memref<3200x128xf32, #tpu.memory_space<vmem>>, vector<3200x128xf32>,
    %convert_element_type3A_115 = arith.truncf %add3A_103 : vector<3200x128xf32> to vector<3200x128xbf16>
    %get3A_116 = arith.constant 0 : index
    %get3A_117 = arith.constant 0 : index
    %get3A_118 = vector.load %arg5[%get3A_116, %get3A_117] : memref<128x128xf32, #tpu.memory_space<vmem>>, vector<128x128xf32>
    %convert_element_type3A_119 = arith.truncf %get3A_118 : vector<128x128xf32> to vector<128x128xbf16>
    %dot_general3A_120 = arith.constant dense<0.000000e+00> : vector<3200x128xf32>
    %dot_general3A_121 = tpu.matmul %convert_element_type3A_115, %convert_element_type3A_119, %dot_general3A_120 {dimension_numbers = #tpu.dot_dimension_numbers<[1], [0], [0], [1], [0, 0, 1, 1], [], []>, transpose_lhs_hint = false} : vector<3200x128xbf16>, vector<128x128xbf16>, vector<3200x128xf32> -> vector<3200x128xf32>
    %add3A_122 = arith.addf %get3A_1, %dot_general3A_121 : vector<3200x128xf32>
    %get3A_123 = arith.constant 0 : index
    %get3A_124 = arith.constant 0 : index
    %get3A_125 = vector.load %arg6[%get3A_123, %get3A_124] : memref<1x128xf32, #tpu.memory_space<vmem>>, vector<1x128xf32>
    %add3A_126 = vector.broadcast %get3A_125 : vector<1x128xf32> to vector<3200x128xf32>
    %add3A_127 = arith.addf %add3A_122, %add3A_126 : vector<3200x128xf32>
    %convert_element_type3A_128 = arith.truncf %add3A_127 : vector<3200x128xf32> to vector<3200x128xbf16>
    %swap3A_129 = arith.constant 0 : index
    %swap3A_130 = arith.constant 0 : index
    %swap3A_131 = vector.load %arg9[%swap3A_129, %swap3A_130] : memref<3200x128xbf16, #tpu.memory_space<vmem>>, vector<3200x128xbf16>
    tpu.vector_store %arg9[%swap3A_129, %swap3A_130], %convert_element_type3A_128 {strides = array<i32>} : memref<3200x128xbf16, #tpu.memory_space<vmem>>, vector<3200x128xbf16>,
    %reduce_sum3A = arith.constant dense<0.000000e+00> : vector<128xf32>
    %reduce_sum3A_132 = vector.multi_reduction <add>, %add3A_127, %reduce_sum3A [0] : vector<3200x128xf32> to vector<128xf32>
    %broadcast_in_dim3A_133 = vector.shape_cast %reduce_sum3A_132 : vector<128xf32> to vector<1x128xf32>
    %mul3A_134 = arith.mulf %add3A_127, %add3A_127 : vector<3200x128xf32>
    %reduce_sum3A_135 = arith.constant dense<0.000000e+00> : vector<128xf32>
    %reduce_sum3A_136 = vector.multi_reduction <add>, %mul3A_134, %reduce_sum3A_135 [0] : vector<3200x128xf32> to vector<128xf32>
    %broadcast_in_dim3A_137 = vector.shape_cast %reduce_sum3A_136 : vector<128xf32> to vector<1x128xf32>
    %broadcast_in_dim3A_138 = arith.constant 0.000000e+00 : f32
    %broadcast_in_dim3A_139 = vector.broadcast %broadcast_in_dim3A_138 : f32 to vector<6x128xf32>
    %concatenate3A_140 = tpu.concatenate %broadcast_in_dim3A_133, %broadcast_in_dim3A_137, %broadcast_in_dim3A_139 in 0 : vector<1x128xf32>, vector<1x128xf32>, vector<6x128xf32> -> vector<8x128xf32>
    %eq3A_141 = arith.constant 0 : i32
    %eq3A_142 = arith.cmpi eq, %arg0, %eq3A_141 : i32
    %convert_element_type3A_143 = arith.extui %eq3A_142 : i1 to i32
    %cond3A = arith.constant 0 : i32
    %cond3A_144 = arith.cmpi ne, %convert_element_type3A_143, %cond3A : i32
    scf.if %cond3A_144 {
      %swap3A_149 = arith.constant 0 : index
      %swap3A_150 = arith.constant 0 : index
      %swap3A_151 = vector.load %arg10[%swap3A_149, %swap3A_150] : memref<8x128xf32, #tpu.memory_space<vmem>>, vector<8x128xf32>
      tpu.vector_store %arg10[%swap3A_149, %swap3A_150], %concatenate3A_140 {strides = array<i32>} : memref<8x128xf32, #tpu.memory_space<vmem>>, vector<8x128xf32>,
    } else {
    }
    %gt3A = arith.constant 0 : i32
    %gt3A_145 = arith.cmpi sgt, %arg0, %gt3A : i32
    %convert_element_type3A_146 = arith.extui %gt3A_145 : i1 to i32
    %cond3A_147 = arith.constant 0 : i32
    %cond3A_148 = arith.cmpi ne, %convert_element_type3A_146, %cond3A_147 : i32
    scf.if %cond3A_148 {
      %get3A_149 = arith.constant 0 : index
      %get3A_150 = arith.constant 0 : index
      %get3A_151 = vector.load %arg10[%get3A_149, %get3A_150] : memref<8x128xf32, #tpu.memory_space<vmem>>, vector<8x128xf32>
      %add3A_152 = arith.addf %get3A_151, %concatenate3A_140 : vector<8x128xf32>
      %swap3A_153 = arith.constant 0 : index
      %swap3A_154 = arith.constant 0 : index
      %swap3A_155 = vector.load %arg10[%swap3A_153, %swap3A_154] : memref<8x128xf32, #tpu.memory_space<vmem>>, vector<8x128xf32>
      tpu.vector_store %arg10[%swap3A_153, %swap3A_154], %add3A_152 {strides = array<i32>} : memref<8x128xf32, #tpu.memory_space<vmem>>, vector<8x128xf32>,
    } else {
    }
    return
  }
  func.func @transform_0(%arg0: i32) -> (i32, i32) {
    %add3A = arith.constant 50 : i32
    %add3A_0 = arith.addi %arg0, %add3A : i32
    %c0_i32 = arith.constant 0 : i32
    %c0_i32_1 = arith.constant 0 : i32
    return %add3A_0, %c0_i32 : i32, i32
  }
  func.func @transform_1(%arg0: i32) -> (i32, i32) {
    %c0_i32 = arith.constant 0 : i32
    %c0_i32_0 = arith.constant 0 : i32
    return %arg0, %c0_i32 : i32, i32
  }
  func.func @transform_2(%arg0: i32) -> (i32, i32) {
    %c0_i32 = arith.constant 0 : i32
    %c0_i32_0 = arith.constant 0 : i32
    return %arg0, %c0_i32 : i32, i32
  }
  func.func @transform_3(%arg0: i32) -> (i32, i32) {
    %c0_i32 = arith.constant 0 : i32
    %c0_i32_0 = arith.constant 0 : i32
    %c0_i32_1 = arith.constant 0 : i32
    return %c0_i32, %c0_i32_0 : i32, i32
  }
  func.func @transform_4(%arg0: i32) -> (i32, i32) {
    %c0_i32 = arith.constant 0 : i32
    %c0_i32_0 = arith.constant 0 : i32
    %c0_i32_1 = arith.constant 0 : i32
    return %c0_i32, %c0_i32_0 : i32, i32
  }
  func.func @transform_5(%arg0: i32) -> (i32, i32) {
    %c0_i32 = arith.constant 0 : i32
    %c0_i32_0 = arith.constant 0 : i32
    %c0_i32_1 = arith.constant 0 : i32
    return %c0_i32, %c0_i32_0 : i32, i32
  }
  func.func @transform_6(%arg0: i32) -> (i32, i32) {
    %c0_i32 = arith.constant 0 : i32
    %c0_i32_0 = arith.constant 0 : i32
    return %arg0, %c0_i32 : i32, i32
  }
  func.func @transform_7(%arg0: i32) -> (i32, i32) {
    %c0_i32 = arith.constant 0 : i32
    %c0_i32_0 = arith.constant 0 : i32
    return %arg0, %c0_i32 : i32, i32
  }
  func.func @transform_8(%arg0: i32) -> (i32, i32) {
    %c0_i32 = arith.constant 0 : i32
    %c0_i32_0 = arith.constant 0 : i32
    return %arg0, %c0_i32 : i32, i32
  }
  func.func @transform_9(%arg0: i32) -> (i32, i32) {
    %c0_i32 = arith.constant 0 : i32
    %c0_i32_0 = arith.constant 0 : i32
    %c0_i32_1 = arith.constant 0 : i32
    return %c0_i32, %c0_i32_0 : i32, i32
  }
}

module attributes {stable_mosaic.version = 14 : i64} {
  func.func @_epass2_body(%arg0: i32, %arg1: memref<3200x128xbf16, #tpu.memory_space<vmem>>, %arg2: memref<8x128xf32, #tpu.memory_space<vmem>>, %arg3: memref<8x128xf32, #tpu.memory_space<vmem>>, %arg4: memref<1x128xf32, #tpu.memory_space<vmem>>, %arg5: memref<1x128xf32, #tpu.memory_space<vmem>>, %arg6: memref<128x256xf32, #tpu.memory_space<vmem>>, %arg7: memref<1x256xf32, #tpu.memory_space<vmem>>, %arg8: memref<256x128xf32, #tpu.memory_space<vmem>>, %arg9: memref<1x128xf32, #tpu.memory_space<vmem>>, %arg10: memref<3200x128xbf16, #tpu.memory_space<vmem>>, %arg11: memref<8x128xf32, #tpu.memory_space<vmem>>) attributes {dimension_semantics = [#tpu.dimension_semantics<arbitrary>], iteration_bounds = array<i64: 50>, scalar_prefetch = 0 : i64, scratch_operands = 0 : i64, tpu.core_type = #tpu.core_type<tc>, window_params = [{transform_indices = @transform_0, window_bounds = array<i64: 3200, 128>}, {pipeline_mode = #tpu.pipeline_mode<synchronous>, transform_indices = @transform_1, window_bounds = array<i64: 8, 128>}, {pipeline_mode = #tpu.pipeline_mode<synchronous>, transform_indices = @transform_2, window_bounds = array<i64: 8, 128>}, {pipeline_mode = #tpu.pipeline_mode<synchronous>, transform_indices = @transform_3, window_bounds = array<i64: 1, 128>}, {pipeline_mode = #tpu.pipeline_mode<synchronous>, transform_indices = @transform_4, window_bounds = array<i64: 1, 128>}, {pipeline_mode = #tpu.pipeline_mode<synchronous>, transform_indices = @transform_5, window_bounds = array<i64: 128, 256>}, {pipeline_mode = #tpu.pipeline_mode<synchronous>, transform_indices = @transform_6, window_bounds = array<i64: 1, 256>}, {pipeline_mode = #tpu.pipeline_mode<synchronous>, transform_indices = @transform_7, window_bounds = array<i64: 256, 128>}, {pipeline_mode = #tpu.pipeline_mode<synchronous>, transform_indices = @transform_8, window_bounds = array<i64: 1, 128>}, {transform_indices = @transform_9, window_bounds = array<i64: 3200, 128>}, {pipeline_mode = #tpu.pipeline_mode<synchronous>, transform_indices = @transform_10, window_bounds = array<i64: 8, 128>}]} {
    %get3A = arith.constant 0 : index
    %get3A_0 = arith.constant 0 : index
    %get3A_1 = vector.load %arg2[%get3A, %get3A_0] : memref<8x128xf32, #tpu.memory_space<vmem>>, vector<8x128xf32>
    %get3A_2 = arith.constant 0 : index
    %get3A_3 = arith.constant 0 : index
    %get3A_4 = vector.load %arg3[%get3A_2, %get3A_3] : memref<8x128xf32, #tpu.memory_space<vmem>>, vector<8x128xf32>
    %add3A = arith.addf %get3A_1, %get3A_4 : vector<8x128xf32>
    %slice3A = vector.extract_strided_slice %add3A {offsets = [0, 0], sizes = [1, 128], strides = [1, 1]} : vector<8x128xf32> to vector<1x128xf32>
    %div3A = arith.constant 3.200000e+05 : f32
    %div3A_5 = vector.broadcast %div3A : f32 to vector<1x128xf32>
    %div3A_6 = arith.divf %slice3A, %div3A_5 : vector<1x128xf32>
    %slice3A_7 = vector.extract_strided_slice %add3A {offsets = [1, 0], sizes = [1, 128], strides = [1, 1]} : vector<8x128xf32> to vector<1x128xf32>
    %div3A_8 = arith.constant 3.200000e+05 : f32
    %div3A_9 = vector.broadcast %div3A_8 : f32 to vector<1x128xf32>
    %div3A_10 = arith.divf %slice3A_7, %div3A_9 : vector<1x128xf32>
    %mul3A = arith.mulf %div3A_6, %div3A_6 : vector<1x128xf32>
    %sub3A = arith.subf %div3A_10, %mul3A : vector<1x128xf32>
    %get3A_11 = arith.constant 0 : index
    %get3A_12 = arith.constant 0 : index
    %get3A_13 = vector.load %arg4[%get3A_11, %get3A_12] : memref<1x128xf32, #tpu.memory_space<vmem>>, vector<1x128xf32>
    %add3A_14 = arith.constant 9.99999974E-6 : f32
    %add3A_15 = vector.broadcast %add3A_14 : f32 to vector<1x128xf32>
    %add3A_16 = arith.addf %sub3A, %add3A_15 : vector<1x128xf32>
    %sqrt3A = math.sqrt %add3A_16 : vector<1x128xf32>
    %div3A_17 = arith.divf %get3A_13, %sqrt3A : vector<1x128xf32>
    %get3A_18 = arith.constant 0 : index
    %get3A_19 = arith.constant 0 : index
    %get3A_20 = vector.load %arg1[%get3A_18, %get3A_19] : memref<3200x128xbf16, #tpu.memory_space<vmem>>, vector<3200x128xbf16>
    %convert_element_type3A = arith.extf %get3A_20 : vector<3200x128xbf16> to vector<3200x128xf32>
    %sub3A_21 = vector.broadcast %div3A_6 : vector<1x128xf32> to vector<3200x128xf32>
    %sub3A_22 = arith.subf %convert_element_type3A, %sub3A_21 : vector<3200x128xf32>
    %mul3A_23 = vector.broadcast %div3A_17 : vector<1x128xf32> to vector<3200x128xf32>
    %mul3A_24 = arith.mulf %sub3A_22, %mul3A_23 : vector<3200x128xf32>
    %get3A_25 = arith.constant 0 : index
    %get3A_26 = arith.constant 0 : index
    %get3A_27 = vector.load %arg5[%get3A_25, %get3A_26] : memref<1x128xf32, #tpu.memory_space<vmem>>, vector<1x128xf32>
    %add3A_28 = vector.broadcast %get3A_27 : vector<1x128xf32> to vector<3200x128xf32>
    %add3A_29 = arith.addf %mul3A_24, %add3A_28 : vector<3200x128xf32>
    %convert_element_type3A_30 = arith.truncf %add3A_29 : vector<3200x128xf32> to vector<3200x128xbf16>
    %get3A_31 = arith.constant 0 : index
    %get3A_32 = arith.constant 0 : index
    %get3A_33 = vector.load %arg6[%get3A_31, %get3A_32] : memref<128x256xf32, #tpu.memory_space<vmem>>, vector<128x256xf32>
    %convert_element_type3A_34 = arith.truncf %get3A_33 : vector<128x256xf32> to vector<128x256xbf16>
    %dot_general3A = arith.constant dense<0.000000e+00> : vector<3200x256xf32>
    %dot_general3A_35 = tpu.matmul %convert_element_type3A_30, %convert_element_type3A_34, %dot_general3A {dimension_numbers = #tpu.dot_dimension_numbers<[1], [0], [0], [1], [0, 0, 1, 1], [], []>, transpose_lhs_hint = false} : vector<3200x128xbf16>, vector<128x256xbf16>, vector<3200x256xf32> -> vector<3200x256xf32>
    %get3A_36 = arith.constant 0 : index
    %get3A_37 = arith.constant 0 : index
    %get3A_38 = vector.load %arg7[%get3A_36, %get3A_37] : memref<1x256xf32, #tpu.memory_space<vmem>>, vector<1x256xf32>
    %add3A_39 = vector.broadcast %get3A_38 : vector<1x256xf32> to vector<3200x256xf32>
    %add3A_40 = arith.addf %dot_general3A_35, %add3A_39 : vector<3200x256xf32>
    %max3A = arith.constant 0.000000e+00 : f32
    %max3A_41 = vector.broadcast %max3A : f32 to vector<3200x256xf32>
    %max3A_42 = arith.maximumf %add3A_40, %max3A_41 : vector<3200x256xf32>
    %convert_element_type3A_43 = arith.truncf %max3A_42 : vector<3200x256xf32> to vector<3200x256xbf16>
    %get3A_44 = arith.constant 0 : index
    %get3A_45 = arith.constant 0 : index
    %get3A_46 = vector.load %arg8[%get3A_44, %get3A_45] : memref<256x128xf32, #tpu.memory_space<vmem>>, vector<256x128xf32>
    %convert_element_type3A_47 = arith.truncf %get3A_46 : vector<256x128xf32> to vector<256x128xbf16>
    %dot_general3A_48 = arith.constant dense<0.000000e+00> : vector<3200x128xf32>
    %dot_general3A_49 = tpu.matmul %convert_element_type3A_43, %convert_element_type3A_47, %dot_general3A_48 {dimension_numbers = #tpu.dot_dimension_numbers<[1], [0], [0], [1], [0, 0, 1, 1], [], []>, transpose_lhs_hint = false} : vector<3200x256xbf16>, vector<256x128xbf16>, vector<3200x128xf32> -> vector<3200x128xf32>
    %add3A_50 = arith.addf %add3A_29, %dot_general3A_49 : vector<3200x128xf32>
    %get3A_51 = arith.constant 0 : index
    %get3A_52 = arith.constant 0 : index
    %get3A_53 = vector.load %arg9[%get3A_51, %get3A_52] : memref<1x128xf32, #tpu.memory_space<vmem>>, vector<1x128xf32>
    %add3A_54 = vector.broadcast %get3A_53 : vector<1x128xf32> to vector<3200x128xf32>
    %add3A_55 = arith.addf %add3A_50, %add3A_54 : vector<3200x128xf32>
    %convert_element_type3A_56 = arith.truncf %add3A_55 : vector<3200x128xf32> to vector<3200x128xbf16>
    %swap3A = arith.constant 0 : index
    %swap3A_57 = arith.constant 0 : index
    %swap3A_58 = vector.load %arg10[%swap3A, %swap3A_57] : memref<3200x128xbf16, #tpu.memory_space<vmem>>, vector<3200x128xbf16>
    tpu.vector_store %arg10[%swap3A, %swap3A_57], %convert_element_type3A_56 {strides = array<i32>} : memref<3200x128xbf16, #tpu.memory_space<vmem>>, vector<3200x128xbf16>,
    %reduce_sum3A = arith.constant dense<0.000000e+00> : vector<128xf32>
    %reduce_sum3A_59 = vector.multi_reduction <add>, %add3A_55, %reduce_sum3A [0] : vector<3200x128xf32> to vector<128xf32>
    %broadcast_in_dim3A = vector.shape_cast %reduce_sum3A_59 : vector<128xf32> to vector<1x128xf32>
    %mul3A_60 = arith.mulf %add3A_55, %add3A_55 : vector<3200x128xf32>
    %reduce_sum3A_61 = arith.constant dense<0.000000e+00> : vector<128xf32>
    %reduce_sum3A_62 = vector.multi_reduction <add>, %mul3A_60, %reduce_sum3A_61 [0] : vector<3200x128xf32> to vector<128xf32>
    %broadcast_in_dim3A_63 = vector.shape_cast %reduce_sum3A_62 : vector<128xf32> to vector<1x128xf32>
    %broadcast_in_dim3A_64 = arith.constant 0.000000e+00 : f32
    %broadcast_in_dim3A_65 = vector.broadcast %broadcast_in_dim3A_64 : f32 to vector<6x128xf32>
    %concatenate3A = tpu.concatenate %broadcast_in_dim3A, %broadcast_in_dim3A_63, %broadcast_in_dim3A_65 in 0 : vector<1x128xf32>, vector<1x128xf32>, vector<6x128xf32> -> vector<8x128xf32>
    %eq3A = arith.constant 0 : i32
    %eq3A_66 = arith.cmpi eq, %arg0, %eq3A : i32
    %convert_element_type3A_67 = arith.extui %eq3A_66 : i1 to i32
    %cond3A = arith.constant 0 : i32
    %cond3A_68 = arith.cmpi ne, %convert_element_type3A_67, %cond3A : i32
    scf.if %cond3A_68 {
      %swap3A_73 = arith.constant 0 : index
      %swap3A_74 = arith.constant 0 : index
      %swap3A_75 = vector.load %arg11[%swap3A_73, %swap3A_74] : memref<8x128xf32, #tpu.memory_space<vmem>>, vector<8x128xf32>
      tpu.vector_store %arg11[%swap3A_73, %swap3A_74], %concatenate3A {strides = array<i32>} : memref<8x128xf32, #tpu.memory_space<vmem>>, vector<8x128xf32>,
    } else {
    }
    %gt3A = arith.constant 0 : i32
    %gt3A_69 = arith.cmpi sgt, %arg0, %gt3A : i32
    %convert_element_type3A_70 = arith.extui %gt3A_69 : i1 to i32
    %cond3A_71 = arith.constant 0 : i32
    %cond3A_72 = arith.cmpi ne, %convert_element_type3A_70, %cond3A_71 : i32
    scf.if %cond3A_72 {
      %get3A_73 = arith.constant 0 : index
      %get3A_74 = arith.constant 0 : index
      %get3A_75 = vector.load %arg11[%get3A_73, %get3A_74] : memref<8x128xf32, #tpu.memory_space<vmem>>, vector<8x128xf32>
      %add3A_76 = arith.addf %get3A_75, %concatenate3A : vector<8x128xf32>
      %swap3A_77 = arith.constant 0 : index
      %swap3A_78 = arith.constant 0 : index
      %swap3A_79 = vector.load %arg11[%swap3A_77, %swap3A_78] : memref<8x128xf32, #tpu.memory_space<vmem>>, vector<8x128xf32>
      tpu.vector_store %arg11[%swap3A_77, %swap3A_78], %add3A_76 {strides = array<i32>} : memref<8x128xf32, #tpu.memory_space<vmem>>, vector<8x128xf32>,
    } else {
    }
    return
  }
  func.func @transform_0(%arg0: i32) -> (i32, i32) {
    %c0_i32 = arith.constant 0 : i32
    %c0_i32_0 = arith.constant 0 : i32
    return %arg0, %c0_i32 : i32, i32
  }
  func.func @transform_1(%arg0: i32) -> (i32, i32) {
    %c0_i32 = arith.constant 0 : i32
    %c0_i32_0 = arith.constant 0 : i32
    %c0_i32_1 = arith.constant 0 : i32
    return %c0_i32, %c0_i32_0 : i32, i32
  }
  func.func @transform_2(%arg0: i32) -> (i32, i32) {
    %c0_i32 = arith.constant 0 : i32
    %c0_i32_0 = arith.constant 0 : i32
    %c0_i32_1 = arith.constant 0 : i32
    return %c0_i32, %c0_i32_0 : i32, i32
  }
  func.func @transform_3(%arg0: i32) -> (i32, i32) {
    %c0_i32 = arith.constant 0 : i32
    %c0_i32_0 = arith.constant 0 : i32
    %c0_i32_1 = arith.constant 0 : i32
    return %c0_i32, %c0_i32_0 : i32, i32
  }
  func.func @transform_4(%arg0: i32) -> (i32, i32) {
    %c0_i32 = arith.constant 0 : i32
    %c0_i32_0 = arith.constant 0 : i32
    %c0_i32_1 = arith.constant 0 : i32
    return %c0_i32, %c0_i32_0 : i32, i32
  }
  func.func @transform_5(%arg0: i32) -> (i32, i32) {
    %c0_i32 = arith.constant 0 : i32
    %c0_i32_0 = arith.constant 0 : i32
    %c0_i32_1 = arith.constant 0 : i32
    return %c0_i32, %c0_i32_0 : i32, i32
  }
  func.func @transform_6(%arg0: i32) -> (i32, i32) {
    %c0_i32 = arith.constant 0 : i32
    %c0_i32_0 = arith.constant 0 : i32
    %c0_i32_1 = arith.constant 0 : i32
    return %c0_i32, %c0_i32_0 : i32, i32
  }
  func.func @transform_7(%arg0: i32) -> (i32, i32) {
    %c0_i32 = arith.constant 0 : i32
    %c0_i32_0 = arith.constant 0 : i32
    %c0_i32_1 = arith.constant 0 : i32
    return %c0_i32, %c0_i32_0 : i32, i32
  }
  func.func @transform_8(%arg0: i32) -> (i32, i32) {
    %c0_i32 = arith.constant 0 : i32
    %c0_i32_0 = arith.constant 0 : i32
    %c0_i32_1 = arith.constant 0 : i32
    return %c0_i32, %c0_i32_0 : i32, i32
  }
  func.func @transform_9(%arg0: i32) -> (i32, i32) {
    %c0_i32 = arith.constant 0 : i32
    %c0_i32_0 = arith.constant 0 : i32
    return %arg0, %c0_i32 : i32, i32
  }
  func.func @transform_10(%arg0: i32) -> (i32, i32) {
    %c0_i32 = arith.constant 0 : i32
    %c0_i32_0 = arith.constant 0 : i32
    %c0_i32_1 = arith.constant 0 : i32
    return %c0_i32, %c0_i32_0 : i32, i32
  }
}

module attributes {stable_mosaic.version = 14 : i64} {
  func.func @_epass3_body(%arg0: i32, %arg1: memref<3200x128xbf16, #tpu.memory_space<vmem>>, %arg2: memref<3200x128xbf16, #tpu.memory_space<vmem>>, %arg3: memref<8x128xf32, #tpu.memory_space<vmem>>, %arg4: memref<8x128xf32, #tpu.memory_space<vmem>>, %arg5: memref<1x128xf32, #tpu.memory_space<vmem>>, %arg6: memref<1x128xf32, #tpu.memory_space<vmem>>, %arg7: memref<3200x128xf32, #tpu.memory_space<vmem>>) attributes {dimension_semantics = [#tpu.dimension_semantics<arbitrary>], iteration_bounds = array<i64: 100>, scalar_prefetch = 0 : i64, scratch_operands = 0 : i64, tpu.core_type = #tpu.core_type<tc>, window_params = [{transform_indices = @transform_0, window_bounds = array<i64: 3200, 128>}, {transform_indices = @transform_1, window_bounds = array<i64: 3200, 128>}, {pipeline_mode = #tpu.pipeline_mode<synchronous>, transform_indices = @transform_2, window_bounds = array<i64: 8, 128>}, {pipeline_mode = #tpu.pipeline_mode<synchronous>, transform_indices = @transform_3, window_bounds = array<i64: 8, 128>}, {pipeline_mode = #tpu.pipeline_mode<synchronous>, transform_indices = @transform_4, window_bounds = array<i64: 1, 128>}, {pipeline_mode = #tpu.pipeline_mode<synchronous>, transform_indices = @transform_5, window_bounds = array<i64: 1, 128>}, {transform_indices = @transform_6, window_bounds = array<i64: 3200, 128>}]} {
    %get3A = arith.constant 0 : index
    %get3A_0 = arith.constant 0 : index
    %get3A_1 = vector.load %arg3[%get3A, %get3A_0] : memref<8x128xf32, #tpu.memory_space<vmem>>, vector<8x128xf32>
    %get3A_2 = arith.constant 0 : index
    %get3A_3 = arith.constant 0 : index
    %get3A_4 = vector.load %arg4[%get3A_2, %get3A_3] : memref<8x128xf32, #tpu.memory_space<vmem>>, vector<8x128xf32>
    %add3A = arith.addf %get3A_1, %get3A_4 : vector<8x128xf32>
    %slice3A = vector.extract_strided_slice %add3A {offsets = [0, 0], sizes = [1, 128], strides = [1, 1]} : vector<8x128xf32> to vector<1x128xf32>
    %div3A = arith.constant 3.200000e+05 : f32
    %div3A_5 = vector.broadcast %div3A : f32 to vector<1x128xf32>
    %div3A_6 = arith.divf %slice3A, %div3A_5 : vector<1x128xf32>
    %slice3A_7 = vector.extract_strided_slice %add3A {offsets = [1, 0], sizes = [1, 128], strides = [1, 1]} : vector<8x128xf32> to vector<1x128xf32>
    %div3A_8 = arith.constant 3.200000e+05 : f32
    %div3A_9 = vector.broadcast %div3A_8 : f32 to vector<1x128xf32>
    %div3A_10 = arith.divf %slice3A_7, %div3A_9 : vector<1x128xf32>
    %mul3A = arith.mulf %div3A_6, %div3A_6 : vector<1x128xf32>
    %sub3A = arith.subf %div3A_10, %mul3A : vector<1x128xf32>
    %get3A_11 = arith.constant 0 : index
    %get3A_12 = arith.constant 0 : index
    %get3A_13 = vector.load %arg5[%get3A_11, %get3A_12] : memref<1x128xf32, #tpu.memory_space<vmem>>, vector<1x128xf32>
    %add3A_14 = arith.constant 9.99999974E-6 : f32
    %add3A_15 = vector.broadcast %add3A_14 : f32 to vector<1x128xf32>
    %add3A_16 = arith.addf %sub3A, %add3A_15 : vector<1x128xf32>
    %sqrt3A = math.sqrt %add3A_16 : vector<1x128xf32>
    %div3A_17 = arith.divf %get3A_13, %sqrt3A : vector<1x128xf32>
    %lt3A = arith.constant 50 : i32
    %lt3A_18 = arith.cmpi slt, %arg0, %lt3A : i32
    %convert_element_type3A = arith.extui %lt3A_18 : i1 to i32
    %cond3A = arith.constant 0 : i32
    %cond3A_19 = arith.cmpi ne, %convert_element_type3A, %cond3A : i32
    scf.if %cond3A_19 {
      %get3A_24 = arith.constant 0 : index
      %get3A_25 = arith.constant 0 : index
      %get3A_26 = vector.load %arg1[%get3A_24, %get3A_25] : memref<3200x128xbf16, #tpu.memory_space<vmem>>, vector<3200x128xbf16>
      %convert_element_type3A_27 = arith.extf %get3A_26 : vector<3200x128xbf16> to vector<3200x128xf32>
      %sub3A_28 = vector.broadcast %div3A_6 : vector<1x128xf32> to vector<3200x128xf32>
      %sub3A_29 = arith.subf %convert_element_type3A_27, %sub3A_28 : vector<3200x128xf32>
      %mul3A_30 = vector.broadcast %div3A_17 : vector<1x128xf32> to vector<3200x128xf32>
      %mul3A_31 = arith.mulf %sub3A_29, %mul3A_30 : vector<3200x128xf32>
      %get3A_32 = arith.constant 0 : index
      %get3A_33 = arith.constant 0 : index
      %get3A_34 = vector.load %arg6[%get3A_32, %get3A_33] : memref<1x128xf32, #tpu.memory_space<vmem>>, vector<1x128xf32>
      %add3A_35 = vector.broadcast %get3A_34 : vector<1x128xf32> to vector<3200x128xf32>
      %add3A_36 = arith.addf %mul3A_31, %add3A_35 : vector<3200x128xf32>
      %swap3A = arith.constant 0 : index
      %swap3A_37 = arith.constant 0 : index
      %swap3A_38 = vector.load %arg7[%swap3A, %swap3A_37] : memref<3200x128xf32, #tpu.memory_space<vmem>>, vector<3200x128xf32>
      tpu.vector_store %arg7[%swap3A, %swap3A_37], %add3A_36 {strides = array<i32>} : memref<3200x128xf32, #tpu.memory_space<vmem>>, vector<3200x128xf32>,
    } else {
    }
    %ge3A = arith.constant 50 : i32
    %ge3A_20 = arith.cmpi sge, %arg0, %ge3A : i32
    %convert_element_type3A_21 = arith.extui %ge3A_20 : i1 to i32
    %cond3A_22 = arith.constant 0 : i32
    %cond3A_23 = arith.cmpi ne, %convert_element_type3A_21, %cond3A_22 : i32
    scf.if %cond3A_23 {
      %get3A_24 = arith.constant 0 : index
      %get3A_25 = arith.constant 0 : index
      %get3A_26 = vector.load %arg2[%get3A_24, %get3A_25] : memref<3200x128xbf16, #tpu.memory_space<vmem>>, vector<3200x128xbf16>
      %convert_element_type3A_27 = arith.extf %get3A_26 : vector<3200x128xbf16> to vector<3200x128xf32>
      %sub3A_28 = vector.broadcast %div3A_6 : vector<1x128xf32> to vector<3200x128xf32>
      %sub3A_29 = arith.subf %convert_element_type3A_27, %sub3A_28 : vector<3200x128xf32>
      %mul3A_30 = vector.broadcast %div3A_17 : vector<1x128xf32> to vector<3200x128xf32>
      %mul3A_31 = arith.mulf %sub3A_29, %mul3A_30 : vector<3200x128xf32>
      %get3A_32 = arith.constant 0 : index
      %get3A_33 = arith.constant 0 : index
      %get3A_34 = vector.load %arg6[%get3A_32, %get3A_33] : memref<1x128xf32, #tpu.memory_space<vmem>>, vector<1x128xf32>
      %add3A_35 = vector.broadcast %get3A_34 : vector<1x128xf32> to vector<3200x128xf32>
      %add3A_36 = arith.addf %mul3A_31, %add3A_35 : vector<3200x128xf32>
      %swap3A = arith.constant 0 : index
      %swap3A_37 = arith.constant 0 : index
      %swap3A_38 = vector.load %arg7[%swap3A, %swap3A_37] : memref<3200x128xf32, #tpu.memory_space<vmem>>, vector<3200x128xf32>
      tpu.vector_store %arg7[%swap3A, %swap3A_37], %add3A_36 {strides = array<i32>} : memref<3200x128xf32, #tpu.memory_space<vmem>>, vector<3200x128xf32>,
    } else {
    }
    return
  }
  func.func @transform_0(%arg0: i32) -> (i32, i32) {
    %min3A = arith.constant 49 : i32
    %min3A_0 = arith.minsi %arg0, %min3A : i32
    %c0_i32 = arith.constant 0 : i32
    %c0_i32_1 = arith.constant 0 : i32
    return %min3A_0, %c0_i32 : i32, i32
  }
  func.func @transform_1(%arg0: i32) -> (i32, i32) {
    %sub3A = arith.constant 50 : i32
    %sub3A_0 = arith.subi %arg0, %sub3A : i32
    %max3A = arith.constant 0 : i32
    %max3A_1 = arith.maxsi %sub3A_0, %max3A : i32
    %c0_i32 = arith.constant 0 : i32
    %c0_i32_2 = arith.constant 0 : i32
    return %max3A_1, %c0_i32 : i32, i32
  }
  func.func @transform_2(%arg0: i32) -> (i32, i32) {
    %c0_i32 = arith.constant 0 : i32
    %c0_i32_0 = arith.constant 0 : i32
    %c0_i32_1 = arith.constant 0 : i32
    return %c0_i32, %c0_i32_0 : i32, i32
  }
  func.func @transform_3(%arg0: i32) -> (i32, i32) {
    %c0_i32 = arith.constant 0 : i32
    %c0_i32_0 = arith.constant 0 : i32
    %c0_i32_1 = arith.constant 0 : i32
    return %c0_i32, %c0_i32_0 : i32, i32
  }
  func.func @transform_4(%arg0: i32) -> (i32, i32) {
    %c0_i32 = arith.constant 0 : i32
    %c0_i32_0 = arith.constant 0 : i32
    %c0_i32_1 = arith.constant 0 : i32
    return %c0_i32, %c0_i32_0 : i32, i32
  }
  func.func @transform_5(%arg0: i32) -> (i32, i32) {
    %c0_i32 = arith.constant 0 : i32
    %c0_i32_0 = arith.constant 0 : i32
    %c0_i32_1 = arith.constant 0 : i32
    return %c0_i32, %c0_i32_0 : i32, i32
  }
  func.func @transform_6(%arg0: i32) -> (i32, i32) {
    %c0_i32 = arith.constant 0 : i32
    %c0_i32_0 = arith.constant 0 : i32
    return %arg0, %c0_i32 : i32, i32
  }
}

module attributes {stable_mosaic.version = 14 : i64} {
  func.func @_hside_body(%arg0: memref<10000x128xf32, #tpu.memory_space<vmem>>, %arg1: memref<2x10000x128xf32, #tpu.memory_space<vmem>>, %arg2: memref<128x128xf32, #tpu.memory_space<vmem>>, %arg3: memref<1x128xf32, #tpu.memory_space<vmem>>, %arg4: memref<1x128xf32, #tpu.memory_space<vmem>>, %arg5: memref<1x128xf32, #tpu.memory_space<vmem>>, %arg6: memref<128x256xf32, #tpu.memory_space<vmem>>, %arg7: memref<1x256xf32, #tpu.memory_space<vmem>>, %arg8: memref<256x128xf32, #tpu.memory_space<vmem>>, %arg9: memref<1x128xf32, #tpu.memory_space<vmem>>, %arg10: memref<1x128xf32, #tpu.memory_space<vmem>>, %arg11: memref<1x128xf32, #tpu.memory_space<vmem>>, %arg12: memref<10000x128xf32, #tpu.memory_space<vmem>>) attributes {dimension_semantics = [], scalar_prefetch = 0 : i64, scratch_operands = 0 : i64, tpu.core_type = #tpu.core_type<tc>} {
    %get3A = arith.constant 0 : index
    %get3A_0 = arith.constant 0 : index
    %get3A_1 = arith.constant 0 : index
    %get3A_2 = vector.load %arg1[%get3A, %get3A_0, %get3A_1] : memref<2x10000x128xf32, #tpu.memory_space<vmem>>, vector<1x10000x128xf32>
    %get3A_3 = vector.shape_cast %get3A_2 : vector<1x10000x128xf32> to vector<10000x128xf32>
    %get3A_4 = arith.constant 1 : index
    %get3A_5 = arith.constant 0 : index
    %get3A_6 = arith.constant 0 : index
    %get3A_7 = vector.load %arg1[%get3A_4, %get3A_5, %get3A_6] : memref<2x10000x128xf32, #tpu.memory_space<vmem>>, vector<1x10000x128xf32>
    %get3A_8 = vector.shape_cast %get3A_7 : vector<1x10000x128xf32> to vector<10000x128xf32>
    %gt3A = arith.constant 0.000000e+00 : f32
    %gt3A_9 = vector.broadcast %gt3A : f32 to vector<10000x128xf32>
    %gt3A_10 = arith.cmpf ogt, %get3A_3, %gt3A_9 : vector<10000x128xf32>
    %div3A = arith.divf %get3A_8, %get3A_3 : vector<10000x128xf32>
    %jit3A = arith.constant 0.000000e+00 : f32
    %broadcast_in_dim3A = vector.broadcast %jit3A : f32 to vector<10000x128xf32>
    %select_n3A = arith.select %gt3A_10, %div3A, %broadcast_in_dim3A : vector<10000x128xi1>, vector<10000x128xf32>
    %get3A_11 = arith.constant 0 : index
    %get3A_12 = arith.constant 0 : index
    %get3A_13 = vector.load %arg0[%get3A_11, %get3A_12] : memref<10000x128xf32, #tpu.memory_space<vmem>>, vector<10000x128xf32>
    %get3A_14 = arith.constant 0 : index
    %get3A_15 = arith.constant 0 : index
    %get3A_16 = vector.load %arg2[%get3A_14, %get3A_15] : memref<128x128xf32, #tpu.memory_space<vmem>>, vector<128x128xf32>
    %dot_general3A = arith.constant dense<0.000000e+00> : vector<10000x128xf32>
    %dot_general3A_17 = tpu.matmul %select_n3A, %get3A_16, %dot_general3A {dimension_numbers = #tpu.dot_dimension_numbers<[1], [0], [0], [1], [0, 0, 1, 1], [], []>, transpose_lhs_hint = false} : vector<10000x128xf32>, vector<128x128xf32>, vector<10000x128xf32> -> vector<10000x128xf32>
    %add3A = arith.addf %get3A_13, %dot_general3A_17 : vector<10000x128xf32>
    %get3A_18 = arith.constant 0 : index
    %get3A_19 = arith.constant 0 : index
    %get3A_20 = vector.load %arg3[%get3A_18, %get3A_19] : memref<1x128xf32, #tpu.memory_space<vmem>>, vector<1x128xf32>
    %add3A_21 = vector.broadcast %get3A_20 : vector<1x128xf32> to vector<10000x128xf32>
    %add3A_22 = arith.addf %add3A, %add3A_21 : vector<10000x128xf32>
    %reduce_sum3A = arith.constant dense<0.000000e+00> : vector<128xf32>
    %reduce_sum3A_23 = vector.multi_reduction <add>, %add3A_22, %reduce_sum3A [0] : vector<10000x128xf32> to vector<128xf32>
    %broadcast_in_dim3A_24 = vector.shape_cast %reduce_sum3A_23 : vector<128xf32> to vector<1x128xf32>
    %div3A_25 = arith.constant 1.000000e+04 : f32
    %div3A_26 = vector.broadcast %div3A_25 : f32 to vector<1x128xf32>
    %div3A_27 = arith.divf %broadcast_in_dim3A_24, %div3A_26 : vector<1x128xf32>
    %sub3A = vector.broadcast %div3A_27 : vector<1x128xf32> to vector<10000x128xf32>
    %sub3A_28 = arith.subf %add3A_22, %sub3A : vector<10000x128xf32>
    %sub3A_29 = vector.broadcast %div3A_27 : vector<1x128xf32> to vector<10000x128xf32>
    %sub3A_30 = arith.subf %add3A_22, %sub3A_29 : vector<10000x128xf32>
    %mul3A = arith.mulf %sub3A_28, %sub3A_30 : vector<10000x128xf32>
    %reduce_sum3A_31 = arith.constant dense<0.000000e+00> : vector<128xf32>
    %reduce_sum3A_32 = vector.multi_reduction <add>, %mul3A, %reduce_sum3A_31 [0] : vector<10000x128xf32> to vector<128xf32>
    %broadcast_in_dim3A_33 = vector.shape_cast %reduce_sum3A_32 : vector<128xf32> to vector<1x128xf32>
    %div3A_34 = arith.constant 1.000000e+04 : f32
    %div3A_35 = vector.broadcast %div3A_34 : f32 to vector<1x128xf32>
    %div3A_36 = arith.divf %broadcast_in_dim3A_33, %div3A_35 : vector<1x128xf32>
    %sub3A_37 = vector.broadcast %div3A_27 : vector<1x128xf32> to vector<10000x128xf32>
    %sub3A_38 = arith.subf %add3A_22, %sub3A_37 : vector<10000x128xf32>
    %add3A_39 = arith.constant 9.99999974E-6 : f32
    %add3A_40 = vector.broadcast %add3A_39 : f32 to vector<1x128xf32>
    %add3A_41 = arith.addf %div3A_36, %add3A_40 : vector<1x128xf32>
    %sqrt3A = math.sqrt %add3A_41 : vector<1x128xf32>
    %div3A_42 = vector.broadcast %sqrt3A : vector<1x128xf32> to vector<10000x128xf32>
    %div3A_43 = arith.divf %sub3A_38, %div3A_42 : vector<10000x128xf32>
    %get3A_44 = arith.constant 0 : index
    %get3A_45 = arith.constant 0 : index
    %get3A_46 = vector.load %arg4[%get3A_44, %get3A_45] : memref<1x128xf32, #tpu.memory_space<vmem>>, vector<1x128xf32>
    %mul3A_47 = vector.broadcast %get3A_46 : vector<1x128xf32> to vector<10000x128xf32>
    %mul3A_48 = arith.mulf %div3A_43, %mul3A_47 : vector<10000x128xf32>
    %get3A_49 = arith.constant 0 : index
    %get3A_50 = arith.constant 0 : index
    %get3A_51 = vector.load %arg5[%get3A_49, %get3A_50] : memref<1x128xf32, #tpu.memory_space<vmem>>, vector<1x128xf32>
    %add3A_52 = vector.broadcast %get3A_51 : vector<1x128xf32> to vector<10000x128xf32>
    %add3A_53 = arith.addf %mul3A_48, %add3A_52 : vector<10000x128xf32>
    %get3A_54 = arith.constant 0 : index
    %get3A_55 = arith.constant 0 : index
    %get3A_56 = vector.load %arg6[%get3A_54, %get3A_55] : memref<128x256xf32, #tpu.memory_space<vmem>>, vector<128x256xf32>
    %dot_general3A_57 = arith.constant dense<0.000000e+00> : vector<10000x256xf32>
    %dot_general3A_58 = tpu.matmul %add3A_53, %get3A_56, %dot_general3A_57 {dimension_numbers = #tpu.dot_dimension_numbers<[1], [0], [0], [1], [0, 0, 1, 1], [], []>, transpose_lhs_hint = false} : vector<10000x128xf32>, vector<128x256xf32>, vector<10000x256xf32> -> vector<10000x256xf32>
    %get3A_59 = arith.constant 0 : index
    %get3A_60 = arith.constant 0 : index
    %get3A_61 = vector.load %arg7[%get3A_59, %get3A_60] : memref<1x256xf32, #tpu.memory_space<vmem>>, vector<1x256xf32>
    %add3A_62 = vector.broadcast %get3A_61 : vector<1x256xf32> to vector<10000x256xf32>
    %add3A_63 = arith.addf %dot_general3A_58, %add3A_62 : vector<10000x256xf32>
    %max3A = arith.constant 0.000000e+00 : f32
    %max3A_64 = vector.broadcast %max3A : f32 to vector<10000x256xf32>
    %max3A_65 = arith.maximumf %add3A_63, %max3A_64 : vector<10000x256xf32>
    %get3A_66 = arith.constant 0 : index
    %get3A_67 = arith.constant 0 : index
    %get3A_68 = vector.load %arg8[%get3A_66, %get3A_67] : memref<256x128xf32, #tpu.memory_space<vmem>>, vector<256x128xf32>
    %dot_general3A_69 = arith.constant dense<0.000000e+00> : vector<10000x128xf32>
    %dot_general3A_70 = tpu.matmul %max3A_65, %get3A_68, %dot_general3A_69 {dimension_numbers = #tpu.dot_dimension_numbers<[1], [0], [0], [1], [0, 0, 1, 1], [], []>, transpose_lhs_hint = false} : vector<10000x256xf32>, vector<256x128xf32>, vector<10000x128xf32> -> vector<10000x128xf32>
    %add3A_71 = arith.addf %add3A_53, %dot_general3A_70 : vector<10000x128xf32>
    %get3A_72 = arith.constant 0 : index
    %get3A_73 = arith.constant 0 : index
    %get3A_74 = vector.load %arg9[%get3A_72, %get3A_73] : memref<1x128xf32, #tpu.memory_space<vmem>>, vector<1x128xf32>
    %add3A_75 = vector.broadcast %get3A_74 : vector<1x128xf32> to vector<10000x128xf32>
    %add3A_76 = arith.addf %add3A_71, %add3A_75 : vector<10000x128xf32>
    %reduce_sum3A_77 = arith.constant dense<0.000000e+00> : vector<128xf32>
    %reduce_sum3A_78 = vector.multi_reduction <add>, %add3A_76, %reduce_sum3A_77 [0] : vector<10000x128xf32> to vector<128xf32>
    %broadcast_in_dim3A_79 = vector.shape_cast %reduce_sum3A_78 : vector<128xf32> to vector<1x128xf32>
    %div3A_80 = arith.constant 1.000000e+04 : f32
    %div3A_81 = vector.broadcast %div3A_80 : f32 to vector<1x128xf32>
    %div3A_82 = arith.divf %broadcast_in_dim3A_79, %div3A_81 : vector<1x128xf32>
    %sub3A_83 = vector.broadcast %div3A_82 : vector<1x128xf32> to vector<10000x128xf32>
    %sub3A_84 = arith.subf %add3A_76, %sub3A_83 : vector<10000x128xf32>
    %sub3A_85 = vector.broadcast %div3A_82 : vector<1x128xf32> to vector<10000x128xf32>
    %sub3A_86 = arith.subf %add3A_76, %sub3A_85 : vector<10000x128xf32>
    %mul3A_87 = arith.mulf %sub3A_84, %sub3A_86 : vector<10000x128xf32>
    %reduce_sum3A_88 = arith.constant dense<0.000000e+00> : vector<128xf32>
    %reduce_sum3A_89 = vector.multi_reduction <add>, %mul3A_87, %reduce_sum3A_88 [0] : vector<10000x128xf32> to vector<128xf32>
    %broadcast_in_dim3A_90 = vector.shape_cast %reduce_sum3A_89 : vector<128xf32> to vector<1x128xf32>
    %div3A_91 = arith.constant 1.000000e+04 : f32
    %div3A_92 = vector.broadcast %div3A_91 : f32 to vector<1x128xf32>
    %div3A_93 = arith.divf %broadcast_in_dim3A_90, %div3A_92 : vector<1x128xf32>
    %sub3A_94 = vector.broadcast %div3A_82 : vector<1x128xf32> to vector<10000x128xf32>
    %sub3A_95 = arith.subf %add3A_76, %sub3A_94 : vector<10000x128xf32>
    %add3A_96 = arith.constant 9.99999974E-6 : f32
    %add3A_97 = vector.broadcast %add3A_96 : f32 to vector<1x128xf32>
    %add3A_98 = arith.addf %div3A_93, %add3A_97 : vector<1x128xf32>
    %sqrt3A_99 = math.sqrt %add3A_98 : vector<1x128xf32>
    %div3A_100 = vector.broadcast %sqrt3A_99 : vector<1x128xf32> to vector<10000x128xf32>
    %div3A_101 = arith.divf %sub3A_95, %div3A_100 : vector<10000x128xf32>
    %get3A_102 = arith.constant 0 : index
    %get3A_103 = arith.constant 0 : index
    %get3A_104 = vector.load %arg10[%get3A_102, %get3A_103] : memref<1x128xf32, #tpu.memory_space<vmem>>, vector<1x128xf32>
    %mul3A_105 = vector.broadcast %get3A_104 : vector<1x128xf32> to vector<10000x128xf32>
    %mul3A_106 = arith.mulf %div3A_101, %mul3A_105 : vector<10000x128xf32>
    %get3A_107 = arith.constant 0 : index
    %get3A_108 = arith.constant 0 : index
    %get3A_109 = vector.load %arg11[%get3A_107, %get3A_108] : memref<1x128xf32, #tpu.memory_space<vmem>>, vector<1x128xf32>
    %add3A_110 = vector.broadcast %get3A_109 : vector<1x128xf32> to vector<10000x128xf32>
    %add3A_111 = arith.addf %mul3A_106, %add3A_110 : vector<10000x128xf32>
    %swap3A = arith.constant 0 : index
    %swap3A_112 = arith.constant 0 : index
    %swap3A_113 = vector.load %arg12[%swap3A, %swap3A_112] : memref<10000x128xf32, #tpu.memory_space<vmem>>, vector<10000x128xf32>
    tpu.vector_store %arg12[%swap3A, %swap3A_112], %add3A_111 {strides = array<i32>} : memref<10000x128xf32, #tpu.memory_space<vmem>>, vector<10000x128xf32>,
    return
  }
}

</mosaic_0001>

<sc_bundles>
// kernel: kernel.13.cloned.1.call-start
scs
__scs_entry_jumppad:
0x0: {  	(pc) =	sbr.rel $0x88, $3  }
0x1: {  	(tag) =	ssettag $0x0;
	lr =	simm.s32 $0x1  }
0x2: {  	[smem:$0x3F86] =	sst lr;
	_ =	strace $0xD0000000  }
0x3: {  	_ = 	snop  }
0x4: {  	_ = 	snop  }
0x5: {  	_ = 	snop  }
0x6: {  	_ = 	snop  }
0x7: {  	_ = 	snop  }
__scs_overlays_trampoline_lowered:
0x8: {  	[smem:$0x3F95] =	sst s0  }
0x9: {  	[smem:$0x3F96] =	sst s1  }
0xa: {  	[smem:$0x3F97] =	sst s2  }
0xb: {  	[smem:$0x3F98] =	sst s3  }
0xc: {  	[smem:$0x3F99] =	sst s4  }
0xd: {  	[smem:$0x3F9A] =	sst s5  }
0xe: {  	[smem:$0x3F9B] =	sst s6  }
0xf: {  	[smem:$0x3F9C] =	sst s7  }
0x10: {  	[smem:$0x3F9D] =	sst s8  }
0x11: {  	[smem:$0x3F9E] =	sst s9;
	s0 =	simm.s32 @!p0 $0x0  }
0x12: {  	s1 =	sld [smem:$0x3F84];
	s0 =	simm.s32 @p0 $0x1  }
0x13: {  	[smem:$0x3F9F] =	sst s0;
	s0 =	simm.s32 @!p1 $0x0  }
0x14: {  	s2 =	sld [smem:$0x3F83];
	s0 =	simm.s32 @p1 $0x1  }
0x15: {  	[smem:$0x3FA0] =	sst s0;
	s0 =	simm.s32 @!p2 $0x0  }
0x16: {  	s3 =	sld [smem:$0x3FDB];
	s0 =	simm.s32 @p2 $0x1  }
0x17: {  	s4 =	simm.s32 $0x1BF5;
	[smem:$0x3FA2] =	sst s0  }
0x18: {  	s0 =	sld [smem:$0x3F85];
	_ =	swait.ge [sflag:s4], $0x0  }
0x19: {  	s7 =	sld [smem:$0x3F86]  }
0x1a: {  	s8 =	sadd.s32 $0xFFFFE003, lr  }
0x1b: {  	s9 =	sadd.s32 $0xFFFFFEF7, lr;
	s5 =	simm.s32 $0xFFFFFFFF;
	p2 =	slt.u32 s8, $0xFFFFF086  }
0x1c: {  	p1 =	slt.u32 s9, $0xF7A;
	s5 =	simm.s32 @!p2 $0x0  }
0x1d: {  	s5 =	simm.s32 @p1 $0x1;
	p0 =	seq.s32 s7, s2  }
0x1e: {  	s7 =	smul.u32 @!p0 $0xF7A, s2;
	p2 =	seq.s32 @!p0 s5, $0x0  }
0x1f: {  	s9 =	smul.u32 $0xF7A, s1;
	s8 =	simm.s32 @!p0 $0x1BF5;
	p2 =	por !p2, p0  }
0x20: {  	[sflag:s8] =	ssyncset.s32 @!p0 $0xFFFFF086;
	s6 =	sadd.s32 @!p0 s3, s7;
	s7 =	simm.s32 @!p0 $0x108  }
0x21: {  	s3 =	sadd.s32 s3, s9;
	s6 =	sadd.s32 @!p0 $0x88, s6;
	s7 =	simm.s32 @p2 $0x1082  }
0x22: {  	[simem:s7], [sflag:s8] =	dma.local @!p0 [hbm:s6], $0xF7A  }
0x23: {  	s9 =	sor.u32 $0xD0000000, s2;
	s6 =	simm.s32 $0x108;
	_ =	swait.ge @!p0 [sflag:s8], $0x0  }
0x24: {  	s3 =	sadd.s32 $0x88, s3;
	s6 =	simm.s32 @!p1 $0x1082;
	[sflag:s4] =	ssyncset.s32 $0xFFFFF086  }
0x25: {  	[simem:s6], [sflag:s4] =	dma.local [hbm:s3], $0xF7A  }
0x26: {  	[smem:$0x3F86] =	sst s1;
	(tag) =	ssettag s2;
	_ =	strace s9  }
0x27: {  	s1 =	sld [smem:$0x3F96]  }
0x28: {  	s2 =	sld [smem:$0x3F97]  }
0x29: {  	s4 =	sld [smem:$0x3F99]  }
0x2a: {  	p0 =	seq.s32 s5, $0x0;
	s5 =	sld [smem:$0x3F9A]  }
0x2b: {  	s6 =	sld [smem:$0x3F9B]  }
0x2c: {  	s7 =	sld [smem:$0x3F9C]  }
0x2d: {  	s3 =	simm.s32 $0x108;
	s8 =	sld [smem:$0x3F9D]  }
0x2e: {  	s3 =	simm.s32 @!p0 $0x1082;
	s9 =	sld [smem:$0x3F9E]  }
0x2f: {  	lr =	sadd.s32 s0, s3;
	s0 =	sld [smem:$0x3F95]  }
0x30: {  	s3 =	sld [smem:$0x3F98]  }
0x31: {  	[smem:$0x3FA1] =	sst s10  }
0x32: {  	s10 =	sld [smem:$0x3F9F];
	_ =	sdelay $0x3  }
0x33: {  	p0 =	seq.s32 s10, $0x1;
	s10 =	sld [smem:$0x3FA1];
	_ =	sdelay $0x3  }
0x34: {  	[smem:$0x3FA1] =	sst s10  }
0x35: {  	s10 =	sld [smem:$0x3FA0];
	_ =	sdelay $0x3  }
0x36: {  	p1 =	seq.s32 s10, $0x1;
	s10 =	sld [smem:$0x3FA1];
	_ =	sdelay $0x3  }
0x37: {  	[smem:$0x3FA1] =	sst s10  }
0x38: {  	s10 =	sld [smem:$0x3FA2]  }
0x39: {  	_ = 	snop;
	(pc) =	sbr.ind lr, $3  }
0x3a: {  	_ = 	snop  }
0x3b: {  	_ = 	snop  }
0x3c: {  	p2 =	seq.s32 s10, $0x1;
	s10 =	sld [smem:$0x3FA1]  }
0x3d: {  	_ =	shalt  }
0x3e: {  	_ =	shalt  }
0x3f: {  	_ =	shalt  }
0x40: {  	_ =	shalt  }
0x41: {  	_ =	shalt  }
0x42: {  	_ =	shalt  }
0x43: {  	_ =	shalt  }
0x44: {  	_ =	shalt  }
0x45: {  	_ =	shalt  }
0x46: {  	_ =	shalt  }
0x47: {  	_ =	shalt  }
0x48: {  	_ =	shalt  }
0x49: {  	_ =	shalt  }
0x4a: {  	_ =	shalt  }
0x4b: {  	_ =	shalt  }
0x4c: {  	_ =	shalt  }
0x4d: {  	_ =	shalt  }
0x4e: {  	_ =	shalt  }
0x4f: {  	_ =	shalt  }
0x50: {  	_ =	shalt  }
0x51: {  	_ =	shalt  }
0x52: {  	_ =	shalt  }
0x53: {  	_ =	shalt  }
0x54: {  	_ =	shalt  }
0x55: {  	_ =	shalt  }
0x56: {  	_ =	shalt  }
0x57: {  	_ =	shalt  }
0x58: {  	_ =	shalt  }
0x59: {  	_ =	shalt  }
0x5a: {  	_ =	shalt  }
0x5b: {  	_ =	shalt  }
0x5c: {  	_ =	shalt  }
0x5d: {  	_ =	shalt  }
0x5e: {  	_ =	shalt  }
0x5f: {  	_ =	shalt  }
0x60: {  	_ =	shalt  }
0x61: {  	_ =	shalt  }
0x62: {  	_ =	shalt  }
0x63: {  	_ =	shalt  }
0x64: {  	_ =	shalt  }
0x65: {  	_ =	shalt  }
0x66: {  	_ =	shalt  }
0x67: {  	_ =	shalt  }
0x68: {  	_ =	shalt  }
0x69: {  	_ =	shalt  }
0x6a: {  	_ =	shalt  }
0x6b: {  	_ =	shalt  }
0x6c: {  	_ =	shalt  }
0x6d: {  	_ =	shalt  }
0x6e: {  	_ =	shalt  }
0x6f: {  	_ =	shalt  }
0x70: {  	_ =	shalt  }
0x71: {  	_ =	shalt  }
0x72: {  	_ =	shalt  }
0x73: {  	_ =	shalt  }
0x74: {  	_ =	shalt  }
0x75: {  	_ =	shalt  }
0x76: {  	_ =	shalt  }
0x77: {  	_ =	shalt  }
0x78: {  	_ =	shalt  }
0x79: {  	_ =	shalt  }
0x7a: {  	_ =	shalt  }
0x7b: {  	_ =	shalt  }
0x7c: {  	_ =	shalt  }
0x7d: {  	_ =	shalt  }
0x7e: {  	_ =	shalt  }
0x7f: {  	_ =	shalt  }
0x80: {  	_ =	shalt  }
0x81: {  	_ =	shalt  }
0x82: {  	_ =	shalt  }
0x83: {  	_ =	shalt  }
0x84: {  	_ =	shalt  }
0x85: {  	_ =	shalt  }
0x86: {  	_ =	shalt  }
0x87: {  	_ =	shalt  }
.Lfunc_end0:
.L_simem_size_0:
called_computation_lowered:
.L_overlay_start_0:
0x88: {  	s2 =	sld [smem:$0x3FD9]  }
0x89: {  	s3 =	sld [smem:$0x3FFE];
	_ =	sdelay $0x1  }
0x8a: {  	s1 =	srdreg.scid  }
0x8b: {  	s0 =	sand.u32 $0x1, s1  }
0x8c: {  	s14 =	sshll.u32 s0, $0xA;
	s2 =	sadd.s32 s3, s2  }
0x8d: {  	s2 =	sadd.s32 s2, s14  }
0x8e: {  	[smem:$0x3FAD] =	sst s2  }
0x8f: {  	_ = 	snop  }
0x90: {  	s2 =	sld [smem:$0x3FD0];
	_ =	sdelay $0x2  }
0x91: {  	s15 =	simm.s32 $0xB;
	s4 =	simm.s32 $0x10  }
0x92: {  	[smem:s4], [sflag:s15] =	dma.local [hbm:s2], $0x1  }
0x93: {  	_ =	swait.eq [sflag:s15], $0x1  }
0x94: {  	[sflag:s15] =	ssyncset.done $0x0  }
0x95: {  	[sflag:s15] =	ssyncadd.s32 $0xFFFFFFFF  }
0x96: {  	s16 =	sld [smem:$0x10];
	(tm) =	ssettm $0x1  }
0x97: {  	s17 =	sld [smem:$0x3FFB];
	_ =	sdelay $0x3  }
0x98: {  	_ =	strace s17  }
0x99: {  	s3 =	sld [smem:$0x3FFC];
	_ =	sdelay $0x3  }
0x9a: {  	_ =	strace s3  }
0x9b: {  	s3 =	sld [smem:$0x3FFD];
	_ =	sdelay $0x3  }
0x9c: {  	_ =	strace s3  }
0x9d: {  	_ =	strace $0x8FFFFFFF  }
0x9e: {  	s18 =	sld [smem:$0x3FDB];
	_ =	sdelay $0x1  }
0x9f: {  	s19 =	simm.s32 $_scs_section_size  }
0xa0: {  	s5 =	simm.s32 $_size__tile_overlayer_lowered;
	s6 =	simm.s32 $_tile_overlayer_lowered  }
0xa1: {  	s22 =	simm.s32 $0x1BFF;
	s21 =	sshll.u32 s6, $0x1;
	s3 =	sadd.s32 s19, s18  }
0xa2: {  	s7 =	simm.s32 $0x0;
	s20 =	sshll.u32 s5, $0x1;
	s5 =	sadd.s32 s21, s3  }
0xa3: {  	[timem:s7], [sflag:s22] =	dma.local [hbm:s5], s20  }
0xa4: {  	_ =	swait.ge [sflag:s22], s20  }
0xa5: {  	s4 =	ssub.s32 $0x0, s20;
	[sflag:s22] =	ssyncset.done $0x0  }
0xa6: {  	[sflag:s22] =	ssyncadd.s32 s4;
	_ =	sdelay $0x1  }
0xa7: {  	s23 =	simm.s32 $0x1B8B  }
0xa8: {  	_ =	swait.ge [sflag:s23], $0x1  }
0xa9: {  	[sflag:s23] =	ssyncset.done $0x0  }
0xaa: {  	s25 =	simm.s32 $0x1B8E;
	s24 =	sld [smem:$0x3FFE];
	[sflag:s23] =	ssyncadd.s32 $0xFFFFFFFF  }
0xab: {  	s26 =	simm.s32 $execute0_lowered;
	[smem:$0x3FD2] =	sst s25  }
0xac: {  	s5 =	sshll.u32 s26, $0x1;
	_ =	strace $0x80000046;
	[dreg:$0x1] =	wrdreg $0xFFFFFFFF  }
0xad: {  	s28 =	simm.s32 $_size_execute0_lowered;
	s3 =	sadd.s32 s3, s5;
	[dreg:$0x0] =	wrdreg $0x0  }
0xae: {  	s5 =	sshll.u32 s28, $0x1;
	[dreg:$0x2] =	wrdreg s3  }
0xaf: {  	[dreg:$0x3] =	wrdreg s5  }
0xb0: {  	[dreg:$0x4] =	wrdreg $0xC0  }
0xb1: {  	_ =	task [dreg:s7], $0x5FFFF  }
0xb2: {  	[dreg:$0x1] =	wrdreg $0xFFFFFFFF  }
0xb3: {  	[dreg:$0x0] =	wrdreg $0x60  }
0xb4: {  	[dreg:$0x2] =	wrdreg s24  }
0xb5: {  	[dreg:$0x3] =	wrdreg s16  }
0xb6: {  	[dreg:$0x4] =	wrdreg $0xA  }
0xb7: {  	_ =	task.clear_ibuf [dreg:s7], $0x5FFFF;
	_ =	strace $0x90000046  }
0xb8: {  	s29 =	simm.s32 $0xA;
	_ =	strace $0x80000048  }
0xb9: {  	_ =	swait.ge [sflag:s29], $0x1  }
0xba: {  	[sflag:s29] =	ssyncadd.s32 $0xFFFFFFFF  }
0xbb: {  	_ =	strace $0x90000048  }
0xbc: {  	_ =	sfence  }
0xbd: {  	s30 =	sld [smem:$0x0];
	_ =	sdelay $0x2  }
0xbe: {  	s31 =	sshll.u32 s1, $0xD;
	s1 =	sshrl.u32 s1, $0x2  }
0xbf: {  	s3 =	sand.u32 $0x4000, s31;
	s1 =	sadd.s32 s1, s30  }
0xc0: {  	s0 =	sor.u32 s3, s0;
	s1 =	sshll.u32 s1, $0x11  }
0xc1: {  	s0 =	sor.u32 s1, s0  }
0xc2: {  	s0 =	sadd.s32 $0x8F2B, s0  }
0xc3: {  	[sflag:s0] =	ssyncadd.remote.s32 $0x1  }
0xc4: {  	_ =	sfence.sel $0xFFFF  }
0xc5: {  	[dreg:$0x0] =	wrdreg $0xFFFFFFFF;
	(pc) =	sbr.abs _section_cstart, $3  }
0xc6: {  	[dreg:$0x1] =	wrdreg $0xFFFFFFFF  }
0xc7: {  	_ =	task.clear_ibuf [dreg:s7], $0x2FFFF;
	_ =	strace $0x9FFFFFFF  }
0xc8: {  	(tm) =	ssettm $0x7FFFFFFF  }
0xc9: {  	_ =	shalt  }
tec
execute0_lowered:
.L_overlay_start_1:
0x0: {  	(tag) =	ssettag $0x1  }
0x1: {  	s0 =	rddreg [dreg:$0x0]  }
0x2: {  	s1 =	rddreg [dreg:$0x1]  }
0x3: {  	s2 =	srdreg.scid;
	s3 =	simm.s32 $0x0;
	s13 =	stileid.u32  }
0x4: {  	s28 =	simm.s32 $0xC200;
	s29 =	simm.s32 $0x1;
	s30 =	simm.s32 $0x2  }
0x5: {  	s31 =	simm.s32 $0x8;
	s2 =	sand.u32 $0x1, s2;
	[smem:$0x7FF] =	sst s3  }
0x6: {  	s10 =	sadd.s32 $0x10400, s0;
	s6 =	sadd.s32 $0x1A200, s0;
	s22 =	smul.u32 $0x13880, s13  }
0x7: {  	s8 =	sadd.s32 $0x41400, s0;
	s24 =	smul.u32 $0x1388, s13;
	s4 =	sshll.u32 s2, $0x4  }
0x8: {  	_ =	strace $0x80000047;
	s7 =	ssub.s32 $0x2, s2;
	s20 =	smul.u32 $0x138800, s2  }
0x9: {  	s2 =	smul.u32 $0x13880, s2;
	s5 =	sor.u32 s13, s4;
	s4 =	sadd.s32 $0x6600, s0  }
0xa: {  	s9 =	sshrl.u32 s7, $0x1;
	s0 =	sadd.s32 $0x2B2400, s0;
	s5 =	smul.u32 $0x1388, s5  }
0xb: {  	s7 =	ssub.s32 s7, s9;
	s25 =	sadd.s32 s20, s8;
	s2 =	sadd.s32 s24, s2  }
0xc: {  	s24 =	simm.s32 $0x100;
	s15 =	smax.u32 s7, $0x1;
	s11 =	sadd.s32 $0x1300, s5  }
0xd: {  	s16 =	sadd.s32 s22, s25;
	s26 =	sadd.s32 $0x80, s2;
	s18 =	sshrl.u32 s11, $0x3  }
0xe: {  	s25 =	simm.s32 $0x180;
	s5 =	sadd.s32 $0x1380, s5;
	s12 =	sadd.s32 s4, s18  }
0xf: {  	s19 =	sshll.u32 s11, $0x4;
	s9 =	sadd.s32 s10, s18;
	[dreg:$0x3] =	wrdreg s12  }
0x10: {  	s21 =	sshrl.u32 s5, $0x3;
	s11 =	sadd.s32 s8, s19;
	[dreg:$0x4] =	wrdreg s9  }
0x11: {  	s5 =	sshll.u32 s5, $0x4;
	s14 =	sadd.s32 s4, s21;
	[dreg:$0x5] =	wrdreg s11  }
0x12: {  	s7 =	simm.s32 $0x0;
	s23 =	sadd.s32 s8, s5;
	[dreg:$0x7] =	wrdreg s14  }
0x13: {  	s5 =	sadd.s32 s0, s5;
	s18 =	sshrl.u32 s2, $0x3;
	[dreg:$0x9] =	wrdreg s23  }
0x14: {  	s2 =	simm.s32 $0x10600;
	s9 =	sadd.s32 s0, s19;
	[dreg:$0xa] =	wrdreg s5  }
0x15: {  	s0 =	sadd.s32 s20, s0;
	s19 =	sshrl.u32 s26, $0x3;
	s20 =	simm.s32 $0x3  }
0x16: {  	s23 =	simm.s32 $0x4200;
	s26 =	simm.s32 $0x8200;
	[dreg:$0x6] =	wrdreg s9  }
0x17: {  	s9 =	sadd.s32 s10, s21;
	s17 =	sadd.s32 s22, s0;
	s21 =	simm.s32 $0x80  }
0x18: {  	s22 =	simm.s32 $0x200;
	s0 =	simm.s32 $0x10200;
	[dreg:$0x8] =	wrdreg s9  }
.LBB2_1:
0x19: {  	s5 =	sadd.s32 s4, s18  }
0x1a: {  	[tilespmem:s3], [sflag:$0x3] =	stream.linear.gather [hbm4b:s5+s3], $0x80, $0x38;
	[tilespmem:$0x10A00] =	vst v63  }
0x1b: {  	_ =	swait.ge [sflag:s20], $0x80  }
0x1c: {  	[sflag:s20] =	ssyncset.done $0x0  }
0x1d: {  	s9 =	sadd.s32 s10, s18;
	[sflag:s20] =	ssyncadd.s32 $0xFFFFFF80  }
0x1e: {  	[tilespmem:s21], [sflag:$0x3] =	stream.linear.gather [hbm4b:s9+s3], $0x80, $0x38;
	[tilespmem:$0x10A00] =	vst v63  }
0x1f: {  	_ =	swait.ge [sflag:s20], $0x80  }
0x20: {  	[sflag:s20] =	ssyncset.done $0x0  }
0x21: {  	[sflag:s20] =	ssyncadd.s32 $0xFFFFFF80  }
0x22: {  	[tilespmem:s22], [sflag:$0x1] =	stream.indirect.gather [hbm4b:s1+s21], $0x80, s3, s21, $0xb8;
	[tilespmem:$0x10A00] =	vst v63  }
0x23: {  	_ = 	snop  }
0x24: {  	[tilespmem:s23], [sflag:$0x1] =	stream.indirect.gather [hbm4b:s6+s21], $0x80, s21, s21, $0xb8;
	[tilespmem:$0x10A00] =	vst v63  }
0x25: {  	s11 =	sadd.s32 s4, s19  }
0x26: {  	[tilespmem:s24], [sflag:$0x3] =	stream.linear.gather [hbm4b:s11+s3], $0x80, $0x38;
	[tilespmem:$0x10A00] =	vst v63  }
0x27: {  	_ =	swait.ge [sflag:s20], $0x80  }
0x28: {  	[sflag:s20] =	ssyncset.done $0x0  }
0x29: {  	s12 =	sadd.s32 s10, s19;
	[sflag:s20] =	ssyncadd.s32 $0xFFFFFF80  }
0x2a: {  	[tilespmem:s25], [sflag:$0x3] =	stream.linear.gather [hbm4b:s12+s3], $0x80, $0x38;
	[tilespmem:$0x10A00] =	vst v63  }
0x2b: {  	_ =	swait.ge [sflag:s20], $0x80  }
0x2c: {  	[sflag:s20] =	ssyncset.done $0x0  }
0x2d: {  	[sflag:s20] =	ssyncadd.s32 $0xFFFFFF80  }
0x2e: {  	[tilespmem:s26], [sflag:$0x2] =	stream.indirect.gather [hbm4b:s1+s21], $0x80, s24, s21, $0xb8;
	[tilespmem:$0x10A00] =	vst v63  }
0x2f: {  	_ = 	snop  }
0x30: {  	[tilespmem:s28], [sflag:$0x2] =	stream.indirect.gather [hbm4b:s6+s21], $0x80, s25, s21, $0xb8;
	[tilespmem:$0x10A00] =	vst v63  }
0x31: {  	_ =	swait.ge [sflag:s29], $0x4000  }
0x32: {  	[sflag:s29] =	ssyncset.done $0x0  }
0x33: {  	[sflag:s29] =	ssyncadd.s32 $0xFFFFC000  }
0x34: {  	_ =	swait.ge [sflag:s29], $0x4000  }
0x35: {  	[sflag:s29] =	ssyncset.done $0x0  }
0x36: {  	s13 =	sadd.s32 $0x0, s16;
	[sflag:s29] =	ssyncadd.s32 $0xFFFFC000  }
0x37: {  	[hbm4b:s13+s3] =	stream.linear.scatter [tilespmem:s22], [sflag:$0x3], $0x4000, $0x38;
	[tilespmem:$0x10A00] =	vst v63  }
0x38: {  	_ =	swait.ge [sflag:s20], $0x4000  }
0x39: {  	[sflag:s20] =	ssyncset.done $0x0  }
0x3a: {  	s8 =	sadd.s32 $0x0, s17;
	[sflag:s20] =	ssyncadd.s32 $0xFFFFC000  }
0x3b: {  	[hbm4b:s8+s3] =	stream.linear.scatter [tilespmem:s23], [sflag:$0x3], $0x4000, $0x38;
	[tilespmem:$0x10A00] =	vst v63  }
0x3c: {  	_ =	swait.ge [sflag:s20], $0x4000  }
0x3d: {  	[sflag:s20] =	ssyncset.done $0x0  }
0x3e: {  	[sflag:s20] =	ssyncadd.s32 $0xFFFFC000  }
0x3f: {  	_ =	swait.ge [sflag:s30], $0x4000  }
0x40: {  	[sflag:s30] =	ssyncset.done $0x0  }
0x41: {  	[sflag:s30] =	ssyncadd.s32 $0xFFFFC000  }
0x42: {  	_ =	swait.ge [sflag:s30], $0x4000  }
0x43: {  	[sflag:s30] =	ssyncset.done $0x0  }
0x44: {  	s5 =	sadd.s32 $0x800, s13;
	[sflag:s30] =	ssyncadd.s32 $0xFFFFC000  }
0x45: {  	[hbm4b:s5+s3] =	stream.linear.scatter [tilespmem:s26], [sflag:$0x3], $0x4000, $0x38;
	[tilespmem:$0x10A00] =	vst v63  }
0x46: {  	_ =	swait.ge [sflag:s20], $0x4000  }
0x47: {  	[sflag:s20] =	ssyncset.done $0x0  }
0x48: {  	s14 =	sadd.s32 $0x800, s8;
	[sflag:s20] =	ssyncadd.s32 $0xFFFFC000  }
0x49: {  	[hbm4b:s14+s3] =	stream.linear.scatter [tilespmem:s28], [sflag:$0x3], $0x4000, $0x38;
	[tilespmem:$0x10A00] =	vst v63  }
0x4a: {  	s9 =	sadd.s32 $0x20, s4;
	s11 =	simm.s32 $0x2000;
	_ =	swait.ge [sflag:s20], $0x4000  }
0x4b: {  	s8 =	simm.s32 $0x1000;
	s5 =	smov.u32 s10;
	[sflag:s20] =	ssyncset.done $0x0  }
.LBB2_2:
0x4c: {  	s13 =	sadd.s32 s9, s18  }
0x4d: {  	[sflag:s20] =	ssyncadd.s32 $0xFFFFC000;
	s5 =	sadd.s32 $0x20, s5;
	s12 =	smov.u32 s11  }
0x4e: {  	[tilespmem:s3], [sflag:$0x3] =	stream.linear.gather [hbm4b:s13+s3], $0x80, $0x38;
	[tilespmem:$0x10A00] =	vst v63  }
0x4f: {  	p0 =	sne.s32 s11, $0x12000;
	s11 =	sadd.s32 $0x1000, s11;
	_ =	swait.ge [sflag:s20], $0x80  }
0x50: {  	[sflag:s20] =	ssyncset.done $0x0  }
0x51: {  	s13 =	sadd.s32 s5, s18;
	[sflag:s20] =	ssyncadd.s32 $0xFFFFFF80  }
0x52: {  	[tilespmem:s21], [sflag:$0x3] =	stream.linear.gather [hbm4b:s13+s3], $0x80, $0x38;
	[tilespmem:$0x10A00] =	vst v63  }
0x53: {  	_ =	swait.ge [sflag:s20], $0x80  }
0x54: {  	[sflag:s20] =	ssyncset.done $0x0  }
0x55: {  	[sflag:s20] =	ssyncadd.s32 $0xFFFFFF80  }
0x56: {  	[tilespmem:s22], [sflag:$0x1] =	stream.indirect.gather [hbm4b:s1+s21], $0x80, s3, s21, $0xb8;
	[tilespmem:$0x10A00] =	vst v63  }
0x57: {  	_ = 	snop  }
0x58: {  	[tilespmem:s23], [sflag:$0x1] =	stream.indirect.gather [hbm4b:s6+s21], $0x80, s21, s21, $0xb8;
	[tilespmem:$0x10A00] =	vst v63  }
0x59: {  	s13 =	sadd.s32 s9, s19  }
0x5a: {  	[tilespmem:s24], [sflag:$0x3] =	stream.linear.gather [hbm4b:s13+s3], $0x80, $0x38;
	[tilespmem:$0x10A00] =	vst v63  }
0x5b: {  	_ =	swait.ge [sflag:s20], $0x80  }
0x5c: {  	[sflag:s20] =	ssyncset.done $0x0  }
0x5d: {  	s13 =	sadd.s32 s5, s19;
	[sflag:s20] =	ssyncadd.s32 $0xFFFFFF80  }
0x5e: {  	[tilespmem:s25], [sflag:$0x3] =	stream.linear.gather [hbm4b:s13+s3], $0x80, $0x38;
	[tilespmem:$0x10A00] =	vst v63  }
0x5f: {  	_ =	swait.ge [sflag:s20], $0x80  }
0x60: {  	[sflag:s20] =	ssyncset.done $0x0  }
0x61: {  	[sflag:s20] =	ssyncadd.s32 $0xFFFFFF80  }
0x62: {  	[tilespmem:s26], [sflag:$0x2] =	stream.indirect.gather [hbm4b:s1+s21], $0x80, s24, s21, $0xb8;
	[tilespmem:$0x10A00] =	vst v63  }
0x63: {  	_ = 	snop  }
0x64: {  	[tilespmem:s28], [sflag:$0x2] =	stream.indirect.gather [hbm4b:s6+s21], $0x80, s25, s21, $0xb8;
	[tilespmem:$0x10A00] =	vst v63  }
0x65: {  	_ =	swait.ge [sflag:s29], $0x4000  }
0x66: {  	[sflag:s29] =	ssyncset.done $0x0  }
0x67: {  	[sflag:s29] =	ssyncadd.s32 $0xFFFFC000  }
0x68: {  	_ =	swait.ge [sflag:s29], $0x4000  }
0x69: {  	[sflag:s29] =	ssyncset.done $0x0  }
0x6a: {  	s13 =	sadd.s32 s8, s16;
	[sflag:s29] =	ssyncadd.s32 $0xFFFFC000  }
0x6b: {  	[hbm4b:s13+s3] =	stream.linear.scatter [tilespmem:s22], [sflag:$0x3], $0x4000, $0x38;
	[tilespmem:$0x10A00] =	vst v63  }
0x6c: {  	_ =	swait.ge [sflag:s20], $0x4000  }
0x6d: {  	[sflag:s20] =	ssyncset.done $0x0  }
0x6e: {  	s14 =	sadd.s32 s8, s17;
	s8 =	smov.u32 s12;
	[sflag:s20] =	ssyncadd.s32 $0xFFFFC000  }
0x6f: {  	[hbm4b:s14+s3] =	stream.linear.scatter [tilespmem:s23], [sflag:$0x3], $0x4000, $0x38;
	[tilespmem:$0x10A00] =	vst v63  }
0x70: {  	_ =	swait.ge [sflag:s20], $0x4000  }
0x71: {  	[sflag:s20] =	ssyncset.done $0x0  }
0x72: {  	[sflag:s20] =	ssyncadd.s32 $0xFFFFC000  }
0x73: {  	_ =	swait.ge [sflag:s30], $0x4000  }
0x74: {  	[sflag:s30] =	ssyncset.done $0x0  }
0x75: {  	[sflag:s30] =	ssyncadd.s32 $0xFFFFC000  }
0x76: {  	_ =	swait.ge [sflag:s30], $0x4000  }
0x77: {  	[sflag:s30] =	ssyncset.done $0x0  }
0x78: {  	s12 =	sadd.s32 $0x800, s13;
	[sflag:s30] =	ssyncadd.s32 $0xFFFFC000  }
0x79: {  	[hbm4b:s12+s3] =	stream.linear.scatter [tilespmem:s26], [sflag:$0x3], $0x4000, $0x38;
	[tilespmem:$0x10A00] =	vst v63  }
0x7a: {  	_ =	swait.ge [sflag:s20], $0x4000  }
.Ltmp0:
0x7b: {  	[sflag:s20] =	ssyncset.done $0x0;
	(pc) =	sbr.rel @p0 .LBB2_2-.Ltmp0, $4  }
0x7c: {  	s12 =	sadd.s32 $0x800, s14;
	[sflag:s20] =	ssyncadd.s32 $0xFFFFC000  }
0x7d: {  	[hbm4b:s12+s3] =	stream.linear.scatter [tilespmem:s28], [sflag:$0x3], $0x4000, $0x38;
	[tilespmem:$0x10A00] =	vst v63  }
0x7e: {  	_ =	swait.ge [sflag:s20], $0x4000  }
0x7f: {  	s9 =	sadd.s32 $0x20, s9;
	[sflag:s20] =	ssyncset.done $0x0  }
0x80: {  	s11 =	sadd.s32 s9, s18;
	[sflag:s20] =	ssyncadd.s32 $0xFFFFC000  }
0x81: {  	[tilespmem:s3], [sflag:$0x3] =	stream.linear.gather [hbm4b:s11+s3], $0x80, $0x38;
	[tilespmem:$0x10A00] =	vst v63  }
0x82: {  	_ =	swait.ge [sflag:s20], $0x80  }
0x83: {  	s5 =	sadd.s32 $0x20, s5;
	[sflag:s20] =	ssyncset.done $0x0  }
0x84: {  	s13 =	sadd.s32 s5, s18;
	[sflag:s20] =	ssyncadd.s32 $0xFFFFFF80  }
0x85: {  	[tilespmem:s21], [sflag:$0x3] =	stream.linear.gather [hbm4b:s13+s3], $0x80, $0x38;
	[tilespmem:$0x10A00] =	vst v63  }
0x86: {  	_ =	swait.ge [sflag:s20], $0x80  }
0x87: {  	[sflag:s20] =	ssyncset.done $0x0  }
0x88: {  	[sflag:s20] =	ssyncadd.s32 $0xFFFFFF80  }
0x89: {  	[tilespmem:s22], [sflag:$0x1] =	stream.indirect.gather [hbm4b:s1+s21], $0x80, s3, s21, $0xb8;
	[tilespmem:$0x10A00] =	vst v63  }
0x8a: {  	_ = 	snop  }
0x8b: {  	[tilespmem:s23], [sflag:$0x1] =	stream.indirect.gather [hbm4b:s6+s21], $0x80, s21, s21, $0xb8;
	[tilespmem:$0x10A00] =	vst v63  }
0x8c: {  	s14 =	sadd.s32 s9, s19  }
0x8d: {  	[tilespmem:s24], [sflag:$0x3] =	stream.linear.gather [hbm4b:s14+s3], $0x80, $0x38;
	[tilespmem:$0x10A00] =	vst v63  }
0x8e: {  	_ =	swait.ge [sflag:s20], $0x80  }
0x8f: {  	[sflag:s20] =	ssyncset.done $0x0  }
0x90: {  	s5 =	sadd.s32 s5, s19;
	[sflag:s20] =	ssyncadd.s32 $0xFFFFFF80  }
0x91: {  	[tilespmem:s25], [sflag:$0x3] =	stream.linear.gather [hbm4b:s5+s3], $0x80, $0x38;
	[tilespmem:$0x10A00] =	vst v63  }
0x92: {  	_ =	swait.ge [sflag:s20], $0x80  }
0x93: {  	[sflag:s20] =	ssyncset.done $0x0  }
0x94: {  	[sflag:s20] =	ssyncadd.s32 $0xFFFFFF80  }
0x95: {  	[tilespmem:s26], [sflag:$0x2] =	stream.indirect.gather [hbm4b:s1+s21], $0x80, s24, s21, $0xb8;
	[tilespmem:$0x10A00] =	vst v63  }
0x96: {  	_ = 	snop  }
0x97: {  	[tilespmem:s28], [sflag:$0x2] =	stream.indirect.gather [hbm4b:s6+s21], $0x80, s25, s21, $0xb8;
	[tilespmem:$0x10A00] =	vst v63  }
0x98: {  	_ =	swait.ge [sflag:s29], $0x4000  }
0x99: {  	[sflag:s29] =	ssyncset.done $0x0  }
0x9a: {  	[sflag:s29] =	ssyncadd.s32 $0xFFFFC000  }
0x9b: {  	_ =	swait.ge [sflag:s29], $0x4000  }
0x9c: {  	[sflag:s29] =	ssyncset.done $0x0  }
0x9d: {  	s9 =	sadd.s32 s8, s16;
	[sflag:s29] =	ssyncadd.s32 $0xFFFFC000  }
0x9e: {  	[hbm4b:s9+s3] =	stream.linear.scatter [tilespmem:s22], [sflag:$0x3], $0x4000, $0x38;
	[tilespmem:$0x10A00] =	vst v63  }
0x9f: {  	_ =	swait.ge [sflag:s20], $0x4000  }
0xa0: {  	[sflag:s20] =	ssyncset.done $0x0  }
0xa1: {  	s11 =	sadd.s32 s8, s17;
	[sflag:s20] =	ssyncadd.s32 $0xFFFFC000  }
0xa2: {  	[hbm4b:s11+s3] =	stream.linear.scatter [tilespmem:s23], [sflag:$0x3], $0x4000, $0x38;
	[tilespmem:$0x10A00] =	vst v63  }
0xa3: {  	_ =	swait.ge [sflag:s20], $0x4000  }
0xa4: {  	[sflag:s20] =	ssyncset.done $0x0  }
0xa5: {  	[sflag:s20] =	ssyncadd.s32 $0xFFFFC000  }
0xa6: {  	_ =	swait.ge [sflag:s30], $0x4000  }
0xa7: {  	[sflag:s30] =	ssyncset.done $0x0  }
0xa8: {  	[sflag:s30] =	ssyncadd.s32 $0xFFFFC000  }
0xa9: {  	_ =	swait.ge [sflag:s30], $0x4000  }
0xaa: {  	[sflag:s30] =	ssyncset.done $0x0  }
0xab: {  	s5 =	sadd.s32 $0x800, s9;
	[sflag:s30] =	ssyncadd.s32 $0xFFFFC000  }
0xac: {  	[hbm4b:s5+s3] =	stream.linear.scatter [tilespmem:s26], [sflag:$0x3], $0x4000, $0x38;
	[tilespmem:$0x10A00] =	vst v63  }
0xad: {  	_ =	swait.ge [sflag:s20], $0x4000  }
0xae: {  	[sflag:s20] =	ssyncset.done $0x0  }
0xaf: {  	s12 =	sadd.s32 $0x800, s11;
	[sflag:s20] =	ssyncadd.s32 $0xFFFFC000  }
0xb0: {  	[hbm4b:s12+s3] =	stream.linear.scatter [tilespmem:s28], [sflag:$0x3], $0x4000, $0x38;
	[tilespmem:$0x10A00] =	vst v63  }
0xb1: {  	_ =	swait.ge [sflag:s20], $0x4000  }
0xb2: {  	[sflag:s20] =	ssyncset.done $0x0  }
0xb3: {  	s13 =	rddreg [dreg:$0x3];
	[sflag:s20] =	ssyncadd.s32 $0xFFFFC000  }
0xb4: {  	[tilespmem:s3], [sflag:$0x3] =	stream.linear.gather [hbm4b:s13+s3], $0x80, $0x38;
	[tilespmem:$0x10A00] =	vst v63  }
0xb5: {  	_ =	swait.ge [sflag:s20], $0x80  }
0xb6: {  	[sflag:s20] =	ssyncset.done $0x0  }
0xb7: {  	s14 =	rddreg [dreg:$0x4];
	[sflag:s20] =	ssyncadd.s32 $0xFFFFFF80  }
0xb8: {  	[tilespmem:s21], [sflag:$0x3] =	stream.linear.gather [hbm4b:s14+s3], $0x80, $0x38;
	[tilespmem:$0x10A00] =	vst v63  }
0xb9: {  	_ =	swait.ge [sflag:s20], $0x80  }
0xba: {  	[sflag:s20] =	ssyncset.done $0x0  }
0xbb: {  	[sflag:s20] =	ssyncadd.s32 $0xFFFFFF80  }
0xbc: {  	[tilespmem:s22], [sflag:$0x1] =	stream.indirect.gather [hbm4b:s1+s21], $0x80, s3, s21, $0xb8;
	[tilespmem:$0x10A00] =	vst v63  }
0xbd: {  	_ = 	snop  }
0xbe: {  	[tilespmem:s23], [sflag:$0x1] =	stream.indirect.gather [hbm4b:s6+s21], $0x80, s21, s21, $0xb8;
	[tilespmem:$0x10A00] =	vst v63  }
0xbf: {  	_ =	swait.ge [sflag:s29], $0x4000  }
0xc0: {  	[sflag:s29] =	ssyncset.done $0x0  }
0xc1: {  	[sflag:s29] =	ssyncadd.s32 $0xFFFFC000  }
0xc2: {  	_ =	swait.ge [sflag:s29], $0x4000  }
0xc3: {  	[sflag:s29] =	ssyncset.done $0x0  }
0xc4: {  	s8 =	rddreg [dreg:$0x5];
	[sflag:s29] =	ssyncadd.s32 $0xFFFFC000  }
0xc5: {  	[hbm4b:s8+s3] =	stream.linear.scatter [tilespmem:s22], [sflag:$0x3], $0x4000, $0x38;
	[tilespmem:$0x10A00] =	vst v63  }
0xc6: {  	_ =	swait.ge [sflag:s20], $0x4000  }
0xc7: {  	[sflag:s20] =	ssyncset.done $0x0  }
0xc8: {  	s9 =	rddreg [dreg:$0x6];
	[sflag:s20] =	ssyncadd.s32 $0xFFFFC000  }
0xc9: {  	[hbm4b:s9+s3] =	stream.linear.scatter [tilespmem:s23], [sflag:$0x3], $0x4000, $0x38;
	[tilespmem:$0x10A00] =	vst v63  }
0xca: {  	_ =	swait.ge [sflag:s20], $0x4000  }
0xcb: {  	[sflag:s20] =	ssyncset.done $0x0  }
0xcc: {  	s11 =	rddreg [dreg:$0x7];
	[sflag:s20] =	ssyncadd.s32 $0xFFFFC000  }
0xcd: {  	[tilespmem:s24], [sflag:$0x3] =	stream.linear.gather [hbm4b:s11+s3], $0x8, $0x38;
	[tilespmem:$0x10A00] =	vst v63  }
0xce: {  	_ =	swait.ge [sflag:s20], $0x8  }
0xcf: {  	[sflag:s20] =	ssyncset.done $0x0  }
0xd0: {  	s12 =	rddreg [dreg:$0x8];
	[sflag:s20] =	ssyncadd.s32 $0xFFFFFFF8  }
0xd1: {  	[tilespmem:s25], [sflag:$0x3] =	stream.linear.gather [hbm4b:s12+s3], $0x8, $0x38;
	[tilespmem:$0x10A00] =	vst v63  }
0xd2: {  	_ =	swait.ge [sflag:s20], $0x8  }
0xd3: {  	[sflag:s20] =	ssyncset.done $0x0  }
0xd4: {  	[sflag:s20] =	ssyncadd.s32 $0xFFFFFFF8  }
0xd5: {  	[tilespmem:s0], [sflag:$0x2] =	stream.indirect.gather [hbm4b:s1+s31], $0x80, s24, s31, $0xb8;
	[tilespmem:$0x10A00] =	vst v63  }
0xd6: {  	_ = 	snop  }
0xd7: {  	[tilespmem:s2], [sflag:$0x2] =	stream.indirect.gather [hbm4b:s6+s31], $0x80, s25, s31, $0xb8;
	[tilespmem:$0x10A00] =	vst v63  }
0xd8: {  	_ =	swait.ge [sflag:s30], $0x400  }
0xd9: {  	[sflag:s30] =	ssyncset.done $0x0  }
0xda: {  	[sflag:s30] =	ssyncadd.s32 $0xFFFFFC00  }
0xdb: {  	_ =	swait.ge [sflag:s30], $0x400  }
0xdc: {  	[sflag:s30] =	ssyncset.done $0x0  }
0xdd: {  	s13 =	rddreg [dreg:$0x9];
	[sflag:s30] =	ssyncadd.s32 $0xFFFFFC00  }
0xde: {  	[hbm4b:s13+s3] =	stream.linear.scatter [tilespmem:s0], [sflag:$0x3], $0x400, $0x38;
	[tilespmem:$0x10A00] =	vst v63  }
0xdf: {  	s7 =	sadd.s32 $0x1, s7;
	_ =	swait.ge [sflag:s20], $0x400  }
0xe0: {  	p0 =	sne.s32 s7, s15;
	[sflag:s20] =	ssyncset.done $0x0  }
.Ltmp1:
0xe1: {  	s14 =	rddreg [dreg:$0xa];
	[sflag:s20] =	ssyncadd.s32 $0xFFFFFC00;
	(pc) =	sbr.rel @p0 .LBB2_1-.Ltmp1, $4  }
0xe2: {  	[hbm4b:s14+s3] =	stream.linear.scatter [tilespmem:s2], [sflag:$0x3], $0x400, $0x38;
	[tilespmem:$0x10A00] =	vst v63  }
0xe3: {  	_ =	swait.ge [sflag:s20], $0x400  }
0xe4: {  	[sflag:s20] =	ssyncset.done $0x0  }
0xe5: {  	[sflag:s20] =	ssyncadd.s32 $0xFFFFFC00  }
0xe6: {  	_ =	sfence.sel $0x180000  }
0xe7: {  	[bflag:$0x0] =	sbarrier.arrive $0xFFFF  }
0xe8: {  	_ =	strace $0x90000047  }
0xe9: {  	s0 =	stileid.u32;
	[bflag:$0x2] =	sbarrier.arrive $0xFFFF  }
0xea: {  	p0 =	sne.s32 s0, $0x0;
	s0 =	rddreg [dreg:$0x2]  }
0xeb: {  	s0 =	sadd.s32 @!p0 $0x100000, s0  }
0xec: {  	[sflag:s0] =	ssyncadd.tile.s32 @!p0 $0x1;
	_ =	shalt  }
.Lfunc_end2:
_tile_overlayer_lowered:
.L_overlay_start_2:
0xed: {  	(tag) =	ssettag $0x2  }
0xee: {  	s0 =	rddreg [dreg:$0x0];
	s2 =	stileid.u32  }
0xef: {  	s1 =	rddreg [dreg:$0x1];
	p0 =	sne.s32 s2, $0x0  }
0xf0: {  	s3 =	rddreg [dreg:$0x2];
	[bflag:$0x3] =	sbarrier.arrive $0xFFFF;
	s2 =	simm.s32 @!p0 $0x1C03  }
0xf1: {  	[timem:s3], [sflag:s2] =	dma.local @!p0 [hbm:s0], s1  }
0xf2: {  	s0 =	simm.s32 @!p0 $0x3  }
0xf3: {  	_ =	swait.ge @!p0 [sflag:s0], s1  }
0xf4: {  	s1 =	ssub.s32 @!p0 $0x0, s1;
	[sflag:s0] =	ssyncset.done @!p0 $0x0  }
0xf5: {  	[sflag:s0] =	ssyncadd.s32 @!p0 s1  }
0xf6: {  	[bflag:$0x3] =	sbarrier.arrive $0xFFFF  }
0xf7: {  	_ =	shalt  }

// kernel: kernel.16.cloned.1.call-start
scs
__scs_entry_jumppad:
0x0: {  	(pc) =	sbr.rel $0x88, $3  }
0x1: {  	(tag) =	ssettag $0x0;
	lr =	simm.s32 $0x1  }
0x2: {  	[smem:$0x3F86] =	sst lr;
	_ =	strace $0xD0000000  }
0x3: {  	_ = 	snop  }
0x4: {  	_ = 	snop  }
0x5: {  	_ = 	snop  }
0x6: {  	_ = 	snop  }
0x7: {  	_ = 	snop  }
__scs_overlays_trampoline_lowered:
0x8: {  	[smem:$0x3F95] =	sst s0  }
0x9: {  	[smem:$0x3F96] =	sst s1  }
0xa: {  	[smem:$0x3F97] =	sst s2  }
0xb: {  	[smem:$0x3F98] =	sst s3  }
0xc: {  	[smem:$0x3F99] =	sst s4  }
0xd: {  	[smem:$0x3F9A] =	sst s5  }
0xe: {  	[smem:$0x3F9B] =	sst s6  }
0xf: {  	[smem:$0x3F9C] =	sst s7  }
0x10: {  	[smem:$0x3F9D] =	sst s8  }
0x11: {  	[smem:$0x3F9E] =	sst s9;
	s0 =	simm.s32 @!p0 $0x0  }
0x12: {  	s1 =	sld [smem:$0x3F84];
	s0 =	simm.s32 @p0 $0x1  }
0x13: {  	[smem:$0x3F9F] =	sst s0;
	s0 =	simm.s32 @!p1 $0x0  }
0x14: {  	s2 =	sld [smem:$0x3F83];
	s0 =	simm.s32 @p1 $0x1  }
0x15: {  	[smem:$0x3FA0] =	sst s0;
	s0 =	simm.s32 @!p2 $0x0  }
0x16: {  	s3 =	sld [smem:$0x3FDB];
	s0 =	simm.s32 @p2 $0x1  }
0x17: {  	s4 =	simm.s32 $0x1BF5;
	[smem:$0x3FA2] =	sst s0  }
0x18: {  	s0 =	sld [smem:$0x3F85];
	_ =	swait.ge [sflag:s4], $0x0  }
0x19: {  	s7 =	sld [smem:$0x3F86]  }
0x1a: {  	s8 =	sadd.s32 $0xFFFFE003, lr  }
0x1b: {  	s9 =	sadd.s32 $0xFFFFFEF7, lr;
	s5 =	simm.s32 $0xFFFFFFFF;
	p2 =	slt.u32 s8, $0xFFFFF086  }
0x1c: {  	p1 =	slt.u32 s9, $0xF7A;
	s5 =	simm.s32 @!p2 $0x0  }
0x1d: {  	s5 =	simm.s32 @p1 $0x1;
	p0 =	seq.s32 s7, s2  }
0x1e: {  	s7 =	smul.u32 @!p0 $0xF7A, s2;
	p2 =	seq.s32 @!p0 s5, $0x0  }
0x1f: {  	s9 =	smul.u32 $0xF7A, s1;
	s8 =	simm.s32 @!p0 $0x1BF5;
	p2 =	por !p2, p0  }
0x20: {  	[sflag:s8] =	ssyncset.s32 @!p0 $0xFFFFF086;
	s6 =	sadd.s32 @!p0 s3, s7;
	s7 =	simm.s32 @!p0 $0x108  }
0x21: {  	s3 =	sadd.s32 s3, s9;
	s6 =	sadd.s32 @!p0 $0x88, s6;
	s7 =	simm.s32 @p2 $0x1082  }
0x22: {  	[simem:s7], [sflag:s8] =	dma.local @!p0 [hbm:s6], $0xF7A  }
0x23: {  	s9 =	sor.u32 $0xD0000000, s2;
	s6 =	simm.s32 $0x108;
	_ =	swait.ge @!p0 [sflag:s8], $0x0  }
0x24: {  	s3 =	sadd.s32 $0x88, s3;
	s6 =	simm.s32 @!p1 $0x1082;
	[sflag:s4] =	ssyncset.s32 $0xFFFFF086  }
0x25: {  	[simem:s6], [sflag:s4] =	dma.local [hbm:s3], $0xF7A  }
0x26: {  	[smem:$0x3F86] =	sst s1;
	(tag) =	ssettag s2;
	_ =	strace s9  }
0x27: {  	s1 =	sld [smem:$0x3F96]  }
0x28: {  	s2 =	sld [smem:$0x3F97]  }
0x29: {  	s4 =	sld [smem:$0x3F99]  }
0x2a: {  	p0 =	seq.s32 s5, $0x0;
	s5 =	sld [smem:$0x3F9A]  }
0x2b: {  	s6 =	sld [smem:$0x3F9B]  }
0x2c: {  	s7 =	sld [smem:$0x3F9C]  }
0x2d: {  	s3 =	simm.s32 $0x108;
	s8 =	sld [smem:$0x3F9D]  }
0x2e: {  	s3 =	simm.s32 @!p0 $0x1082;
	s9 =	sld [smem:$0x3F9E]  }
0x2f: {  	lr =	sadd.s32 s0, s3;
	s0 =	sld [smem:$0x3F95]  }
0x30: {  	s3 =	sld [smem:$0x3F98]  }
0x31: {  	[smem:$0x3FA1] =	sst s10  }
0x32: {  	s10 =	sld [smem:$0x3F9F];
	_ =	sdelay $0x3  }
0x33: {  	p0 =	seq.s32 s10, $0x1;
	s10 =	sld [smem:$0x3FA1];
	_ =	sdelay $0x3  }
0x34: {  	[smem:$0x3FA1] =	sst s10  }
0x35: {  	s10 =	sld [smem:$0x3FA0];
	_ =	sdelay $0x3  }
0x36: {  	p1 =	seq.s32 s10, $0x1;
	s10 =	sld [smem:$0x3FA1];
	_ =	sdelay $0x3  }
0x37: {  	[smem:$0x3FA1] =	sst s10  }
0x38: {  	s10 =	sld [smem:$0x3FA2]  }
0x39: {  	_ = 	snop;
	(pc) =	sbr.ind lr, $3  }
0x3a: {  	_ = 	snop  }
0x3b: {  	_ = 	snop  }
0x3c: {  	p2 =	seq.s32 s10, $0x1;
	s10 =	sld [smem:$0x3FA1]  }
0x3d: {  	_ =	shalt  }
0x3e: {  	_ =	shalt  }
0x3f: {  	_ =	shalt  }
0x40: {  	_ =	shalt  }
0x41: {  	_ =	shalt  }
0x42: {  	_ =	shalt  }
0x43: {  	_ =	shalt  }
0x44: {  	_ =	shalt  }
0x45: {  	_ =	shalt  }
0x46: {  	_ =	shalt  }
0x47: {  	_ =	shalt  }
0x48: {  	_ =	shalt  }
0x49: {  	_ =	shalt  }
0x4a: {  	_ =	shalt  }
0x4b: {  	_ =	shalt  }
0x4c: {  	_ =	shalt  }
0x4d: {  	_ =	shalt  }
0x4e: {  	_ =	shalt  }
0x4f: {  	_ =	shalt  }
0x50: {  	_ =	shalt  }
0x51: {  	_ =	shalt  }
0x52: {  	_ =	shalt  }
0x53: {  	_ =	shalt  }
0x54: {  	_ =	shalt  }
0x55: {  	_ =	shalt  }
0x56: {  	_ =	shalt  }
0x57: {  	_ =	shalt  }
0x58: {  	_ =	shalt  }
0x59: {  	_ =	shalt  }
0x5a: {  	_ =	shalt  }
0x5b: {  	_ =	shalt  }
0x5c: {  	_ =	shalt  }
0x5d: {  	_ =	shalt  }
0x5e: {  	_ =	shalt  }
0x5f: {  	_ =	shalt  }
0x60: {  	_ =	shalt  }
0x61: {  	_ =	shalt  }
0x62: {  	_ =	shalt  }
0x63: {  	_ =	shalt  }
0x64: {  	_ =	shalt  }
0x65: {  	_ =	shalt  }
0x66: {  	_ =	shalt  }
0x67: {  	_ =	shalt  }
0x68: {  	_ =	shalt  }
0x69: {  	_ =	shalt  }
0x6a: {  	_ =	shalt  }
0x6b: {  	_ =	shalt  }
0x6c: {  	_ =	shalt  }
0x6d: {  	_ =	shalt  }
0x6e: {  	_ =	shalt  }
0x6f: {  	_ =	shalt  }
0x70: {  	_ =	shalt  }
0x71: {  	_ =	shalt  }
0x72: {  	_ =	shalt  }
0x73: {  	_ =	shalt  }
0x74: {  	_ =	shalt  }
0x75: {  	_ =	shalt  }
0x76: {  	_ =	shalt  }
0x77: {  	_ =	shalt  }
0x78: {  	_ =	shalt  }
0x79: {  	_ =	shalt  }
0x7a: {  	_ =	shalt  }
0x7b: {  	_ =	shalt  }
0x7c: {  	_ =	shalt  }
0x7d: {  	_ =	shalt  }
0x7e: {  	_ =	shalt  }
0x7f: {  	_ =	shalt  }
0x80: {  	_ =	shalt  }
0x81: {  	_ =	shalt  }
0x82: {  	_ =	shalt  }
0x83: {  	_ =	shalt  }
0x84: {  	_ =	shalt  }
0x85: {  	_ =	shalt  }
0x86: {  	_ =	shalt  }
0x87: {  	_ =	shalt  }
.Lfunc_end0:
.L_simem_size_0:
called_computation.1_lowered:
.L_overlay_start_0:
0x88: {  	s2 =	sld [smem:$0x3FD9]  }
0x89: {  	s3 =	sld [smem:$0x3FFE];
	_ =	sdelay $0x1  }
0x8a: {  	s1 =	srdreg.scid  }
0x8b: {  	s0 =	sand.u32 $0x1, s1  }
0x8c: {  	s15 =	sshll.u32 s0, $0xA;
	s2 =	sadd.s32 s3, s2  }
0x8d: {  	s2 =	sadd.s32 s2, s15  }
0x8e: {  	[smem:$0x3FAD] =	sst s2  }
0x8f: {  	_ = 	snop  }
0x90: {  	s2 =	sld [smem:$0x3FD0];
	_ =	sdelay $0x2  }
0x91: {  	s16 =	simm.s32 $0xB;
	s4 =	simm.s32 $0x10  }
0x92: {  	[smem:s4], [sflag:s16] =	dma.local [hbm:s2], $0x1  }
0x93: {  	_ =	swait.eq [sflag:s16], $0x1  }
0x94: {  	[sflag:s16] =	ssyncset.done $0x0  }
0x95: {  	[sflag:s16] =	ssyncadd.s32 $0xFFFFFFFF  }
0x96: {  	s17 =	sld [smem:$0x10];
	(tm) =	ssettm $0x1  }
0x97: {  	s18 =	sld [smem:$0x3FFB];
	_ =	sdelay $0x3  }
0x98: {  	_ =	strace s18  }
0x99: {  	s2 =	sld [smem:$0x3FFC];
	_ =	sdelay $0x3  }
0x9a: {  	_ =	strace s2  }
0x9b: {  	s2 =	sld [smem:$0x3FFD];
	_ =	sdelay $0x3  }
0x9c: {  	_ =	strace s2  }
0x9d: {  	_ =	strace $0x8FFFFFFF  }
0x9e: {  	s19 =	sld [smem:$0x3FDB];
	_ =	sdelay $0x1  }
0x9f: {  	s20 =	simm.s32 $_scs_section_size  }
0xa0: {  	s5 =	simm.s32 $_size__tile_overlayer_lowered;
	s6 =	simm.s32 $_tile_overlayer_lowered  }
0xa1: {  	s7 =	simm.s32 $0x1BFF;
	s21 =	sshll.u32 s6, $0x1;
	s4 =	sadd.s32 s20, s19  }
0xa2: {  	s22 =	simm.s32 $0x0;
	s5 =	sshll.u32 s5, $0x1;
	s6 =	sadd.s32 s21, s4  }
0xa3: {  	[timem:s22], [sflag:s7] =	dma.local [hbm:s6], s5  }
0xa4: {  	_ =	swait.ge [sflag:s7], s5  }
0xa5: {  	s5 =	ssub.s32 $0x0, s5;
	[sflag:s7] =	ssyncset.done $0x0  }
0xa6: {  	[sflag:s7] =	ssyncadd.s32 s5;
	_ =	sdelay $0x1  }
0xa7: {  	s23 =	simm.s32 $0x1B8B  }
0xa8: {  	_ =	swait.ge [sflag:s23], $0x1  }
0xa9: {  	[sflag:s23] =	ssyncset.done $0x0  }
0xaa: {  	[sflag:s23] =	ssyncadd.s32 $0xFFFFFFFF  }
0xab: {  	s5 =	sld [smem:$0x0]  }
0xac: {  	s6 =	sand.u32 $0xFFFFFFFE, s1  }
0xad: {  	p0 =	sne.s32 s1, s6  }
0xae: {  	s6 =	sshll.u32 @p0 s6, $0xE  }
0xaf: {  	s6 =	sadd.s32 @p0 $0x11B8D, s6;
	s7 =	sshll.u32 @p0 s5, $0x11  }
0xb0: {  	s6 =	sor.u32 @p0 s7, s6  }
0xb1: {  	[sflag:s6] =	ssyncadd.remote.s32 @p0 $0x1;
	_ =	sdelay $0x1  }
0xb2: {  	s6 =	simm.s32 @p0 $0x1B8D  }
0xb3: {  	_ =	swait.eq @p0 [sflag:s6], $0x1  }
0xb4: {  	[sflag:s6] =	ssyncadd.s32 @p0 $0xFFFFFFFF  }
0xb5: {  	s7 =	sshll.u32 @!p0 s1, $0xE  }
0xb6: {  	s7 =	sor.u32 @!p0 $0x4000, s7;
	s6 =	simm.s32 @!p0 $0x1B8D  }
0xb7: {  	s5 =	sshll.u32 @!p0 s5, $0x11;
	s7 =	sadd.s32 @!p0 $0x11B8D, s7;
	_ =	swait.eq @!p0 [sflag:s6], $0x1  }
0xb8: {  	s5 =	sor.u32 @!p0 s5, s7;
	[sflag:s6] =	ssyncadd.s32 @!p0 $0xFFFFFFFF  }
0xb9: {  	s25 =	simm.s32 $0x1B8E;
	s24 =	sld [smem:$0x3FFE];
	[sflag:s5] =	ssyncadd.remote.s32 @!p0 $0x1  }
0xba: {  	s26 =	simm.s32 $execute0_lowered;
	[smem:$0x3FD2] =	sst s25  }
0xbb: {  	s6 =	sshll.u32 s26, $0x1;
	_ =	strace $0x80000049;
	[dreg:$0x1] =	wrdreg $0xFFFFFFFF  }
0xbc: {  	s28 =	simm.s32 $_size_execute0_lowered;
	s4 =	sadd.s32 s4, s6;
	[dreg:$0x0] =	wrdreg $0x0  }
0xbd: {  	s6 =	sshll.u32 s28, $0x1;
	[dreg:$0x2] =	wrdreg s4  }
0xbe: {  	[dreg:$0x3] =	wrdreg s6  }
0xbf: {  	[dreg:$0x4] =	wrdreg $0xC0  }
0xc0: {  	_ =	task [dreg:s22], $0x5FFFF  }
0xc1: {  	[dreg:$0x1] =	wrdreg $0xFFFFFFFF  }
0xc2: {  	[dreg:$0x0] =	wrdreg $0x60  }
0xc3: {  	[dreg:$0x2] =	wrdreg s24  }
0xc4: {  	[dreg:$0x3] =	wrdreg s17  }
0xc5: {  	[dreg:$0x4] =	wrdreg $0x9  }
0xc6: {  	_ =	task.clear_ibuf [dreg:s22], $0x5FFFF;
	_ =	strace $0x90000049  }
0xc7: {  	s29 =	simm.s32 $0x9;
	_ =	strace $0x8000004B  }
0xc8: {  	_ =	swait.ge [sflag:s29], $0x1  }
0xc9: {  	[sflag:s29] =	ssyncadd.s32 $0xFFFFFFFF  }
0xca: {  	_ =	strace $0x9000004B  }
0xcb: {  	_ =	sfence  }
0xcc: {  	s30 =	sld [smem:$0x0];
	_ =	sdelay $0x2  }
0xcd: {  	s31 =	sshll.u32 s1, $0xD;
	s1 =	sshrl.u32 s1, $0x2  }
0xce: {  	s4 =	sand.u32 $0x4000, s31;
	s1 =	sadd.s32 s1, s30  }
0xcf: {  	s0 =	sor.u32 s4, s0;
	s1 =	sshll.u32 s1, $0x11  }
0xd0: {  	s0 =	sor.u32 s1, s0  }
0xd1: {  	s0 =	sadd.s32 $0x8F2B, s0  }
0xd2: {  	[sflag:s0] =	ssyncadd.remote.s32 $0x1  }
0xd3: {  	_ =	sfence.sel $0xFFFF  }
0xd4: {  	[dreg:$0x0] =	wrdreg $0xFFFFFFFF;
	(pc) =	sbr.abs _section_cstart, $3  }
0xd5: {  	[dreg:$0x1] =	wrdreg $0xFFFFFFFF  }
0xd6: {  	_ =	task.clear_ibuf [dreg:s22], $0x2FFFF;
	_ =	strace $0x9FFFFFFF  }
0xd7: {  	(tm) =	ssettm $0x7FFFFFFF  }
tec
execute0_lowered:
.L_overlay_start_1:
0x0: {  	(tag) =	ssettag $0x1  }
0x1: {  	s0 =	rddreg [dreg:$0x0]  }
0x2: {  	s1 =	rddreg [dreg:$0x1];
	s2 =	srdreg.scid;
	s3 =	simm.s32 $0x0  }
0x3: {  	s13 =	stileid.u32;
	s28 =	simm.s32 $0xC200;
	s29 =	simm.s32 $0x1  }
0x4: {  	s30 =	simm.s32 $0x2;
	s31 =	simm.s32 $0x8;
	s2 =	sand.u32 $0x1, s2  }
0x5: {  	[smem:$0x7FF] =	sst s3;
	s4 =	sadd.s32 $0x6600, s0;
	s23 =	smul.u32 $0x1388, s13  }
0x6: {  	s10 =	sadd.s32 $0x10400, s0;
	s25 =	smul.u32 $0x13880, s13;
	s5 =	sshll.u32 s2, $0x4  }
0x7: {  	s8 =	sadd.s32 $0x523400, s0;
	s21 =	smul.u32 $0x138800, s2;
	s5 =	sor.u32 s13, s5  }
0x8: {  	s6 =	sadd.s32 $0x1A200, s0;
	s0 =	sadd.s32 $0x794400, s0;
	s7 =	smul.u32 $0x1388, s5  }
0x9: {  	_ =	strace $0x8000004A;
	s9 =	ssub.s32 $0x2, s2;
	s2 =	smul.u32 $0x13880, s2  }
0xa: {  	s11 =	sshrl.u32 s9, $0x1;
	s5 =	smul.u32 $0x9C400, s5;
	s7 =	sshrl.u32 s7, $0x3  }
0xb: {  	s9 =	ssub.s32 s9, s11;
	s2 =	sadd.s32 s23, s2;
	s18 =	sadd.s32 $0x5080, s7  }
0xc: {  	s23 =	simm.s32 $0x4200;
	s5 =	sshrl.u32 s5, $0x3;
	s12 =	sadd.s32 s4, s18  }
0xd: {  	s19 =	sadd.s32 $0x13000, s5;
	s11 =	sadd.s32 s10, s18;
	[dreg:$0x3] =	wrdreg s12  }
0xe: {  	s7 =	sadd.s32 $0x5090, s7;
	s20 =	sadd.s32 s8, s19;
	[dreg:$0x4] =	wrdreg s11  }
0xf: {  	s15 =	smax.u32 s9, $0x1;
	s22 =	sadd.s32 s4, s7;
	[dreg:$0x5] =	wrdreg s20  }
0x10: {  	s5 =	sadd.s32 $0x13800, s5;
	s7 =	sadd.s32 s10, s7;
	[dreg:$0x7] =	wrdreg s22  }
0x11: {  	s26 =	sadd.s32 $0x27100, s2;
	s24 =	sadd.s32 s8, s5;
	[dreg:$0x8] =	wrdreg s7  }
0x12: {  	s5 =	sadd.s32 s0, s5;
	s8 =	sadd.s32 s21, s8;
	[dreg:$0x9] =	wrdreg s24  }
0x13: {  	s11 =	sadd.s32 s0, s19;
	[dreg:$0xa] =	wrdreg s5;
	s16 =	sadd.s32 s25, s8  }
0x14: {  	s0 =	sadd.s32 s21, s0;
	s7 =	sadd.s32 $0x27180, s2;
	s19 =	sshrl.u32 s26, $0x3  }
0x15: {  	s20 =	simm.s32 $0x3;
	s21 =	simm.s32 $0x80;
	s22 =	simm.s32 $0x200  }
0x16: {  	s24 =	simm.s32 $0x100;
	s26 =	simm.s32 $0x8200;
	s2 =	simm.s32 $0x10600  }
0x17: {  	[dreg:$0x6] =	wrdreg s11;
	s17 =	sadd.s32 s25, s0;
	s18 =	sshrl.u32 s7, $0x3  }
0x18: {  	s25 =	simm.s32 $0x180;
	s0 =	simm.s32 $0x10200;
	s7 =	simm.s32 $0x0  }
.LBB2_1:
0x19: {  	s5 =	sadd.s32 s4, s19  }
0x1a: {  	[tilespmem:s3], [sflag:$0x3] =	stream.linear.gather [hbm4b:s5+s3], $0x80, $0x38;
	[tilespmem:$0x10A00] =	vst v63  }
0x1b: {  	_ =	swait.ge [sflag:s20], $0x80  }
0x1c: {  	[sflag:s20] =	ssyncset.done $0x0  }
0x1d: {  	s9 =	sadd.s32 s10, s19;
	[sflag:s20] =	ssyncadd.s32 $0xFFFFFF80  }
0x1e: {  	[tilespmem:s21], [sflag:$0x3] =	stream.linear.gather [hbm4b:s9+s3], $0x80, $0x38;
	[tilespmem:$0x10A00] =	vst v63  }
0x1f: {  	_ =	swait.ge [sflag:s20], $0x80  }
0x20: {  	[sflag:s20] =	ssyncset.done $0x0  }
0x21: {  	[sflag:s20] =	ssyncadd.s32 $0xFFFFFF80  }
0x22: {  	[tilespmem:s22], [sflag:$0x1] =	stream.indirect.gather [hbm4b:s1+s21], $0x80, s3, s21, $0xb8;
	[tilespmem:$0x10A00] =	vst v63  }
0x23: {  	_ = 	snop  }
0x24: {  	[tilespmem:s23], [sflag:$0x1] =	stream.indirect.gather [hbm4b:s6+s21], $0x80, s21, s21, $0xb8;
	[tilespmem:$0x10A00] =	vst v63  }
0x25: {  	s11 =	sadd.s32 s4, s18  }
0x26: {  	[tilespmem:s24], [sflag:$0x3] =	stream.linear.gather [hbm4b:s11+s3], $0x80, $0x38;
	[tilespmem:$0x10A00] =	vst v63  }
0x27: {  	_ =	swait.ge [sflag:s20], $0x80  }
0x28: {  	[sflag:s20] =	ssyncset.done $0x0  }
0x29: {  	s12 =	sadd.s32 s10, s18;
	[sflag:s20] =	ssyncadd.s32 $0xFFFFFF80  }
0x2a: {  	[tilespmem:s25], [sflag:$0x3] =	stream.linear.gather [hbm4b:s12+s3], $0x80, $0x38;
	[tilespmem:$0x10A00] =	vst v63  }
0x2b: {  	_ =	swait.ge [sflag:s20], $0x80  }
0x2c: {  	[sflag:s20] =	ssyncset.done $0x0  }
0x2d: {  	[sflag:s20] =	ssyncadd.s32 $0xFFFFFF80  }
0x2e: {  	[tilespmem:s26], [sflag:$0x2] =	stream.indirect.gather [hbm4b:s1+s21], $0x80, s24, s21, $0xb8;
	[tilespmem:$0x10A00] =	vst v63  }
0x2f: {  	_ = 	snop  }
0x30: {  	[tilespmem:s28], [sflag:$0x2] =	stream.indirect.gather [hbm4b:s6+s21], $0x80, s25, s21, $0xb8;
	[tilespmem:$0x10A00] =	vst v63  }
0x31: {  	_ =	swait.ge [sflag:s29], $0x4000  }
0x32: {  	[sflag:s29] =	ssyncset.done $0x0  }
0x33: {  	[sflag:s29] =	ssyncadd.s32 $0xFFFFC000  }
0x34: {  	_ =	swait.ge [sflag:s29], $0x4000  }
0x35: {  	[sflag:s29] =	ssyncset.done $0x0  }
0x36: {  	s13 =	sadd.s32 $0x0, s16;
	[sflag:s29] =	ssyncadd.s32 $0xFFFFC000  }
0x37: {  	[hbm4b:s13+s3] =	stream.linear.scatter [tilespmem:s22], [sflag:$0x3], $0x4000, $0x38;
	[tilespmem:$0x10A00] =	vst v63  }
0x38: {  	_ =	swait.ge [sflag:s20], $0x4000  }
0x39: {  	[sflag:s20] =	ssyncset.done $0x0  }
0x3a: {  	s8 =	sadd.s32 $0x0, s17;
	[sflag:s20] =	ssyncadd.s32 $0xFFFFC000  }
0x3b: {  	[hbm4b:s8+s3] =	stream.linear.scatter [tilespmem:s23], [sflag:$0x3], $0x4000, $0x38;
	[tilespmem:$0x10A00] =	vst v63  }
0x3c: {  	_ =	swait.ge [sflag:s20], $0x4000  }
0x3d: {  	[sflag:s20] =	ssyncset.done $0x0  }
0x3e: {  	[sflag:s20] =	ssyncadd.s32 $0xFFFFC000  }
0x3f: {  	_ =	swait.ge [sflag:s30], $0x4000  }
0x40: {  	[sflag:s30] =	ssyncset.done $0x0  }
0x41: {  	[sflag:s30] =	ssyncadd.s32 $0xFFFFC000  }
0x42: {  	_ =	swait.ge [sflag:s30], $0x4000  }
0x43: {  	[sflag:s30] =	ssyncset.done $0x0  }
0x44: {  	s5 =	sadd.s32 $0x800, s13;
	[sflag:s30] =	ssyncadd.s32 $0xFFFFC000  }
0x45: {  	[hbm4b:s5+s3] =	stream.linear.scatter [tilespmem:s26], [sflag:$0x3], $0x4000, $0x38;
	[tilespmem:$0x10A00] =	vst v63  }
0x46: {  	_ =	swait.ge [sflag:s20], $0x4000  }
0x47: {  	[sflag:s20] =	ssyncset.done $0x0  }
0x48: {  	s14 =	sadd.s32 $0x800, s8;
	[sflag:s20] =	ssyncadd.s32 $0xFFFFC000  }
0x49: {  	[hbm4b:s14+s3] =	stream.linear.scatter [tilespmem:s28], [sflag:$0x3], $0x4000, $0x38;
	[tilespmem:$0x10A00] =	vst v63  }
0x4a: {  	s9 =	sadd.s32 $0x20, s4;
	s11 =	simm.s32 $0x2000;
	_ =	swait.ge [sflag:s20], $0x4000  }
0x4b: {  	s8 =	simm.s32 $0x1000;
	s5 =	smov.u32 s10;
	[sflag:s20] =	ssyncset.done $0x0  }
.LBB2_2:
0x4c: {  	s13 =	sadd.s32 s9, s19  }
0x4d: {  	[sflag:s20] =	ssyncadd.s32 $0xFFFFC000;
	s5 =	sadd.s32 $0x20, s5;
	s12 =	smov.u32 s11  }
0x4e: {  	[tilespmem:s3], [sflag:$0x3] =	stream.linear.gather [hbm4b:s13+s3], $0x80, $0x38;
	[tilespmem:$0x10A00] =	vst v63  }
0x4f: {  	p0 =	sne.s32 s11, $0x12000;
	s11 =	sadd.s32 $0x1000, s11;
	_ =	swait.ge [sflag:s20], $0x80  }
0x50: {  	[sflag:s20] =	ssyncset.done $0x0  }
0x51: {  	s13 =	sadd.s32 s5, s19;
	[sflag:s20] =	ssyncadd.s32 $0xFFFFFF80  }
0x52: {  	[tilespmem:s21], [sflag:$0x3] =	stream.linear.gather [hbm4b:s13+s3], $0x80, $0x38;
	[tilespmem:$0x10A00] =	vst v63  }
0x53: {  	_ =	swait.ge [sflag:s20], $0x80  }
0x54: {  	[sflag:s20] =	ssyncset.done $0x0  }
0x55: {  	[sflag:s20] =	ssyncadd.s32 $0xFFFFFF80  }
0x56: {  	[tilespmem:s22], [sflag:$0x1] =	stream.indirect.gather [hbm4b:s1+s21], $0x80, s3, s21, $0xb8;
	[tilespmem:$0x10A00] =	vst v63  }
0x57: {  	_ = 	snop  }
0x58: {  	[tilespmem:s23], [sflag:$0x1] =	stream.indirect.gather [hbm4b:s6+s21], $0x80, s21, s21, $0xb8;
	[tilespmem:$0x10A00] =	vst v63  }
0x59: {  	s13 =	sadd.s32 s9, s18  }
0x5a: {  	[tilespmem:s24], [sflag:$0x3] =	stream.linear.gather [hbm4b:s13+s3], $0x80, $0x38;
	[tilespmem:$0x10A00] =	vst v63  }
0x5b: {  	_ =	swait.ge [sflag:s20], $0x80  }
0x5c: {  	[sflag:s20] =	ssyncset.done $0x0  }
0x5d: {  	s13 =	sadd.s32 s5, s18;
	[sflag:s20] =	ssyncadd.s32 $0xFFFFFF80  }
0x5e: {  	[tilespmem:s25], [sflag:$0x3] =	stream.linear.gather [hbm4b:s13+s3], $0x80, $0x38;
	[tilespmem:$0x10A00] =	vst v63  }
0x5f: {  	_ =	swait.ge [sflag:s20], $0x80  }
0x60: {  	[sflag:s20] =	ssyncset.done $0x0  }
0x61: {  	[sflag:s20] =	ssyncadd.s32 $0xFFFFFF80  }
0x62: {  	[tilespmem:s26], [sflag:$0x2] =	stream.indirect.gather [hbm4b:s1+s21], $0x80, s24, s21, $0xb8;
	[tilespmem:$0x10A00] =	vst v63  }
0x63: {  	_ = 	snop  }
0x64: {  	[tilespmem:s28], [sflag:$0x2] =	stream.indirect.gather [hbm4b:s6+s21], $0x80, s25, s21, $0xb8;
	[tilespmem:$0x10A00] =	vst v63  }
0x65: {  	_ =	swait.ge [sflag:s29], $0x4000  }
0x66: {  	[sflag:s29] =	ssyncset.done $0x0  }
0x67: {  	[sflag:s29] =	ssyncadd.s32 $0xFFFFC000  }
0x68: {  	_ =	swait.ge [sflag:s29], $0x4000  }
0x69: {  	[sflag:s29] =	ssyncset.done $0x0  }
0x6a: {  	s13 =	sadd.s32 s8, s16;
	[sflag:s29] =	ssyncadd.s32 $0xFFFFC000  }
0x6b: {  	[hbm4b:s13+s3] =	stream.linear.scatter [tilespmem:s22], [sflag:$0x3], $0x4000, $0x38;
	[tilespmem:$0x10A00] =	vst v63  }
0x6c: {  	_ =	swait.ge [sflag:s20], $0x4000  }
0x6d: {  	[sflag:s20] =	ssyncset.done $0x0  }
0x6e: {  	s14 =	sadd.s32 s8, s17;
	s8 =	smov.u32 s12;
	[sflag:s20] =	ssyncadd.s32 $0xFFFFC000  }
0x6f: {  	[hbm4b:s14+s3] =	stream.linear.scatter [tilespmem:s23], [sflag:$0x3], $0x4000, $0x38;
	[tilespmem:$0x10A00] =	vst v63  }
0x70: {  	_ =	swait.ge [sflag:s20], $0x4000  }
0x71: {  	[sflag:s20] =	ssyncset.done $0x0  }
0x72: {  	[sflag:s20] =	ssyncadd.s32 $0xFFFFC000  }
0x73: {  	_ =	swait.ge [sflag:s30], $0x4000  }
0x74: {  	[sflag:s30] =	ssyncset.done $0x0  }
0x75: {  	[sflag:s30] =	ssyncadd.s32 $0xFFFFC000  }
0x76: {  	_ =	swait.ge [sflag:s30], $0x4000  }
0x77: {  	[sflag:s30] =	ssyncset.done $0x0  }
0x78: {  	s12 =	sadd.s32 $0x800, s13;
	[sflag:s30] =	ssyncadd.s32 $0xFFFFC000  }
0x79: {  	[hbm4b:s12+s3] =	stream.linear.scatter [tilespmem:s26], [sflag:$0x3], $0x4000, $0x38;
	[tilespmem:$0x10A00] =	vst v63  }
0x7a: {  	_ =	swait.ge [sflag:s20], $0x4000  }
.Ltmp0:
0x7b: {  	[sflag:s20] =	ssyncset.done $0x0;
	(pc) =	sbr.rel @p0 .LBB2_2-.Ltmp0, $4  }
0x7c: {  	s12 =	sadd.s32 $0x800, s14;
	[sflag:s20] =	ssyncadd.s32 $0xFFFFC000  }
0x7d: {  	[hbm4b:s12+s3] =	stream.linear.scatter [tilespmem:s28], [sflag:$0x3], $0x4000, $0x38;
	[tilespmem:$0x10A00] =	vst v63  }
0x7e: {  	_ =	swait.ge [sflag:s20], $0x4000  }
0x7f: {  	s9 =	sadd.s32 $0x20, s9;
	[sflag:s20] =	ssyncset.done $0x0  }
0x80: {  	s11 =	sadd.s32 s9, s19;
	[sflag:s20] =	ssyncadd.s32 $0xFFFFC000  }
0x81: {  	[tilespmem:s3], [sflag:$0x3] =	stream.linear.gather [hbm4b:s11+s3], $0x80, $0x38;
	[tilespmem:$0x10A00] =	vst v63  }
0x82: {  	_ =	swait.ge [sflag:s20], $0x80  }
0x83: {  	s5 =	sadd.s32 $0x20, s5;
	[sflag:s20] =	ssyncset.done $0x0  }
0x84: {  	s13 =	sadd.s32 s5, s19;
	[sflag:s20] =	ssyncadd.s32 $0xFFFFFF80  }
0x85: {  	[tilespmem:s21], [sflag:$0x3] =	stream.linear.gather [hbm4b:s13+s3], $0x80, $0x38;
	[tilespmem:$0x10A00] =	vst v63  }
0x86: {  	_ =	swait.ge [sflag:s20], $0x80  }
0x87: {  	[sflag:s20] =	ssyncset.done $0x0  }
0x88: {  	[sflag:s20] =	ssyncadd.s32 $0xFFFFFF80  }
0x89: {  	[tilespmem:s22], [sflag:$0x1] =	stream.indirect.gather [hbm4b:s1+s21], $0x80, s3, s21, $0xb8;
	[tilespmem:$0x10A00] =	vst v63  }
0x8a: {  	_ = 	snop  }
0x8b: {  	[tilespmem:s23], [sflag:$0x1] =	stream.indirect.gather [hbm4b:s6+s21], $0x80, s21, s21, $0xb8;
	[tilespmem:$0x10A00] =	vst v63  }
0x8c: {  	s14 =	sadd.s32 s9, s18  }
0x8d: {  	[tilespmem:s24], [sflag:$0x3] =	stream.linear.gather [hbm4b:s14+s3], $0x80, $0x38;
	[tilespmem:$0x10A00] =	vst v63  }
0x8e: {  	_ =	swait.ge [sflag:s20], $0x80  }
0x8f: {  	[sflag:s20] =	ssyncset.done $0x0  }
0x90: {  	s5 =	sadd.s32 s5, s18;
	[sflag:s20] =	ssyncadd.s32 $0xFFFFFF80  }
0x91: {  	[tilespmem:s25], [sflag:$0x3] =	stream.linear.gather [hbm4b:s5+s3], $0x80, $0x38;
	[tilespmem:$0x10A00] =	vst v63  }
0x92: {  	_ =	swait.ge [sflag:s20], $0x80  }
0x93: {  	[sflag:s20] =	ssyncset.done $0x0  }
0x94: {  	[sflag:s20] =	ssyncadd.s32 $0xFFFFFF80  }
0x95: {  	[tilespmem:s26], [sflag:$0x2] =	stream.indirect.gather [hbm4b:s1+s21], $0x80, s24, s21, $0xb8;
	[tilespmem:$0x10A00] =	vst v63  }
0x96: {  	_ = 	snop  }
0x97: {  	[tilespmem:s28], [sflag:$0x2] =	stream.indirect.gather [hbm4b:s6+s21], $0x80, s25, s21, $0xb8;
	[tilespmem:$0x10A00] =	vst v63  }
0x98: {  	_ =	swait.ge [sflag:s29], $0x4000  }
0x99: {  	[sflag:s29] =	ssyncset.done $0x0  }
0x9a: {  	[sflag:s29] =	ssyncadd.s32 $0xFFFFC000  }
0x9b: {  	_ =	swait.ge [sflag:s29], $0x4000  }
0x9c: {  	[sflag:s29] =	ssyncset.done $0x0  }
0x9d: {  	s9 =	sadd.s32 s8, s16;
	[sflag:s29] =	ssyncadd.s32 $0xFFFFC000  }
0x9e: {  	[hbm4b:s9+s3] =	stream.linear.scatter [tilespmem:s22], [sflag:$0x3], $0x4000, $0x38;
	[tilespmem:$0x10A00] =	vst v63  }
0x9f: {  	_ =	swait.ge [sflag:s20], $0x4000  }
0xa0: {  	[sflag:s20] =	ssyncset.done $0x0  }
0xa1: {  	s11 =	sadd.s32 s8, s17;
	[sflag:s20] =	ssyncadd.s32 $0xFFFFC000  }
0xa2: {  	[hbm4b:s11+s3] =	stream.linear.scatter [tilespmem:s23], [sflag:$0x3], $0x4000, $0x38;
	[tilespmem:$0x10A00] =	vst v63  }
0xa3: {  	_ =	swait.ge [sflag:s20], $0x4000  }
0xa4: {  	[sflag:s20] =	ssyncset.done $0x0  }
0xa5: {  	[sflag:s20] =	ssyncadd.s32 $0xFFFFC000  }
0xa6: {  	_ =	swait.ge [sflag:s30], $0x4000  }
0xa7: {  	[sflag:s30] =	ssyncset.done $0x0  }
0xa8: {  	[sflag:s30] =	ssyncadd.s32 $0xFFFFC000  }
0xa9: {  	_ =	swait.ge [sflag:s30], $0x4000  }
0xaa: {  	[sflag:s30] =	ssyncset.done $0x0  }
0xab: {  	s5 =	sadd.s32 $0x800, s9;
	[sflag:s30] =	ssyncadd.s32 $0xFFFFC000  }
0xac: {  	[hbm4b:s5+s3] =	stream.linear.scatter [tilespmem:s26], [sflag:$0x3], $0x4000, $0x38;
	[tilespmem:$0x10A00] =	vst v63  }
0xad: {  	_ =	swait.ge [sflag:s20], $0x4000  }
0xae: {  	[sflag:s20] =	ssyncset.done $0x0  }
0xaf: {  	s12 =	sadd.s32 $0x800, s11;
	[sflag:s20] =	ssyncadd.s32 $0xFFFFC000  }
0xb0: {  	[hbm4b:s12+s3] =	stream.linear.scatter [tilespmem:s28], [sflag:$0x3], $0x4000, $0x38;
	[tilespmem:$0x10A00] =	vst v63  }
0xb1: {  	_ =	swait.ge [sflag:s20], $0x4000  }
0xb2: {  	[sflag:s20] =	ssyncset.done $0x0  }
0xb3: {  	s13 =	rddreg [dreg:$0x3];
	[sflag:s20] =	ssyncadd.s32 $0xFFFFC000  }
0xb4: {  	[tilespmem:s3], [sflag:$0x3] =	stream.linear.gather [hbm4b:s13+s3], $0x80, $0x38;
	[tilespmem:$0x10A00] =	vst v63  }
0xb5: {  	_ =	swait.ge [sflag:s20], $0x80  }
0xb6: {  	[sflag:s20] =	ssyncset.done $0x0  }
0xb7: {  	s14 =	rddreg [dreg:$0x4];
	[sflag:s20] =	ssyncadd.s32 $0xFFFFFF80  }
0xb8: {  	[tilespmem:s21], [sflag:$0x3] =	stream.linear.gather [hbm4b:s14+s3], $0x80, $0x38;
	[tilespmem:$0x10A00] =	vst v63  }
0xb9: {  	_ =	swait.ge [sflag:s20], $0x80  }
0xba: {  	[sflag:s20] =	ssyncset.done $0x0  }
0xbb: {  	[sflag:s20] =	ssyncadd.s32 $0xFFFFFF80  }
0xbc: {  	[tilespmem:s22], [sflag:$0x1] =	stream.indirect.gather [hbm4b:s1+s21], $0x80, s3, s21, $0xb8;
	[tilespmem:$0x10A00] =	vst v63  }
0xbd: {  	_ = 	snop  }
0xbe: {  	[tilespmem:s23], [sflag:$0x1] =	stream.indirect.gather [hbm4b:s6+s21], $0x80, s21, s21, $0xb8;
	[tilespmem:$0x10A00] =	vst v63  }
0xbf: {  	_ =	swait.ge [sflag:s29], $0x4000  }
0xc0: {  	[sflag:s29] =	ssyncset.done $0x0  }
0xc1: {  	[sflag:s29] =	ssyncadd.s32 $0xFFFFC000  }
0xc2: {  	_ =	swait.ge [sflag:s29], $0x4000  }
0xc3: {  	[sflag:s29] =	ssyncset.done $0x0  }
0xc4: {  	s8 =	rddreg [dreg:$0x5];
	[sflag:s29] =	ssyncadd.s32 $0xFFFFC000  }
0xc5: {  	[hbm4b:s8+s3] =	stream.linear.scatter [tilespmem:s22], [sflag:$0x3], $0x4000, $0x38;
	[tilespmem:$0x10A00] =	vst v63  }
0xc6: {  	_ =	swait.ge [sflag:s20], $0x4000  }
0xc7: {  	[sflag:s20] =	ssyncset.done $0x0  }
0xc8: {  	s9 =	rddreg [dreg:$0x6];
	[sflag:s20] =	ssyncadd.s32 $0xFFFFC000  }
0xc9: {  	[hbm4b:s9+s3] =	stream.linear.scatter [tilespmem:s23], [sflag:$0x3], $0x4000, $0x38;
	[tilespmem:$0x10A00] =	vst v63  }
0xca: {  	_ =	swait.ge [sflag:s20], $0x4000  }
0xcb: {  	[sflag:s20] =	ssyncset.done $0x0  }
0xcc: {  	s11 =	rddreg [dreg:$0x7];
	[sflag:s20] =	ssyncadd.s32 $0xFFFFC000  }
0xcd: {  	[tilespmem:s24], [sflag:$0x3] =	stream.linear.gather [hbm4b:s11+s3], $0x8, $0x38;
	[tilespmem:$0x10A00] =	vst v63  }
0xce: {  	_ =	swait.ge [sflag:s20], $0x8  }
0xcf: {  	[sflag:s20] =	ssyncset.done $0x0  }
0xd0: {  	s12 =	rddreg [dreg:$0x8];
	[sflag:s20] =	ssyncadd.s32 $0xFFFFFFF8  }
0xd1: {  	[tilespmem:s25], [sflag:$0x3] =	stream.linear.gather [hbm4b:s12+s3], $0x8, $0x38;
	[tilespmem:$0x10A00] =	vst v63  }
0xd2: {  	_ =	swait.ge [sflag:s20], $0x8  }
0xd3: {  	[sflag:s20] =	ssyncset.done $0x0  }
0xd4: {  	[sflag:s20] =	ssyncadd.s32 $0xFFFFFFF8  }
0xd5: {  	[tilespmem:s0], [sflag:$0x2] =	stream.indirect.gather [hbm4b:s1+s31], $0x80, s24, s31, $0xb8;
	[tilespmem:$0x10A00] =	vst v63  }
0xd6: {  	_ = 	snop  }
0xd7: {  	[tilespmem:s2], [sflag:$0x2] =	stream.indirect.gather [hbm4b:s6+s31], $0x80, s25, s31, $0xb8;
	[tilespmem:$0x10A00] =	vst v63  }
0xd8: {  	_ =	swait.ge [sflag:s30], $0x400  }
0xd9: {  	[sflag:s30] =	ssyncset.done $0x0  }
0xda: {  	[sflag:s30] =	ssyncadd.s32 $0xFFFFFC00  }
0xdb: {  	_ =	swait.ge [sflag:s30], $0x400  }
0xdc: {  	[sflag:s30] =	ssyncset.done $0x0  }
0xdd: {  	s13 =	rddreg [dreg:$0x9];
	[sflag:s30] =	ssyncadd.s32 $0xFFFFFC00  }
0xde: {  	[hbm4b:s13+s3] =	stream.linear.scatter [tilespmem:s0], [sflag:$0x3], $0x400, $0x38;
	[tilespmem:$0x10A00] =	vst v63  }
0xdf: {  	s7 =	sadd.s32 $0x1, s7;
	_ =	swait.ge [sflag:s20], $0x400  }
0xe0: {  	p0 =	sne.s32 s7, s15;
	[sflag:s20] =	ssyncset.done $0x0  }
.Ltmp1:
0xe1: {  	s14 =	rddreg [dreg:$0xa];
	[sflag:s20] =	ssyncadd.s32 $0xFFFFFC00;
	(pc) =	sbr.rel @p0 .LBB2_1-.Ltmp1, $4  }
0xe2: {  	[hbm4b:s14+s3] =	stream.linear.scatter [tilespmem:s2], [sflag:$0x3], $0x400, $0x38;
	[tilespmem:$0x10A00] =	vst v63  }
0xe3: {  	_ =	swait.ge [sflag:s20], $0x400  }
0xe4: {  	[sflag:s20] =	ssyncset.done $0x0  }
0xe5: {  	[sflag:s20] =	ssyncadd.s32 $0xFFFFFC00  }
0xe6: {  	_ =	sfence.sel $0x180000  }
0xe7: {  	[bflag:$0x0] =	sbarrier.arrive $0xFFFF  }
0xe8: {  	_ =	strace $0x9000004A  }
0xe9: {  	s0 =	stileid.u32;
	[bflag:$0x2] =	sbarrier.arrive $0xFFFF  }
0xea: {  	p0 =	sne.s32 s0, $0x0;
	s0 =	rddreg [dreg:$0x2]  }
0xeb: {  	s0 =	sadd.s32 @!p0 $0x100000, s0  }
0xec: {  	[sflag:s0] =	ssyncadd.tile.s32 @!p0 $0x1;
	_ =	shalt  }
.Lfunc_end2:
_tile_overlayer_lowered:
.L_overlay_start_2:
0xed: {  	(tag) =	ssettag $0x2  }
0xee: {  	s0 =	rddreg [dreg:$0x0];
	s2 =	stileid.u32  }
0xef: {  	s1 =	rddreg [dreg:$0x1];
	p0 =	sne.s32 s2, $0x0  }
0xf0: {  	s3 =	rddreg [dreg:$0x2];
	[bflag:$0x3] =	sbarrier.arrive $0xFFFF;
	s2 =	simm.s32 @!p0 $0x1C03  }
0xf1: {  	[timem:s3], [sflag:s2] =	dma.local @!p0 [hbm:s0], s1  }
0xf2: {  	s0 =	simm.s32 @!p0 $0x3  }
0xf3: {  	_ =	swait.ge @!p0 [sflag:s0], s1  }
0xf4: {  	s1 =	ssub.s32 @!p0 $0x0, s1;
	[sflag:s0] =	ssyncset.done @!p0 $0x0  }
0xf5: {  	[sflag:s0] =	ssyncadd.s32 @!p0 s1  }
0xf6: {  	[bflag:$0x3] =	sbarrier.arrive $0xFFFF  }
0xf7: {  	_ =	shalt  }

// kernel: kernel.19.cloned.1.call-start
scs
__scs_entry_jumppad:
0x0: {  	(pc) =	sbr.rel $0x88, $3  }
0x1: {  	(tag) =	ssettag $0x0;
	lr =	simm.s32 $0x1  }
0x2: {  	[smem:$0x3F86] =	sst lr;
	_ =	strace $0xD0000000  }
0x3: {  	_ = 	snop  }
0x4: {  	_ = 	snop  }
0x5: {  	_ = 	snop  }
0x6: {  	_ = 	snop  }
0x7: {  	_ = 	snop  }
__scs_overlays_trampoline_lowered:
0x8: {  	[smem:$0x3F95] =	sst s0  }
0x9: {  	[smem:$0x3F96] =	sst s1  }
0xa: {  	[smem:$0x3F97] =	sst s2  }
0xb: {  	[smem:$0x3F98] =	sst s3  }
0xc: {  	[smem:$0x3F99] =	sst s4  }
0xd: {  	[smem:$0x3F9A] =	sst s5  }
0xe: {  	[smem:$0x3F9B] =	sst s6  }
0xf: {  	[smem:$0x3F9C] =	sst s7  }
0x10: {  	[smem:$0x3F9D] =	sst s8  }
0x11: {  	[smem:$0x3F9E] =	sst s9;
	s0 =	simm.s32 @!p0 $0x0  }
0x12: {  	s1 =	sld [smem:$0x3F84];
	s0 =	simm.s32 @p0 $0x1  }
0x13: {  	[smem:$0x3F9F] =	sst s0;
	s0 =	simm.s32 @!p1 $0x0  }
0x14: {  	s2 =	sld [smem:$0x3F83];
	s0 =	simm.s32 @p1 $0x1  }
0x15: {  	[smem:$0x3FA0] =	sst s0;
	s0 =	simm.s32 @!p2 $0x0  }
0x16: {  	s3 =	sld [smem:$0x3FDB];
	s0 =	simm.s32 @p2 $0x1  }
0x17: {  	s4 =	simm.s32 $0x1BF5;
	[smem:$0x3FA2] =	sst s0  }
0x18: {  	s0 =	sld [smem:$0x3F85];
	_ =	swait.ge [sflag:s4], $0x0  }
0x19: {  	s7 =	sld [smem:$0x3F86]  }
0x1a: {  	s8 =	sadd.s32 $0xFFFFE003, lr  }
0x1b: {  	s9 =	sadd.s32 $0xFFFFFEF7, lr;
	s5 =	simm.s32 $0xFFFFFFFF;
	p2 =	slt.u32 s8, $0xFFFFF086  }
0x1c: {  	p1 =	slt.u32 s9, $0xF7A;
	s5 =	simm.s32 @!p2 $0x0  }
0x1d: {  	s5 =	simm.s32 @p1 $0x1;
	p0 =	seq.s32 s7, s2  }
0x1e: {  	s7 =	smul.u32 @!p0 $0xF7A, s2;
	p2 =	seq.s32 @!p0 s5, $0x0  }
0x1f: {  	s9 =	smul.u32 $0xF7A, s1;
	s8 =	simm.s32 @!p0 $0x1BF5;
	p2 =	por !p2, p0  }
0x20: {  	[sflag:s8] =	ssyncset.s32 @!p0 $0xFFFFF086;
	s6 =	sadd.s32 @!p0 s3, s7;
	s7 =	simm.s32 @!p0 $0x108  }
0x21: {  	s3 =	sadd.s32 s3, s9;
	s6 =	sadd.s32 @!p0 $0x88, s6;
	s7 =	simm.s32 @p2 $0x1082  }
0x22: {  	[simem:s7], [sflag:s8] =	dma.local @!p0 [hbm:s6], $0xF7A  }
0x23: {  	s9 =	sor.u32 $0xD0000000, s2;
	s6 =	simm.s32 $0x108;
	_ =	swait.ge @!p0 [sflag:s8], $0x0  }
0x24: {  	s3 =	sadd.s32 $0x88, s3;
	s6 =	simm.s32 @!p1 $0x1082;
	[sflag:s4] =	ssyncset.s32 $0xFFFFF086  }
0x25: {  	[simem:s6], [sflag:s4] =	dma.local [hbm:s3], $0xF7A  }
0x26: {  	[smem:$0x3F86] =	sst s1;
	(tag) =	ssettag s2;
	_ =	strace s9  }
0x27: {  	s1 =	sld [smem:$0x3F96]  }
0x28: {  	s2 =	sld [smem:$0x3F97]  }
0x29: {  	s4 =	sld [smem:$0x3F99]  }
0x2a: {  	p0 =	seq.s32 s5, $0x0;
	s5 =	sld [smem:$0x3F9A]  }
0x2b: {  	s6 =	sld [smem:$0x3F9B]  }
0x2c: {  	s7 =	sld [smem:$0x3F9C]  }
0x2d: {  	s3 =	simm.s32 $0x108;
	s8 =	sld [smem:$0x3F9D]  }
0x2e: {  	s3 =	simm.s32 @!p0 $0x1082;
	s9 =	sld [smem:$0x3F9E]  }
0x2f: {  	lr =	sadd.s32 s0, s3;
	s0 =	sld [smem:$0x3F95]  }
0x30: {  	s3 =	sld [smem:$0x3F98]  }
0x31: {  	[smem:$0x3FA1] =	sst s10  }
0x32: {  	s10 =	sld [smem:$0x3F9F];
	_ =	sdelay $0x3  }
0x33: {  	p0 =	seq.s32 s10, $0x1;
	s10 =	sld [smem:$0x3FA1];
	_ =	sdelay $0x3  }
0x34: {  	[smem:$0x3FA1] =	sst s10  }
0x35: {  	s10 =	sld [smem:$0x3FA0];
	_ =	sdelay $0x3  }
0x36: {  	p1 =	seq.s32 s10, $0x1;
	s10 =	sld [smem:$0x3FA1];
	_ =	sdelay $0x3  }
0x37: {  	[smem:$0x3FA1] =	sst s10  }
0x38: {  	s10 =	sld [smem:$0x3FA2]  }
0x39: {  	_ = 	snop;
	(pc) =	sbr.ind lr, $3  }
0x3a: {  	_ = 	snop  }
0x3b: {  	_ = 	snop  }
0x3c: {  	p2 =	seq.s32 s10, $0x1;
	s10 =	sld [smem:$0x3FA1]  }
0x3d: {  	_ =	shalt  }
0x3e: {  	_ =	shalt  }
0x3f: {  	_ =	shalt  }
0x40: {  	_ =	shalt  }
0x41: {  	_ =	shalt  }
0x42: {  	_ =	shalt  }
0x43: {  	_ =	shalt  }
0x44: {  	_ =	shalt  }
0x45: {  	_ =	shalt  }
0x46: {  	_ =	shalt  }
0x47: {  	_ =	shalt  }
0x48: {  	_ =	shalt  }
0x49: {  	_ =	shalt  }
0x4a: {  	_ =	shalt  }
0x4b: {  	_ =	shalt  }
0x4c: {  	_ =	shalt  }
0x4d: {  	_ =	shalt  }
0x4e: {  	_ =	shalt  }
0x4f: {  	_ =	shalt  }
0x50: {  	_ =	shalt  }
0x51: {  	_ =	shalt  }
0x52: {  	_ =	shalt  }
0x53: {  	_ =	shalt  }
0x54: {  	_ =	shalt  }
0x55: {  	_ =	shalt  }
0x56: {  	_ =	shalt  }
0x57: {  	_ =	shalt  }
0x58: {  	_ =	shalt  }
0x59: {  	_ =	shalt  }
0x5a: {  	_ =	shalt  }
0x5b: {  	_ =	shalt  }
0x5c: {  	_ =	shalt  }
0x5d: {  	_ =	shalt  }
0x5e: {  	_ =	shalt  }
0x5f: {  	_ =	shalt  }
0x60: {  	_ =	shalt  }
0x61: {  	_ =	shalt  }
0x62: {  	_ =	shalt  }
0x63: {  	_ =	shalt  }
0x64: {  	_ =	shalt  }
0x65: {  	_ =	shalt  }
0x66: {  	_ =	shalt  }
0x67: {  	_ =	shalt  }
0x68: {  	_ =	shalt  }
0x69: {  	_ =	shalt  }
0x6a: {  	_ =	shalt  }
0x6b: {  	_ =	shalt  }
0x6c: {  	_ =	shalt  }
0x6d: {  	_ =	shalt  }
0x6e: {  	_ =	shalt  }
0x6f: {  	_ =	shalt  }
0x70: {  	_ =	shalt  }
0x71: {  	_ =	shalt  }
0x72: {  	_ =	shalt  }
0x73: {  	_ =	shalt  }
0x74: {  	_ =	shalt  }
0x75: {  	_ =	shalt  }
0x76: {  	_ =	shalt  }
0x77: {  	_ =	shalt  }
0x78: {  	_ =	shalt  }
0x79: {  	_ =	shalt  }
0x7a: {  	_ =	shalt  }
0x7b: {  	_ =	shalt  }
0x7c: {  	_ =	shalt  }
0x7d: {  	_ =	shalt  }
0x7e: {  	_ =	shalt  }
0x7f: {  	_ =	shalt  }
0x80: {  	_ =	shalt  }
0x81: {  	_ =	shalt  }
0x82: {  	_ =	shalt  }
0x83: {  	_ =	shalt  }
0x84: {  	_ =	shalt  }
0x85: {  	_ =	shalt  }
0x86: {  	_ =	shalt  }
0x87: {  	_ =	shalt  }
.Lfunc_end0:
.L_simem_size_0:
called_computation.2_lowered:
.L_overlay_start_0:
0x88: {  	s2 =	sld [smem:$0x3FD9]  }
0x89: {  	s3 =	sld [smem:$0x3FFE];
	_ =	sdelay $0x1  }
0x8a: {  	s1 =	srdreg.scid  }
0x8b: {  	s0 =	sand.u32 $0x1, s1  }
0x8c: {  	s15 =	sshll.u32 s0, $0xA;
	s2 =	sadd.s32 s3, s2  }
0x8d: {  	s2 =	sadd.s32 s2, s15  }
0x8e: {  	[smem:$0x3FAD] =	sst s2  }
0x8f: {  	_ = 	snop  }
0x90: {  	s2 =	sld [smem:$0x3FD0];
	_ =	sdelay $0x2  }
0x91: {  	s16 =	simm.s32 $0xB;
	s4 =	simm.s32 $0x10  }
0x92: {  	[smem:s4], [sflag:s16] =	dma.local [hbm:s2], $0x1  }
0x93: {  	_ =	swait.eq [sflag:s16], $0x1  }
0x94: {  	[sflag:s16] =	ssyncset.done $0x0  }
0x95: {  	[sflag:s16] =	ssyncadd.s32 $0xFFFFFFFF  }
0x96: {  	s17 =	sld [smem:$0x11];
	(tm) =	ssettm $0x1  }
0x97: {  	s18 =	sld [smem:$0x3FFB];
	_ =	sdelay $0x3  }
0x98: {  	_ =	strace s18  }
0x99: {  	s2 =	sld [smem:$0x3FFC];
	_ =	sdelay $0x3  }
0x9a: {  	_ =	strace s2  }
0x9b: {  	s2 =	sld [smem:$0x3FFD];
	_ =	sdelay $0x3  }
0x9c: {  	_ =	strace s2  }
0x9d: {  	_ =	strace $0x8FFFFFFF  }
0x9e: {  	s19 =	sld [smem:$0x3FDB];
	_ =	sdelay $0x1  }
0x9f: {  	s20 =	simm.s32 $_scs_section_size  }
0xa0: {  	s5 =	simm.s32 $_size__tile_overlayer_lowered;
	s6 =	simm.s32 $_tile_overlayer_lowered  }
0xa1: {  	s7 =	simm.s32 $0x1BFF;
	s21 =	sshll.u32 s6, $0x1;
	s4 =	sadd.s32 s20, s19  }
0xa2: {  	s22 =	simm.s32 $0x0;
	s5 =	sshll.u32 s5, $0x1;
	s6 =	sadd.s32 s21, s4  }
0xa3: {  	[timem:s22], [sflag:s7] =	dma.local [hbm:s6], s5  }
0xa4: {  	_ =	swait.ge [sflag:s7], s5  }
0xa5: {  	s5 =	ssub.s32 $0x0, s5;
	[sflag:s7] =	ssyncset.done $0x0  }
0xa6: {  	[sflag:s7] =	ssyncadd.s32 s5;
	_ =	sdelay $0x1  }
0xa7: {  	s23 =	simm.s32 $0x1B8B  }
0xa8: {  	_ =	swait.ge [sflag:s23], $0x1  }
0xa9: {  	[sflag:s23] =	ssyncset.done $0x0  }
0xaa: {  	[sflag:s23] =	ssyncadd.s32 $0xFFFFFFFF  }
0xab: {  	s5 =	sld [smem:$0x0]  }
0xac: {  	s6 =	sand.u32 $0xFFFFFFFE, s1  }
0xad: {  	p0 =	sne.s32 s1, s6  }
0xae: {  	s6 =	sshll.u32 @p0 s6, $0xE  }
0xaf: {  	s6 =	sadd.s32 @p0 $0x11B8D, s6;
	s7 =	sshll.u32 @p0 s5, $0x11  }
0xb0: {  	s6 =	sor.u32 @p0 s7, s6  }
0xb1: {  	[sflag:s6] =	ssyncadd.remote.s32 @p0 $0x1;
	_ =	sdelay $0x1  }
0xb2: {  	s6 =	simm.s32 @p0 $0x1B8D  }
0xb3: {  	_ =	swait.eq @p0 [sflag:s6], $0x1  }
0xb4: {  	[sflag:s6] =	ssyncadd.s32 @p0 $0xFFFFFFFF  }
0xb5: {  	s7 =	sshll.u32 @!p0 s1, $0xE  }
0xb6: {  	s7 =	sor.u32 @!p0 $0x4000, s7;
	s6 =	simm.s32 @!p0 $0x1B8D  }
0xb7: {  	s5 =	sshll.u32 @!p0 s5, $0x11;
	s7 =	sadd.s32 @!p0 $0x11B8D, s7;
	_ =	swait.eq @!p0 [sflag:s6], $0x1  }
0xb8: {  	s5 =	sor.u32 @!p0 s5, s7;
	[sflag:s6] =	ssyncadd.s32 @!p0 $0xFFFFFFFF  }
0xb9: {  	s25 =	simm.s32 $0x1B8E;
	s24 =	sld [smem:$0x3FFE];
	[sflag:s5] =	ssyncadd.remote.s32 @!p0 $0x1  }
0xba: {  	s26 =	simm.s32 $execute0_lowered;
	[smem:$0x3FD2] =	sst s25  }
0xbb: {  	s6 =	sshll.u32 s26, $0x1;
	_ =	strace $0x8000004C;
	[dreg:$0x1] =	wrdreg $0xFFFFFFFF  }
0xbc: {  	s28 =	simm.s32 $_size_execute0_lowered;
	s4 =	sadd.s32 s4, s6;
	[dreg:$0x0] =	wrdreg $0x0  }
0xbd: {  	s6 =	sshll.u32 s28, $0x1;
	[dreg:$0x2] =	wrdreg s4  }
0xbe: {  	[dreg:$0x3] =	wrdreg s6  }
0xbf: {  	[dreg:$0x4] =	wrdreg $0xC0  }
0xc0: {  	_ =	task [dreg:s22], $0x5FFFF  }
0xc1: {  	[dreg:$0x1] =	wrdreg $0xFFFFFFFF  }
0xc2: {  	[dreg:$0x0] =	wrdreg $0x60  }
0xc3: {  	[dreg:$0x2] =	wrdreg s24  }
0xc4: {  	[dreg:$0x3] =	wrdreg s17  }
0xc5: {  	[dreg:$0x4] =	wrdreg $0x0  }
0xc6: {  	[dreg:$0x5] =	wrdreg $0xA  }
0xc7: {  	_ =	task.clear_ibuf [dreg:s22], $0x6FFFF;
	_ =	strace $0x9000004C  }
0xc8: {  	s29 =	simm.s32 $0xA;
	_ =	strace $0x8000004E  }
0xc9: {  	_ =	swait.ge [sflag:s29], $0x1  }
0xca: {  	[sflag:s29] =	ssyncadd.s32 $0xFFFFFFFF  }
0xcb: {  	_ =	strace $0x9000004E  }
0xcc: {  	_ =	sfence  }
0xcd: {  	s30 =	sld [smem:$0x0];
	_ =	sdelay $0x2  }
0xce: {  	s31 =	sshll.u32 s1, $0xD;
	s1 =	sshrl.u32 s1, $0x2  }
0xcf: {  	s4 =	sand.u32 $0x4000, s31;
	s1 =	sadd.s32 s1, s30  }
0xd0: {  	s0 =	sor.u32 s4, s0;
	s1 =	sshll.u32 s1, $0x11  }
0xd1: {  	s0 =	sor.u32 s1, s0  }
0xd2: {  	s0 =	sadd.s32 $0x8F2B, s0  }
0xd3: {  	[sflag:s0] =	ssyncadd.remote.s32 $0x1  }
0xd4: {  	_ =	sfence.sel $0xFFFF  }
0xd5: {  	[dreg:$0x0] =	wrdreg $0xFFFFFFFF;
	(pc) =	sbr.abs _section_cstart, $3  }
0xd6: {  	[dreg:$0x1] =	wrdreg $0xFFFFFFFF  }
0xd7: {  	_ =	task.clear_ibuf [dreg:s22], $0x2FFFF;
	_ =	strace $0x9FFFFFFF  }
0xd8: {  	(tm) =	ssettm $0x7FFFFFFF  }
0xd9: {  	_ =	shalt  }
tec
execute0_lowered:
.L_overlay_start_1:
0x0: {  	(tag) =	ssettag $0x1  }
0x1: {  	s0 =	rddreg [dreg:$0x0]  }
0x2: {  	s3 =	rddreg [dreg:$0x1]  }
0x3: {  	s2 =	rddreg [dreg:$0x2];
	s1 =	srdreg.scid  }
0x4: {  	s4 =	simm.s32 $0x0;
	s13 =	stileid.u32;
	s20 =	simm.s32 $0x13C00  }
0x5: {  	s21 =	simm.s32 $0x13C80;
	s22 =	simm.s32 $0x17D00;
	s6 =	smul.u32 $0x13C00, s13  }
0x6: {  	s23 =	simm.s32 $0x1;
	s28 =	simm.s32 $0x4;
	s24 =	smul.u32 $0x4F000, s13  }
0x7: {  	s29 =	simm.s32 $0x1BD00;
	s30 =	simm.s32 $0x1BD80;
	s11 =	smul.u32 $0x2710, s13  }
0x8: {  	s1 =	sand.u32 $0x1, s1;
	[smem:$0x7FF] =	sst s4;
	s17 =	smul.u32 $0x27100, s13  }
0x9: {  	s16 =	sadd.s32 $0x10400, s0;
	s19 =	sadd.s32 $0xA05400, s0;
	s18 =	smul.u32 $0x4E2, s13  }
0xa: {  	s5 =	smul.u32 $0x13C000, s1;
	_ =	strace $0x8000004D;
	s7 =	ssub.s32 $0x2, s1  }
0xb: {  	p0 =	seq.s32 s1, $0x1;
	[dreg:$0x4] =	wrdreg s19;
	s25 =	sshrl.u32 s7, $0x1  }
0xc: {  	s12 =	sadd.s32 $0x2700, s11;
	s15 =	sadd.s32 s17, s3;
	s17 =	sadd.s32 s17, s19  }
0xd: {  	s19 =	simm.s32 $0x5;
	s5 =	sadd.s32 s6, s5;
	s6 =	sshrl.u32 s24, $0x2  }
0xe: {  	s31 =	sshrl.u32 s12, $0x3;
	s12 =	sshll.u32 s12, $0x4;
	s24 =	simm.s32 $0x80  }
0xf: {  	s5 =	sshrl.u32 s5, $0x3;
	s6 =	sadd.s32 s6, s2;
	s11 =	sadd.s32 s16, s31  }
.Ltmp0:
0x10: {  	s16 =	sadd.s32 s18, s16;
	s18 =	simm.s32 $0x13D00;
	(pc) =	sbr.rel .LBB2_1-.Ltmp0, $4  }
0x11: {  	s0 =	sadd.s32 s5, s0;
	s5 =	ssub.s32 s7, s25;
	s26 =	sadd.s32 $0x4000, s6  }
0x12: {  	s8 =	sadd.s32 $0x8000, s6;
	s9 =	sadd.s32 $0xC000, s6;
	s10 =	sadd.s32 $0x10000, s6  }
0x13: {  	s25 =	simm.s32 $0x2;
	[dreg:$0x5] =	wrdreg s26;
	s13 =	sadd.s32 $0x41600, s0  }
0x14: {  	v0 =	vimm.f32 $0.0e+00;
	s14 =	smax.u32 s5, $0x1;
	s26 =	simm.s32 $0x3;
	s0 =	simm.s32 $0x0  }
.LBB2_6:
0x15: {  	s3 =	sadd.s32 s5, s16;
	[sflag:s28] =	ssyncadd.s32 $0xFFFFC000  }
0x16: {  	[tilespmem:s20], [sflag:$0x5] =	stream.linear.gather [hbm4b:s3+s4], $0x80, $0x38;
	[tilespmem:$0x1C580] =	vst v63  }
0x17: {  	_ =	swait.ge [sflag:s19], $0x80  }
0x18: {  	[sflag:s19] =	ssyncset.done $0x0  }
0x19: {  	s3 =	sadd.s32 $0x10, s3;
	[sflag:s19] =	ssyncadd.s32 $0xFFFFFF80  }
0x1a: {  	[tilespmem:s21], [sflag:$0x5] =	stream.linear.gather [hbm4b:s3+s4], $0x80, $0x38;
	[tilespmem:$0x1C580] =	vst v63  }
0x1b: {  	_ =	swait.ge [sflag:s19], $0x80  }
0x1c: {  	[sflag:s19] =	ssyncset.done $0x0  }
0x1d: {  	[sflag:s19] =	ssyncadd.s32 $0xFFFFFF80  }
0x1e: {  	[tilespmem:s18], [sflag:$0x1] =	stream.linear.gather [hbm4b:s1+s4], $0x4000, $0x38;
	[tilespmem:$0x1C580] =	vst v63  }
0x1f: {  	s31 =	sadd.s32 $0x800, s1  }
0x20: {  	[tilespmem:s22], [sflag:$0x2] =	stream.linear.gather [hbm4b:s31+s4], $0x4000, $0x38;
	[tilespmem:$0x1C580] =	vst v63  }
0x21: {  	_ =	swait.ge [sflag:s23], $0x4000  }
0x22: {  	[sflag:s23] =	ssyncset.done $0x0  }
0x23: {  	[sflag:s23] =	ssyncadd.s32 $0xFFFFC000  }
0x24: {  	[spmem:s2] =	stream.indirect.scatter.add.f32 [tilespmem:s18], [sflag:$0x3], $0x80, s20, s24, $0xb8;
	[tilespmem:$0x1C580] =	vst v63  }
0x25: {  	_ =	swait.ge [sflag:s25], $0x4000  }
0x26: {  	[sflag:s25] =	ssyncset.done $0x0  }
0x27: {  	[sflag:s25] =	ssyncadd.s32 $0xFFFFC000  }
0x28: {  	[spmem:s2] =	stream.indirect.scatter.add.f32 [tilespmem:s22], [sflag:$0x4], $0x80, s21, s24, $0xb8;
	[tilespmem:$0x1C580] =	vst v63  }
0x29: {  	_ =	swait.ge [sflag:s26], $0x4000  }
0x2a: {  	[sflag:s26] =	ssyncset.done $0x0  }
0x2b: {  	[sflag:s26] =	ssyncadd.s32 $0xFFFFC000  }
0x2c: {  	_ =	swait.ge [sflag:s28], $0x4000  }
0x2d: {  	[sflag:s28] =	ssyncset.done $0x0  }
0x2e: {  	[sflag:s28] =	ssyncadd.s32 $0xFFFFC000  }
0x2f: {  	s1 =	rddreg [dreg:$0x1]  }
.LBB2_10:
0x30: {  	[tilespmem:s29], [sflag:$0x5] =	stream.linear.gather [hbm4b:s11+s4], $0x10, $0x38;
	[tilespmem:$0x1C580] =	vst v63  }
0x31: {  	_ =	swait.ge [sflag:s19], $0x10  }
0x32: {  	[sflag:s19] =	ssyncset.done $0x0  }
0x33: {  	s1 =	sadd.s32 s1, s12;
	[sflag:s19] =	ssyncadd.s32 $0xFFFFFFF0  }
0x34: {  	[tilespmem:s30], [sflag:$0x5] =	stream.linear.gather [hbm4b:s1+s4], $0x800, $0x38;
	[tilespmem:$0x1C580] =	vst v63  }
0x35: {  	_ =	swait.ge [sflag:s19], $0x800  }
0x36: {  	[sflag:s19] =	ssyncset.done $0x0  }
0x37: {  	s7 =	simm.s32 $0x10;
	[sflag:s19] =	ssyncadd.s32 $0xFFFFF800  }
0x38: {  	[spmem:s2] =	stream.indirect.scatter.add.f32 [tilespmem:s30], [sflag:$0x5], $0x80, s29, s7, $0xb8;
	[tilespmem:$0x1C580] =	vst v63  }
0x39: {  	s31 =	stileid.u32;
	_ =	swait.ge [sflag:s19], $0x800  }
0x3a: {  	s3 =	sshrl.u32 s6, $0x3;
	s0 =	sadd.s32 $0x1, s0;
	[sflag:s19] =	ssyncset.done $0x0  }
0x3b: {  	p1 =	sne.s32 s0, s14;
	s1 =	sshll.u32 s31, $0x6;
	[sflag:s19] =	ssyncadd.s32 $0xFFFFF800  }
.Ltmp1:
0x3c: {  	s1 =	sor.u32 $0x1C05, s1;
	[bflag:$0x0] =	sbarrier.arrive $0xFFFF;
	(pc) =	sbr.rel @!p1 .LBB2_11-.Ltmp1, $4  }
0x3d: {  	[hbm:s13], [sflag:s1] =	dma.local [spmem:s3], $0x2780  }
0x3e: {  	_ =	swait.ge [sflag:s19], $0x2780  }
0x3f: {  	[sflag:s19] =	ssyncset.done $0x0  }
0x40: {  	[sflag:s19] =	ssyncadd.s32 $0xFFFFD880  }
.LBB2_1:
0x41: {  	s1 =	simm.s32 $0x0;
	s5 =	simm.s32 $0x200  }
.LBB2_2:
0x42: {  	p1 =	sne.s32 s5, $0xFE00;
	[tilespmem:s1+$0x13D70] =	vst v0  }
0x43: {  	[tilespmem:s1+$0x13D00] =	vst v0  }
0x44: {  	[tilespmem:s1+$0x13D10] =	vst v0  }
.Ltmp2:
0x45: {  	[tilespmem:s1+$0x13D20] =	vst v0;
	(pc) =	sbr.rel @p1 .LBB2_2-.Ltmp2, $4  }
0x46: {  	[tilespmem:s1+$0x13D30] =	vst v0  }
0x47: {  	[tilespmem:s1+$0x13D40] =	vst v0  }
0x48: {  	[tilespmem:s1+$0x13D50] =	vst v0  }
0x49: {  	[tilespmem:s1+$0x13D60] =	vst v0;
	s1 =	sshra.s32 s5, $0x2;
	s5 =	sadd.s32 $0x200, s5  }
0x4a: {  	[tilespmem:s1+$0x13D70] =	vst v0  }
0x4b: {  	[tilespmem:s1+$0x13D00] =	vst v0  }
0x4c: {  	[tilespmem:s1+$0x13D10] =	vst v0  }
0x4d: {  	[tilespmem:s1+$0x13D20] =	vst v0  }
0x4e: {  	[tilespmem:s1+$0x13D30] =	vst v0  }
0x4f: {  	[tilespmem:s1+$0x13D40] =	vst v0  }
0x50: {  	[tilespmem:s1+$0x13D50] =	vst v0  }
0x51: {  	[tilespmem:s1+$0x13D60] =	vst v0  }
0x52: {  	[spmem:s6] =	stream.linear.scatter [tilespmem:s18], [sflag:$0x5], $0x4000, $0x38;
	[tilespmem:$0x1C580] =	vst v63  }
0x53: {  	_ =	swait.ge [sflag:s19], $0x4000  }
0x54: {  	[sflag:s19] =	ssyncset.done $0x0  }
0x55: {  	s31 =	rddreg [dreg:$0x5];
	[sflag:s19] =	ssyncadd.s32 $0xFFFFC000  }
0x56: {  	[spmem:s31] =	stream.linear.scatter [tilespmem:s18], [sflag:$0x5], $0x4000, $0x38;
	[tilespmem:$0x1C580] =	vst v63  }
0x57: {  	_ =	swait.ge [sflag:s19], $0x4000  }
0x58: {  	[sflag:s19] =	ssyncset.done $0x0  }
0x59: {  	[sflag:s19] =	ssyncadd.s32 $0xFFFFC000  }
0x5a: {  	[spmem:s8] =	stream.linear.scatter [tilespmem:s18], [sflag:$0x5], $0x4000, $0x38;
	[tilespmem:$0x1C580] =	vst v63  }
0x5b: {  	_ =	swait.ge [sflag:s19], $0x4000  }
0x5c: {  	[sflag:s19] =	ssyncset.done $0x0  }
0x5d: {  	[sflag:s19] =	ssyncadd.s32 $0xFFFFC000  }
0x5e: {  	[spmem:s9] =	stream.linear.scatter [tilespmem:s18], [sflag:$0x5], $0x4000, $0x38;
	[tilespmem:$0x1C580] =	vst v63  }
0x5f: {  	_ =	swait.ge [sflag:s19], $0x4000  }
0x60: {  	[sflag:s19] =	ssyncset.done $0x0  }
0x61: {  	[sflag:s19] =	ssyncadd.s32 $0xFFFFC000  }
0x62: {  	[spmem:s10] =	stream.linear.scatter [tilespmem:s18], [sflag:$0x5], $0x3C00, $0x38;
	[tilespmem:$0x1C580] =	vst v63  }
.Ltmp3:
0x63: {  	_ =	swait.ge [sflag:s19], $0x3C00;
	(pc) =	sbr.rel @!p0 .LBB2_4-.Ltmp3, $4  }
0x64: {  	[sflag:s19] =	ssyncset.done $0x0  }
0x65: {  	[sflag:s19] =	ssyncadd.s32 $0xFFFFC400  }
0x66: {  	[bflag:$0x0] =	sbarrier.arrive $0xFFFF  }
0x67: {  	s1 =	sadd.s32 $0x0, s16  }
0x68: {  	[tilespmem:s20], [sflag:$0x5] =	stream.linear.gather [hbm4b:s1+s4], $0x80, $0x38;
	[tilespmem:$0x1C580] =	vst v63  }
0x69: {  	_ =	swait.ge [sflag:s19], $0x80  }
0x6a: {  	[sflag:s19] =	ssyncset.done $0x0  }
0x6b: {  	s5 =	sadd.s32 $0x10, s1;
	[sflag:s19] =	ssyncadd.s32 $0xFFFFFF80  }
0x6c: {  	[tilespmem:s21], [sflag:$0x5] =	stream.linear.gather [hbm4b:s5+s4], $0x80, $0x38;
	[tilespmem:$0x1C580] =	vst v63  }
0x6d: {  	_ =	swait.ge [sflag:s19], $0x80  }
0x6e: {  	[sflag:s19] =	ssyncset.done $0x0  }
0x6f: {  	[sflag:s19] =	ssyncadd.s32 $0xFFFFFF80  }
0x70: {  	[tilespmem:s18], [sflag:$0x1] =	stream.linear.gather [hbm4b:s17+s4], $0x4000, $0x38;
	[tilespmem:$0x1C580] =	vst v63  }
0x71: {  	s7 =	sadd.s32 $0x800, s17  }
0x72: {  	[tilespmem:s22], [sflag:$0x2] =	stream.linear.gather [hbm4b:s7+s4], $0x4000, $0x38;
	[tilespmem:$0x1C580] =	vst v63  }
0x73: {  	_ =	swait.ge [sflag:s23], $0x4000  }
0x74: {  	[sflag:s23] =	ssyncset.done $0x0  }
0x75: {  	[sflag:s23] =	ssyncadd.s32 $0xFFFFC000  }
0x76: {  	[spmem:s2] =	stream.indirect.scatter.add.f32 [tilespmem:s18], [sflag:$0x3], $0x80, s20, s24, $0xb8;
	[tilespmem:$0x1C580] =	vst v63  }
0x77: {  	_ =	swait.ge [sflag:s25], $0x4000  }
0x78: {  	[sflag:s25] =	ssyncset.done $0x0  }
0x79: {  	[sflag:s25] =	ssyncadd.s32 $0xFFFFC000  }
0x7a: {  	[spmem:s2] =	stream.indirect.scatter.add.f32 [tilespmem:s22], [sflag:$0x4], $0x80, s21, s24, $0xb8;
	[tilespmem:$0x1C580] =	vst v63  }
0x7b: {  	_ =	swait.ge [sflag:s26], $0x4000  }
0x7c: {  	[sflag:s26] =	ssyncset.done $0x0  }
0x7d: {  	[sflag:s26] =	ssyncadd.s32 $0xFFFFC000  }
0x7e: {  	s31 =	simm.s32 $0x40;
	_ =	swait.ge [sflag:s28], $0x4000  }
0x7f: {  	s1 =	sadd.s32 $0x1000, s17;
	s5 =	simm.s32 $0x20;
	[sflag:s28] =	ssyncset.done $0x0  }
.LBB2_8:
0x80: {  	s3 =	sadd.s32 s5, s16  }
0x81: {  	[sflag:s28] =	ssyncadd.s32 $0xFFFFC000;
	s5 =	smov.u32 s31;
	s7 =	sadd.s32 $0x20, s31  }
0x82: {  	[tilespmem:s20], [sflag:$0x5] =	stream.linear.gather [hbm4b:s3+s4], $0x80, $0x38;
	[tilespmem:$0x1C580] =	vst v63  }
0x83: {  	p1 =	sne.s32 s31, $0x4C0;
	_ =	swait.ge [sflag:s19], $0x80  }
0x84: {  	[sflag:s19] =	ssyncset.done $0x0  }
0x85: {  	s3 =	sadd.s32 $0x10, s3;
	[sflag:s19] =	ssyncadd.s32 $0xFFFFFF80  }
0x86: {  	[tilespmem:s21], [sflag:$0x5] =	stream.linear.gather [hbm4b:s3+s4], $0x80, $0x38;
	[tilespmem:$0x1C580] =	vst v63  }
0x87: {  	_ =	swait.ge [sflag:s19], $0x80  }
0x88: {  	[sflag:s19] =	ssyncset.done $0x0  }
0x89: {  	[sflag:s19] =	ssyncadd.s32 $0xFFFFFF80  }
0x8a: {  	[tilespmem:s18], [sflag:$0x1] =	stream.linear.gather [hbm4b:s1+s4], $0x4000, $0x38;
	[tilespmem:$0x1C580] =	vst v63  }
0x8b: {  	s3 =	sadd.s32 $0x800, s1  }
0x8c: {  	[tilespmem:s22], [sflag:$0x2] =	stream.linear.gather [hbm4b:s3+s4], $0x4000, $0x38;
	[tilespmem:$0x1C580] =	vst v63  }
0x8d: {  	_ =	swait.ge [sflag:s23], $0x4000  }
0x8e: {  	[sflag:s23] =	ssyncset.done $0x0  }
0x8f: {  	[sflag:s23] =	ssyncadd.s32 $0xFFFFC000  }
0x90: {  	[spmem:s2] =	stream.indirect.scatter.add.f32 [tilespmem:s18], [sflag:$0x3], $0x80, s20, s24, $0xb8;
	[tilespmem:$0x1C580] =	vst v63  }
0x91: {  	_ =	swait.ge [sflag:s25], $0x4000  }
0x92: {  	[sflag:s25] =	ssyncset.done $0x0  }
0x93: {  	[sflag:s25] =	ssyncadd.s32 $0xFFFFC000  }
0x94: {  	[spmem:s2] =	stream.indirect.scatter.add.f32 [tilespmem:s22], [sflag:$0x4], $0x80, s21, s24, $0xb8;
	[tilespmem:$0x1C580] =	vst v63  }
.Ltmp4:
0x95: {  	_ =	swait.ge [sflag:s26], $0x4000;
	(pc) =	sbr.rel @p1 .LBB2_8-.Ltmp4, $4  }
0x96: {  	[sflag:s26] =	ssyncset.done $0x0  }
0x97: {  	[sflag:s26] =	ssyncadd.s32 $0xFFFFC000  }
0x98: {  	_ =	swait.ge [sflag:s28], $0x4000  }
0x99: {  	s31 =	smov.u32 s7;
	s1 =	sadd.s32 $0x1000, s1;
	[sflag:s28] =	ssyncset.done $0x0  }
0x9a: {  	s3 =	sadd.s32 s5, s16;
	[sflag:s28] =	ssyncadd.s32 $0xFFFFC000  }
0x9b: {  	[tilespmem:s20], [sflag:$0x5] =	stream.linear.gather [hbm4b:s3+s4], $0x80, $0x38;
	[tilespmem:$0x1C580] =	vst v63  }
0x9c: {  	_ =	swait.ge [sflag:s19], $0x80  }
0x9d: {  	[sflag:s19] =	ssyncset.done $0x0  }
0x9e: {  	s3 =	sadd.s32 $0x10, s3;
	[sflag:s19] =	ssyncadd.s32 $0xFFFFFF80  }
0x9f: {  	[tilespmem:s21], [sflag:$0x5] =	stream.linear.gather [hbm4b:s3+s4], $0x80, $0x38;
	[tilespmem:$0x1C580] =	vst v63  }
0xa0: {  	_ =	swait.ge [sflag:s19], $0x80  }
0xa1: {  	[sflag:s19] =	ssyncset.done $0x0  }
0xa2: {  	[sflag:s19] =	ssyncadd.s32 $0xFFFFFF80  }
0xa3: {  	[tilespmem:s18], [sflag:$0x1] =	stream.linear.gather [hbm4b:s1+s4], $0x4000, $0x38;
	[tilespmem:$0x1C580] =	vst v63  }
0xa4: {  	s31 =	sadd.s32 $0x800, s1  }
0xa5: {  	[tilespmem:s22], [sflag:$0x2] =	stream.linear.gather [hbm4b:s31+s4], $0x4000, $0x38;
	[tilespmem:$0x1C580] =	vst v63  }
0xa6: {  	_ =	swait.ge [sflag:s23], $0x4000  }
0xa7: {  	[sflag:s23] =	ssyncset.done $0x0  }
0xa8: {  	[sflag:s23] =	ssyncadd.s32 $0xFFFFC000  }
0xa9: {  	[spmem:s2] =	stream.indirect.scatter.add.f32 [tilespmem:s18], [sflag:$0x3], $0x80, s20, s24, $0xb8;
	[tilespmem:$0x1C580] =	vst v63  }
0xaa: {  	_ =	swait.ge [sflag:s25], $0x4000  }
0xab: {  	[sflag:s25] =	ssyncset.done $0x0  }
0xac: {  	[sflag:s25] =	ssyncadd.s32 $0xFFFFC000  }
0xad: {  	[spmem:s2] =	stream.indirect.scatter.add.f32 [tilespmem:s22], [sflag:$0x4], $0x80, s21, s24, $0xb8;
	[tilespmem:$0x1C580] =	vst v63  }
0xae: {  	_ =	swait.ge [sflag:s26], $0x4000  }
.Ltmp5:
0xaf: {  	[sflag:s26] =	ssyncset.done $0x0;
	(pc) =	sbr.rel .LBB2_10-.Ltmp5, $4  }
0xb0: {  	[sflag:s26] =	ssyncadd.s32 $0xFFFFC000  }
0xb1: {  	_ =	swait.ge [sflag:s28], $0x4000  }
0xb2: {  	[sflag:s28] =	ssyncset.done $0x0  }
0xb3: {  	s1 =	rddreg [dreg:$0x4];
	[sflag:s28] =	ssyncadd.s32 $0xFFFFC000  }
.LBB2_4:
0xb4: {  	[tilespmem:s20], [sflag:$0x5] =	stream.linear.gather [hbm4b:s1+s4], $0x80, $0x38;
	[tilespmem:$0x1C580] =	vst v63  }
0xb5: {  	_ =	swait.ge [sflag:s19], $0x80  }
0xb6: {  	[sflag:s19] =	ssyncset.done $0x0  }
0xb7: {  	s5 =	sadd.s32 $0x10, s1;
	[sflag:s19] =	ssyncadd.s32 $0xFFFFFF80  }
0xb8: {  	[tilespmem:s21], [sflag:$0x5] =	stream.linear.gather [hbm4b:s5+s4], $0x80, $0x38;
	[tilespmem:$0x1C580] =	vst v63  }
0xb9: {  	_ =	swait.ge [sflag:s19], $0x80  }
0xba: {  	[sflag:s19] =	ssyncset.done $0x0  }
0xbb: {  	[sflag:s19] =	ssyncadd.s32 $0xFFFFFF80  }
0xbc: {  	[tilespmem:s18], [sflag:$0x1] =	stream.linear.gather [hbm4b:s15+s4], $0x4000, $0x38;
	[tilespmem:$0x1C580] =	vst v63  }
0xbd: {  	s7 =	sadd.s32 $0x800, s15  }
0xbe: {  	[tilespmem:s22], [sflag:$0x2] =	stream.linear.gather [hbm4b:s7+s4], $0x4000, $0x38;
	[tilespmem:$0x1C580] =	vst v63  }
0xbf: {  	_ =	swait.ge [sflag:s23], $0x4000  }
0xc0: {  	[sflag:s23] =	ssyncset.done $0x0  }
0xc1: {  	[sflag:s23] =	ssyncadd.s32 $0xFFFFC000  }
0xc2: {  	[spmem:s2] =	stream.indirect.scatter.add.f32 [tilespmem:s18], [sflag:$0x3], $0x80, s20, s24, $0xb8;
	[tilespmem:$0x1C580] =	vst v63  }
0xc3: {  	_ =	swait.ge [sflag:s25], $0x4000  }
0xc4: {  	[sflag:s25] =	ssyncset.done $0x0  }
0xc5: {  	[sflag:s25] =	ssyncadd.s32 $0xFFFFC000  }
0xc6: {  	[spmem:s2] =	stream.indirect.scatter.add.f32 [tilespmem:s22], [sflag:$0x4], $0x80, s21, s24, $0xb8;
	[tilespmem:$0x1C580] =	vst v63  }
0xc7: {  	_ =	swait.ge [sflag:s26], $0x4000  }
0xc8: {  	[sflag:s26] =	ssyncset.done $0x0  }
0xc9: {  	[sflag:s26] =	ssyncadd.s32 $0xFFFFC000  }
0xca: {  	s31 =	simm.s32 $0x40;
	_ =	swait.ge [sflag:s28], $0x4000  }
0xcb: {  	s1 =	sadd.s32 $0x1000, s15;
	s5 =	simm.s32 $0x20;
	[sflag:s28] =	ssyncset.done $0x0  }
.LBB2_5:
0xcc: {  	s3 =	sadd.s32 s5, s16  }
0xcd: {  	[sflag:s28] =	ssyncadd.s32 $0xFFFFC000;
	s5 =	smov.u32 s31;
	s7 =	sadd.s32 $0x20, s31  }
0xce: {  	[tilespmem:s20], [sflag:$0x5] =	stream.linear.gather [hbm4b:s3+s4], $0x80, $0x38;
	[tilespmem:$0x1C580] =	vst v63  }
0xcf: {  	p1 =	seq.s32 s31, $0x4C0;
	_ =	swait.ge [sflag:s19], $0x80  }
0xd0: {  	[sflag:s19] =	ssyncset.done $0x0  }
0xd1: {  	s3 =	sadd.s32 $0x10, s3;
	[sflag:s19] =	ssyncadd.s32 $0xFFFFFF80  }
0xd2: {  	[tilespmem:s21], [sflag:$0x5] =	stream.linear.gather [hbm4b:s3+s4], $0x80, $0x38;
	[tilespmem:$0x1C580] =	vst v63  }
0xd3: {  	_ =	swait.ge [sflag:s19], $0x80  }
0xd4: {  	[sflag:s19] =	ssyncset.done $0x0  }
0xd5: {  	[sflag:s19] =	ssyncadd.s32 $0xFFFFFF80  }
0xd6: {  	[tilespmem:s18], [sflag:$0x1] =	stream.linear.gather [hbm4b:s1+s4], $0x4000, $0x38;
	[tilespmem:$0x1C580] =	vst v63  }
0xd7: {  	s3 =	sadd.s32 $0x800, s1  }
0xd8: {  	[tilespmem:s22], [sflag:$0x2] =	stream.linear.gather [hbm4b:s3+s4], $0x4000, $0x38;
	[tilespmem:$0x1C580] =	vst v63  }
0xd9: {  	_ =	swait.ge [sflag:s23], $0x4000  }
0xda: {  	[sflag:s23] =	ssyncset.done $0x0  }
0xdb: {  	[sflag:s23] =	ssyncadd.s32 $0xFFFFC000  }
0xdc: {  	[spmem:s2] =	stream.indirect.scatter.add.f32 [tilespmem:s18], [sflag:$0x3], $0x80, s20, s24, $0xb8;
	[tilespmem:$0x1C580] =	vst v63  }
0xdd: {  	_ =	swait.ge [sflag:s25], $0x4000  }
0xde: {  	[sflag:s25] =	ssyncset.done $0x0  }
0xdf: {  	[sflag:s25] =	ssyncadd.s32 $0xFFFFC000  }
0xe0: {  	[spmem:s2] =	stream.indirect.scatter.add.f32 [tilespmem:s22], [sflag:$0x4], $0x80, s21, s24, $0xb8;
	[tilespmem:$0x1C580] =	vst v63  }
.Ltmp6:
0xe1: {  	_ =	swait.ge [sflag:s26], $0x4000;
	(pc) =	sbr.rel @!p1 .LBB2_5-.Ltmp6, $4  }
0xe2: {  	[sflag:s26] =	ssyncset.done $0x0  }
0xe3: {  	[sflag:s26] =	ssyncadd.s32 $0xFFFFC000  }
0xe4: {  	_ =	swait.ge [sflag:s28], $0x4000  }
0xe5: {  	s31 =	smov.u32 s7;
	s1 =	sadd.s32 $0x1000, s1;
	[sflag:s28] =	ssyncset.done $0x0  }
.Ltmp7:
0xe6: {  	_ = 	snop;
	(pc) =	sbr.rel .LBB2_6-.Ltmp7, $1  }
0xe7: {  	_ =	sdelay $0x3  }
.LBB2_11:
0xe8: {  	_ =	sfence.sel $0x180000  }
0xe9: {  	[bflag:$0x0] =	sbarrier.arrive $0xFFFF  }
0xea: {  	_ =	strace $0x9000004D  }
0xeb: {  	s0 =	stileid.u32;
	[bflag:$0x2] =	sbarrier.arrive $0xFFFF  }
0xec: {  	p0 =	sne.s32 s0, $0x0;
	s0 =	rddreg [dreg:$0x3]  }
0xed: {  	s0 =	sadd.s32 @!p0 $0x100000, s0  }
0xee: {  	[sflag:s0] =	ssyncadd.tile.s32 @!p0 $0x1;
	_ =	shalt  }
.Lfunc_end2:
_tile_overlayer_lowered:
.L_overlay_start_2:
0xef: {  	(tag) =	ssettag $0x2  }
0xf0: {  	s0 =	rddreg [dreg:$0x0];
	s2 =	stileid.u32  }
0xf1: {  	s1 =	rddreg [dreg:$0x1];
	p0 =	sne.s32 s2, $0x0  }
0xf2: {  	s3 =	rddreg [dreg:$0x2];
	[bflag:$0x3] =	sbarrier.arrive $0xFFFF;
	s2 =	simm.s32 @!p0 $0x1C05  }
0xf3: {  	[timem:s3], [sflag:s2] =	dma.local @!p0 [hbm:s0], s1  }
0xf4: {  	s0 =	simm.s32 @!p0 $0x5  }
0xf5: {  	_ =	swait.ge @!p0 [sflag:s0], s1  }
0xf6: {  	s1 =	ssub.s32 @!p0 $0x0, s1;
	[sflag:s0] =	ssyncset.done @!p0 $0x0  }
0xf7: {  	[sflag:s0] =	ssyncadd.s32 @!p0 s1  }
0xf8: {  	[bflag:$0x3] =	sbarrier.arrive $0xFFFF  }
0xf9: {  	_ =	shalt  }

// kernel: kernel.22.cloned.1.call-start
scs
__scs_entry_jumppad:
0x0: {  	(pc) =	sbr.rel $0x88, $3  }
0x1: {  	(tag) =	ssettag $0x0;
	lr =	simm.s32 $0x1  }
0x2: {  	[smem:$0x3F86] =	sst lr;
	_ =	strace $0xD0000000  }
0x3: {  	_ = 	snop  }
0x4: {  	_ = 	snop  }
0x5: {  	_ = 	snop  }
0x6: {  	_ = 	snop  }
0x7: {  	_ = 	snop  }
__scs_overlays_trampoline_lowered:
0x8: {  	[smem:$0x3F95] =	sst s0  }
0x9: {  	[smem:$0x3F96] =	sst s1  }
0xa: {  	[smem:$0x3F97] =	sst s2  }
0xb: {  	[smem:$0x3F98] =	sst s3  }
0xc: {  	[smem:$0x3F99] =	sst s4  }
0xd: {  	[smem:$0x3F9A] =	sst s5  }
0xe: {  	[smem:$0x3F9B] =	sst s6  }
0xf: {  	[smem:$0x3F9C] =	sst s7  }
0x10: {  	[smem:$0x3F9D] =	sst s8  }
0x11: {  	[smem:$0x3F9E] =	sst s9;
	s0 =	simm.s32 @!p0 $0x0  }
0x12: {  	s1 =	sld [smem:$0x3F84];
	s0 =	simm.s32 @p0 $0x1  }
0x13: {  	[smem:$0x3F9F] =	sst s0;
	s0 =	simm.s32 @!p1 $0x0  }
0x14: {  	s2 =	sld [smem:$0x3F83];
	s0 =	simm.s32 @p1 $0x1  }
0x15: {  	[smem:$0x3FA0] =	sst s0;
	s0 =	simm.s32 @!p2 $0x0  }
0x16: {  	s3 =	sld [smem:$0x3FDB];
	s0 =	simm.s32 @p2 $0x1  }
0x17: {  	s4 =	simm.s32 $0x1BF5;
	[smem:$0x3FA2] =	sst s0  }
0x18: {  	s0 =	sld [smem:$0x3F85];
	_ =	swait.ge [sflag:s4], $0x0  }
0x19: {  	s7 =	sld [smem:$0x3F86]  }
0x1a: {  	s8 =	sadd.s32 $0xFFFFE003, lr  }
0x1b: {  	s9 =	sadd.s32 $0xFFFFFEF7, lr;
	s5 =	simm.s32 $0xFFFFFFFF;
	p2 =	slt.u32 s8, $0xFFFFF086  }
0x1c: {  	p1 =	slt.u32 s9, $0xF7A;
	s5 =	simm.s32 @!p2 $0x0  }
0x1d: {  	s5 =	simm.s32 @p1 $0x1;
	p0 =	seq.s32 s7, s2  }
0x1e: {  	s7 =	smul.u32 @!p0 $0xF7A, s2;
	p2 =	seq.s32 @!p0 s5, $0x0  }
0x1f: {  	s9 =	smul.u32 $0xF7A, s1;
	s8 =	simm.s32 @!p0 $0x1BF5;
	p2 =	por !p2, p0  }
0x20: {  	[sflag:s8] =	ssyncset.s32 @!p0 $0xFFFFF086;
	s6 =	sadd.s32 @!p0 s3, s7;
	s7 =	simm.s32 @!p0 $0x108  }
0x21: {  	s3 =	sadd.s32 s3, s9;
	s6 =	sadd.s32 @!p0 $0x88, s6;
	s7 =	simm.s32 @p2 $0x1082  }
0x22: {  	[simem:s7], [sflag:s8] =	dma.local @!p0 [hbm:s6], $0xF7A  }
0x23: {  	s9 =	sor.u32 $0xD0000000, s2;
	s6 =	simm.s32 $0x108;
	_ =	swait.ge @!p0 [sflag:s8], $0x0  }
0x24: {  	s3 =	sadd.s32 $0x88, s3;
	s6 =	simm.s32 @!p1 $0x1082;
	[sflag:s4] =	ssyncset.s32 $0xFFFFF086  }
0x25: {  	[simem:s6], [sflag:s4] =	dma.local [hbm:s3], $0xF7A  }
0x26: {  	[smem:$0x3F86] =	sst s1;
	(tag) =	ssettag s2;
	_ =	strace s9  }
0x27: {  	s1 =	sld [smem:$0x3F96]  }
0x28: {  	s2 =	sld [smem:$0x3F97]  }
0x29: {  	s4 =	sld [smem:$0x3F99]  }
0x2a: {  	p0 =	seq.s32 s5, $0x0;
	s5 =	sld [smem:$0x3F9A]  }
0x2b: {  	s6 =	sld [smem:$0x3F9B]  }
0x2c: {  	s7 =	sld [smem:$0x3F9C]  }
0x2d: {  	s3 =	simm.s32 $0x108;
	s8 =	sld [smem:$0x3F9D]  }
0x2e: {  	s3 =	simm.s32 @!p0 $0x1082;
	s9 =	sld [smem:$0x3F9E]  }
0x2f: {  	lr =	sadd.s32 s0, s3;
	s0 =	sld [smem:$0x3F95]  }
0x30: {  	s3 =	sld [smem:$0x3F98]  }
0x31: {  	[smem:$0x3FA1] =	sst s10  }
0x32: {  	s10 =	sld [smem:$0x3F9F];
	_ =	sdelay $0x3  }
0x33: {  	p0 =	seq.s32 s10, $0x1;
	s10 =	sld [smem:$0x3FA1];
	_ =	sdelay $0x3  }
0x34: {  	[smem:$0x3FA1] =	sst s10  }
0x35: {  	s10 =	sld [smem:$0x3FA0];
	_ =	sdelay $0x3  }
0x36: {  	p1 =	seq.s32 s10, $0x1;
	s10 =	sld [smem:$0x3FA1];
	_ =	sdelay $0x3  }
0x37: {  	[smem:$0x3FA1] =	sst s10  }
0x38: {  	s10 =	sld [smem:$0x3FA2]  }
0x39: {  	_ = 	snop;
	(pc) =	sbr.ind lr, $3  }
0x3a: {  	_ = 	snop  }
0x3b: {  	_ = 	snop  }
0x3c: {  	p2 =	seq.s32 s10, $0x1;
	s10 =	sld [smem:$0x3FA1]  }
0x3d: {  	_ =	shalt  }
0x3e: {  	_ =	shalt  }
0x3f: {  	_ =	shalt  }
0x40: {  	_ =	shalt  }
0x41: {  	_ =	shalt  }
0x42: {  	_ =	shalt  }
0x43: {  	_ =	shalt  }
0x44: {  	_ =	shalt  }
0x45: {  	_ =	shalt  }
0x46: {  	_ =	shalt  }
0x47: {  	_ =	shalt  }
0x48: {  	_ =	shalt  }
0x49: {  	_ =	shalt  }
0x4a: {  	_ =	shalt  }
0x4b: {  	_ =	shalt  }
0x4c: {  	_ =	shalt  }
0x4d: {  	_ =	shalt  }
0x4e: {  	_ =	shalt  }
0x4f: {  	_ =	shalt  }
0x50: {  	_ =	shalt  }
0x51: {  	_ =	shalt  }
0x52: {  	_ =	shalt  }
0x53: {  	_ =	shalt  }
0x54: {  	_ =	shalt  }
0x55: {  	_ =	shalt  }
0x56: {  	_ =	shalt  }
0x57: {  	_ =	shalt  }
0x58: {  	_ =	shalt  }
0x59: {  	_ =	shalt  }
0x5a: {  	_ =	shalt  }
0x5b: {  	_ =	shalt  }
0x5c: {  	_ =	shalt  }
0x5d: {  	_ =	shalt  }
0x5e: {  	_ =	shalt  }
0x5f: {  	_ =	shalt  }
0x60: {  	_ =	shalt  }
0x61: {  	_ =	shalt  }
0x62: {  	_ =	shalt  }
0x63: {  	_ =	shalt  }
0x64: {  	_ =	shalt  }
0x65: {  	_ =	shalt  }
0x66: {  	_ =	shalt  }
0x67: {  	_ =	shalt  }
0x68: {  	_ =	shalt  }
0x69: {  	_ =	shalt  }
0x6a: {  	_ =	shalt  }
0x6b: {  	_ =	shalt  }
0x6c: {  	_ =	shalt  }
0x6d: {  	_ =	shalt  }
0x6e: {  	_ =	shalt  }
0x6f: {  	_ =	shalt  }
0x70: {  	_ =	shalt  }
0x71: {  	_ =	shalt  }
0x72: {  	_ =	shalt  }
0x73: {  	_ =	shalt  }
0x74: {  	_ =	shalt  }
0x75: {  	_ =	shalt  }
0x76: {  	_ =	shalt  }
0x77: {  	_ =	shalt  }
0x78: {  	_ =	shalt  }
0x79: {  	_ =	shalt  }
0x7a: {  	_ =	shalt  }
0x7b: {  	_ =	shalt  }
0x7c: {  	_ =	shalt  }
0x7d: {  	_ =	shalt  }
0x7e: {  	_ =	shalt  }
0x7f: {  	_ =	shalt  }
0x80: {  	_ =	shalt  }
0x81: {  	_ =	shalt  }
0x82: {  	_ =	shalt  }
0x83: {  	_ =	shalt  }
0x84: {  	_ =	shalt  }
0x85: {  	_ =	shalt  }
0x86: {  	_ =	shalt  }
0x87: {  	_ =	shalt  }
.Lfunc_end0:
.L_simem_size_0:
called_computation.3_lowered:
.L_overlay_start_0:
0x88: {  	s2 =	sld [smem:$0x3FD9]  }
0x89: {  	s3 =	sld [smem:$0x3FFE];
	_ =	sdelay $0x1  }
0x8a: {  	s1 =	srdreg.scid  }
0x8b: {  	s0 =	sand.u32 $0x1, s1  }
0x8c: {  	s16 =	sshll.u32 s0, $0xA;
	s2 =	sadd.s32 s3, s2  }
0x8d: {  	s2 =	sadd.s32 s2, s16  }
0x8e: {  	[smem:$0x3FAD] =	sst s2  }
0x8f: {  	_ = 	snop  }
0x90: {  	(tm) =	ssettm $0x1  }
0x91: {  	s17 =	sld [smem:$0x3FFB];
	_ =	sdelay $0x3  }
0x92: {  	_ =	strace s17  }
0x93: {  	s2 =	sld [smem:$0x3FFC];
	_ =	sdelay $0x3  }
0x94: {  	_ =	strace s2  }
0x95: {  	s2 =	sld [smem:$0x3FFD];
	_ =	sdelay $0x3  }
0x96: {  	_ =	strace s2  }
0x97: {  	_ =	strace $0x8FFFFFFF  }
0x98: {  	s18 =	sld [smem:$0x3FDB];
	_ =	sdelay $0x1  }
0x99: {  	s19 =	simm.s32 $_scs_section_size  }
0x9a: {  	s4 =	simm.s32 $_size__tile_overlayer_lowered;
	s5 =	simm.s32 $_tile_overlayer_lowered  }
0x9b: {  	s22 =	simm.s32 $0x1BFF;
	s21 =	sshll.u32 s5, $0x1;
	s2 =	sadd.s32 s19, s18  }
0x9c: {  	s6 =	simm.s32 $0x0;
	s20 =	sshll.u32 s4, $0x1;
	s4 =	sadd.s32 s21, s2  }
0x9d: {  	[timem:s6], [sflag:s22] =	dma.local [hbm:s4], s20  }
0x9e: {  	_ =	swait.ge [sflag:s22], s20  }
0x9f: {  	s3 =	ssub.s32 $0x0, s20;
	[sflag:s22] =	ssyncset.done $0x0  }
0xa0: {  	[sflag:s22] =	ssyncadd.s32 s3;
	_ =	sdelay $0x1  }
0xa1: {  	s23 =	simm.s32 $0x1B8B  }
0xa2: {  	_ =	swait.ge [sflag:s23], $0x1  }
0xa3: {  	[sflag:s23] =	ssyncset.done $0x0  }
0xa4: {  	s25 =	simm.s32 $0x1B8E;
	s24 =	sld [smem:$0x3FFE];
	[sflag:s23] =	ssyncadd.s32 $0xFFFFFFFF  }
0xa5: {  	s26 =	simm.s32 $execute0_lowered;
	[smem:$0x3FD2] =	sst s25  }
0xa6: {  	s4 =	sshll.u32 s26, $0x1;
	_ =	strace $0x8000004F;
	[dreg:$0x1] =	wrdreg $0xFFFFFFFF  }
0xa7: {  	s28 =	simm.s32 $_size_execute0_lowered;
	s2 =	sadd.s32 s2, s4;
	[dreg:$0x0] =	wrdreg $0x0  }
0xa8: {  	s4 =	sshll.u32 s28, $0x1;
	[dreg:$0x2] =	wrdreg s2  }
0xa9: {  	[dreg:$0x3] =	wrdreg s4  }
0xaa: {  	[dreg:$0x4] =	wrdreg $0xC0  }
0xab: {  	_ =	task [dreg:s6], $0x5FFFF  }
0xac: {  	[dreg:$0x1] =	wrdreg $0xFFFFFFFF  }
0xad: {  	[dreg:$0x0] =	wrdreg $0x60  }
0xae: {  	[dreg:$0x2] =	wrdreg s24  }
0xaf: {  	[dreg:$0x3] =	wrdreg $0x0  }
0xb0: {  	[dreg:$0x4] =	wrdreg $0x9  }
0xb1: {  	_ =	task.clear_ibuf [dreg:s6], $0x5FFFF;
	_ =	strace $0x9000004F  }
0xb2: {  	s29 =	simm.s32 $0x9;
	_ =	strace $0x80000051  }
0xb3: {  	_ =	swait.ge [sflag:s29], $0x1  }
0xb4: {  	[sflag:s29] =	ssyncadd.s32 $0xFFFFFFFF  }
0xb5: {  	_ =	strace $0x90000051  }
0xb6: {  	_ =	sfence  }
0xb7: {  	s30 =	sld [smem:$0x0];
	_ =	sdelay $0x2  }
0xb8: {  	s31 =	sshll.u32 s1, $0xD;
	s1 =	sshrl.u32 s1, $0x2  }
0xb9: {  	s3 =	sand.u32 $0x4000, s31;
	s1 =	sadd.s32 s1, s30  }
0xba: {  	s0 =	sor.u32 s3, s0;
	s1 =	sshll.u32 s1, $0x11  }
0xbb: {  	s0 =	sor.u32 s1, s0  }
0xbc: {  	s0 =	sadd.s32 $0x8F2B, s0  }
0xbd: {  	[sflag:s0] =	ssyncadd.remote.s32 $0x1  }
0xbe: {  	_ =	sfence.sel $0xFFFF  }
0xbf: {  	[dreg:$0x0] =	wrdreg $0xFFFFFFFF;
	(pc) =	sbr.abs _section_cstart, $3  }
0xc0: {  	[dreg:$0x1] =	wrdreg $0xFFFFFFFF  }
0xc1: {  	_ =	task.clear_ibuf [dreg:s6], $0x2FFFF;
	_ =	strace $0x9FFFFFFF  }
0xc2: {  	(tm) =	ssettm $0x7FFFFFFF  }
0xc3: {  	_ =	shalt  }
tec
execute0_lowered:
.L_overlay_start_1:
0x0: {  	(tag) =	ssettag $0x1  }
0x1: {  	s0 =	rddreg [dreg:$0x0]  }
0x2: {  	s1 =	rddreg [dreg:$0x1]  }
0x3: {  	s2 =	srdreg.scid;
	s3 =	simm.s32 $0x0;
	s4 =	stileid.u32  }
0x4: {  	s16 =	simm.s32 $0x5;
	s17 =	simm.s32 $0x13C00;
	s6 =	smul.u32 $0x13C00, s4  }
0x5: {  	s18 =	simm.s32 $0x13C80;
	s19 =	simm.s32 $0x13D00;
	s7 =	smul.u32 $0x4F000, s4  }
0x6: {  	s20 =	simm.s32 $0x17D00;
	s28 =	simm.s32 $0x1BD80;
	s23 =	smul.u32 $0x2710, s4  }
0x7: {  	s29 =	simm.s32 $0x10;
	s30 =	simm.s32 $0x0;
	s9 =	smul.u32 $0x138800, s4  }
0x8: {  	s2 =	sand.u32 $0x1, s2;
	[smem:$0x7FF] =	sst s3;
	s13 =	smul.u32 $0x4E2, s4  }
0x9: {  	s12 =	sadd.s32 $0x10400, s0;
	s14 =	sadd.s32 $0x1C8E00, s0;
	s26 =	smul.u32 $0x27100, s4  }
0xa: {  	s21 =	sadd.s32 $0xDAEC00, s0;
	s24 =	sshll.u32 s4, $0x6;
	s5 =	smul.u32 $0x13C000, s2  }
0xb: {  	_ =	strace $0x80000050;
	s8 =	ssub.s32 $0x2, s2;
	[dreg:$0x3] =	wrdreg s14  }
0xc: {  	p0 =	seq.s32 s2, $0x1;
	[dreg:$0x4] =	wrdreg s21;
	s22 =	sshrl.u32 s8, $0x1  }
0xd: {  	s7 =	sshrl.u32 s7, $0x2;
	s25 =	sshrl.u32 s23, $0x3;
	s9 =	sshrl.u32 s9, $0x3  }
0xe: {  	s31 =	sadd.s32 s13, s12;
	s23 =	simm.s32 $0x2;
	s6 =	sadd.s32 s6, s5  }
0xf: {  	s11 =	ssub.s32 s8, s22;
	s15 =	sadd.s32 s7, s1;
	s7 =	sor.u32 $0x1C05, s24  }
0x10: {  	s2 =	sadd.s32 s12, s25;
	s9 =	sadd.s32 $0x27000, s9;
	s12 =	sadd.s32 s26, s14  }
.Ltmp0:
0x11: {  	s13 =	sadd.s32 $0x4E30, s31;
	s14 =	sadd.s32 s26, s21;
	(pc) =	sbr.rel .LBB2_1-.Ltmp0, $4  }
0x12: {  	s21 =	simm.s32 $0x1;
	s22 =	simm.s32 $0x80;
	s24 =	simm.s32 $0x3  }
0x13: {  	s25 =	simm.s32 $0x4;
	s26 =	simm.s32 $0x1BD00;
	s6 =	sshrl.u32 s6, $0x3  }
0x14: {  	s8 =	sadd.s32 $0x5300, s2;
	s11 =	smax.u32 s11, $0x1;
	s0 =	sadd.s32 s6, s0  }
0x15: {  	s15 =	sshrl.u32 s15, $0x3;
	s6 =	sadd.s32 $0x41600, s0;
	s10 =	sadd.s32 $0x439E00, s0  }
.LBB2_7:
0x16: {  	s2 =	sadd.s32 $0xFFFFFFF0, s0;
	[sflag:s25] =	ssyncadd.s32 $0xFFFFC000  }
0x17: {  	[tilespmem:s17], [sflag:$0x5] =	stream.linear.gather [hbm4b:s2+s3], $0x80, $0x38;
	[tilespmem:$0x1C580] =	vst v63  }
0x18: {  	_ =	swait.ge [sflag:s16], $0x80  }
0x19: {  	[sflag:s16] =	ssyncset.done $0x0  }
0x1a: {  	[sflag:s16] =	ssyncadd.s32 $0xFFFFFF80  }
0x1b: {  	[tilespmem:s18], [sflag:$0x5] =	stream.linear.gather [hbm4b:s0+s3], $0x80, $0x38;
	[tilespmem:$0x1C580] =	vst v63  }
0x1c: {  	_ =	swait.ge [sflag:s16], $0x80  }
0x1d: {  	[sflag:s16] =	ssyncset.done $0x0  }
0x1e: {  	s31 =	sadd.s32 s31, s14;
	[sflag:s16] =	ssyncadd.s32 $0xFFFFFF80  }
0x1f: {  	[tilespmem:s19], [sflag:$0x1] =	stream.linear.gather [hbm4b:s31+s3], $0x4000, $0x38;
	[tilespmem:$0x1C580] =	vst v63  }
0x20: {  	s0 =	sadd.s32 $0x800, s31  }
0x21: {  	[tilespmem:s20], [sflag:$0x2] =	stream.linear.gather [hbm4b:s0+s3], $0x4000, $0x38;
	[tilespmem:$0x1C580] =	vst v63  }
0x22: {  	_ =	swait.ge [sflag:s21], $0x4000  }
0x23: {  	[sflag:s21] =	ssyncset.done $0x0  }
0x24: {  	[sflag:s21] =	ssyncadd.s32 $0xFFFFC000  }
0x25: {  	[spmem:s1] =	stream.indirect.scatter.add.f32 [tilespmem:s19], [sflag:$0x3], $0x80, s17, s22, $0xb8;
	[tilespmem:$0x1C580] =	vst v63  }
0x26: {  	_ =	swait.ge [sflag:s23], $0x4000  }
0x27: {  	[sflag:s23] =	ssyncset.done $0x0  }
0x28: {  	[sflag:s23] =	ssyncadd.s32 $0xFFFFC000  }
0x29: {  	[spmem:s1] =	stream.indirect.scatter.add.f32 [tilespmem:s20], [sflag:$0x4], $0x80, s18, s22, $0xb8;
	[tilespmem:$0x1C580] =	vst v63  }
0x2a: {  	_ =	swait.ge [sflag:s24], $0x4000  }
0x2b: {  	[sflag:s24] =	ssyncset.done $0x0  }
0x2c: {  	[sflag:s24] =	ssyncadd.s32 $0xFFFFC000  }
0x2d: {  	_ =	swait.ge [sflag:s25], $0x4000  }
0x2e: {  	[sflag:s25] =	ssyncset.done $0x0  }
0x2f: {  	s0 =	rddreg [dreg:$0x4];
	[sflag:s25] =	ssyncadd.s32 $0xFFFFC000  }
.LBB2_8:
0x30: {  	[tilespmem:s26], [sflag:$0x5] =	stream.linear.gather [hbm4b:s8+s3], $0x10, $0x38;
	[tilespmem:$0x1C580] =	vst v63  }
0x31: {  	_ =	swait.ge [sflag:s16], $0x10  }
0x32: {  	[sflag:s16] =	ssyncset.done $0x0  }
0x33: {  	s0 =	sadd.s32 s0, s9;
	[sflag:s16] =	ssyncadd.s32 $0xFFFFFFF0  }
0x34: {  	[tilespmem:s28], [sflag:$0x5] =	stream.linear.gather [hbm4b:s0+s3], $0x800, $0x38;
	[tilespmem:$0x1C580] =	vst v63  }
0x35: {  	_ =	swait.ge [sflag:s16], $0x800  }
0x36: {  	[sflag:s16] =	ssyncset.done $0x0  }
0x37: {  	[sflag:s16] =	ssyncadd.s32 $0xFFFFF800  }
0x38: {  	[spmem:s1] =	stream.indirect.scatter.add.f32 [tilespmem:s28], [sflag:$0x5], $0x80, s26, s29, $0xb8;
	[tilespmem:$0x1C580] =	vst v63  }
0x39: {  	_ =	swait.ge [sflag:s16], $0x800  }
0x3a: {  	s30 =	sadd.s32 $0x1, s30;
	[sflag:s16] =	ssyncset.done $0x0  }
0x3b: {  	p1 =	sne.s32 s30, s11;
	[sflag:s16] =	ssyncadd.s32 $0xFFFFF800  }
.Ltmp1:
0x3c: {  	[bflag:$0x0] =	sbarrier.arrive $0xFFFF;
	(pc) =	sbr.rel @!p1 .LBB2_9-.Ltmp1, $4  }
0x3d: {  	[hbm:s10], [sflag:s7] =	dma.local [spmem:s15], $0x2780  }
0x3e: {  	_ =	swait.ge [sflag:s16], $0x2780  }
0x3f: {  	[sflag:s16] =	ssyncset.done $0x0  }
0x40: {  	[sflag:s16] =	ssyncadd.s32 $0xFFFFD880  }
.LBB2_1:
0x41: {  	[spmem:s15], [sflag:s7] =	dma.local [hbm:s6], $0x2780  }
.Ltmp2:
0x42: {  	_ =	swait.ge [sflag:s16], $0x2780;
	(pc) =	sbr.rel @!p0 .LBB2_2-.Ltmp2, $4  }
0x43: {  	[sflag:s16] =	ssyncset.done $0x0  }
0x44: {  	[sflag:s16] =	ssyncadd.s32 $0xFFFFD880  }
0x45: {  	[bflag:$0x0] =	sbarrier.arrive $0xFFFF  }
0x46: {  	s0 =	sadd.s32 $0xFFFFFFF0, s13  }
0x47: {  	[tilespmem:s17], [sflag:$0x5] =	stream.linear.gather [hbm4b:s0+s3], $0x80, $0x38;
	[tilespmem:$0x1C580] =	vst v63  }
0x48: {  	_ =	swait.ge [sflag:s16], $0x80  }
0x49: {  	[sflag:s16] =	ssyncset.done $0x0  }
0x4a: {  	[sflag:s16] =	ssyncadd.s32 $0xFFFFFF80  }
0x4b: {  	[tilespmem:s18], [sflag:$0x5] =	stream.linear.gather [hbm4b:s13+s3], $0x80, $0x38;
	[tilespmem:$0x1C580] =	vst v63  }
0x4c: {  	_ =	swait.ge [sflag:s16], $0x80  }
0x4d: {  	[sflag:s16] =	ssyncset.done $0x0  }
0x4e: {  	s5 =	sadd.s32 $0x0, s14;
	[sflag:s16] =	ssyncadd.s32 $0xFFFFFF80  }
0x4f: {  	[tilespmem:s19], [sflag:$0x1] =	stream.linear.gather [hbm4b:s5+s3], $0x4000, $0x38;
	[tilespmem:$0x1C580] =	vst v63  }
0x50: {  	s0 =	sadd.s32 $0x800, s5  }
0x51: {  	[tilespmem:s20], [sflag:$0x2] =	stream.linear.gather [hbm4b:s0+s3], $0x4000, $0x38;
	[tilespmem:$0x1C580] =	vst v63  }
0x52: {  	_ =	swait.ge [sflag:s21], $0x4000  }
0x53: {  	[sflag:s21] =	ssyncset.done $0x0  }
0x54: {  	[sflag:s21] =	ssyncadd.s32 $0xFFFFC000  }
0x55: {  	[spmem:s1] =	stream.indirect.scatter.add.f32 [tilespmem:s19], [sflag:$0x3], $0x80, s17, s22, $0xb8;
	[tilespmem:$0x1C580] =	vst v63  }
0x56: {  	_ =	swait.ge [sflag:s23], $0x4000  }
0x57: {  	[sflag:s23] =	ssyncset.done $0x0  }
0x58: {  	[sflag:s23] =	ssyncadd.s32 $0xFFFFC000  }
0x59: {  	[spmem:s1] =	stream.indirect.scatter.add.f32 [tilespmem:s20], [sflag:$0x4], $0x80, s18, s22, $0xb8;
	[tilespmem:$0x1C580] =	vst v63  }
0x5a: {  	_ =	swait.ge [sflag:s24], $0x4000  }
0x5b: {  	[sflag:s24] =	ssyncset.done $0x0  }
0x5c: {  	[sflag:s24] =	ssyncadd.s32 $0xFFFFC000  }
0x5d: {  	s31 =	simm.s32 $0x1000;
	_ =	swait.ge [sflag:s25], $0x4000  }
0x5e: {  	s2 =	simm.s32 $0x2000;
	s0 =	sadd.s32 $0x20, s13;
	[sflag:s25] =	ssyncset.done $0x0  }
.LBB2_6:
0x5f: {  	p1 =	sne.s32 s2, $0x26000;
	s4 =	sadd.s32 $0xFFFFFFF0, s0;
	[sflag:s25] =	ssyncadd.s32 $0xFFFFC000  }
0x60: {  	[tilespmem:s17], [sflag:$0x5] =	stream.linear.gather [hbm4b:s4+s3], $0x80, $0x38;
	[tilespmem:$0x1C580] =	vst v63  }
0x61: {  	s4 =	smov.u32 s2;
	s2 =	sadd.s32 $0x1000, s2;
	_ =	swait.ge [sflag:s16], $0x80  }
0x62: {  	[sflag:s16] =	ssyncset.done $0x0  }
0x63: {  	[sflag:s16] =	ssyncadd.s32 $0xFFFFFF80  }
0x64: {  	[tilespmem:s18], [sflag:$0x5] =	stream.linear.gather [hbm4b:s0+s3], $0x80, $0x38;
	[tilespmem:$0x1C580] =	vst v63  }
0x65: {  	_ =	swait.ge [sflag:s16], $0x80  }
0x66: {  	[sflag:s16] =	ssyncset.done $0x0  }
0x67: {  	s5 =	sadd.s32 s31, s14;
	s31 =	smov.u32 s4;
	[sflag:s16] =	ssyncadd.s32 $0xFFFFFF80  }
0x68: {  	[tilespmem:s19], [sflag:$0x1] =	stream.linear.gather [hbm4b:s5+s3], $0x4000, $0x38;
	[tilespmem:$0x1C580] =	vst v63  }
0x69: {  	s4 =	sadd.s32 $0x800, s5  }
0x6a: {  	[tilespmem:s20], [sflag:$0x2] =	stream.linear.gather [hbm4b:s4+s3], $0x4000, $0x38;
	[tilespmem:$0x1C580] =	vst v63  }
0x6b: {  	_ =	swait.ge [sflag:s21], $0x4000  }
0x6c: {  	[sflag:s21] =	ssyncset.done $0x0  }
0x6d: {  	[sflag:s21] =	ssyncadd.s32 $0xFFFFC000  }
0x6e: {  	[spmem:s1] =	stream.indirect.scatter.add.f32 [tilespmem:s19], [sflag:$0x3], $0x80, s17, s22, $0xb8;
	[tilespmem:$0x1C580] =	vst v63  }
0x6f: {  	_ =	swait.ge [sflag:s23], $0x4000  }
0x70: {  	[sflag:s23] =	ssyncset.done $0x0  }
0x71: {  	[sflag:s23] =	ssyncadd.s32 $0xFFFFC000  }
0x72: {  	[spmem:s1] =	stream.indirect.scatter.add.f32 [tilespmem:s20], [sflag:$0x4], $0x80, s18, s22, $0xb8;
	[tilespmem:$0x1C580] =	vst v63  }
.Ltmp3:
0x73: {  	_ =	swait.ge [sflag:s24], $0x4000;
	(pc) =	sbr.rel @p1 .LBB2_6-.Ltmp3, $4  }
0x74: {  	[sflag:s24] =	ssyncset.done $0x0  }
0x75: {  	[sflag:s24] =	ssyncadd.s32 $0xFFFFC000  }
0x76: {  	_ =	swait.ge [sflag:s25], $0x4000  }
0x77: {  	s0 =	sadd.s32 $0x20, s0;
	[sflag:s25] =	ssyncset.done $0x0  }
.Ltmp4:
0x78: {  	_ = 	snop;
	(pc) =	sbr.rel .LBB2_7-.Ltmp4, $1  }
0x79: {  	_ =	sdelay $0x3  }
.LBB2_2:
0x7a: {  	[tilespmem:s17], [sflag:$0x5] =	stream.linear.gather [hbm4b:s0+s3], $0x80, $0x38;
	[tilespmem:$0x1C580] =	vst v63  }
0x7b: {  	_ =	swait.ge [sflag:s16], $0x80  }
0x7c: {  	[sflag:s16] =	ssyncset.done $0x0  }
0x7d: {  	[sflag:s16] =	ssyncadd.s32 $0xFFFFFF80  }
0x7e: {  	[tilespmem:s18], [sflag:$0x5] =	stream.linear.gather [hbm4b:s13+s3], $0x80, $0x38;
	[tilespmem:$0x1C580] =	vst v63  }
0x7f: {  	_ =	swait.ge [sflag:s16], $0x80  }
0x80: {  	[sflag:s16] =	ssyncset.done $0x0  }
0x81: {  	s5 =	sadd.s32 $0x0, s12;
	[sflag:s16] =	ssyncadd.s32 $0xFFFFFF80  }
0x82: {  	[tilespmem:s19], [sflag:$0x1] =	stream.linear.gather [hbm4b:s5+s3], $0x4000, $0x38;
	[tilespmem:$0x1C580] =	vst v63  }
0x83: {  	s0 =	sadd.s32 $0x800, s5  }
0x84: {  	[tilespmem:s20], [sflag:$0x2] =	stream.linear.gather [hbm4b:s0+s3], $0x4000, $0x38;
	[tilespmem:$0x1C580] =	vst v63  }
0x85: {  	_ =	swait.ge [sflag:s21], $0x4000  }
0x86: {  	[sflag:s21] =	ssyncset.done $0x0  }
0x87: {  	[sflag:s21] =	ssyncadd.s32 $0xFFFFC000  }
0x88: {  	[spmem:s1] =	stream.indirect.scatter.add.f32 [tilespmem:s19], [sflag:$0x3], $0x80, s17, s22, $0xb8;
	[tilespmem:$0x1C580] =	vst v63  }
0x89: {  	_ =	swait.ge [sflag:s23], $0x4000  }
0x8a: {  	[sflag:s23] =	ssyncset.done $0x0  }
0x8b: {  	[sflag:s23] =	ssyncadd.s32 $0xFFFFC000  }
0x8c: {  	[spmem:s1] =	stream.indirect.scatter.add.f32 [tilespmem:s20], [sflag:$0x4], $0x80, s18, s22, $0xb8;
	[tilespmem:$0x1C580] =	vst v63  }
0x8d: {  	_ =	swait.ge [sflag:s24], $0x4000  }
0x8e: {  	[sflag:s24] =	ssyncset.done $0x0  }
0x8f: {  	[sflag:s24] =	ssyncadd.s32 $0xFFFFC000  }
0x90: {  	s31 =	simm.s32 $0x1000;
	_ =	swait.ge [sflag:s25], $0x4000  }
0x91: {  	s2 =	simm.s32 $0x2000;
	s0 =	sadd.s32 $0x20, s13;
	[sflag:s25] =	ssyncset.done $0x0  }
.LBB2_3:
0x92: {  	p1 =	seq.s32 s2, $0x26000;
	s4 =	sadd.s32 $0xFFFFFFF0, s0;
	[sflag:s25] =	ssyncadd.s32 $0xFFFFC000  }
0x93: {  	[tilespmem:s17], [sflag:$0x5] =	stream.linear.gather [hbm4b:s4+s3], $0x80, $0x38;
	[tilespmem:$0x1C580] =	vst v63  }
0x94: {  	s4 =	smov.u32 s2;
	s2 =	sadd.s32 $0x1000, s2;
	_ =	swait.ge [sflag:s16], $0x80  }
0x95: {  	[sflag:s16] =	ssyncset.done $0x0  }
0x96: {  	[sflag:s16] =	ssyncadd.s32 $0xFFFFFF80  }
0x97: {  	[tilespmem:s18], [sflag:$0x5] =	stream.linear.gather [hbm4b:s0+s3], $0x80, $0x38;
	[tilespmem:$0x1C580] =	vst v63  }
0x98: {  	_ =	swait.ge [sflag:s16], $0x80  }
0x99: {  	[sflag:s16] =	ssyncset.done $0x0  }
0x9a: {  	s5 =	sadd.s32 s31, s12;
	s31 =	smov.u32 s4;
	[sflag:s16] =	ssyncadd.s32 $0xFFFFFF80  }
0x9b: {  	[tilespmem:s19], [sflag:$0x1] =	stream.linear.gather [hbm4b:s5+s3], $0x4000, $0x38;
	[tilespmem:$0x1C580] =	vst v63  }
0x9c: {  	s4 =	sadd.s32 $0x800, s5  }
0x9d: {  	[tilespmem:s20], [sflag:$0x2] =	stream.linear.gather [hbm4b:s4+s3], $0x4000, $0x38;
	[tilespmem:$0x1C580] =	vst v63  }
0x9e: {  	_ =	swait.ge [sflag:s21], $0x4000  }
0x9f: {  	[sflag:s21] =	ssyncset.done $0x0  }
0xa0: {  	[sflag:s21] =	ssyncadd.s32 $0xFFFFC000  }
0xa1: {  	[spmem:s1] =	stream.indirect.scatter.add.f32 [tilespmem:s19], [sflag:$0x3], $0x80, s17, s22, $0xb8;
	[tilespmem:$0x1C580] =	vst v63  }
0xa2: {  	_ =	swait.ge [sflag:s23], $0x4000  }
0xa3: {  	[sflag:s23] =	ssyncset.done $0x0  }
0xa4: {  	[sflag:s23] =	ssyncadd.s32 $0xFFFFC000  }
0xa5: {  	[spmem:s1] =	stream.indirect.scatter.add.f32 [tilespmem:s20], [sflag:$0x4], $0x80, s18, s22, $0xb8;
	[tilespmem:$0x1C580] =	vst v63  }
.Ltmp5:
0xa6: {  	_ =	swait.ge [sflag:s24], $0x4000;
	(pc) =	sbr.rel @!p1 .LBB2_3-.Ltmp5, $4  }
0xa7: {  	[sflag:s24] =	ssyncset.done $0x0  }
0xa8: {  	[sflag:s24] =	ssyncadd.s32 $0xFFFFC000  }
0xa9: {  	_ =	swait.ge [sflag:s25], $0x4000  }
0xaa: {  	s0 =	sadd.s32 $0x20, s0;
	[sflag:s25] =	ssyncset.done $0x0  }
0xab: {  	s2 =	sadd.s32 $0xFFFFFFF0, s0;
	[sflag:s25] =	ssyncadd.s32 $0xFFFFC000  }
0xac: {  	[tilespmem:s17], [sflag:$0x5] =	stream.linear.gather [hbm4b:s2+s3], $0x80, $0x38;
	[tilespmem:$0x1C580] =	vst v63  }
0xad: {  	_ =	swait.ge [sflag:s16], $0x80  }
0xae: {  	[sflag:s16] =	ssyncset.done $0x0  }
0xaf: {  	[sflag:s16] =	ssyncadd.s32 $0xFFFFFF80  }
0xb0: {  	[tilespmem:s18], [sflag:$0x5] =	stream.linear.gather [hbm4b:s0+s3], $0x80, $0x38;
	[tilespmem:$0x1C580] =	vst v63  }
0xb1: {  	_ =	swait.ge [sflag:s16], $0x80  }
0xb2: {  	[sflag:s16] =	ssyncset.done $0x0  }
0xb3: {  	s31 =	sadd.s32 s31, s12;
	[sflag:s16] =	ssyncadd.s32 $0xFFFFFF80  }
0xb4: {  	[tilespmem:s19], [sflag:$0x1] =	stream.linear.gather [hbm4b:s31+s3], $0x4000, $0x38;
	[tilespmem:$0x1C580] =	vst v63  }
0xb5: {  	s0 =	sadd.s32 $0x800, s31  }
0xb6: {  	[tilespmem:s20], [sflag:$0x2] =	stream.linear.gather [hbm4b:s0+s3], $0x4000, $0x38;
	[tilespmem:$0x1C580] =	vst v63  }
0xb7: {  	_ =	swait.ge [sflag:s21], $0x4000  }
0xb8: {  	[sflag:s21] =	ssyncset.done $0x0  }
0xb9: {  	[sflag:s21] =	ssyncadd.s32 $0xFFFFC000  }
0xba: {  	[spmem:s1] =	stream.indirect.scatter.add.f32 [tilespmem:s19], [sflag:$0x3], $0x80, s17, s22, $0xb8;
	[tilespmem:$0x1C580] =	vst v63  }
0xbb: {  	_ =	swait.ge [sflag:s23], $0x4000  }
0xbc: {  	[sflag:s23] =	ssyncset.done $0x0  }
0xbd: {  	[sflag:s23] =	ssyncadd.s32 $0xFFFFC000  }
0xbe: {  	[spmem:s1] =	stream.indirect.scatter.add.f32 [tilespmem:s20], [sflag:$0x4], $0x80, s18, s22, $0xb8;
	[tilespmem:$0x1C580] =	vst v63  }
0xbf: {  	_ =	swait.ge [sflag:s24], $0x4000  }
.Ltmp6:
0xc0: {  	[sflag:s24] =	ssyncset.done $0x0;
	(pc) =	sbr.rel .LBB2_8-.Ltmp6, $4  }
0xc1: {  	[sflag:s24] =	ssyncadd.s32 $0xFFFFC000  }
0xc2: {  	_ =	swait.ge [sflag:s25], $0x4000  }
0xc3: {  	[sflag:s25] =	ssyncset.done $0x0  }
0xc4: {  	s0 =	rddreg [dreg:$0x3];
	[sflag:s25] =	ssyncadd.s32 $0xFFFFC000  }
.LBB2_9:
0xc5: {  	_ =	sfence.sel $0x180000  }
0xc6: {  	[bflag:$0x0] =	sbarrier.arrive $0xFFFF  }
0xc7: {  	_ =	strace $0x90000050  }
0xc8: {  	s0 =	stileid.u32;
	[bflag:$0x2] =	sbarrier.arrive $0xFFFF  }
0xc9: {  	p0 =	sne.s32 s0, $0x0;
	s0 =	rddreg [dreg:$0x2]  }
0xca: {  	s0 =	sadd.s32 @!p0 $0x100000, s0  }
0xcb: {  	[sflag:s0] =	ssyncadd.tile.s32 @!p0 $0x1;
	_ =	shalt  }
.Lfunc_end2:
_tile_overlayer_lowered:
.L_overlay_start_2:
0xcc: {  	(tag) =	ssettag $0x2  }
0xcd: {  	s0 =	rddreg [dreg:$0x0];
	s2 =	stileid.u32  }
0xce: {  	s1 =	rddreg [dreg:$0x1];
	p0 =	sne.s32 s2, $0x0  }
0xcf: {  	s3 =	rddreg [dreg:$0x2];
	[bflag:$0x3] =	sbarrier.arrive $0xFFFF;
	s2 =	simm.s32 @!p0 $0x1C05  }
0xd0: {  	[timem:s3], [sflag:s2] =	dma.local @!p0 [hbm:s0], s1  }
0xd1: {  	s0 =	simm.s32 @!p0 $0x5  }
0xd2: {  	_ =	swait.ge @!p0 [sflag:s0], s1  }
0xd3: {  	s1 =	ssub.s32 @!p0 $0x0, s1;
	[sflag:s0] =	ssyncset.done @!p0 $0x0  }
0xd4: {  	[sflag:s0] =	ssyncadd.s32 @!p0 s1  }
0xd5: {  	[bflag:$0x3] =	sbarrier.arrive $0xFFFF  }
0xd6: {  	_ =	shalt  }

</sc_bundles>
